<compile_context>
chip_gen: v7x
topology: tpu7x:2x2x1
jax: 0.10.2.dev20260603
libtpu: 0.0.44.dev20260713+nightly
codegen_flags: <defaults>
</compile_context>

<pallas_src>
import functools

import jax
import jax.numpy as jnp
from jax import lax
from jax.experimental import pallas as pl
from jax.experimental.pallas import tpu as pltpu
import jax.experimental.pallas.tpu_sc as plsc

M = 1000000
B = 16384
D = 64
PW = 16

NW = 16
BPW = B // NW
CH = 128
NCH = BPW // CH


def _sc_body(mem, idx2, pos16, zrows, val,
             out, postab,
             idxv, repv, sidx, srep, spos, sgot,
             zv, valv, mrows, arows, orows,
             acc):
    w = lax.axis_index("s")
    rowbase = w * NCH
    base = w * BPW

    pltpu.sync_copy(idx2.at[pl.ds(rowbase, NCH)], idxv)
    pltpu.sync_copy(zrows, zv)

    for j in range(NCH):
        for l in range(CH // 16):
            sl = pl.ds(l * 16, 16)
            sidx[sl] = idxv[j, sl]
        pltpu.sync_copy(pos16.at[pl.ds(base + j * CH, CH)], spos)
        pltpu.sync_copy(spos, postab.at[sidx])
    plsc.subcore_barrier()

    zcol = jnp.zeros((16,), jnp.int32)
    for j in range(NCH):
        for l in range(CH // 16):
            sl = pl.ds(l * 16, 16)
            sidx[sl] = idxv[j, sl]
        pltpu.sync_copy(postab.at[sidx], sgot)
        for l in range(CH // 16):
            rows = lax.iota(jnp.int32, 16) + l * 16
            rep16 = plsc.load_gather(sgot, [rows, zcol])
            repv[j, pl.ds(l * 16, 16)] = rep16
            srep[pl.ds(l * 16, 16)] = rep16
        pltpu.sync_copy(zv, acc.at[srep])
    plsc.subcore_barrier()

    for j in range(NCH):
        for l in range(CH // 16):
            sl = pl.ds(l * 16, 16)
            srep[sl] = repv[j, sl]
        pltpu.sync_copy(val.at[pl.ds(base + j * CH, CH)], valv)
        pltpu.sync_copy(valv, acc.at[srep], add=True)
    plsc.subcore_barrier()

    for j in range(NCH):
        for l in range(CH // 16):
            sl = pl.ds(l * 16, 16)
            sidx[sl] = idxv[j, sl]
            srep[sl] = repv[j, sl]
        pltpu.sync_copy(mem.at[sidx], mrows)
        pltpu.sync_copy(acc.at[srep], arows)

        def add_row(r, carry):
            for c in range(D // 16):
                sl = pl.ds(c * 16, 16)
                orows[r, sl] = mrows[r, sl] + arows[r, sl]
            return carry

        lax.fori_loop(0, CH, add_row, 0)
        pltpu.sync_copy(orows, out.at[pl.ds(base + j * CH, CH)])


def kernel(mem, idx, val):
    idx2 = idx.astype(jnp.int32).reshape(B // CH, CH)
    pos16 = jnp.broadcast_to(
        lax.iota(jnp.int32, B)[:, None], (B, PW)).astype(jnp.int32)
    zrows = jnp.zeros((CH, D), jnp.float32)
    mesh = plsc.VectorSubcoreMesh(
        core_axis_name="c", subcore_axis_name="s", num_cores=1)
    run = pl.kernel(
        _sc_body,
        out_type=(
            jax.ShapeDtypeStruct((B, D), jnp.float32),
            jax.ShapeDtypeStruct((M, PW), jnp.int32),
        ),
        mesh=mesh,
        compiler_params=pltpu.CompilerParams(
            use_tc_tiling_on_sc=False, needs_layout_passes=False),
        scratch_types=[
            pltpu.VMEM((NCH, CH), jnp.int32),
            pltpu.VMEM((NCH, CH), jnp.int32),
            pltpu.VMEM((CH,), jnp.int32),
            pltpu.VMEM((CH,), jnp.int32),
            pltpu.VMEM((CH, PW), jnp.int32),
            pltpu.VMEM((CH, PW), jnp.int32),
            pltpu.VMEM((CH, D), jnp.float32),
            pltpu.VMEM((CH, D), jnp.float32),
            pltpu.VMEM((CH, D), jnp.float32),
            pltpu.VMEM((CH, D), jnp.float32),
            pltpu.VMEM((CH, D), jnp.float32),
            pltpu.VMEM_SHARED((B, D), jnp.float32),
        ],
    )
    out, _ = run(mem, idx2, pos16, zrows, val)
    return out

# --- scband reference (transcript-rebuilt; emitter-appended) ---
"""Pipeline reference for scband-graph-69947837383447 (READ-ONLY COPY).

The authoritative reference and input builder live on the scoring server;
editing this copy changes nothing except your own understanding.
"""

import jax, jax.numpy as jnp
import numpy as np

M = 1000000  # number of memory slots (graph nodes / vocab)
B = 16384    # number of scatter writes per step
D = 64       # da: per-node feature width


def setup_inputs(seed: int = 0) -> dict:
    key = jax.random.key(seed)
    k1, k2, k3 = jax.random.split(key, 3)
    mem = jax.random.normal(k1, (M, D), dtype=jnp.float32)
    idx = jax.random.randint(k2, (B,), 0, M)
    val = jax.random.normal(k3, (B, D), dtype=jnp.float32)
    return {"mem": mem, "idx": idx, "val": val}


def reference(mem, idx, val):
    # Graph.add / Graph.update semantics distilled to the core scatter-memory op:
    # each new word/context writes its feature vector into the addressed node
    # slots (duplicate addresses accumulate, like repeated add_neigh calls),
    # then the traversal (DFS.forward) reads the updated node states back.
    new_mem = mem.at[idx].add(val)          # scatter-add: node state update
    out = jnp.take(new_mem, idx, axis=0)    # gather: read back updated contexts
    return out

if __name__ == "__main__":
    import jax
    _d = setup_inputs()
    print(jax.jit(kernel)(*tuple(_d.values())))

</pallas_src>

<mosaic_0001>
#map = affine_map<(d0, d1) -> (0, 0)>
module attributes {stable_mosaic.version = 14 : i64} {
  func.func @_sc_body(%arg0: i32, %arg1: i32, %arg2: memref<1000000x64xf32, #tpu.memory_space<hbm>>, %arg3: memref<128x128xi32, #tpu.memory_space<hbm>>, %arg4: memref<16384x16xi32, #tpu.memory_space<hbm>>, %arg5: memref<128x64xf32, #tpu.memory_space<hbm>>, %arg6: memref<16384x64xf32, #tpu.memory_space<hbm>>, %arg7: memref<16384x64xf32, #tpu.memory_space<hbm>>, %arg8: memref<1000000x16xi32, #tpu.memory_space<hbm>>, %arg9: memref<8x128xi32, #tpu.memory_space<vmem>>, %arg10: memref<8x128xi32, #tpu.memory_space<vmem>>, %arg11: memref<128xi32, #tpu.memory_space<vmem>>, %arg12: memref<128xi32, #tpu.memory_space<vmem>>, %arg13: memref<128x16xi32, #tpu.memory_space<vmem>>, %arg14: memref<128x16xi32, #tpu.memory_space<vmem>>, %arg15: memref<128x64xf32, #tpu.memory_space<vmem>>, %arg16: memref<128x64xf32, #tpu.memory_space<vmem>>, %arg17: memref<128x64xf32, #tpu.memory_space<vmem>>, %arg18: memref<128x64xf32, #tpu.memory_space<vmem>>, %arg19: memref<128x64xf32, #tpu.memory_space<vmem>>, %arg20: memref<16384x64xf32, #tpu.memory_space<vmem_shared>>) attributes {dimension_semantics = [#tpu.dimension_semantics<core_parallel>, #tpu.dimension_semantics<subcore_parallel>], iteration_bounds = array<i64: 1, 16>, scalar_prefetch = 0 : i64, scratch_operands = 12 : i64, tpu.core_type = #tpu.core_type<sc_vector_subcore>, window_params = [{transform_indices = #map}, {transform_indices = #map}, {transform_indices = #map}, {transform_indices = #map}, {transform_indices = #map}, {transform_indices = #map}, {transform_indices = #map}]} {
    %mul3A = arith.constant 8 : i32
    %mul3A_0 = arith.muli %arg1, %mul3A : i32
    %mul3A_1 = arith.constant 1024 : i32
    %mul3A_2 = arith.muli %arg1, %mul3A_1 : i32
    "tpu.region"() ({
      %run_scoped3A = tpu.sem_alloc : memref<!tpu.dma_semaphore, #tpu.memory_space<semaphore_mem>>
      %dma_start3A = arith.constant 0 : i32
      %dma_start3A_2720 = tpu.memref_slice %arg3[%mul3A_0, %dma_start3A] : memref<128x128xi32, #tpu.memory_space<hbm>> -> memref<8x128xi32, #tpu.memory_space<hbm>>
      %dma_start3A_2721 = arith.constant 0 : i32
      %dma_start3A_2722 = tpu.memref_slice %arg3[%mul3A_0, %dma_start3A_2721] : memref<128x128xi32, #tpu.memory_space<hbm>> -> memref<8x128xi32, #tpu.memory_space<hbm>>
      tpu.enqueue_dma source(%dma_start3A_2722 : memref<8x128xi32, #tpu.memory_space<hbm>>) target(%arg9 : memref<8x128xi32, #tpu.memory_space<vmem>>) target_semaphore(%run_scoped3A : memref<!tpu.dma_semaphore, #tpu.memory_space<semaphore_mem>>)
      %dma_wait3A = arith.constant 0 : i32
      %dma_wait3A_2723 = tpu.memref_slice %arg3[%mul3A_0, %dma_wait3A] : memref<128x128xi32, #tpu.memory_space<hbm>> -> memref<8x128xi32, #tpu.memory_space<hbm>>
      %dma_wait3A_2724 = arith.constant 0 : i32
      %dma_wait3A_2725 = tpu.memref_slice %arg3[%mul3A_0, %dma_wait3A_2724] : memref<128x128xi32, #tpu.memory_space<hbm>> -> memref<8x128xi32, #tpu.memory_space<hbm>>
      tpu.wait_dma2 semaphore(%run_scoped3A : memref<!tpu.dma_semaphore, #tpu.memory_space<semaphore_mem>>) src(%dma_wait3A_2725 : memref<8x128xi32, #tpu.memory_space<hbm>>) dst(%arg9 : memref<8x128xi32, #tpu.memory_space<vmem>>)
      tpu.yield
    }) : () -> ()
    "tpu.region"() ({
      %run_scoped3A = tpu.sem_alloc : memref<!tpu.dma_semaphore, #tpu.memory_space<semaphore_mem>>
      tpu.enqueue_dma source(%arg5 : memref<128x64xf32, #tpu.memory_space<hbm>>) target(%arg15 : memref<128x64xf32, #tpu.memory_space<vmem>>) target_semaphore(%run_scoped3A : memref<!tpu.dma_semaphore, #tpu.memory_space<semaphore_mem>>)
      tpu.wait_dma2 semaphore(%run_scoped3A : memref<!tpu.dma_semaphore, #tpu.memory_space<semaphore_mem>>) src(%arg5 : memref<128x64xf32, #tpu.memory_space<hbm>>) dst(%arg15 : memref<128x64xf32, #tpu.memory_space<vmem>>)
      tpu.yield
    }) : () -> ()
    %get3A = arith.constant 0 : i32
    %get3A_3 = arith.index_cast %get3A : i32 to index
    %get3A_4 = arith.constant 0 : index
    %get3A_5 = tpu.vector_load %arg9[%get3A_3, %get3A_4] {strides = array<i32>} : memref<8x128xi32, #tpu.memory_space<vmem>>, vector<16xi32>,
    %swap3A = arith.constant 0 : index
    %swap3A_6 = tpu.vector_load %arg11[%swap3A] {strides = array<i32>} : memref<128xi32, #tpu.memory_space<vmem>>, vector<16xi32>,
    tpu.vector_store %arg11[%swap3A], %get3A_5 {strides = array<i32>} : memref<128xi32, #tpu.memory_space<vmem>>, vector<16xi32>,
    %get3A_7 = arith.constant 0 : i32
    %get3A_8 = arith.index_cast %get3A_7 : i32 to index
    %get3A_9 = arith.constant 16 : index
    %get3A_10 = tpu.vector_load %arg9[%get3A_8, %get3A_9] {strides = array<i32>} : memref<8x128xi32, #tpu.memory_space<vmem>>, vector<16xi32>,
    %swap3A_11 = arith.constant 16 : index
    %swap3A_12 = tpu.vector_load %arg11[%swap3A_11] {strides = array<i32>} : memref<128xi32, #tpu.memory_space<vmem>>, vector<16xi32>,
    tpu.vector_store %arg11[%swap3A_11], %get3A_10 {strides = array<i32>} : memref<128xi32, #tpu.memory_space<vmem>>, vector<16xi32>,
    %get3A_13 = arith.constant 0 : i32
    %get3A_14 = arith.index_cast %get3A_13 : i32 to index
    %get3A_15 = arith.constant 32 : index
    %get3A_16 = tpu.vector_load %arg9[%get3A_14, %get3A_15] {strides = array<i32>} : memref<8x128xi32, #tpu.memory_space<vmem>>, vector<16xi32>,
    %swap3A_17 = arith.constant 32 : index
    %swap3A_18 = tpu.vector_load %arg11[%swap3A_17] {strides = array<i32>} : memref<128xi32, #tpu.memory_space<vmem>>, vector<16xi32>,
    tpu.vector_store %arg11[%swap3A_17], %get3A_16 {strides = array<i32>} : memref<128xi32, #tpu.memory_space<vmem>>, vector<16xi32>,
    %get3A_19 = arith.constant 0 : i32
    %get3A_20 = arith.index_cast %get3A_19 : i32 to index
    %get3A_21 = arith.constant 48 : index
    %get3A_22 = tpu.vector_load %arg9[%get3A_20, %get3A_21] {strides = array<i32>} : memref<8x128xi32, #tpu.memory_space<vmem>>, vector<16xi32>,
    %swap3A_23 = arith.constant 48 : index
    %swap3A_24 = tpu.vector_load %arg11[%swap3A_23] {strides = array<i32>} : memref<128xi32, #tpu.memory_space<vmem>>, vector<16xi32>,
    tpu.vector_store %arg11[%swap3A_23], %get3A_22 {strides = array<i32>} : memref<128xi32, #tpu.memory_space<vmem>>, vector<16xi32>,
    %get3A_25 = arith.constant 0 : i32
    %get3A_26 = arith.index_cast %get3A_25 : i32 to index
    %get3A_27 = arith.constant 64 : index
    %get3A_28 = tpu.vector_load %arg9[%get3A_26, %get3A_27] {strides = array<i32>} : memref<8x128xi32, #tpu.memory_space<vmem>>, vector<16xi32>,
    %swap3A_29 = arith.constant 64 : index
    %swap3A_30 = tpu.vector_load %arg11[%swap3A_29] {strides = array<i32>} : memref<128xi32, #tpu.memory_space<vmem>>, vector<16xi32>,
    tpu.vector_store %arg11[%swap3A_29], %get3A_28 {strides = array<i32>} : memref<128xi32, #tpu.memory_space<vmem>>, vector<16xi32>,
    %get3A_31 = arith.constant 0 : i32
    %get3A_32 = arith.index_cast %get3A_31 : i32 to index
    %get3A_33 = arith.constant 80 : index
    %get3A_34 = tpu.vector_load %arg9[%get3A_32, %get3A_33] {strides = array<i32>} : memref<8x128xi32, #tpu.memory_space<vmem>>, vector<16xi32>,
    %swap3A_35 = arith.constant 80 : index
    %swap3A_36 = tpu.vector_load %arg11[%swap3A_35] {strides = array<i32>} : memref<128xi32, #tpu.memory_space<vmem>>, vector<16xi32>,
    tpu.vector_store %arg11[%swap3A_35], %get3A_34 {strides = array<i32>} : memref<128xi32, #tpu.memory_space<vmem>>, vector<16xi32>,
    %get3A_37 = arith.constant 0 : i32
    %get3A_38 = arith.index_cast %get3A_37 : i32 to index
    %get3A_39 = arith.constant 96 : index
    %get3A_40 = tpu.vector_load %arg9[%get3A_38, %get3A_39] {strides = array<i32>} : memref<8x128xi32, #tpu.memory_space<vmem>>, vector<16xi32>,
    %swap3A_41 = arith.constant 96 : index
    %swap3A_42 = tpu.vector_load %arg11[%swap3A_41] {strides = array<i32>} : memref<128xi32, #tpu.memory_space<vmem>>, vector<16xi32>,
    tpu.vector_store %arg11[%swap3A_41], %get3A_40 {strides = array<i32>} : memref<128xi32, #tpu.memory_space<vmem>>, vector<16xi32>,
    %get3A_43 = arith.constant 0 : i32
    %get3A_44 = arith.index_cast %get3A_43 : i32 to index
    %get3A_45 = arith.constant 112 : index
    %get3A_46 = tpu.vector_load %arg9[%get3A_44, %get3A_45] {strides = array<i32>} : memref<8x128xi32, #tpu.memory_space<vmem>>, vector<16xi32>,
    %swap3A_47 = arith.constant 112 : index
    %swap3A_48 = tpu.vector_load %arg11[%swap3A_47] {strides = array<i32>} : memref<128xi32, #tpu.memory_space<vmem>>, vector<16xi32>,
    tpu.vector_store %arg11[%swap3A_47], %get3A_46 {strides = array<i32>} : memref<128xi32, #tpu.memory_space<vmem>>, vector<16xi32>,
    %add3A = arith.constant 0 : i32
    %add3A_49 = arith.addi %mul3A_2, %add3A : i32
    "tpu.region"() ({
      %run_scoped3A = tpu.sem_alloc : memref<!tpu.dma_semaphore, #tpu.memory_space<semaphore_mem>>
      %dma_start3A = arith.constant 0 : i32
      %dma_start3A_2720 = tpu.memref_slice %arg4[%add3A_49, %dma_start3A] : memref<16384x16xi32, #tpu.memory_space<hbm>> -> memref<128x16xi32, #tpu.memory_space<hbm>>
      %dma_start3A_2721 = arith.constant 0 : i32
      %dma_start3A_2722 = tpu.memref_slice %arg4[%add3A_49, %dma_start3A_2721] : memref<16384x16xi32, #tpu.memory_space<hbm>> -> memref<128x16xi32, #tpu.memory_space<hbm>>
      tpu.enqueue_dma source(%dma_start3A_2722 : memref<128x16xi32, #tpu.memory_space<hbm>>) target(%arg13 : memref<128x16xi32, #tpu.memory_space<vmem>>) target_semaphore(%run_scoped3A : memref<!tpu.dma_semaphore, #tpu.memory_space<semaphore_mem>>)
      %dma_wait3A = arith.constant 0 : i32
      %dma_wait3A_2723 = tpu.memref_slice %arg4[%add3A_49, %dma_wait3A] : memref<16384x16xi32, #tpu.memory_space<hbm>> -> memref<128x16xi32, #tpu.memory_space<hbm>>
      %dma_wait3A_2724 = arith.constant 0 : i32
      %dma_wait3A_2725 = tpu.memref_slice %arg4[%add3A_49, %dma_wait3A_2724] : memref<16384x16xi32, #tpu.memory_space<hbm>> -> memref<128x16xi32, #tpu.memory_space<hbm>>
      tpu.wait_dma2 semaphore(%run_scoped3A : memref<!tpu.dma_semaphore, #tpu.memory_space<semaphore_mem>>) src(%dma_wait3A_2725 : memref<128x16xi32, #tpu.memory_space<hbm>>) dst(%arg13 : memref<128x16xi32, #tpu.memory_space<vmem>>)
      tpu.yield
    }) : () -> ()
    "tpu.region"() ({
      %run_scoped3A = tpu.sem_alloc : memref<!tpu.dma_semaphore, #tpu.memory_space<semaphore_mem>>
      %dma_start3A = arith.constant 0 : i32
      %dma_start3A_2720 = arith.constant 0 : i32
      %dma_start3A_2721 = tpu.memref_slice %arg8[%dma_start3A, %dma_start3A_2720] : memref<1000000x16xi32, #tpu.memory_space<hbm>> -> memref<1000000x16xi32, #tpu.memory_space<hbm>>
      tpu.enqueue_indirect_dma source(%arg13 : memref<128x16xi32, #tpu.memory_space<vmem>>) target(%dma_start3A_2721 : memref<1000000x16xi32, #tpu.memory_space<hbm>>) offsets(%arg11 : memref<128xi32, #tpu.memory_space<vmem>>) semaphore(%run_scoped3A : memref<!tpu.dma_semaphore, #tpu.memory_space<semaphore_mem>>)
      %dma_wait3A = arith.constant 0 : i32
      %dma_wait3A_2722 = arith.constant 0 : i32
      %dma_wait3A_2723 = tpu.memref_slice %arg8[%dma_wait3A, %dma_wait3A_2722] : memref<1000000x16xi32, #tpu.memory_space<hbm>> -> memref<1000000x16xi32, #tpu.memory_space<hbm>>
      tpu.wait_indirect_dma semaphore(%run_scoped3A : memref<!tpu.dma_semaphore, #tpu.memory_space<semaphore_mem>>) src(%arg13 : memref<128x16xi32, #tpu.memory_space<vmem>>) dst(%dma_wait3A_2723 : memref<1000000x16xi32, #tpu.memory_space<hbm>>)
      tpu.yield
    }) : () -> ()
    %get3A_50 = arith.constant 1 : i32
    %get3A_51 = arith.index_cast %get3A_50 : i32 to index
    %get3A_52 = arith.constant 0 : index
    %get3A_53 = tpu.vector_load %arg9[%get3A_51, %get3A_52] {strides = array<i32>} : memref<8x128xi32, #tpu.memory_space<vmem>>, vector<16xi32>,
    %swap3A_54 = arith.constant 0 : index
    %swap3A_55 = tpu.vector_load %arg11[%swap3A_54] {strides = array<i32>} : memref<128xi32, #tpu.memory_space<vmem>>, vector<16xi32>,
    tpu.vector_store %arg11[%swap3A_54], %get3A_53 {strides = array<i32>} : memref<128xi32, #tpu.memory_space<vmem>>, vector<16xi32>,
    %get3A_56 = arith.constant 1 : i32
    %get3A_57 = arith.index_cast %get3A_56 : i32 to index
    %get3A_58 = arith.constant 16 : index
    %get3A_59 = tpu.vector_load %arg9[%get3A_57, %get3A_58] {strides = array<i32>} : memref<8x128xi32, #tpu.memory_space<vmem>>, vector<16xi32>,
    %swap3A_60 = arith.constant 16 : index
    %swap3A_61 = tpu.vector_load %arg11[%swap3A_60] {strides = array<i32>} : memref<128xi32, #tpu.memory_space<vmem>>, vector<16xi32>,
    tpu.vector_store %arg11[%swap3A_60], %get3A_59 {strides = array<i32>} : memref<128xi32, #tpu.memory_space<vmem>>, vector<16xi32>,
    %get3A_62 = arith.constant 1 : i32
    %get3A_63 = arith.index_cast %get3A_62 : i32 to index
    %get3A_64 = arith.constant 32 : index
    %get3A_65 = tpu.vector_load %arg9[%get3A_63, %get3A_64] {strides = array<i32>} : memref<8x128xi32, #tpu.memory_space<vmem>>, vector<16xi32>,
    %swap3A_66 = arith.constant 32 : index
    %swap3A_67 = tpu.vector_load %arg11[%swap3A_66] {strides = array<i32>} : memref<128xi32, #tpu.memory_space<vmem>>, vector<16xi32>,
    tpu.vector_store %arg11[%swap3A_66], %get3A_65 {strides = array<i32>} : memref<128xi32, #tpu.memory_space<vmem>>, vector<16xi32>,
    %get3A_68 = arith.constant 1 : i32
    %get3A_69 = arith.index_cast %get3A_68 : i32 to index
    %get3A_70 = arith.constant 48 : index
    %get3A_71 = tpu.vector_load %arg9[%get3A_69, %get3A_70] {strides = array<i32>} : memref<8x128xi32, #tpu.memory_space<vmem>>, vector<16xi32>,
    %swap3A_72 = arith.constant 48 : index
    %swap3A_73 = tpu.vector_load %arg11[%swap3A_72] {strides = array<i32>} : memref<128xi32, #tpu.memory_space<vmem>>, vector<16xi32>,
    tpu.vector_store %arg11[%swap3A_72], %get3A_71 {strides = array<i32>} : memref<128xi32, #tpu.memory_space<vmem>>, vector<16xi32>,
    %get3A_74 = arith.constant 1 : i32
    %get3A_75 = arith.index_cast %get3A_74 : i32 to index
    %get3A_76 = arith.constant 64 : index
    %get3A_77 = tpu.vector_load %arg9[%get3A_75, %get3A_76] {strides = array<i32>} : memref<8x128xi32, #tpu.memory_space<vmem>>, vector<16xi32>,
    %swap3A_78 = arith.constant 64 : index
    %swap3A_79 = tpu.vector_load %arg11[%swap3A_78] {strides = array<i32>} : memref<128xi32, #tpu.memory_space<vmem>>, vector<16xi32>,
    tpu.vector_store %arg11[%swap3A_78], %get3A_77 {strides = array<i32>} : memref<128xi32, #tpu.memory_space<vmem>>, vector<16xi32>,
    %get3A_80 = arith.constant 1 : i32
    %get3A_81 = arith.index_cast %get3A_80 : i32 to index
    %get3A_82 = arith.constant 80 : index
    %get3A_83 = tpu.vector_load %arg9[%get3A_81, %get3A_82] {strides = array<i32>} : memref<8x128xi32, #tpu.memory_space<vmem>>, vector<16xi32>,
    %swap3A_84 = arith.constant 80 : index
    %swap3A_85 = tpu.vector_load %arg11[%swap3A_84] {strides = array<i32>} : memref<128xi32, #tpu.memory_space<vmem>>, vector<16xi32>,
    tpu.vector_store %arg11[%swap3A_84], %get3A_83 {strides = array<i32>} : memref<128xi32, #tpu.memory_space<vmem>>, vector<16xi32>,
    %get3A_86 = arith.constant 1 : i32
    %get3A_87 = arith.index_cast %get3A_86 : i32 to index
    %get3A_88 = arith.constant 96 : index
    %get3A_89 = tpu.vector_load %arg9[%get3A_87, %get3A_88] {strides = array<i32>} : memref<8x128xi32, #tpu.memory_space<vmem>>, vector<16xi32>,
    %swap3A_90 = arith.constant 96 : index
    %swap3A_91 = tpu.vector_load %arg11[%swap3A_90] {strides = array<i32>} : memref<128xi32, #tpu.memory_space<vmem>>, vector<16xi32>,
    tpu.vector_store %arg11[%swap3A_90], %get3A_89 {strides = array<i32>} : memref<128xi32, #tpu.memory_space<vmem>>, vector<16xi32>,
    %get3A_92 = arith.constant 1 : i32
    %get3A_93 = arith.index_cast %get3A_92 : i32 to index
    %get3A_94 = arith.constant 112 : index
    %get3A_95 = tpu.vector_load %arg9[%get3A_93, %get3A_94] {strides = array<i32>} : memref<8x128xi32, #tpu.memory_space<vmem>>, vector<16xi32>,
    %swap3A_96 = arith.constant 112 : index
    %swap3A_97 = tpu.vector_load %arg11[%swap3A_96] {strides = array<i32>} : memref<128xi32, #tpu.memory_space<vmem>>, vector<16xi32>,
    tpu.vector_store %arg11[%swap3A_96], %get3A_95 {strides = array<i32>} : memref<128xi32, #tpu.memory_space<vmem>>, vector<16xi32>,
    %add3A_98 = arith.constant 128 : i32
    %add3A_99 = arith.addi %mul3A_2, %add3A_98 : i32
    "tpu.region"() ({
      %run_scoped3A = tpu.sem_alloc : memref<!tpu.dma_semaphore, #tpu.memory_space<semaphore_mem>>
      %dma_start3A = arith.constant 0 : i32
      %dma_start3A_2720 = tpu.memref_slice %arg4[%add3A_99, %dma_start3A] : memref<16384x16xi32, #tpu.memory_space<hbm>> -> memref<128x16xi32, #tpu.memory_space<hbm>>
      %dma_start3A_2721 = arith.constant 0 : i32
      %dma_start3A_2722 = tpu.memref_slice %arg4[%add3A_99, %dma_start3A_2721] : memref<16384x16xi32, #tpu.memory_space<hbm>> -> memref<128x16xi32, #tpu.memory_space<hbm>>
      tpu.enqueue_dma source(%dma_start3A_2722 : memref<128x16xi32, #tpu.memory_space<hbm>>) target(%arg13 : memref<128x16xi32, #tpu.memory_space<vmem>>) target_semaphore(%run_scoped3A : memref<!tpu.dma_semaphore, #tpu.memory_space<semaphore_mem>>)
      %dma_wait3A = arith.constant 0 : i32
      %dma_wait3A_2723 = tpu.memref_slice %arg4[%add3A_99, %dma_wait3A] : memref<16384x16xi32, #tpu.memory_space<hbm>> -> memref<128x16xi32, #tpu.memory_space<hbm>>
      %dma_wait3A_2724 = arith.constant 0 : i32
      %dma_wait3A_2725 = tpu.memref_slice %arg4[%add3A_99, %dma_wait3A_2724] : memref<16384x16xi32, #tpu.memory_space<hbm>> -> memref<128x16xi32, #tpu.memory_space<hbm>>
      tpu.wait_dma2 semaphore(%run_scoped3A : memref<!tpu.dma_semaphore, #tpu.memory_space<semaphore_mem>>) src(%dma_wait3A_2725 : memref<128x16xi32, #tpu.memory_space<hbm>>) dst(%arg13 : memref<128x16xi32, #tpu.memory_space<vmem>>)
      tpu.yield
    }) : () -> ()
    "tpu.region"() ({
      %run_scoped3A = tpu.sem_alloc : memref<!tpu.dma_semaphore, #tpu.memory_space<semaphore_mem>>
      %dma_start3A = arith.constant 0 : i32
      %dma_start3A_2720 = arith.constant 0 : i32
      %dma_start3A_2721 = tpu.memref_slice %arg8[%dma_start3A, %dma_start3A_2720] : memref<1000000x16xi32, #tpu.memory_space<hbm>> -> memref<1000000x16xi32, #tpu.memory_space<hbm>>
      tpu.enqueue_indirect_dma source(%arg13 : memref<128x16xi32, #tpu.memory_space<vmem>>) target(%dma_start3A_2721 : memref<1000000x16xi32, #tpu.memory_space<hbm>>) offsets(%arg11 : memref<128xi32, #tpu.memory_space<vmem>>) semaphore(%run_scoped3A : memref<!tpu.dma_semaphore, #tpu.memory_space<semaphore_mem>>)
      %dma_wait3A = arith.constant 0 : i32
      %dma_wait3A_2722 = arith.constant 0 : i32
      %dma_wait3A_2723 = tpu.memref_slice %arg8[%dma_wait3A, %dma_wait3A_2722] : memref<1000000x16xi32, #tpu.memory_space<hbm>> -> memref<1000000x16xi32, #tpu.memory_space<hbm>>
      tpu.wait_indirect_dma semaphore(%run_scoped3A : memref<!tpu.dma_semaphore, #tpu.memory_space<semaphore_mem>>) src(%arg13 : memref<128x16xi32, #tpu.memory_space<vmem>>) dst(%dma_wait3A_2723 : memref<1000000x16xi32, #tpu.memory_space<hbm>>)
      tpu.yield
    }) : () -> ()
    %get3A_100 = arith.constant 2 : i32
    %get3A_101 = arith.index_cast %get3A_100 : i32 to index
    %get3A_102 = arith.constant 0 : index
    %get3A_103 = tpu.vector_load %arg9[%get3A_101, %get3A_102] {strides = array<i32>} : memref<8x128xi32, #tpu.memory_space<vmem>>, vector<16xi32>,
    %swap3A_104 = arith.constant 0 : index
    %swap3A_105 = tpu.vector_load %arg11[%swap3A_104] {strides = array<i32>} : memref<128xi32, #tpu.memory_space<vmem>>, vector<16xi32>,
    tpu.vector_store %arg11[%swap3A_104], %get3A_103 {strides = array<i32>} : memref<128xi32, #tpu.memory_space<vmem>>, vector<16xi32>,
    %get3A_106 = arith.constant 2 : i32
    %get3A_107 = arith.index_cast %get3A_106 : i32 to index
    %get3A_108 = arith.constant 16 : index
    %get3A_109 = tpu.vector_load %arg9[%get3A_107, %get3A_108] {strides = array<i32>} : memref<8x128xi32, #tpu.memory_space<vmem>>, vector<16xi32>,
    %swap3A_110 = arith.constant 16 : index
    %swap3A_111 = tpu.vector_load %arg11[%swap3A_110] {strides = array<i32>} : memref<128xi32, #tpu.memory_space<vmem>>, vector<16xi32>,
    tpu.vector_store %arg11[%swap3A_110], %get3A_109 {strides = array<i32>} : memref<128xi32, #tpu.memory_space<vmem>>, vector<16xi32>,
    %get3A_112 = arith.constant 2 : i32
    %get3A_113 = arith.index_cast %get3A_112 : i32 to index
    %get3A_114 = arith.constant 32 : index
    %get3A_115 = tpu.vector_load %arg9[%get3A_113, %get3A_114] {strides = array<i32>} : memref<8x128xi32, #tpu.memory_space<vmem>>, vector<16xi32>,
    %swap3A_116 = arith.constant 32 : index
    %swap3A_117 = tpu.vector_load %arg11[%swap3A_116] {strides = array<i32>} : memref<128xi32, #tpu.memory_space<vmem>>, vector<16xi32>,
    tpu.vector_store %arg11[%swap3A_116], %get3A_115 {strides = array<i32>} : memref<128xi32, #tpu.memory_space<vmem>>, vector<16xi32>,
    %get3A_118 = arith.constant 2 : i32
    %get3A_119 = arith.index_cast %get3A_118 : i32 to index
    %get3A_120 = arith.constant 48 : index
    %get3A_121 = tpu.vector_load %arg9[%get3A_119, %get3A_120] {strides = array<i32>} : memref<8x128xi32, #tpu.memory_space<vmem>>, vector<16xi32>,
    %swap3A_122 = arith.constant 48 : index
    %swap3A_123 = tpu.vector_load %arg11[%swap3A_122] {strides = array<i32>} : memref<128xi32, #tpu.memory_space<vmem>>, vector<16xi32>,
    tpu.vector_store %arg11[%swap3A_122], %get3A_121 {strides = array<i32>} : memref<128xi32, #tpu.memory_space<vmem>>, vector<16xi32>,
    %get3A_124 = arith.constant 2 : i32
    %get3A_125 = arith.index_cast %get3A_124 : i32 to index
    %get3A_126 = arith.constant 64 : index
    %get3A_127 = tpu.vector_load %arg9[%get3A_125, %get3A_126] {strides = array<i32>} : memref<8x128xi32, #tpu.memory_space<vmem>>, vector<16xi32>,
    %swap3A_128 = arith.constant 64 : index
    %swap3A_129 = tpu.vector_load %arg11[%swap3A_128] {strides = array<i32>} : memref<128xi32, #tpu.memory_space<vmem>>, vector<16xi32>,
    tpu.vector_store %arg11[%swap3A_128], %get3A_127 {strides = array<i32>} : memref<128xi32, #tpu.memory_space<vmem>>, vector<16xi32>,
    %get3A_130 = arith.constant 2 : i32
    %get3A_131 = arith.index_cast %get3A_130 : i32 to index
    %get3A_132 = arith.constant 80 : index
    %get3A_133 = tpu.vector_load %arg9[%get3A_131, %get3A_132] {strides = array<i32>} : memref<8x128xi32, #tpu.memory_space<vmem>>, vector<16xi32>,
    %swap3A_134 = arith.constant 80 : index
    %swap3A_135 = tpu.vector_load %arg11[%swap3A_134] {strides = array<i32>} : memref<128xi32, #tpu.memory_space<vmem>>, vector<16xi32>,
    tpu.vector_store %arg11[%swap3A_134], %get3A_133 {strides = array<i32>} : memref<128xi32, #tpu.memory_space<vmem>>, vector<16xi32>,
    %get3A_136 = arith.constant 2 : i32
    %get3A_137 = arith.index_cast %get3A_136 : i32 to index
    %get3A_138 = arith.constant 96 : index
    %get3A_139 = tpu.vector_load %arg9[%get3A_137, %get3A_138] {strides = array<i32>} : memref<8x128xi32, #tpu.memory_space<vmem>>, vector<16xi32>,
    %swap3A_140 = arith.constant 96 : index
    %swap3A_141 = tpu.vector_load %arg11[%swap3A_140] {strides = array<i32>} : memref<128xi32, #tpu.memory_space<vmem>>, vector<16xi32>,
    tpu.vector_store %arg11[%swap3A_140], %get3A_139 {strides = array<i32>} : memref<128xi32, #tpu.memory_space<vmem>>, vector<16xi32>,
    %get3A_142 = arith.constant 2 : i32
    %get3A_143 = arith.index_cast %get3A_142 : i32 to index
    %get3A_144 = arith.constant 112 : index
    %get3A_145 = tpu.vector_load %arg9[%get3A_143, %get3A_144] {strides = array<i32>} : memref<8x128xi32, #tpu.memory_space<vmem>>, vector<16xi32>,
    %swap3A_146 = arith.constant 112 : index
    %swap3A_147 = tpu.vector_load %arg11[%swap3A_146] {strides = array<i32>} : memref<128xi32, #tpu.memory_space<vmem>>, vector<16xi32>,
    tpu.vector_store %arg11[%swap3A_146], %get3A_145 {strides = array<i32>} : memref<128xi32, #tpu.memory_space<vmem>>, vector<16xi32>,
    %add3A_148 = arith.constant 256 : i32
    %add3A_149 = arith.addi %mul3A_2, %add3A_148 : i32
    "tpu.region"() ({
      %run_scoped3A = tpu.sem_alloc : memref<!tpu.dma_semaphore, #tpu.memory_space<semaphore_mem>>
      %dma_start3A = arith.constant 0 : i32
      %dma_start3A_2720 = tpu.memref_slice %arg4[%add3A_149, %dma_start3A] : memref<16384x16xi32, #tpu.memory_space<hbm>> -> memref<128x16xi32, #tpu.memory_space<hbm>>
      %dma_start3A_2721 = arith.constant 0 : i32
      %dma_start3A_2722 = tpu.memref_slice %arg4[%add3A_149, %dma_start3A_2721] : memref<16384x16xi32, #tpu.memory_space<hbm>> -> memref<128x16xi32, #tpu.memory_space<hbm>>
      tpu.enqueue_dma source(%dma_start3A_2722 : memref<128x16xi32, #tpu.memory_space<hbm>>) target(%arg13 : memref<128x16xi32, #tpu.memory_space<vmem>>) target_semaphore(%run_scoped3A : memref<!tpu.dma_semaphore, #tpu.memory_space<semaphore_mem>>)
      %dma_wait3A = arith.constant 0 : i32
      %dma_wait3A_2723 = tpu.memref_slice %arg4[%add3A_149, %dma_wait3A] : memref<16384x16xi32, #tpu.memory_space<hbm>> -> memref<128x16xi32, #tpu.memory_space<hbm>>
      %dma_wait3A_2724 = arith.constant 0 : i32
      %dma_wait3A_2725 = tpu.memref_slice %arg4[%add3A_149, %dma_wait3A_2724] : memref<16384x16xi32, #tpu.memory_space<hbm>> -> memref<128x16xi32, #tpu.memory_space<hbm>>
      tpu.wait_dma2 semaphore(%run_scoped3A : memref<!tpu.dma_semaphore, #tpu.memory_space<semaphore_mem>>) src(%dma_wait3A_2725 : memref<128x16xi32, #tpu.memory_space<hbm>>) dst(%arg13 : memref<128x16xi32, #tpu.memory_space<vmem>>)
      tpu.yield
    }) : () -> ()
    "tpu.region"() ({
      %run_scoped3A = tpu.sem_alloc : memref<!tpu.dma_semaphore, #tpu.memory_space<semaphore_mem>>
      %dma_start3A = arith.constant 0 : i32
      %dma_start3A_2720 = arith.constant 0 : i32
      %dma_start3A_2721 = tpu.memref_slice %arg8[%dma_start3A, %dma_start3A_2720] : memref<1000000x16xi32, #tpu.memory_space<hbm>> -> memref<1000000x16xi32, #tpu.memory_space<hbm>>
      tpu.enqueue_indirect_dma source(%arg13 : memref<128x16xi32, #tpu.memory_space<vmem>>) target(%dma_start3A_2721 : memref<1000000x16xi32, #tpu.memory_space<hbm>>) offsets(%arg11 : memref<128xi32, #tpu.memory_space<vmem>>) semaphore(%run_scoped3A : memref<!tpu.dma_semaphore, #tpu.memory_space<semaphore_mem>>)
      %dma_wait3A = arith.constant 0 : i32
      %dma_wait3A_2722 = arith.constant 0 : i32
      %dma_wait3A_2723 = tpu.memref_slice %arg8[%dma_wait3A, %dma_wait3A_2722] : memref<1000000x16xi32, #tpu.memory_space<hbm>> -> memref<1000000x16xi32, #tpu.memory_space<hbm>>
      tpu.wait_indirect_dma semaphore(%run_scoped3A : memref<!tpu.dma_semaphore, #tpu.memory_space<semaphore_mem>>) src(%arg13 : memref<128x16xi32, #tpu.memory_space<vmem>>) dst(%dma_wait3A_2723 : memref<1000000x16xi32, #tpu.memory_space<hbm>>)
      tpu.yield
    }) : () -> ()
    %get3A_150 = arith.constant 3 : i32
    %get3A_151 = arith.index_cast %get3A_150 : i32 to index
    %get3A_152 = arith.constant 0 : index
    %get3A_153 = tpu.vector_load %arg9[%get3A_151, %get3A_152] {strides = array<i32>} : memref<8x128xi32, #tpu.memory_space<vmem>>, vector<16xi32>,
    %swap3A_154 = arith.constant 0 : index
    %swap3A_155 = tpu.vector_load %arg11[%swap3A_154] {strides = array<i32>} : memref<128xi32, #tpu.memory_space<vmem>>, vector<16xi32>,
    tpu.vector_store %arg11[%swap3A_154], %get3A_153 {strides = array<i32>} : memref<128xi32, #tpu.memory_space<vmem>>, vector<16xi32>,
    %get3A_156 = arith.constant 3 : i32
    %get3A_157 = arith.index_cast %get3A_156 : i32 to index
    %get3A_158 = arith.constant 16 : index
    %get3A_159 = tpu.vector_load %arg9[%get3A_157, %get3A_158] {strides = array<i32>} : memref<8x128xi32, #tpu.memory_space<vmem>>, vector<16xi32>,
    %swap3A_160 = arith.constant 16 : index
    %swap3A_161 = tpu.vector_load %arg11[%swap3A_160] {strides = array<i32>} : memref<128xi32, #tpu.memory_space<vmem>>, vector<16xi32>,
    tpu.vector_store %arg11[%swap3A_160], %get3A_159 {strides = array<i32>} : memref<128xi32, #tpu.memory_space<vmem>>, vector<16xi32>,
    %get3A_162 = arith.constant 3 : i32
    %get3A_163 = arith.index_cast %get3A_162 : i32 to index
    %get3A_164 = arith.constant 32 : index
    %get3A_165 = tpu.vector_load %arg9[%get3A_163, %get3A_164] {strides = array<i32>} : memref<8x128xi32, #tpu.memory_space<vmem>>, vector<16xi32>,
    %swap3A_166 = arith.constant 32 : index
    %swap3A_167 = tpu.vector_load %arg11[%swap3A_166] {strides = array<i32>} : memref<128xi32, #tpu.memory_space<vmem>>, vector<16xi32>,
    tpu.vector_store %arg11[%swap3A_166], %get3A_165 {strides = array<i32>} : memref<128xi32, #tpu.memory_space<vmem>>, vector<16xi32>,
    %get3A_168 = arith.constant 3 : i32
    %get3A_169 = arith.index_cast %get3A_168 : i32 to index
    %get3A_170 = arith.constant 48 : index
    %get3A_171 = tpu.vector_load %arg9[%get3A_169, %get3A_170] {strides = array<i32>} : memref<8x128xi32, #tpu.memory_space<vmem>>, vector<16xi32>,
    %swap3A_172 = arith.constant 48 : index
    %swap3A_173 = tpu.vector_load %arg11[%swap3A_172] {strides = array<i32>} : memref<128xi32, #tpu.memory_space<vmem>>, vector<16xi32>,
    tpu.vector_store %arg11[%swap3A_172], %get3A_171 {strides = array<i32>} : memref<128xi32, #tpu.memory_space<vmem>>, vector<16xi32>,
    %get3A_174 = arith.constant 3 : i32
    %get3A_175 = arith.index_cast %get3A_174 : i32 to index
    %get3A_176 = arith.constant 64 : index
    %get3A_177 = tpu.vector_load %arg9[%get3A_175, %get3A_176] {strides = array<i32>} : memref<8x128xi32, #tpu.memory_space<vmem>>, vector<16xi32>,
    %swap3A_178 = arith.constant 64 : index
    %swap3A_179 = tpu.vector_load %arg11[%swap3A_178] {strides = array<i32>} : memref<128xi32, #tpu.memory_space<vmem>>, vector<16xi32>,
    tpu.vector_store %arg11[%swap3A_178], %get3A_177 {strides = array<i32>} : memref<128xi32, #tpu.memory_space<vmem>>, vector<16xi32>,
    %get3A_180 = arith.constant 3 : i32
    %get3A_181 = arith.index_cast %get3A_180 : i32 to index
    %get3A_182 = arith.constant 80 : index
    %get3A_183 = tpu.vector_load %arg9[%get3A_181, %get3A_182] {strides = array<i32>} : memref<8x128xi32, #tpu.memory_space<vmem>>, vector<16xi32>,
    %swap3A_184 = arith.constant 80 : index
    %swap3A_185 = tpu.vector_load %arg11[%swap3A_184] {strides = array<i32>} : memref<128xi32, #tpu.memory_space<vmem>>, vector<16xi32>,
    tpu.vector_store %arg11[%swap3A_184], %get3A_183 {strides = array<i32>} : memref<128xi32, #tpu.memory_space<vmem>>, vector<16xi32>,
    %get3A_186 = arith.constant 3 : i32
    %get3A_187 = arith.index_cast %get3A_186 : i32 to index
    %get3A_188 = arith.constant 96 : index
    %get3A_189 = tpu.vector_load %arg9[%get3A_187, %get3A_188] {strides = array<i32>} : memref<8x128xi32, #tpu.memory_space<vmem>>, vector<16xi32>,
    %swap3A_190 = arith.constant 96 : index
    %swap3A_191 = tpu.vector_load %arg11[%swap3A_190] {strides = array<i32>} : memref<128xi32, #tpu.memory_space<vmem>>, vector<16xi32>,
    tpu.vector_store %arg11[%swap3A_190], %get3A_189 {strides = array<i32>} : memref<128xi32, #tpu.memory_space<vmem>>, vector<16xi32>,
    %get3A_192 = arith.constant 3 : i32
    %get3A_193 = arith.index_cast %get3A_192 : i32 to index
    %get3A_194 = arith.constant 112 : index
    %get3A_195 = tpu.vector_load %arg9[%get3A_193, %get3A_194] {strides = array<i32>} : memref<8x128xi32, #tpu.memory_space<vmem>>, vector<16xi32>,
    %swap3A_196 = arith.constant 112 : index
    %swap3A_197 = tpu.vector_load %arg11[%swap3A_196] {strides = array<i32>} : memref<128xi32, #tpu.memory_space<vmem>>, vector<16xi32>,
    tpu.vector_store %arg11[%swap3A_196], %get3A_195 {strides = array<i32>} : memref<128xi32, #tpu.memory_space<vmem>>, vector<16xi32>,
    %add3A_198 = arith.constant 384 : i32
    %add3A_199 = arith.addi %mul3A_2, %add3A_198 : i32
    "tpu.region"() ({
      %run_scoped3A = tpu.sem_alloc : memref<!tpu.dma_semaphore, #tpu.memory_space<semaphore_mem>>
      %dma_start3A = arith.constant 0 : i32
      %dma_start3A_2720 = tpu.memref_slice %arg4[%add3A_199, %dma_start3A] : memref<16384x16xi32, #tpu.memory_space<hbm>> -> memref<128x16xi32, #tpu.memory_space<hbm>>
      %dma_start3A_2721 = arith.constant 0 : i32
      %dma_start3A_2722 = tpu.memref_slice %arg4[%add3A_199, %dma_start3A_2721] : memref<16384x16xi32, #tpu.memory_space<hbm>> -> memref<128x16xi32, #tpu.memory_space<hbm>>
      tpu.enqueue_dma source(%dma_start3A_2722 : memref<128x16xi32, #tpu.memory_space<hbm>>) target(%arg13 : memref<128x16xi32, #tpu.memory_space<vmem>>) target_semaphore(%run_scoped3A : memref<!tpu.dma_semaphore, #tpu.memory_space<semaphore_mem>>)
      %dma_wait3A = arith.constant 0 : i32
      %dma_wait3A_2723 = tpu.memref_slice %arg4[%add3A_199, %dma_wait3A] : memref<16384x16xi32, #tpu.memory_space<hbm>> -> memref<128x16xi32, #tpu.memory_space<hbm>>
      %dma_wait3A_2724 = arith.constant 0 : i32
      %dma_wait3A_2725 = tpu.memref_slice %arg4[%add3A_199, %dma_wait3A_2724] : memref<16384x16xi32, #tpu.memory_space<hbm>> -> memref<128x16xi32, #tpu.memory_space<hbm>>
      tpu.wait_dma2 semaphore(%run_scoped3A : memref<!tpu.dma_semaphore, #tpu.memory_space<semaphore_mem>>) src(%dma_wait3A_2725 : memref<128x16xi32, #tpu.memory_space<hbm>>) dst(%arg13 : memref<128x16xi32, #tpu.memory_space<vmem>>)
      tpu.yield
    }) : () -> ()
    "tpu.region"() ({
      %run_scoped3A = tpu.sem_alloc : memref<!tpu.dma_semaphore, #tpu.memory_space<semaphore_mem>>
      %dma_start3A = arith.constant 0 : i32
      %dma_start3A_2720 = arith.constant 0 : i32
      %dma_start3A_2721 = tpu.memref_slice %arg8[%dma_start3A, %dma_start3A_2720] : memref<1000000x16xi32, #tpu.memory_space<hbm>> -> memref<1000000x16xi32, #tpu.memory_space<hbm>>
      tpu.enqueue_indirect_dma source(%arg13 : memref<128x16xi32, #tpu.memory_space<vmem>>) target(%dma_start3A_2721 : memref<1000000x16xi32, #tpu.memory_space<hbm>>) offsets(%arg11 : memref<128xi32, #tpu.memory_space<vmem>>) semaphore(%run_scoped3A : memref<!tpu.dma_semaphore, #tpu.memory_space<semaphore_mem>>)
      %dma_wait3A = arith.constant 0 : i32
      %dma_wait3A_2722 = arith.constant 0 : i32
      %dma_wait3A_2723 = tpu.memref_slice %arg8[%dma_wait3A, %dma_wait3A_2722] : memref<1000000x16xi32, #tpu.memory_space<hbm>> -> memref<1000000x16xi32, #tpu.memory_space<hbm>>
      tpu.wait_indirect_dma semaphore(%run_scoped3A : memref<!tpu.dma_semaphore, #tpu.memory_space<semaphore_mem>>) src(%arg13 : memref<128x16xi32, #tpu.memory_space<vmem>>) dst(%dma_wait3A_2723 : memref<1000000x16xi32, #tpu.memory_space<hbm>>)
      tpu.yield
    }) : () -> ()
    %get3A_200 = arith.constant 4 : i32
    %get3A_201 = arith.index_cast %get3A_200 : i32 to index
    %get3A_202 = arith.constant 0 : index
    %get3A_203 = tpu.vector_load %arg9[%get3A_201, %get3A_202] {strides = array<i32>} : memref<8x128xi32, #tpu.memory_space<vmem>>, vector<16xi32>,
    %swap3A_204 = arith.constant 0 : index
    %swap3A_205 = tpu.vector_load %arg11[%swap3A_204] {strides = array<i32>} : memref<128xi32, #tpu.memory_space<vmem>>, vector<16xi32>,
    tpu.vector_store %arg11[%swap3A_204], %get3A_203 {strides = array<i32>} : memref<128xi32, #tpu.memory_space<vmem>>, vector<16xi32>,
    %get3A_206 = arith.constant 4 : i32
    %get3A_207 = arith.index_cast %get3A_206 : i32 to index
    %get3A_208 = arith.constant 16 : index
    %get3A_209 = tpu.vector_load %arg9[%get3A_207, %get3A_208] {strides = array<i32>} : memref<8x128xi32, #tpu.memory_space<vmem>>, vector<16xi32>,
    %swap3A_210 = arith.constant 16 : index
    %swap3A_211 = tpu.vector_load %arg11[%swap3A_210] {strides = array<i32>} : memref<128xi32, #tpu.memory_space<vmem>>, vector<16xi32>,
    tpu.vector_store %arg11[%swap3A_210], %get3A_209 {strides = array<i32>} : memref<128xi32, #tpu.memory_space<vmem>>, vector<16xi32>,
    %get3A_212 = arith.constant 4 : i32
    %get3A_213 = arith.index_cast %get3A_212 : i32 to index
    %get3A_214 = arith.constant 32 : index
    %get3A_215 = tpu.vector_load %arg9[%get3A_213, %get3A_214] {strides = array<i32>} : memref<8x128xi32, #tpu.memory_space<vmem>>, vector<16xi32>,
    %swap3A_216 = arith.constant 32 : index
    %swap3A_217 = tpu.vector_load %arg11[%swap3A_216] {strides = array<i32>} : memref<128xi32, #tpu.memory_space<vmem>>, vector<16xi32>,
    tpu.vector_store %arg11[%swap3A_216], %get3A_215 {strides = array<i32>} : memref<128xi32, #tpu.memory_space<vmem>>, vector<16xi32>,
    %get3A_218 = arith.constant 4 : i32
    %get3A_219 = arith.index_cast %get3A_218 : i32 to index
    %get3A_220 = arith.constant 48 : index
    %get3A_221 = tpu.vector_load %arg9[%get3A_219, %get3A_220] {strides = array<i32>} : memref<8x128xi32, #tpu.memory_space<vmem>>, vector<16xi32>,
    %swap3A_222 = arith.constant 48 : index
    %swap3A_223 = tpu.vector_load %arg11[%swap3A_222] {strides = array<i32>} : memref<128xi32, #tpu.memory_space<vmem>>, vector<16xi32>,
    tpu.vector_store %arg11[%swap3A_222], %get3A_221 {strides = array<i32>} : memref<128xi32, #tpu.memory_space<vmem>>, vector<16xi32>,
    %get3A_224 = arith.constant 4 : i32
    %get3A_225 = arith.index_cast %get3A_224 : i32 to index
    %get3A_226 = arith.constant 64 : index
    %get3A_227 = tpu.vector_load %arg9[%get3A_225, %get3A_226] {strides = array<i32>} : memref<8x128xi32, #tpu.memory_space<vmem>>, vector<16xi32>,
    %swap3A_228 = arith.constant 64 : index
    %swap3A_229 = tpu.vector_load %arg11[%swap3A_228] {strides = array<i32>} : memref<128xi32, #tpu.memory_space<vmem>>, vector<16xi32>,
    tpu.vector_store %arg11[%swap3A_228], %get3A_227 {strides = array<i32>} : memref<128xi32, #tpu.memory_space<vmem>>, vector<16xi32>,
    %get3A_230 = arith.constant 4 : i32
    %get3A_231 = arith.index_cast %get3A_230 : i32 to index
    %get3A_232 = arith.constant 80 : index
    %get3A_233 = tpu.vector_load %arg9[%get3A_231, %get3A_232] {strides = array<i32>} : memref<8x128xi32, #tpu.memory_space<vmem>>, vector<16xi32>,
    %swap3A_234 = arith.constant 80 : index
    %swap3A_235 = tpu.vector_load %arg11[%swap3A_234] {strides = array<i32>} : memref<128xi32, #tpu.memory_space<vmem>>, vector<16xi32>,
    tpu.vector_store %arg11[%swap3A_234], %get3A_233 {strides = array<i32>} : memref<128xi32, #tpu.memory_space<vmem>>, vector<16xi32>,
    %get3A_236 = arith.constant 4 : i32
    %get3A_237 = arith.index_cast %get3A_236 : i32 to index
    %get3A_238 = arith.constant 96 : index
    %get3A_239 = tpu.vector_load %arg9[%get3A_237, %get3A_238] {strides = array<i32>} : memref<8x128xi32, #tpu.memory_space<vmem>>, vector<16xi32>,
    %swap3A_240 = arith.constant 96 : index
    %swap3A_241 = tpu.vector_load %arg11[%swap3A_240] {strides = array<i32>} : memref<128xi32, #tpu.memory_space<vmem>>, vector<16xi32>,
    tpu.vector_store %arg11[%swap3A_240], %get3A_239 {strides = array<i32>} : memref<128xi32, #tpu.memory_space<vmem>>, vector<16xi32>,
    %get3A_242 = arith.constant 4 : i32
    %get3A_243 = arith.index_cast %get3A_242 : i32 to index
    %get3A_244 = arith.constant 112 : index
    %get3A_245 = tpu.vector_load %arg9[%get3A_243, %get3A_244] {strides = array<i32>} : memref<8x128xi32, #tpu.memory_space<vmem>>, vector<16xi32>,
    %swap3A_246 = arith.constant 112 : index
    %swap3A_247 = tpu.vector_load %arg11[%swap3A_246] {strides = array<i32>} : memref<128xi32, #tpu.memory_space<vmem>>, vector<16xi32>,
    tpu.vector_store %arg11[%swap3A_246], %get3A_245 {strides = array<i32>} : memref<128xi32, #tpu.memory_space<vmem>>, vector<16xi32>,
    %add3A_248 = arith.constant 512 : i32
    %add3A_249 = arith.addi %mul3A_2, %add3A_248 : i32
    "tpu.region"() ({
      %run_scoped3A = tpu.sem_alloc : memref<!tpu.dma_semaphore, #tpu.memory_space<semaphore_mem>>
      %dma_start3A = arith.constant 0 : i32
      %dma_start3A_2720 = tpu.memref_slice %arg4[%add3A_249, %dma_start3A] : memref<16384x16xi32, #tpu.memory_space<hbm>> -> memref<128x16xi32, #tpu.memory_space<hbm>>
      %dma_start3A_2721 = arith.constant 0 : i32
      %dma_start3A_2722 = tpu.memref_slice %arg4[%add3A_249, %dma_start3A_2721] : memref<16384x16xi32, #tpu.memory_space<hbm>> -> memref<128x16xi32, #tpu.memory_space<hbm>>
      tpu.enqueue_dma source(%dma_start3A_2722 : memref<128x16xi32, #tpu.memory_space<hbm>>) target(%arg13 : memref<128x16xi32, #tpu.memory_space<vmem>>) target_semaphore(%run_scoped3A : memref<!tpu.dma_semaphore, #tpu.memory_space<semaphore_mem>>)
      %dma_wait3A = arith.constant 0 : i32
      %dma_wait3A_2723 = tpu.memref_slice %arg4[%add3A_249, %dma_wait3A] : memref<16384x16xi32, #tpu.memory_space<hbm>> -> memref<128x16xi32, #tpu.memory_space<hbm>>
      %dma_wait3A_2724 = arith.constant 0 : i32
      %dma_wait3A_2725 = tpu.memref_slice %arg4[%add3A_249, %dma_wait3A_2724] : memref<16384x16xi32, #tpu.memory_space<hbm>> -> memref<128x16xi32, #tpu.memory_space<hbm>>
      tpu.wait_dma2 semaphore(%run_scoped3A : memref<!tpu.dma_semaphore, #tpu.memory_space<semaphore_mem>>) src(%dma_wait3A_2725 : memref<128x16xi32, #tpu.memory_space<hbm>>) dst(%arg13 : memref<128x16xi32, #tpu.memory_space<vmem>>)
      tpu.yield
    }) : () -> ()
    "tpu.region"() ({
      %run_scoped3A = tpu.sem_alloc : memref<!tpu.dma_semaphore, #tpu.memory_space<semaphore_mem>>
      %dma_start3A = arith.constant 0 : i32
      %dma_start3A_2720 = arith.constant 0 : i32
      %dma_start3A_2721 = tpu.memref_slice %arg8[%dma_start3A, %dma_start3A_2720] : memref<1000000x16xi32, #tpu.memory_space<hbm>> -> memref<1000000x16xi32, #tpu.memory_space<hbm>>
      tpu.enqueue_indirect_dma source(%arg13 : memref<128x16xi32, #tpu.memory_space<vmem>>) target(%dma_start3A_2721 : memref<1000000x16xi32, #tpu.memory_space<hbm>>) offsets(%arg11 : memref<128xi32, #tpu.memory_space<vmem>>) semaphore(%run_scoped3A : memref<!tpu.dma_semaphore, #tpu.memory_space<semaphore_mem>>)
      %dma_wait3A = arith.constant 0 : i32
      %dma_wait3A_2722 = arith.constant 0 : i32
      %dma_wait3A_2723 = tpu.memref_slice %arg8[%dma_wait3A, %dma_wait3A_2722] : memref<1000000x16xi32, #tpu.memory_space<hbm>> -> memref<1000000x16xi32, #tpu.memory_space<hbm>>
      tpu.wait_indirect_dma semaphore(%run_scoped3A : memref<!tpu.dma_semaphore, #tpu.memory_space<semaphore_mem>>) src(%arg13 : memref<128x16xi32, #tpu.memory_space<vmem>>) dst(%dma_wait3A_2723 : memref<1000000x16xi32, #tpu.memory_space<hbm>>)
      tpu.yield
    }) : () -> ()
    %get3A_250 = arith.constant 5 : i32
    %get3A_251 = arith.index_cast %get3A_250 : i32 to index
    %get3A_252 = arith.constant 0 : index
    %get3A_253 = tpu.vector_load %arg9[%get3A_251, %get3A_252] {strides = array<i32>} : memref<8x128xi32, #tpu.memory_space<vmem>>, vector<16xi32>,
    %swap3A_254 = arith.constant 0 : index
    %swap3A_255 = tpu.vector_load %arg11[%swap3A_254] {strides = array<i32>} : memref<128xi32, #tpu.memory_space<vmem>>, vector<16xi32>,
    tpu.vector_store %arg11[%swap3A_254], %get3A_253 {strides = array<i32>} : memref<128xi32, #tpu.memory_space<vmem>>, vector<16xi32>,
    %get3A_256 = arith.constant 5 : i32
    %get3A_257 = arith.index_cast %get3A_256 : i32 to index
    %get3A_258 = arith.constant 16 : index
    %get3A_259 = tpu.vector_load %arg9[%get3A_257, %get3A_258] {strides = array<i32>} : memref<8x128xi32, #tpu.memory_space<vmem>>, vector<16xi32>,
    %swap3A_260 = arith.constant 16 : index
    %swap3A_261 = tpu.vector_load %arg11[%swap3A_260] {strides = array<i32>} : memref<128xi32, #tpu.memory_space<vmem>>, vector<16xi32>,
    tpu.vector_store %arg11[%swap3A_260], %get3A_259 {strides = array<i32>} : memref<128xi32, #tpu.memory_space<vmem>>, vector<16xi32>,
    %get3A_262 = arith.constant 5 : i32
    %get3A_263 = arith.index_cast %get3A_262 : i32 to index
    %get3A_264 = arith.constant 32 : index
    %get3A_265 = tpu.vector_load %arg9[%get3A_263, %get3A_264] {strides = array<i32>} : memref<8x128xi32, #tpu.memory_space<vmem>>, vector<16xi32>,
    %swap3A_266 = arith.constant 32 : index
    %swap3A_267 = tpu.vector_load %arg11[%swap3A_266] {strides = array<i32>} : memref<128xi32, #tpu.memory_space<vmem>>, vector<16xi32>,
    tpu.vector_store %arg11[%swap3A_266], %get3A_265 {strides = array<i32>} : memref<128xi32, #tpu.memory_space<vmem>>, vector<16xi32>,
    %get3A_268 = arith.constant 5 : i32
    %get3A_269 = arith.index_cast %get3A_268 : i32 to index
    %get3A_270 = arith.constant 48 : index
    %get3A_271 = tpu.vector_load %arg9[%get3A_269, %get3A_270] {strides = array<i32>} : memref<8x128xi32, #tpu.memory_space<vmem>>, vector<16xi32>,
    %swap3A_272 = arith.constant 48 : index
    %swap3A_273 = tpu.vector_load %arg11[%swap3A_272] {strides = array<i32>} : memref<128xi32, #tpu.memory_space<vmem>>, vector<16xi32>,
    tpu.vector_store %arg11[%swap3A_272], %get3A_271 {strides = array<i32>} : memref<128xi32, #tpu.memory_space<vmem>>, vector<16xi32>,
    %get3A_274 = arith.constant 5 : i32
    %get3A_275 = arith.index_cast %get3A_274 : i32 to index
    %get3A_276 = arith.constant 64 : index
    %get3A_277 = tpu.vector_load %arg9[%get3A_275, %get3A_276] {strides = array<i32>} : memref<8x128xi32, #tpu.memory_space<vmem>>, vector<16xi32>,
    %swap3A_278 = arith.constant 64 : index
    %swap3A_279 = tpu.vector_load %arg11[%swap3A_278] {strides = array<i32>} : memref<128xi32, #tpu.memory_space<vmem>>, vector<16xi32>,
    tpu.vector_store %arg11[%swap3A_278], %get3A_277 {strides = array<i32>} : memref<128xi32, #tpu.memory_space<vmem>>, vector<16xi32>,
    %get3A_280 = arith.constant 5 : i32
    %get3A_281 = arith.index_cast %get3A_280 : i32 to index
    %get3A_282 = arith.constant 80 : index
    %get3A_283 = tpu.vector_load %arg9[%get3A_281, %get3A_282] {strides = array<i32>} : memref<8x128xi32, #tpu.memory_space<vmem>>, vector<16xi32>,
    %swap3A_284 = arith.constant 80 : index
    %swap3A_285 = tpu.vector_load %arg11[%swap3A_284] {strides = array<i32>} : memref<128xi32, #tpu.memory_space<vmem>>, vector<16xi32>,
    tpu.vector_store %arg11[%swap3A_284], %get3A_283 {strides = array<i32>} : memref<128xi32, #tpu.memory_space<vmem>>, vector<16xi32>,
    %get3A_286 = arith.constant 5 : i32
    %get3A_287 = arith.index_cast %get3A_286 : i32 to index
    %get3A_288 = arith.constant 96 : index
    %get3A_289 = tpu.vector_load %arg9[%get3A_287, %get3A_288] {strides = array<i32>} : memref<8x128xi32, #tpu.memory_space<vmem>>, vector<16xi32>,
    %swap3A_290 = arith.constant 96 : index
    %swap3A_291 = tpu.vector_load %arg11[%swap3A_290] {strides = array<i32>} : memref<128xi32, #tpu.memory_space<vmem>>, vector<16xi32>,
    tpu.vector_store %arg11[%swap3A_290], %get3A_289 {strides = array<i32>} : memref<128xi32, #tpu.memory_space<vmem>>, vector<16xi32>,
    %get3A_292 = arith.constant 5 : i32
    %get3A_293 = arith.index_cast %get3A_292 : i32 to index
    %get3A_294 = arith.constant 112 : index
    %get3A_295 = tpu.vector_load %arg9[%get3A_293, %get3A_294] {strides = array<i32>} : memref<8x128xi32, #tpu.memory_space<vmem>>, vector<16xi32>,
    %swap3A_296 = arith.constant 112 : index
    %swap3A_297 = tpu.vector_load %arg11[%swap3A_296] {strides = array<i32>} : memref<128xi32, #tpu.memory_space<vmem>>, vector<16xi32>,
    tpu.vector_store %arg11[%swap3A_296], %get3A_295 {strides = array<i32>} : memref<128xi32, #tpu.memory_space<vmem>>, vector<16xi32>,
    %add3A_298 = arith.constant 640 : i32
    %add3A_299 = arith.addi %mul3A_2, %add3A_298 : i32
    "tpu.region"() ({
      %run_scoped3A = tpu.sem_alloc : memref<!tpu.dma_semaphore, #tpu.memory_space<semaphore_mem>>
      %dma_start3A = arith.constant 0 : i32
      %dma_start3A_2720 = tpu.memref_slice %arg4[%add3A_299, %dma_start3A] : memref<16384x16xi32, #tpu.memory_space<hbm>> -> memref<128x16xi32, #tpu.memory_space<hbm>>
      %dma_start3A_2721 = arith.constant 0 : i32
      %dma_start3A_2722 = tpu.memref_slice %arg4[%add3A_299, %dma_start3A_2721] : memref<16384x16xi32, #tpu.memory_space<hbm>> -> memref<128x16xi32, #tpu.memory_space<hbm>>
      tpu.enqueue_dma source(%dma_start3A_2722 : memref<128x16xi32, #tpu.memory_space<hbm>>) target(%arg13 : memref<128x16xi32, #tpu.memory_space<vmem>>) target_semaphore(%run_scoped3A : memref<!tpu.dma_semaphore, #tpu.memory_space<semaphore_mem>>)
      %dma_wait3A = arith.constant 0 : i32
      %dma_wait3A_2723 = tpu.memref_slice %arg4[%add3A_299, %dma_wait3A] : memref<16384x16xi32, #tpu.memory_space<hbm>> -> memref<128x16xi32, #tpu.memory_space<hbm>>
      %dma_wait3A_2724 = arith.constant 0 : i32
      %dma_wait3A_2725 = tpu.memref_slice %arg4[%add3A_299, %dma_wait3A_2724] : memref<16384x16xi32, #tpu.memory_space<hbm>> -> memref<128x16xi32, #tpu.memory_space<hbm>>
      tpu.wait_dma2 semaphore(%run_scoped3A : memref<!tpu.dma_semaphore, #tpu.memory_space<semaphore_mem>>) src(%dma_wait3A_2725 : memref<128x16xi32, #tpu.memory_space<hbm>>) dst(%arg13 : memref<128x16xi32, #tpu.memory_space<vmem>>)
      tpu.yield
    }) : () -> ()
    "tpu.region"() ({
      %run_scoped3A = tpu.sem_alloc : memref<!tpu.dma_semaphore, #tpu.memory_space<semaphore_mem>>
      %dma_start3A = arith.constant 0 : i32
      %dma_start3A_2720 = arith.constant 0 : i32
      %dma_start3A_2721 = tpu.memref_slice %arg8[%dma_start3A, %dma_start3A_2720] : memref<1000000x16xi32, #tpu.memory_space<hbm>> -> memref<1000000x16xi32, #tpu.memory_space<hbm>>
      tpu.enqueue_indirect_dma source(%arg13 : memref<128x16xi32, #tpu.memory_space<vmem>>) target(%dma_start3A_2721 : memref<1000000x16xi32, #tpu.memory_space<hbm>>) offsets(%arg11 : memref<128xi32, #tpu.memory_space<vmem>>) semaphore(%run_scoped3A : memref<!tpu.dma_semaphore, #tpu.memory_space<semaphore_mem>>)
      %dma_wait3A = arith.constant 0 : i32
      %dma_wait3A_2722 = arith.constant 0 : i32
      %dma_wait3A_2723 = tpu.memref_slice %arg8[%dma_wait3A, %dma_wait3A_2722] : memref<1000000x16xi32, #tpu.memory_space<hbm>> -> memref<1000000x16xi32, #tpu.memory_space<hbm>>
      tpu.wait_indirect_dma semaphore(%run_scoped3A : memref<!tpu.dma_semaphore, #tpu.memory_space<semaphore_mem>>) src(%arg13 : memref<128x16xi32, #tpu.memory_space<vmem>>) dst(%dma_wait3A_2723 : memref<1000000x16xi32, #tpu.memory_space<hbm>>)
      tpu.yield
    }) : () -> ()
    %get3A_300 = arith.constant 6 : i32
    %get3A_301 = arith.index_cast %get3A_300 : i32 to index
    %get3A_302 = arith.constant 0 : index
    %get3A_303 = tpu.vector_load %arg9[%get3A_301, %get3A_302] {strides = array<i32>} : memref<8x128xi32, #tpu.memory_space<vmem>>, vector<16xi32>,
    %swap3A_304 = arith.constant 0 : index
    %swap3A_305 = tpu.vector_load %arg11[%swap3A_304] {strides = array<i32>} : memref<128xi32, #tpu.memory_space<vmem>>, vector<16xi32>,
    tpu.vector_store %arg11[%swap3A_304], %get3A_303 {strides = array<i32>} : memref<128xi32, #tpu.memory_space<vmem>>, vector<16xi32>,
    %get3A_306 = arith.constant 6 : i32
    %get3A_307 = arith.index_cast %get3A_306 : i32 to index
    %get3A_308 = arith.constant 16 : index
    %get3A_309 = tpu.vector_load %arg9[%get3A_307, %get3A_308] {strides = array<i32>} : memref<8x128xi32, #tpu.memory_space<vmem>>, vector<16xi32>,
    %swap3A_310 = arith.constant 16 : index
    %swap3A_311 = tpu.vector_load %arg11[%swap3A_310] {strides = array<i32>} : memref<128xi32, #tpu.memory_space<vmem>>, vector<16xi32>,
    tpu.vector_store %arg11[%swap3A_310], %get3A_309 {strides = array<i32>} : memref<128xi32, #tpu.memory_space<vmem>>, vector<16xi32>,
    %get3A_312 = arith.constant 6 : i32
    %get3A_313 = arith.index_cast %get3A_312 : i32 to index
    %get3A_314 = arith.constant 32 : index
    %get3A_315 = tpu.vector_load %arg9[%get3A_313, %get3A_314] {strides = array<i32>} : memref<8x128xi32, #tpu.memory_space<vmem>>, vector<16xi32>,
    %swap3A_316 = arith.constant 32 : index
    %swap3A_317 = tpu.vector_load %arg11[%swap3A_316] {strides = array<i32>} : memref<128xi32, #tpu.memory_space<vmem>>, vector<16xi32>,
    tpu.vector_store %arg11[%swap3A_316], %get3A_315 {strides = array<i32>} : memref<128xi32, #tpu.memory_space<vmem>>, vector<16xi32>,
    %get3A_318 = arith.constant 6 : i32
    %get3A_319 = arith.index_cast %get3A_318 : i32 to index
    %get3A_320 = arith.constant 48 : index
    %get3A_321 = tpu.vector_load %arg9[%get3A_319, %get3A_320] {strides = array<i32>} : memref<8x128xi32, #tpu.memory_space<vmem>>, vector<16xi32>,
    %swap3A_322 = arith.constant 48 : index
    %swap3A_323 = tpu.vector_load %arg11[%swap3A_322] {strides = array<i32>} : memref<128xi32, #tpu.memory_space<vmem>>, vector<16xi32>,
    tpu.vector_store %arg11[%swap3A_322], %get3A_321 {strides = array<i32>} : memref<128xi32, #tpu.memory_space<vmem>>, vector<16xi32>,
    %get3A_324 = arith.constant 6 : i32
    %get3A_325 = arith.index_cast %get3A_324 : i32 to index
    %get3A_326 = arith.constant 64 : index
    %get3A_327 = tpu.vector_load %arg9[%get3A_325, %get3A_326] {strides = array<i32>} : memref<8x128xi32, #tpu.memory_space<vmem>>, vector<16xi32>,
    %swap3A_328 = arith.constant 64 : index
    %swap3A_329 = tpu.vector_load %arg11[%swap3A_328] {strides = array<i32>} : memref<128xi32, #tpu.memory_space<vmem>>, vector<16xi32>,
    tpu.vector_store %arg11[%swap3A_328], %get3A_327 {strides = array<i32>} : memref<128xi32, #tpu.memory_space<vmem>>, vector<16xi32>,
    %get3A_330 = arith.constant 6 : i32
    %get3A_331 = arith.index_cast %get3A_330 : i32 to index
    %get3A_332 = arith.constant 80 : index
    %get3A_333 = tpu.vector_load %arg9[%get3A_331, %get3A_332] {strides = array<i32>} : memref<8x128xi32, #tpu.memory_space<vmem>>, vector<16xi32>,
    %swap3A_334 = arith.constant 80 : index
    %swap3A_335 = tpu.vector_load %arg11[%swap3A_334] {strides = array<i32>} : memref<128xi32, #tpu.memory_space<vmem>>, vector<16xi32>,
    tpu.vector_store %arg11[%swap3A_334], %get3A_333 {strides = array<i32>} : memref<128xi32, #tpu.memory_space<vmem>>, vector<16xi32>,
    %get3A_336 = arith.constant 6 : i32
    %get3A_337 = arith.index_cast %get3A_336 : i32 to index
    %get3A_338 = arith.constant 96 : index
    %get3A_339 = tpu.vector_load %arg9[%get3A_337, %get3A_338] {strides = array<i32>} : memref<8x128xi32, #tpu.memory_space<vmem>>, vector<16xi32>,
    %swap3A_340 = arith.constant 96 : index
    %swap3A_341 = tpu.vector_load %arg11[%swap3A_340] {strides = array<i32>} : memref<128xi32, #tpu.memory_space<vmem>>, vector<16xi32>,
    tpu.vector_store %arg11[%swap3A_340], %get3A_339 {strides = array<i32>} : memref<128xi32, #tpu.memory_space<vmem>>, vector<16xi32>,
    %get3A_342 = arith.constant 6 : i32
    %get3A_343 = arith.index_cast %get3A_342 : i32 to index
    %get3A_344 = arith.constant 112 : index
    %get3A_345 = tpu.vector_load %arg9[%get3A_343, %get3A_344] {strides = array<i32>} : memref<8x128xi32, #tpu.memory_space<vmem>>, vector<16xi32>,
    %swap3A_346 = arith.constant 112 : index
    %swap3A_347 = tpu.vector_load %arg11[%swap3A_346] {strides = array<i32>} : memref<128xi32, #tpu.memory_space<vmem>>, vector<16xi32>,
    tpu.vector_store %arg11[%swap3A_346], %get3A_345 {strides = array<i32>} : memref<128xi32, #tpu.memory_space<vmem>>, vector<16xi32>,
    %add3A_348 = arith.constant 768 : i32
    %add3A_349 = arith.addi %mul3A_2, %add3A_348 : i32
    "tpu.region"() ({
      %run_scoped3A = tpu.sem_alloc : memref<!tpu.dma_semaphore, #tpu.memory_space<semaphore_mem>>
      %dma_start3A = arith.constant 0 : i32
      %dma_start3A_2720 = tpu.memref_slice %arg4[%add3A_349, %dma_start3A] : memref<16384x16xi32, #tpu.memory_space<hbm>> -> memref<128x16xi32, #tpu.memory_space<hbm>>
      %dma_start3A_2721 = arith.constant 0 : i32
      %dma_start3A_2722 = tpu.memref_slice %arg4[%add3A_349, %dma_start3A_2721] : memref<16384x16xi32, #tpu.memory_space<hbm>> -> memref<128x16xi32, #tpu.memory_space<hbm>>
      tpu.enqueue_dma source(%dma_start3A_2722 : memref<128x16xi32, #tpu.memory_space<hbm>>) target(%arg13 : memref<128x16xi32, #tpu.memory_space<vmem>>) target_semaphore(%run_scoped3A : memref<!tpu.dma_semaphore, #tpu.memory_space<semaphore_mem>>)
      %dma_wait3A = arith.constant 0 : i32
      %dma_wait3A_2723 = tpu.memref_slice %arg4[%add3A_349, %dma_wait3A] : memref<16384x16xi32, #tpu.memory_space<hbm>> -> memref<128x16xi32, #tpu.memory_space<hbm>>
      %dma_wait3A_2724 = arith.constant 0 : i32
      %dma_wait3A_2725 = tpu.memref_slice %arg4[%add3A_349, %dma_wait3A_2724] : memref<16384x16xi32, #tpu.memory_space<hbm>> -> memref<128x16xi32, #tpu.memory_space<hbm>>
      tpu.wait_dma2 semaphore(%run_scoped3A : memref<!tpu.dma_semaphore, #tpu.memory_space<semaphore_mem>>) src(%dma_wait3A_2725 : memref<128x16xi32, #tpu.memory_space<hbm>>) dst(%arg13 : memref<128x16xi32, #tpu.memory_space<vmem>>)
      tpu.yield
    }) : () -> ()
    "tpu.region"() ({
      %run_scoped3A = tpu.sem_alloc : memref<!tpu.dma_semaphore, #tpu.memory_space<semaphore_mem>>
      %dma_start3A = arith.constant 0 : i32
      %dma_start3A_2720 = arith.constant 0 : i32
      %dma_start3A_2721 = tpu.memref_slice %arg8[%dma_start3A, %dma_start3A_2720] : memref<1000000x16xi32, #tpu.memory_space<hbm>> -> memref<1000000x16xi32, #tpu.memory_space<hbm>>
      tpu.enqueue_indirect_dma source(%arg13 : memref<128x16xi32, #tpu.memory_space<vmem>>) target(%dma_start3A_2721 : memref<1000000x16xi32, #tpu.memory_space<hbm>>) offsets(%arg11 : memref<128xi32, #tpu.memory_space<vmem>>) semaphore(%run_scoped3A : memref<!tpu.dma_semaphore, #tpu.memory_space<semaphore_mem>>)
      %dma_wait3A = arith.constant 0 : i32
      %dma_wait3A_2722 = arith.constant 0 : i32
      %dma_wait3A_2723 = tpu.memref_slice %arg8[%dma_wait3A, %dma_wait3A_2722] : memref<1000000x16xi32, #tpu.memory_space<hbm>> -> memref<1000000x16xi32, #tpu.memory_space<hbm>>
      tpu.wait_indirect_dma semaphore(%run_scoped3A : memref<!tpu.dma_semaphore, #tpu.memory_space<semaphore_mem>>) src(%arg13 : memref<128x16xi32, #tpu.memory_space<vmem>>) dst(%dma_wait3A_2723 : memref<1000000x16xi32, #tpu.memory_space<hbm>>)
      tpu.yield
    }) : () -> ()
    %get3A_350 = arith.constant 7 : i32
    %get3A_351 = arith.index_cast %get3A_350 : i32 to index
    %get3A_352 = arith.constant 0 : index
    %get3A_353 = tpu.vector_load %arg9[%get3A_351, %get3A_352] {strides = array<i32>} : memref<8x128xi32, #tpu.memory_space<vmem>>, vector<16xi32>,
    %swap3A_354 = arith.constant 0 : index
    %swap3A_355 = tpu.vector_load %arg11[%swap3A_354] {strides = array<i32>} : memref<128xi32, #tpu.memory_space<vmem>>, vector<16xi32>,
    tpu.vector_store %arg11[%swap3A_354], %get3A_353 {strides = array<i32>} : memref<128xi32, #tpu.memory_space<vmem>>, vector<16xi32>,
    %get3A_356 = arith.constant 7 : i32
    %get3A_357 = arith.index_cast %get3A_356 : i32 to index
    %get3A_358 = arith.constant 16 : index
    %get3A_359 = tpu.vector_load %arg9[%get3A_357, %get3A_358] {strides = array<i32>} : memref<8x128xi32, #tpu.memory_space<vmem>>, vector<16xi32>,
    %swap3A_360 = arith.constant 16 : index
    %swap3A_361 = tpu.vector_load %arg11[%swap3A_360] {strides = array<i32>} : memref<128xi32, #tpu.memory_space<vmem>>, vector<16xi32>,
    tpu.vector_store %arg11[%swap3A_360], %get3A_359 {strides = array<i32>} : memref<128xi32, #tpu.memory_space<vmem>>, vector<16xi32>,
    %get3A_362 = arith.constant 7 : i32
    %get3A_363 = arith.index_cast %get3A_362 : i32 to index
    %get3A_364 = arith.constant 32 : index
    %get3A_365 = tpu.vector_load %arg9[%get3A_363, %get3A_364] {strides = array<i32>} : memref<8x128xi32, #tpu.memory_space<vmem>>, vector<16xi32>,
    %swap3A_366 = arith.constant 32 : index
    %swap3A_367 = tpu.vector_load %arg11[%swap3A_366] {strides = array<i32>} : memref<128xi32, #tpu.memory_space<vmem>>, vector<16xi32>,
    tpu.vector_store %arg11[%swap3A_366], %get3A_365 {strides = array<i32>} : memref<128xi32, #tpu.memory_space<vmem>>, vector<16xi32>,
    %get3A_368 = arith.constant 7 : i32
    %get3A_369 = arith.index_cast %get3A_368 : i32 to index
    %get3A_370 = arith.constant 48 : index
    %get3A_371 = tpu.vector_load %arg9[%get3A_369, %get3A_370] {strides = array<i32>} : memref<8x128xi32, #tpu.memory_space<vmem>>, vector<16xi32>,
    %swap3A_372 = arith.constant 48 : index
    %swap3A_373 = tpu.vector_load %arg11[%swap3A_372] {strides = array<i32>} : memref<128xi32, #tpu.memory_space<vmem>>, vector<16xi32>,
    tpu.vector_store %arg11[%swap3A_372], %get3A_371 {strides = array<i32>} : memref<128xi32, #tpu.memory_space<vmem>>, vector<16xi32>,
    %get3A_374 = arith.constant 7 : i32
    %get3A_375 = arith.index_cast %get3A_374 : i32 to index
    %get3A_376 = arith.constant 64 : index
    %get3A_377 = tpu.vector_load %arg9[%get3A_375, %get3A_376] {strides = array<i32>} : memref<8x128xi32, #tpu.memory_space<vmem>>, vector<16xi32>,
    %swap3A_378 = arith.constant 64 : index
    %swap3A_379 = tpu.vector_load %arg11[%swap3A_378] {strides = array<i32>} : memref<128xi32, #tpu.memory_space<vmem>>, vector<16xi32>,
    tpu.vector_store %arg11[%swap3A_378], %get3A_377 {strides = array<i32>} : memref<128xi32, #tpu.memory_space<vmem>>, vector<16xi32>,
    %get3A_380 = arith.constant 7 : i32
    %get3A_381 = arith.index_cast %get3A_380 : i32 to index
    %get3A_382 = arith.constant 80 : index
    %get3A_383 = tpu.vector_load %arg9[%get3A_381, %get3A_382] {strides = array<i32>} : memref<8x128xi32, #tpu.memory_space<vmem>>, vector<16xi32>,
    %swap3A_384 = arith.constant 80 : index
    %swap3A_385 = tpu.vector_load %arg11[%swap3A_384] {strides = array<i32>} : memref<128xi32, #tpu.memory_space<vmem>>, vector<16xi32>,
    tpu.vector_store %arg11[%swap3A_384], %get3A_383 {strides = array<i32>} : memref<128xi32, #tpu.memory_space<vmem>>, vector<16xi32>,
    %get3A_386 = arith.constant 7 : i32
    %get3A_387 = arith.index_cast %get3A_386 : i32 to index
    %get3A_388 = arith.constant 96 : index
    %get3A_389 = tpu.vector_load %arg9[%get3A_387, %get3A_388] {strides = array<i32>} : memref<8x128xi32, #tpu.memory_space<vmem>>, vector<16xi32>,
    %swap3A_390 = arith.constant 96 : index
    %swap3A_391 = tpu.vector_load %arg11[%swap3A_390] {strides = array<i32>} : memref<128xi32, #tpu.memory_space<vmem>>, vector<16xi32>,
    tpu.vector_store %arg11[%swap3A_390], %get3A_389 {strides = array<i32>} : memref<128xi32, #tpu.memory_space<vmem>>, vector<16xi32>,
    %get3A_392 = arith.constant 7 : i32
    %get3A_393 = arith.index_cast %get3A_392 : i32 to index
    %get3A_394 = arith.constant 112 : index
    %get3A_395 = tpu.vector_load %arg9[%get3A_393, %get3A_394] {strides = array<i32>} : memref<8x128xi32, #tpu.memory_space<vmem>>, vector<16xi32>,
    %swap3A_396 = arith.constant 112 : index
    %swap3A_397 = tpu.vector_load %arg11[%swap3A_396] {strides = array<i32>} : memref<128xi32, #tpu.memory_space<vmem>>, vector<16xi32>,
    tpu.vector_store %arg11[%swap3A_396], %get3A_395 {strides = array<i32>} : memref<128xi32, #tpu.memory_space<vmem>>, vector<16xi32>,
    %add3A_398 = arith.constant 896 : i32
    %add3A_399 = arith.addi %mul3A_2, %add3A_398 : i32
    "tpu.region"() ({
      %run_scoped3A = tpu.sem_alloc : memref<!tpu.dma_semaphore, #tpu.memory_space<semaphore_mem>>
      %dma_start3A = arith.constant 0 : i32
      %dma_start3A_2720 = tpu.memref_slice %arg4[%add3A_399, %dma_start3A] : memref<16384x16xi32, #tpu.memory_space<hbm>> -> memref<128x16xi32, #tpu.memory_space<hbm>>
      %dma_start3A_2721 = arith.constant 0 : i32
      %dma_start3A_2722 = tpu.memref_slice %arg4[%add3A_399, %dma_start3A_2721] : memref<16384x16xi32, #tpu.memory_space<hbm>> -> memref<128x16xi32, #tpu.memory_space<hbm>>
      tpu.enqueue_dma source(%dma_start3A_2722 : memref<128x16xi32, #tpu.memory_space<hbm>>) target(%arg13 : memref<128x16xi32, #tpu.memory_space<vmem>>) target_semaphore(%run_scoped3A : memref<!tpu.dma_semaphore, #tpu.memory_space<semaphore_mem>>)
      %dma_wait3A = arith.constant 0 : i32
      %dma_wait3A_2723 = tpu.memref_slice %arg4[%add3A_399, %dma_wait3A] : memref<16384x16xi32, #tpu.memory_space<hbm>> -> memref<128x16xi32, #tpu.memory_space<hbm>>
      %dma_wait3A_2724 = arith.constant 0 : i32
      %dma_wait3A_2725 = tpu.memref_slice %arg4[%add3A_399, %dma_wait3A_2724] : memref<16384x16xi32, #tpu.memory_space<hbm>> -> memref<128x16xi32, #tpu.memory_space<hbm>>
      tpu.wait_dma2 semaphore(%run_scoped3A : memref<!tpu.dma_semaphore, #tpu.memory_space<semaphore_mem>>) src(%dma_wait3A_2725 : memref<128x16xi32, #tpu.memory_space<hbm>>) dst(%arg13 : memref<128x16xi32, #tpu.memory_space<vmem>>)
      tpu.yield
    }) : () -> ()
    "tpu.region"() ({
      %run_scoped3A = tpu.sem_alloc : memref<!tpu.dma_semaphore, #tpu.memory_space<semaphore_mem>>
      %dma_start3A = arith.constant 0 : i32
      %dma_start3A_2720 = arith.constant 0 : i32
      %dma_start3A_2721 = tpu.memref_slice %arg8[%dma_start3A, %dma_start3A_2720] : memref<1000000x16xi32, #tpu.memory_space<hbm>> -> memref<1000000x16xi32, #tpu.memory_space<hbm>>
      tpu.enqueue_indirect_dma source(%arg13 : memref<128x16xi32, #tpu.memory_space<vmem>>) target(%dma_start3A_2721 : memref<1000000x16xi32, #tpu.memory_space<hbm>>) offsets(%arg11 : memref<128xi32, #tpu.memory_space<vmem>>) semaphore(%run_scoped3A : memref<!tpu.dma_semaphore, #tpu.memory_space<semaphore_mem>>)
      %dma_wait3A = arith.constant 0 : i32
      %dma_wait3A_2722 = arith.constant 0 : i32
      %dma_wait3A_2723 = tpu.memref_slice %arg8[%dma_wait3A, %dma_wait3A_2722] : memref<1000000x16xi32, #tpu.memory_space<hbm>> -> memref<1000000x16xi32, #tpu.memory_space<hbm>>
      tpu.wait_indirect_dma semaphore(%run_scoped3A : memref<!tpu.dma_semaphore, #tpu.memory_space<semaphore_mem>>) src(%arg13 : memref<128x16xi32, #tpu.memory_space<vmem>>) dst(%dma_wait3A_2723 : memref<1000000x16xi32, #tpu.memory_space<hbm>>)
      tpu.yield
    }) : () -> ()
    %barrier3A = arith.constant 0 : index
    tpu.barrier barrier_id(%barrier3A)
    %broadcast_in_dim3A = arith.constant 0 : i32
    %broadcast_in_dim3A_400 = vector.broadcast %broadcast_in_dim3A : i32 to vector<16xi32>
    %get3A_401 = arith.constant 0 : i32
    %get3A_402 = arith.index_cast %get3A_401 : i32 to index
    %get3A_403 = arith.constant 0 : index
    %get3A_404 = tpu.vector_load %arg9[%get3A_402, %get3A_403] {strides = array<i32>} : memref<8x128xi32, #tpu.memory_space<vmem>>, vector<16xi32>,
    %swap3A_405 = arith.constant 0 : index
    %swap3A_406 = tpu.vector_load %arg11[%swap3A_405] {strides = array<i32>} : memref<128xi32, #tpu.memory_space<vmem>>, vector<16xi32>,
    tpu.vector_store %arg11[%swap3A_405], %get3A_404 {strides = array<i32>} : memref<128xi32, #tpu.memory_space<vmem>>, vector<16xi32>,
    %get3A_407 = arith.constant 0 : i32
    %get3A_408 = arith.index_cast %get3A_407 : i32 to index
    %get3A_409 = arith.constant 16 : index
    %get3A_410 = tpu.vector_load %arg9[%get3A_408, %get3A_409] {strides = array<i32>} : memref<8x128xi32, #tpu.memory_space<vmem>>, vector<16xi32>,
    %swap3A_411 = arith.constant 16 : index
    %swap3A_412 = tpu.vector_load %arg11[%swap3A_411] {strides = array<i32>} : memref<128xi32, #tpu.memory_space<vmem>>, vector<16xi32>,
    tpu.vector_store %arg11[%swap3A_411], %get3A_410 {strides = array<i32>} : memref<128xi32, #tpu.memory_space<vmem>>, vector<16xi32>,
    %get3A_413 = arith.constant 0 : i32
    %get3A_414 = arith.index_cast %get3A_413 : i32 to index
    %get3A_415 = arith.constant 32 : index
    %get3A_416 = tpu.vector_load %arg9[%get3A_414, %get3A_415] {strides = array<i32>} : memref<8x128xi32, #tpu.memory_space<vmem>>, vector<16xi32>,
    %swap3A_417 = arith.constant 32 : index
    %swap3A_418 = tpu.vector_load %arg11[%swap3A_417] {strides = array<i32>} : memref<128xi32, #tpu.memory_space<vmem>>, vector<16xi32>,
    tpu.vector_store %arg11[%swap3A_417], %get3A_416 {strides = array<i32>} : memref<128xi32, #tpu.memory_space<vmem>>, vector<16xi32>,
    %get3A_419 = arith.constant 0 : i32
    %get3A_420 = arith.index_cast %get3A_419 : i32 to index
    %get3A_421 = arith.constant 48 : index
    %get3A_422 = tpu.vector_load %arg9[%get3A_420, %get3A_421] {strides = array<i32>} : memref<8x128xi32, #tpu.memory_space<vmem>>, vector<16xi32>,
    %swap3A_423 = arith.constant 48 : index
    %swap3A_424 = tpu.vector_load %arg11[%swap3A_423] {strides = array<i32>} : memref<128xi32, #tpu.memory_space<vmem>>, vector<16xi32>,
    tpu.vector_store %arg11[%swap3A_423], %get3A_422 {strides = array<i32>} : memref<128xi32, #tpu.memory_space<vmem>>, vector<16xi32>,
    %get3A_425 = arith.constant 0 : i32
    %get3A_426 = arith.index_cast %get3A_425 : i32 to index
    %get3A_427 = arith.constant 64 : index
    %get3A_428 = tpu.vector_load %arg9[%get3A_426, %get3A_427] {strides = array<i32>} : memref<8x128xi32, #tpu.memory_space<vmem>>, vector<16xi32>,
    %swap3A_429 = arith.constant 64 : index
    %swap3A_430 = tpu.vector_load %arg11[%swap3A_429] {strides = array<i32>} : memref<128xi32, #tpu.memory_space<vmem>>, vector<16xi32>,
    tpu.vector_store %arg11[%swap3A_429], %get3A_428 {strides = array<i32>} : memref<128xi32, #tpu.memory_space<vmem>>, vector<16xi32>,
    %get3A_431 = arith.constant 0 : i32
    %get3A_432 = arith.index_cast %get3A_431 : i32 to index
    %get3A_433 = arith.constant 80 : index
    %get3A_434 = tpu.vector_load %arg9[%get3A_432, %get3A_433] {strides = array<i32>} : memref<8x128xi32, #tpu.memory_space<vmem>>, vector<16xi32>,
    %swap3A_435 = arith.constant 80 : index
    %swap3A_436 = tpu.vector_load %arg11[%swap3A_435] {strides = array<i32>} : memref<128xi32, #tpu.memory_space<vmem>>, vector<16xi32>,
    tpu.vector_store %arg11[%swap3A_435], %get3A_434 {strides = array<i32>} : memref<128xi32, #tpu.memory_space<vmem>>, vector<16xi32>,
    %get3A_437 = arith.constant 0 : i32
    %get3A_438 = arith.index_cast %get3A_437 : i32 to index
    %get3A_439 = arith.constant 96 : index
    %get3A_440 = tpu.vector_load %arg9[%get3A_438, %get3A_439] {strides = array<i32>} : memref<8x128xi32, #tpu.memory_space<vmem>>, vector<16xi32>,
    %swap3A_441 = arith.constant 96 : index
    %swap3A_442 = tpu.vector_load %arg11[%swap3A_441] {strides = array<i32>} : memref<128xi32, #tpu.memory_space<vmem>>, vector<16xi32>,
    tpu.vector_store %arg11[%swap3A_441], %get3A_440 {strides = array<i32>} : memref<128xi32, #tpu.memory_space<vmem>>, vector<16xi32>,
    %get3A_443 = arith.constant 0 : i32
    %get3A_444 = arith.index_cast %get3A_443 : i32 to index
    %get3A_445 = arith.constant 112 : index
    %get3A_446 = tpu.vector_load %arg9[%get3A_444, %get3A_445] {strides = array<i32>} : memref<8x128xi32, #tpu.memory_space<vmem>>, vector<16xi32>,
    %swap3A_447 = arith.constant 112 : index
    %swap3A_448 = tpu.vector_load %arg11[%swap3A_447] {strides = array<i32>} : memref<128xi32, #tpu.memory_space<vmem>>, vector<16xi32>,
    tpu.vector_store %arg11[%swap3A_447], %get3A_446 {strides = array<i32>} : memref<128xi32, #tpu.memory_space<vmem>>, vector<16xi32>,
    "tpu.region"() ({
      %run_scoped3A = tpu.sem_alloc : memref<!tpu.dma_semaphore, #tpu.memory_space<semaphore_mem>>
      %dma_start3A = arith.constant 0 : i32
      %dma_start3A_2720 = arith.constant 0 : i32
      %dma_start3A_2721 = tpu.memref_slice %arg8[%dma_start3A, %dma_start3A_2720] : memref<1000000x16xi32, #tpu.memory_space<hbm>> -> memref<1000000x16xi32, #tpu.memory_space<hbm>>
      tpu.enqueue_indirect_dma source(%dma_start3A_2721 : memref<1000000x16xi32, #tpu.memory_space<hbm>>) target(%arg14 : memref<128x16xi32, #tpu.memory_space<vmem>>) offsets(%arg11 : memref<128xi32, #tpu.memory_space<vmem>>) semaphore(%run_scoped3A : memref<!tpu.dma_semaphore, #tpu.memory_space<semaphore_mem>>)
      %dma_wait3A = arith.constant 0 : i32
      %dma_wait3A_2722 = arith.constant 0 : i32
      %dma_wait3A_2723 = tpu.memref_slice %arg8[%dma_wait3A, %dma_wait3A_2722] : memref<1000000x16xi32, #tpu.memory_space<hbm>> -> memref<1000000x16xi32, #tpu.memory_space<hbm>>
      tpu.wait_indirect_dma semaphore(%run_scoped3A : memref<!tpu.dma_semaphore, #tpu.memory_space<semaphore_mem>>) src(%dma_wait3A_2723 : memref<1000000x16xi32, #tpu.memory_space<hbm>>) dst(%arg14 : memref<128x16xi32, #tpu.memory_space<vmem>>)
      tpu.yield
    }) : () -> ()
    %iota3A = tpu.iota {dimensions = array<i32: 0>} : vector<16xi32>
    %add3A_449 = arith.constant 0 : i32
    %add3A_450 = vector.broadcast %add3A_449 : i32 to vector<16xi32>
    %add3A_451 = arith.addi %iota3A, %add3A_450 : vector<16xi32>
    %gather3A = tpu.vector_load_idx %arg14[%add3A_451, %broadcast_in_dim3A_400] : memref<128x16xi32, #tpu.memory_space<vmem>>[vector<16xi32>, vector<16xi32>], vector<16xi32>,
    %swap3A_452 = arith.constant 0 : i32
    %swap3A_453 = arith.index_cast %swap3A_452 : i32 to index
    %swap3A_454 = arith.constant 0 : index
    %swap3A_455 = tpu.vector_load %arg10[%swap3A_453, %swap3A_454] {strides = array<i32>} : memref<8x128xi32, #tpu.memory_space<vmem>>, vector<16xi32>,
    tpu.vector_store %arg10[%swap3A_453, %swap3A_454], %gather3A {strides = array<i32>} : memref<8x128xi32, #tpu.memory_space<vmem>>, vector<16xi32>,
    %swap3A_456 = arith.constant 0 : index
    %swap3A_457 = tpu.vector_load %arg12[%swap3A_456] {strides = array<i32>} : memref<128xi32, #tpu.memory_space<vmem>>, vector<16xi32>,
    tpu.vector_store %arg12[%swap3A_456], %gather3A {strides = array<i32>} : memref<128xi32, #tpu.memory_space<vmem>>, vector<16xi32>,
    %iota3A_458 = tpu.iota {dimensions = array<i32: 0>} : vector<16xi32>
    %add3A_459 = arith.constant 16 : i32
    %add3A_460 = vector.broadcast %add3A_459 : i32 to vector<16xi32>
    %add3A_461 = arith.addi %iota3A_458, %add3A_460 : vector<16xi32>
    %gather3A_462 = tpu.vector_load_idx %arg14[%add3A_461, %broadcast_in_dim3A_400] : memref<128x16xi32, #tpu.memory_space<vmem>>[vector<16xi32>, vector<16xi32>], vector<16xi32>,
    %swap3A_463 = arith.constant 0 : i32
    %swap3A_464 = arith.index_cast %swap3A_463 : i32 to index
    %swap3A_465 = arith.constant 16 : index
    %swap3A_466 = tpu.vector_load %arg10[%swap3A_464, %swap3A_465] {strides = array<i32>} : memref<8x128xi32, #tpu.memory_space<vmem>>, vector<16xi32>,
    tpu.vector_store %arg10[%swap3A_464, %swap3A_465], %gather3A_462 {strides = array<i32>} : memref<8x128xi32, #tpu.memory_space<vmem>>, vector<16xi32>,
    %swap3A_467 = arith.constant 16 : index
    %swap3A_468 = tpu.vector_load %arg12[%swap3A_467] {strides = array<i32>} : memref<128xi32, #tpu.memory_space<vmem>>, vector<16xi32>,
    tpu.vector_store %arg12[%swap3A_467], %gather3A_462 {strides = array<i32>} : memref<128xi32, #tpu.memory_space<vmem>>, vector<16xi32>,
    %iota3A_469 = tpu.iota {dimensions = array<i32: 0>} : vector<16xi32>
    %add3A_470 = arith.constant 32 : i32
    %add3A_471 = vector.broadcast %add3A_470 : i32 to vector<16xi32>
    %add3A_472 = arith.addi %iota3A_469, %add3A_471 : vector<16xi32>
    %gather3A_473 = tpu.vector_load_idx %arg14[%add3A_472, %broadcast_in_dim3A_400] : memref<128x16xi32, #tpu.memory_space<vmem>>[vector<16xi32>, vector<16xi32>], vector<16xi32>,
    %swap3A_474 = arith.constant 0 : i32
    %swap3A_475 = arith.index_cast %swap3A_474 : i32 to index
    %swap3A_476 = arith.constant 32 : index
    %swap3A_477 = tpu.vector_load %arg10[%swap3A_475, %swap3A_476] {strides = array<i32>} : memref<8x128xi32, #tpu.memory_space<vmem>>, vector<16xi32>,
    tpu.vector_store %arg10[%swap3A_475, %swap3A_476], %gather3A_473 {strides = array<i32>} : memref<8x128xi32, #tpu.memory_space<vmem>>, vector<16xi32>,
    %swap3A_478 = arith.constant 32 : index
    %swap3A_479 = tpu.vector_load %arg12[%swap3A_478] {strides = array<i32>} : memref<128xi32, #tpu.memory_space<vmem>>, vector<16xi32>,
    tpu.vector_store %arg12[%swap3A_478], %gather3A_473 {strides = array<i32>} : memref<128xi32, #tpu.memory_space<vmem>>, vector<16xi32>,
    %iota3A_480 = tpu.iota {dimensions = array<i32: 0>} : vector<16xi32>
    %add3A_481 = arith.constant 48 : i32
    %add3A_482 = vector.broadcast %add3A_481 : i32 to vector<16xi32>
    %add3A_483 = arith.addi %iota3A_480, %add3A_482 : vector<16xi32>
    %gather3A_484 = tpu.vector_load_idx %arg14[%add3A_483, %broadcast_in_dim3A_400] : memref<128x16xi32, #tpu.memory_space<vmem>>[vector<16xi32>, vector<16xi32>], vector<16xi32>,
    %swap3A_485 = arith.constant 0 : i32
    %swap3A_486 = arith.index_cast %swap3A_485 : i32 to index
    %swap3A_487 = arith.constant 48 : index
    %swap3A_488 = tpu.vector_load %arg10[%swap3A_486, %swap3A_487] {strides = array<i32>} : memref<8x128xi32, #tpu.memory_space<vmem>>, vector<16xi32>,
    tpu.vector_store %arg10[%swap3A_486, %swap3A_487], %gather3A_484 {strides = array<i32>} : memref<8x128xi32, #tpu.memory_space<vmem>>, vector<16xi32>,
    %swap3A_489 = arith.constant 48 : index
    %swap3A_490 = tpu.vector_load %arg12[%swap3A_489] {strides = array<i32>} : memref<128xi32, #tpu.memory_space<vmem>>, vector<16xi32>,
    tpu.vector_store %arg12[%swap3A_489], %gather3A_484 {strides = array<i32>} : memref<128xi32, #tpu.memory_space<vmem>>, vector<16xi32>,
    %iota3A_491 = tpu.iota {dimensions = array<i32: 0>} : vector<16xi32>
    %add3A_492 = arith.constant 64 : i32
    %add3A_493 = vector.broadcast %add3A_492 : i32 to vector<16xi32>
    %add3A_494 = arith.addi %iota3A_491, %add3A_493 : vector<16xi32>
    %gather3A_495 = tpu.vector_load_idx %arg14[%add3A_494, %broadcast_in_dim3A_400] : memref<128x16xi32, #tpu.memory_space<vmem>>[vector<16xi32>, vector<16xi32>], vector<16xi32>,
    %swap3A_496 = arith.constant 0 : i32
    %swap3A_497 = arith.index_cast %swap3A_496 : i32 to index
    %swap3A_498 = arith.constant 64 : index
    %swap3A_499 = tpu.vector_load %arg10[%swap3A_497, %swap3A_498] {strides = array<i32>} : memref<8x128xi32, #tpu.memory_space<vmem>>, vector<16xi32>,
    tpu.vector_store %arg10[%swap3A_497, %swap3A_498], %gather3A_495 {strides = array<i32>} : memref<8x128xi32, #tpu.memory_space<vmem>>, vector<16xi32>,
    %swap3A_500 = arith.constant 64 : index
    %swap3A_501 = tpu.vector_load %arg12[%swap3A_500] {strides = array<i32>} : memref<128xi32, #tpu.memory_space<vmem>>, vector<16xi32>,
    tpu.vector_store %arg12[%swap3A_500], %gather3A_495 {strides = array<i32>} : memref<128xi32, #tpu.memory_space<vmem>>, vector<16xi32>,
    %iota3A_502 = tpu.iota {dimensions = array<i32: 0>} : vector<16xi32>
    %add3A_503 = arith.constant 80 : i32
    %add3A_504 = vector.broadcast %add3A_503 : i32 to vector<16xi32>
    %add3A_505 = arith.addi %iota3A_502, %add3A_504 : vector<16xi32>
    %gather3A_506 = tpu.vector_load_idx %arg14[%add3A_505, %broadcast_in_dim3A_400] : memref<128x16xi32, #tpu.memory_space<vmem>>[vector<16xi32>, vector<16xi32>], vector<16xi32>,
    %swap3A_507 = arith.constant 0 : i32
    %swap3A_508 = arith.index_cast %swap3A_507 : i32 to index
    %swap3A_509 = arith.constant 80 : index
    %swap3A_510 = tpu.vector_load %arg10[%swap3A_508, %swap3A_509] {strides = array<i32>} : memref<8x128xi32, #tpu.memory_space<vmem>>, vector<16xi32>,
    tpu.vector_store %arg10[%swap3A_508, %swap3A_509], %gather3A_506 {strides = array<i32>} : memref<8x128xi32, #tpu.memory_space<vmem>>, vector<16xi32>,
    %swap3A_511 = arith.constant 80 : index
    %swap3A_512 = tpu.vector_load %arg12[%swap3A_511] {strides = array<i32>} : memref<128xi32, #tpu.memory_space<vmem>>, vector<16xi32>,
    tpu.vector_store %arg12[%swap3A_511], %gather3A_506 {strides = array<i32>} : memref<128xi32, #tpu.memory_space<vmem>>, vector<16xi32>,
    %iota3A_513 = tpu.iota {dimensions = array<i32: 0>} : vector<16xi32>
    %add3A_514 = arith.constant 96 : i32
    %add3A_515 = vector.broadcast %add3A_514 : i32 to vector<16xi32>
    %add3A_516 = arith.addi %iota3A_513, %add3A_515 : vector<16xi32>
    %gather3A_517 = tpu.vector_load_idx %arg14[%add3A_516, %broadcast_in_dim3A_400] : memref<128x16xi32, #tpu.memory_space<vmem>>[vector<16xi32>, vector<16xi32>], vector<16xi32>,
    %swap3A_518 = arith.constant 0 : i32
    %swap3A_519 = arith.index_cast %swap3A_518 : i32 to index
    %swap3A_520 = arith.constant 96 : index
    %swap3A_521 = tpu.vector_load %arg10[%swap3A_519, %swap3A_520] {strides = array<i32>} : memref<8x128xi32, #tpu.memory_space<vmem>>, vector<16xi32>,
    tpu.vector_store %arg10[%swap3A_519, %swap3A_520], %gather3A_517 {strides = array<i32>} : memref<8x128xi32, #tpu.memory_space<vmem>>, vector<16xi32>,
    %swap3A_522 = arith.constant 96 : index
    %swap3A_523 = tpu.vector_load %arg12[%swap3A_522] {strides = array<i32>} : memref<128xi32, #tpu.memory_space<vmem>>, vector<16xi32>,
    tpu.vector_store %arg12[%swap3A_522], %gather3A_517 {strides = array<i32>} : memref<128xi32, #tpu.memory_space<vmem>>, vector<16xi32>,
    %iota3A_524 = tpu.iota {dimensions = array<i32: 0>} : vector<16xi32>
    %add3A_525 = arith.constant 112 : i32
    %add3A_526 = vector.broadcast %add3A_525 : i32 to vector<16xi32>
    %add3A_527 = arith.addi %iota3A_524, %add3A_526 : vector<16xi32>
    %gather3A_528 = tpu.vector_load_idx %arg14[%add3A_527, %broadcast_in_dim3A_400] : memref<128x16xi32, #tpu.memory_space<vmem>>[vector<16xi32>, vector<16xi32>], vector<16xi32>,
    %swap3A_529 = arith.constant 0 : i32
    %swap3A_530 = arith.index_cast %swap3A_529 : i32 to index
    %swap3A_531 = arith.constant 112 : index
    %swap3A_532 = tpu.vector_load %arg10[%swap3A_530, %swap3A_531] {strides = array<i32>} : memref<8x128xi32, #tpu.memory_space<vmem>>, vector<16xi32>,
    tpu.vector_store %arg10[%swap3A_530, %swap3A_531], %gather3A_528 {strides = array<i32>} : memref<8x128xi32, #tpu.memory_space<vmem>>, vector<16xi32>,
    %swap3A_533 = arith.constant 112 : index
    %swap3A_534 = tpu.vector_load %arg12[%swap3A_533] {strides = array<i32>} : memref<128xi32, #tpu.memory_space<vmem>>, vector<16xi32>,
    tpu.vector_store %arg12[%swap3A_533], %gather3A_528 {strides = array<i32>} : memref<128xi32, #tpu.memory_space<vmem>>, vector<16xi32>,
    "tpu.region"() ({
      %run_scoped3A = tpu.sem_alloc : memref<!tpu.dma_semaphore, #tpu.memory_space<semaphore_mem>>
      %dma_start3A = arith.constant 0 : i32
      %dma_start3A_2720 = arith.constant 0 : i32
      %dma_start3A_2721 = tpu.memref_slice %arg20[%dma_start3A, %dma_start3A_2720] : memref<16384x64xf32, #tpu.memory_space<vmem_shared>> -> memref<16384x64xf32, #tpu.memory_space<vmem_shared>>
      tpu.enqueue_indirect_dma source(%arg15 : memref<128x64xf32, #tpu.memory_space<vmem>>) target(%dma_start3A_2721 : memref<16384x64xf32, #tpu.memory_space<vmem_shared>>) offsets(%arg12 : memref<128xi32, #tpu.memory_space<vmem>>) semaphore(%run_scoped3A : memref<!tpu.dma_semaphore, #tpu.memory_space<semaphore_mem>>)
      %dma_wait3A = arith.constant 0 : i32
      %dma_wait3A_2722 = arith.constant 0 : i32
      %dma_wait3A_2723 = tpu.memref_slice %arg20[%dma_wait3A, %dma_wait3A_2722] : memref<16384x64xf32, #tpu.memory_space<vmem_shared>> -> memref<16384x64xf32, #tpu.memory_space<vmem_shared>>
      tpu.wait_indirect_dma semaphore(%run_scoped3A : memref<!tpu.dma_semaphore, #tpu.memory_space<semaphore_mem>>) src(%arg15 : memref<128x64xf32, #tpu.memory_space<vmem>>) dst(%dma_wait3A_2723 : memref<16384x64xf32, #tpu.memory_space<vmem_shared>>)
      tpu.yield
    }) : () -> ()
    %get3A_535 = arith.constant 1 : i32
    %get3A_536 = arith.index_cast %get3A_535 : i32 to index
    %get3A_537 = arith.constant 0 : index
    %get3A_538 = tpu.vector_load %arg9[%get3A_536, %get3A_537] {strides = array<i32>} : memref<8x128xi32, #tpu.memory_space<vmem>>, vector<16xi32>,
    %swap3A_539 = arith.constant 0 : index
    %swap3A_540 = tpu.vector_load %arg11[%swap3A_539] {strides = array<i32>} : memref<128xi32, #tpu.memory_space<vmem>>, vector<16xi32>,
    tpu.vector_store %arg11[%swap3A_539], %get3A_538 {strides = array<i32>} : memref<128xi32, #tpu.memory_space<vmem>>, vector<16xi32>,
    %get3A_541 = arith.constant 1 : i32
    %get3A_542 = arith.index_cast %get3A_541 : i32 to index
    %get3A_543 = arith.constant 16 : index
    %get3A_544 = tpu.vector_load %arg9[%get3A_542, %get3A_543] {strides = array<i32>} : memref<8x128xi32, #tpu.memory_space<vmem>>, vector<16xi32>,
    %swap3A_545 = arith.constant 16 : index
    %swap3A_546 = tpu.vector_load %arg11[%swap3A_545] {strides = array<i32>} : memref<128xi32, #tpu.memory_space<vmem>>, vector<16xi32>,
    tpu.vector_store %arg11[%swap3A_545], %get3A_544 {strides = array<i32>} : memref<128xi32, #tpu.memory_space<vmem>>, vector<16xi32>,
    %get3A_547 = arith.constant 1 : i32
    %get3A_548 = arith.index_cast %get3A_547 : i32 to index
    %get3A_549 = arith.constant 32 : index
    %get3A_550 = tpu.vector_load %arg9[%get3A_548, %get3A_549] {strides = array<i32>} : memref<8x128xi32, #tpu.memory_space<vmem>>, vector<16xi32>,
    %swap3A_551 = arith.constant 32 : index
    %swap3A_552 = tpu.vector_load %arg11[%swap3A_551] {strides = array<i32>} : memref<128xi32, #tpu.memory_space<vmem>>, vector<16xi32>,
    tpu.vector_store %arg11[%swap3A_551], %get3A_550 {strides = array<i32>} : memref<128xi32, #tpu.memory_space<vmem>>, vector<16xi32>,
    %get3A_553 = arith.constant 1 : i32
    %get3A_554 = arith.index_cast %get3A_553 : i32 to index
    %get3A_555 = arith.constant 48 : index
    %get3A_556 = tpu.vector_load %arg9[%get3A_554, %get3A_555] {strides = array<i32>} : memref<8x128xi32, #tpu.memory_space<vmem>>, vector<16xi32>,
    %swap3A_557 = arith.constant 48 : index
    %swap3A_558 = tpu.vector_load %arg11[%swap3A_557] {strides = array<i32>} : memref<128xi32, #tpu.memory_space<vmem>>, vector<16xi32>,
    tpu.vector_store %arg11[%swap3A_557], %get3A_556 {strides = array<i32>} : memref<128xi32, #tpu.memory_space<vmem>>, vector<16xi32>,
    %get3A_559 = arith.constant 1 : i32
    %get3A_560 = arith.index_cast %get3A_559 : i32 to index
    %get3A_561 = arith.constant 64 : index
    %get3A_562 = tpu.vector_load %arg9[%get3A_560, %get3A_561] {strides = array<i32>} : memref<8x128xi32, #tpu.memory_space<vmem>>, vector<16xi32>,
    %swap3A_563 = arith.constant 64 : index
    %swap3A_564 = tpu.vector_load %arg11[%swap3A_563] {strides = array<i32>} : memref<128xi32, #tpu.memory_space<vmem>>, vector<16xi32>,
    tpu.vector_store %arg11[%swap3A_563], %get3A_562 {strides = array<i32>} : memref<128xi32, #tpu.memory_space<vmem>>, vector<16xi32>,
    %get3A_565 = arith.constant 1 : i32
    %get3A_566 = arith.index_cast %get3A_565 : i32 to index
    %get3A_567 = arith.constant 80 : index
    %get3A_568 = tpu.vector_load %arg9[%get3A_566, %get3A_567] {strides = array<i32>} : memref<8x128xi32, #tpu.memory_space<vmem>>, vector<16xi32>,
    %swap3A_569 = arith.constant 80 : index
    %swap3A_570 = tpu.vector_load %arg11[%swap3A_569] {strides = array<i32>} : memref<128xi32, #tpu.memory_space<vmem>>, vector<16xi32>,
    tpu.vector_store %arg11[%swap3A_569], %get3A_568 {strides = array<i32>} : memref<128xi32, #tpu.memory_space<vmem>>, vector<16xi32>,
    %get3A_571 = arith.constant 1 : i32
    %get3A_572 = arith.index_cast %get3A_571 : i32 to index
    %get3A_573 = arith.constant 96 : index
    %get3A_574 = tpu.vector_load %arg9[%get3A_572, %get3A_573] {strides = array<i32>} : memref<8x128xi32, #tpu.memory_space<vmem>>, vector<16xi32>,
    %swap3A_575 = arith.constant 96 : index
    %swap3A_576 = tpu.vector_load %arg11[%swap3A_575] {strides = array<i32>} : memref<128xi32, #tpu.memory_space<vmem>>, vector<16xi32>,
    tpu.vector_store %arg11[%swap3A_575], %get3A_574 {strides = array<i32>} : memref<128xi32, #tpu.memory_space<vmem>>, vector<16xi32>,
    %get3A_577 = arith.constant 1 : i32
    %get3A_578 = arith.index_cast %get3A_577 : i32 to index
    %get3A_579 = arith.constant 112 : index
    %get3A_580 = tpu.vector_load %arg9[%get3A_578, %get3A_579] {strides = array<i32>} : memref<8x128xi32, #tpu.memory_space<vmem>>, vector<16xi32>,
    %swap3A_581 = arith.constant 112 : index
    %swap3A_582 = tpu.vector_load %arg11[%swap3A_581] {strides = array<i32>} : memref<128xi32, #tpu.memory_space<vmem>>, vector<16xi32>,
    tpu.vector_store %arg11[%swap3A_581], %get3A_580 {strides = array<i32>} : memref<128xi32, #tpu.memory_space<vmem>>, vector<16xi32>,
    "tpu.region"() ({
      %run_scoped3A = tpu.sem_alloc : memref<!tpu.dma_semaphore, #tpu.memory_space<semaphore_mem>>
      %dma_start3A = arith.constant 0 : i32
      %dma_start3A_2720 = arith.constant 0 : i32
      %dma_start3A_2721 = tpu.memref_slice %arg8[%dma_start3A, %dma_start3A_2720] : memref<1000000x16xi32, #tpu.memory_space<hbm>> -> memref<1000000x16xi32, #tpu.memory_space<hbm>>
      tpu.enqueue_indirect_dma source(%dma_start3A_2721 : memref<1000000x16xi32, #tpu.memory_space<hbm>>) target(%arg14 : memref<128x16xi32, #tpu.memory_space<vmem>>) offsets(%arg11 : memref<128xi32, #tpu.memory_space<vmem>>) semaphore(%run_scoped3A : memref<!tpu.dma_semaphore, #tpu.memory_space<semaphore_mem>>)
      %dma_wait3A = arith.constant 0 : i32
      %dma_wait3A_2722 = arith.constant 0 : i32
      %dma_wait3A_2723 = tpu.memref_slice %arg8[%dma_wait3A, %dma_wait3A_2722] : memref<1000000x16xi32, #tpu.memory_space<hbm>> -> memref<1000000x16xi32, #tpu.memory_space<hbm>>
      tpu.wait_indirect_dma semaphore(%run_scoped3A : memref<!tpu.dma_semaphore, #tpu.memory_space<semaphore_mem>>) src(%dma_wait3A_2723 : memref<1000000x16xi32, #tpu.memory_space<hbm>>) dst(%arg14 : memref<128x16xi32, #tpu.memory_space<vmem>>)
      tpu.yield
    }) : () -> ()
    %iota3A_583 = tpu.iota {dimensions = array<i32: 0>} : vector<16xi32>
    %add3A_584 = arith.constant 0 : i32
    %add3A_585 = vector.broadcast %add3A_584 : i32 to vector<16xi32>
    %add3A_586 = arith.addi %iota3A_583, %add3A_585 : vector<16xi32>
    %gather3A_587 = tpu.vector_load_idx %arg14[%add3A_586, %broadcast_in_dim3A_400] : memref<128x16xi32, #tpu.memory_space<vmem>>[vector<16xi32>, vector<16xi32>], vector<16xi32>,
    %swap3A_588 = arith.constant 1 : i32
    %swap3A_589 = arith.index_cast %swap3A_588 : i32 to index
    %swap3A_590 = arith.constant 0 : index
    %swap3A_591 = tpu.vector_load %arg10[%swap3A_589, %swap3A_590] {strides = array<i32>} : memref<8x128xi32, #tpu.memory_space<vmem>>, vector<16xi32>,
    tpu.vector_store %arg10[%swap3A_589, %swap3A_590], %gather3A_587 {strides = array<i32>} : memref<8x128xi32, #tpu.memory_space<vmem>>, vector<16xi32>,
    %swap3A_592 = arith.constant 0 : index
    %swap3A_593 = tpu.vector_load %arg12[%swap3A_592] {strides = array<i32>} : memref<128xi32, #tpu.memory_space<vmem>>, vector<16xi32>,
    tpu.vector_store %arg12[%swap3A_592], %gather3A_587 {strides = array<i32>} : memref<128xi32, #tpu.memory_space<vmem>>, vector<16xi32>,
    %iota3A_594 = tpu.iota {dimensions = array<i32: 0>} : vector<16xi32>
    %add3A_595 = arith.constant 16 : i32
    %add3A_596 = vector.broadcast %add3A_595 : i32 to vector<16xi32>
    %add3A_597 = arith.addi %iota3A_594, %add3A_596 : vector<16xi32>
    %gather3A_598 = tpu.vector_load_idx %arg14[%add3A_597, %broadcast_in_dim3A_400] : memref<128x16xi32, #tpu.memory_space<vmem>>[vector<16xi32>, vector<16xi32>], vector<16xi32>,
    %swap3A_599 = arith.constant 1 : i32
    %swap3A_600 = arith.index_cast %swap3A_599 : i32 to index
    %swap3A_601 = arith.constant 16 : index
    %swap3A_602 = tpu.vector_load %arg10[%swap3A_600, %swap3A_601] {strides = array<i32>} : memref<8x128xi32, #tpu.memory_space<vmem>>, vector<16xi32>,
    tpu.vector_store %arg10[%swap3A_600, %swap3A_601], %gather3A_598 {strides = array<i32>} : memref<8x128xi32, #tpu.memory_space<vmem>>, vector<16xi32>,
    %swap3A_603 = arith.constant 16 : index
    %swap3A_604 = tpu.vector_load %arg12[%swap3A_603] {strides = array<i32>} : memref<128xi32, #tpu.memory_space<vmem>>, vector<16xi32>,
    tpu.vector_store %arg12[%swap3A_603], %gather3A_598 {strides = array<i32>} : memref<128xi32, #tpu.memory_space<vmem>>, vector<16xi32>,
    %iota3A_605 = tpu.iota {dimensions = array<i32: 0>} : vector<16xi32>
    %add3A_606 = arith.constant 32 : i32
    %add3A_607 = vector.broadcast %add3A_606 : i32 to vector<16xi32>
    %add3A_608 = arith.addi %iota3A_605, %add3A_607 : vector<16xi32>
    %gather3A_609 = tpu.vector_load_idx %arg14[%add3A_608, %broadcast_in_dim3A_400] : memref<128x16xi32, #tpu.memory_space<vmem>>[vector<16xi32>, vector<16xi32>], vector<16xi32>,
    %swap3A_610 = arith.constant 1 : i32
    %swap3A_611 = arith.index_cast %swap3A_610 : i32 to index
    %swap3A_612 = arith.constant 32 : index
    %swap3A_613 = tpu.vector_load %arg10[%swap3A_611, %swap3A_612] {strides = array<i32>} : memref<8x128xi32, #tpu.memory_space<vmem>>, vector<16xi32>,
    tpu.vector_store %arg10[%swap3A_611, %swap3A_612], %gather3A_609 {strides = array<i32>} : memref<8x128xi32, #tpu.memory_space<vmem>>, vector<16xi32>,
    %swap3A_614 = arith.constant 32 : index
    %swap3A_615 = tpu.vector_load %arg12[%swap3A_614] {strides = array<i32>} : memref<128xi32, #tpu.memory_space<vmem>>, vector<16xi32>,
    tpu.vector_store %arg12[%swap3A_614], %gather3A_609 {strides = array<i32>} : memref<128xi32, #tpu.memory_space<vmem>>, vector<16xi32>,
    %iota3A_616 = tpu.iota {dimensions = array<i32: 0>} : vector<16xi32>
    %add3A_617 = arith.constant 48 : i32
    %add3A_618 = vector.broadcast %add3A_617 : i32 to vector<16xi32>
    %add3A_619 = arith.addi %iota3A_616, %add3A_618 : vector<16xi32>
    %gather3A_620 = tpu.vector_load_idx %arg14[%add3A_619, %broadcast_in_dim3A_400] : memref<128x16xi32, #tpu.memory_space<vmem>>[vector<16xi32>, vector<16xi32>], vector<16xi32>,
    %swap3A_621 = arith.constant 1 : i32
    %swap3A_622 = arith.index_cast %swap3A_621 : i32 to index
    %swap3A_623 = arith.constant 48 : index
    %swap3A_624 = tpu.vector_load %arg10[%swap3A_622, %swap3A_623] {strides = array<i32>} : memref<8x128xi32, #tpu.memory_space<vmem>>, vector<16xi32>,
    tpu.vector_store %arg10[%swap3A_622, %swap3A_623], %gather3A_620 {strides = array<i32>} : memref<8x128xi32, #tpu.memory_space<vmem>>, vector<16xi32>,
    %swap3A_625 = arith.constant 48 : index
    %swap3A_626 = tpu.vector_load %arg12[%swap3A_625] {strides = array<i32>} : memref<128xi32, #tpu.memory_space<vmem>>, vector<16xi32>,
    tpu.vector_store %arg12[%swap3A_625], %gather3A_620 {strides = array<i32>} : memref<128xi32, #tpu.memory_space<vmem>>, vector<16xi32>,
    %iota3A_627 = tpu.iota {dimensions = array<i32: 0>} : vector<16xi32>
    %add3A_628 = arith.constant 64 : i32
    %add3A_629 = vector.broadcast %add3A_628 : i32 to vector<16xi32>
    %add3A_630 = arith.addi %iota3A_627, %add3A_629 : vector<16xi32>
    %gather3A_631 = tpu.vector_load_idx %arg14[%add3A_630, %broadcast_in_dim3A_400] : memref<128x16xi32, #tpu.memory_space<vmem>>[vector<16xi32>, vector<16xi32>], vector<16xi32>,
    %swap3A_632 = arith.constant 1 : i32
    %swap3A_633 = arith.index_cast %swap3A_632 : i32 to index
    %swap3A_634 = arith.constant 64 : index
    %swap3A_635 = tpu.vector_load %arg10[%swap3A_633, %swap3A_634] {strides = array<i32>} : memref<8x128xi32, #tpu.memory_space<vmem>>, vector<16xi32>,
    tpu.vector_store %arg10[%swap3A_633, %swap3A_634], %gather3A_631 {strides = array<i32>} : memref<8x128xi32, #tpu.memory_space<vmem>>, vector<16xi32>,
    %swap3A_636 = arith.constant 64 : index
    %swap3A_637 = tpu.vector_load %arg12[%swap3A_636] {strides = array<i32>} : memref<128xi32, #tpu.memory_space<vmem>>, vector<16xi32>,
    tpu.vector_store %arg12[%swap3A_636], %gather3A_631 {strides = array<i32>} : memref<128xi32, #tpu.memory_space<vmem>>, vector<16xi32>,
    %iota3A_638 = tpu.iota {dimensions = array<i32: 0>} : vector<16xi32>
    %add3A_639 = arith.constant 80 : i32
    %add3A_640 = vector.broadcast %add3A_639 : i32 to vector<16xi32>
    %add3A_641 = arith.addi %iota3A_638, %add3A_640 : vector<16xi32>
    %gather3A_642 = tpu.vector_load_idx %arg14[%add3A_641, %broadcast_in_dim3A_400] : memref<128x16xi32, #tpu.memory_space<vmem>>[vector<16xi32>, vector<16xi32>], vector<16xi32>,
    %swap3A_643 = arith.constant 1 : i32
    %swap3A_644 = arith.index_cast %swap3A_643 : i32 to index
    %swap3A_645 = arith.constant 80 : index
    %swap3A_646 = tpu.vector_load %arg10[%swap3A_644, %swap3A_645] {strides = array<i32>} : memref<8x128xi32, #tpu.memory_space<vmem>>, vector<16xi32>,
    tpu.vector_store %arg10[%swap3A_644, %swap3A_645], %gather3A_642 {strides = array<i32>} : memref<8x128xi32, #tpu.memory_space<vmem>>, vector<16xi32>,
    %swap3A_647 = arith.constant 80 : index
    %swap3A_648 = tpu.vector_load %arg12[%swap3A_647] {strides = array<i32>} : memref<128xi32, #tpu.memory_space<vmem>>, vector<16xi32>,
    tpu.vector_store %arg12[%swap3A_647], %gather3A_642 {strides = array<i32>} : memref<128xi32, #tpu.memory_space<vmem>>, vector<16xi32>,
    %iota3A_649 = tpu.iota {dimensions = array<i32: 0>} : vector<16xi32>
    %add3A_650 = arith.constant 96 : i32
    %add3A_651 = vector.broadcast %add3A_650 : i32 to vector<16xi32>
    %add3A_652 = arith.addi %iota3A_649, %add3A_651 : vector<16xi32>
    %gather3A_653 = tpu.vector_load_idx %arg14[%add3A_652, %broadcast_in_dim3A_400] : memref<128x16xi32, #tpu.memory_space<vmem>>[vector<16xi32>, vector<16xi32>], vector<16xi32>,
    %swap3A_654 = arith.constant 1 : i32
    %swap3A_655 = arith.index_cast %swap3A_654 : i32 to index
    %swap3A_656 = arith.constant 96 : index
    %swap3A_657 = tpu.vector_load %arg10[%swap3A_655, %swap3A_656] {strides = array<i32>} : memref<8x128xi32, #tpu.memory_space<vmem>>, vector<16xi32>,
    tpu.vector_store %arg10[%swap3A_655, %swap3A_656], %gather3A_653 {strides = array<i32>} : memref<8x128xi32, #tpu.memory_space<vmem>>, vector<16xi32>,
    %swap3A_658 = arith.constant 96 : index
    %swap3A_659 = tpu.vector_load %arg12[%swap3A_658] {strides = array<i32>} : memref<128xi32, #tpu.memory_space<vmem>>, vector<16xi32>,
    tpu.vector_store %arg12[%swap3A_658], %gather3A_653 {strides = array<i32>} : memref<128xi32, #tpu.memory_space<vmem>>, vector<16xi32>,
    %iota3A_660 = tpu.iota {dimensions = array<i32: 0>} : vector<16xi32>
    %add3A_661 = arith.constant 112 : i32
    %add3A_662 = vector.broadcast %add3A_661 : i32 to vector<16xi32>
    %add3A_663 = arith.addi %iota3A_660, %add3A_662 : vector<16xi32>
    %gather3A_664 = tpu.vector_load_idx %arg14[%add3A_663, %broadcast_in_dim3A_400] : memref<128x16xi32, #tpu.memory_space<vmem>>[vector<16xi32>, vector<16xi32>], vector<16xi32>,
    %swap3A_665 = arith.constant 1 : i32
    %swap3A_666 = arith.index_cast %swap3A_665 : i32 to index
    %swap3A_667 = arith.constant 112 : index
    %swap3A_668 = tpu.vector_load %arg10[%swap3A_666, %swap3A_667] {strides = array<i32>} : memref<8x128xi32, #tpu.memory_space<vmem>>, vector<16xi32>,
    tpu.vector_store %arg10[%swap3A_666, %swap3A_667], %gather3A_664 {strides = array<i32>} : memref<8x128xi32, #tpu.memory_space<vmem>>, vector<16xi32>,
    %swap3A_669 = arith.constant 112 : index
    %swap3A_670 = tpu.vector_load %arg12[%swap3A_669] {strides = array<i32>} : memref<128xi32, #tpu.memory_space<vmem>>, vector<16xi32>,
    tpu.vector_store %arg12[%swap3A_669], %gather3A_664 {strides = array<i32>} : memref<128xi32, #tpu.memory_space<vmem>>, vector<16xi32>,
    "tpu.region"() ({
      %run_scoped3A = tpu.sem_alloc : memref<!tpu.dma_semaphore, #tpu.memory_space<semaphore_mem>>
      %dma_start3A = arith.constant 0 : i32
      %dma_start3A_2720 = arith.constant 0 : i32
      %dma_start3A_2721 = tpu.memref_slice %arg20[%dma_start3A, %dma_start3A_2720] : memref<16384x64xf32, #tpu.memory_space<vmem_shared>> -> memref<16384x64xf32, #tpu.memory_space<vmem_shared>>
      tpu.enqueue_indirect_dma source(%arg15 : memref<128x64xf32, #tpu.memory_space<vmem>>) target(%dma_start3A_2721 : memref<16384x64xf32, #tpu.memory_space<vmem_shared>>) offsets(%arg12 : memref<128xi32, #tpu.memory_space<vmem>>) semaphore(%run_scoped3A : memref<!tpu.dma_semaphore, #tpu.memory_space<semaphore_mem>>)
      %dma_wait3A = arith.constant 0 : i32
      %dma_wait3A_2722 = arith.constant 0 : i32
      %dma_wait3A_2723 = tpu.memref_slice %arg20[%dma_wait3A, %dma_wait3A_2722] : memref<16384x64xf32, #tpu.memory_space<vmem_shared>> -> memref<16384x64xf32, #tpu.memory_space<vmem_shared>>
      tpu.wait_indirect_dma semaphore(%run_scoped3A : memref<!tpu.dma_semaphore, #tpu.memory_space<semaphore_mem>>) src(%arg15 : memref<128x64xf32, #tpu.memory_space<vmem>>) dst(%dma_wait3A_2723 : memref<16384x64xf32, #tpu.memory_space<vmem_shared>>)
      tpu.yield
    }) : () -> ()
    %get3A_671 = arith.constant 2 : i32
    %get3A_672 = arith.index_cast %get3A_671 : i32 to index
    %get3A_673 = arith.constant 0 : index
    %get3A_674 = tpu.vector_load %arg9[%get3A_672, %get3A_673] {strides = array<i32>} : memref<8x128xi32, #tpu.memory_space<vmem>>, vector<16xi32>,
    %swap3A_675 = arith.constant 0 : index
    %swap3A_676 = tpu.vector_load %arg11[%swap3A_675] {strides = array<i32>} : memref<128xi32, #tpu.memory_space<vmem>>, vector<16xi32>,
    tpu.vector_store %arg11[%swap3A_675], %get3A_674 {strides = array<i32>} : memref<128xi32, #tpu.memory_space<vmem>>, vector<16xi32>,
    %get3A_677 = arith.constant 2 : i32
    %get3A_678 = arith.index_cast %get3A_677 : i32 to index
    %get3A_679 = arith.constant 16 : index
    %get3A_680 = tpu.vector_load %arg9[%get3A_678, %get3A_679] {strides = array<i32>} : memref<8x128xi32, #tpu.memory_space<vmem>>, vector<16xi32>,
    %swap3A_681 = arith.constant 16 : index
    %swap3A_682 = tpu.vector_load %arg11[%swap3A_681] {strides = array<i32>} : memref<128xi32, #tpu.memory_space<vmem>>, vector<16xi32>,
    tpu.vector_store %arg11[%swap3A_681], %get3A_680 {strides = array<i32>} : memref<128xi32, #tpu.memory_space<vmem>>, vector<16xi32>,
    %get3A_683 = arith.constant 2 : i32
    %get3A_684 = arith.index_cast %get3A_683 : i32 to index
    %get3A_685 = arith.constant 32 : index
    %get3A_686 = tpu.vector_load %arg9[%get3A_684, %get3A_685] {strides = array<i32>} : memref<8x128xi32, #tpu.memory_space<vmem>>, vector<16xi32>,
    %swap3A_687 = arith.constant 32 : index
    %swap3A_688 = tpu.vector_load %arg11[%swap3A_687] {strides = array<i32>} : memref<128xi32, #tpu.memory_space<vmem>>, vector<16xi32>,
    tpu.vector_store %arg11[%swap3A_687], %get3A_686 {strides = array<i32>} : memref<128xi32, #tpu.memory_space<vmem>>, vector<16xi32>,
    %get3A_689 = arith.constant 2 : i32
    %get3A_690 = arith.index_cast %get3A_689 : i32 to index
    %get3A_691 = arith.constant 48 : index
    %get3A_692 = tpu.vector_load %arg9[%get3A_690, %get3A_691] {strides = array<i32>} : memref<8x128xi32, #tpu.memory_space<vmem>>, vector<16xi32>,
    %swap3A_693 = arith.constant 48 : index
    %swap3A_694 = tpu.vector_load %arg11[%swap3A_693] {strides = array<i32>} : memref<128xi32, #tpu.memory_space<vmem>>, vector<16xi32>,
    tpu.vector_store %arg11[%swap3A_693], %get3A_692 {strides = array<i32>} : memref<128xi32, #tpu.memory_space<vmem>>, vector<16xi32>,
    %get3A_695 = arith.constant 2 : i32
    %get3A_696 = arith.index_cast %get3A_695 : i32 to index
    %get3A_697 = arith.constant 64 : index
    %get3A_698 = tpu.vector_load %arg9[%get3A_696, %get3A_697] {strides = array<i32>} : memref<8x128xi32, #tpu.memory_space<vmem>>, vector<16xi32>,
    %swap3A_699 = arith.constant 64 : index
    %swap3A_700 = tpu.vector_load %arg11[%swap3A_699] {strides = array<i32>} : memref<128xi32, #tpu.memory_space<vmem>>, vector<16xi32>,
    tpu.vector_store %arg11[%swap3A_699], %get3A_698 {strides = array<i32>} : memref<128xi32, #tpu.memory_space<vmem>>, vector<16xi32>,
    %get3A_701 = arith.constant 2 : i32
    %get3A_702 = arith.index_cast %get3A_701 : i32 to index
    %get3A_703 = arith.constant 80 : index
    %get3A_704 = tpu.vector_load %arg9[%get3A_702, %get3A_703] {strides = array<i32>} : memref<8x128xi32, #tpu.memory_space<vmem>>, vector<16xi32>,
    %swap3A_705 = arith.constant 80 : index
    %swap3A_706 = tpu.vector_load %arg11[%swap3A_705] {strides = array<i32>} : memref<128xi32, #tpu.memory_space<vmem>>, vector<16xi32>,
    tpu.vector_store %arg11[%swap3A_705], %get3A_704 {strides = array<i32>} : memref<128xi32, #tpu.memory_space<vmem>>, vector<16xi32>,
    %get3A_707 = arith.constant 2 : i32
    %get3A_708 = arith.index_cast %get3A_707 : i32 to index
    %get3A_709 = arith.constant 96 : index
    %get3A_710 = tpu.vector_load %arg9[%get3A_708, %get3A_709] {strides = array<i32>} : memref<8x128xi32, #tpu.memory_space<vmem>>, vector<16xi32>,
    %swap3A_711 = arith.constant 96 : index
    %swap3A_712 = tpu.vector_load %arg11[%swap3A_711] {strides = array<i32>} : memref<128xi32, #tpu.memory_space<vmem>>, vector<16xi32>,
    tpu.vector_store %arg11[%swap3A_711], %get3A_710 {strides = array<i32>} : memref<128xi32, #tpu.memory_space<vmem>>, vector<16xi32>,
    %get3A_713 = arith.constant 2 : i32
    %get3A_714 = arith.index_cast %get3A_713 : i32 to index
    %get3A_715 = arith.constant 112 : index
    %get3A_716 = tpu.vector_load %arg9[%get3A_714, %get3A_715] {strides = array<i32>} : memref<8x128xi32, #tpu.memory_space<vmem>>, vector<16xi32>,
    %swap3A_717 = arith.constant 112 : index
    %swap3A_718 = tpu.vector_load %arg11[%swap3A_717] {strides = array<i32>} : memref<128xi32, #tpu.memory_space<vmem>>, vector<16xi32>,
    tpu.vector_store %arg11[%swap3A_717], %get3A_716 {strides = array<i32>} : memref<128xi32, #tpu.memory_space<vmem>>, vector<16xi32>,
    "tpu.region"() ({
      %run_scoped3A = tpu.sem_alloc : memref<!tpu.dma_semaphore, #tpu.memory_space<semaphore_mem>>
      %dma_start3A = arith.constant 0 : i32
      %dma_start3A_2720 = arith.constant 0 : i32
      %dma_start3A_2721 = tpu.memref_slice %arg8[%dma_start3A, %dma_start3A_2720] : memref<1000000x16xi32, #tpu.memory_space<hbm>> -> memref<1000000x16xi32, #tpu.memory_space<hbm>>
      tpu.enqueue_indirect_dma source(%dma_start3A_2721 : memref<1000000x16xi32, #tpu.memory_space<hbm>>) target(%arg14 : memref<128x16xi32, #tpu.memory_space<vmem>>) offsets(%arg11 : memref<128xi32, #tpu.memory_space<vmem>>) semaphore(%run_scoped3A : memref<!tpu.dma_semaphore, #tpu.memory_space<semaphore_mem>>)
      %dma_wait3A = arith.constant 0 : i32
      %dma_wait3A_2722 = arith.constant 0 : i32
      %dma_wait3A_2723 = tpu.memref_slice %arg8[%dma_wait3A, %dma_wait3A_2722] : memref<1000000x16xi32, #tpu.memory_space<hbm>> -> memref<1000000x16xi32, #tpu.memory_space<hbm>>
      tpu.wait_indirect_dma semaphore(%run_scoped3A : memref<!tpu.dma_semaphore, #tpu.memory_space<semaphore_mem>>) src(%dma_wait3A_2723 : memref<1000000x16xi32, #tpu.memory_space<hbm>>) dst(%arg14 : memref<128x16xi32, #tpu.memory_space<vmem>>)
      tpu.yield
    }) : () -> ()
    %iota3A_719 = tpu.iota {dimensions = array<i32: 0>} : vector<16xi32>
    %add3A_720 = arith.constant 0 : i32
    %add3A_721 = vector.broadcast %add3A_720 : i32 to vector<16xi32>
    %add3A_722 = arith.addi %iota3A_719, %add3A_721 : vector<16xi32>
    %gather3A_723 = tpu.vector_load_idx %arg14[%add3A_722, %broadcast_in_dim3A_400] : memref<128x16xi32, #tpu.memory_space<vmem>>[vector<16xi32>, vector<16xi32>], vector<16xi32>,
    %swap3A_724 = arith.constant 2 : i32
    %swap3A_725 = arith.index_cast %swap3A_724 : i32 to index
    %swap3A_726 = arith.constant 0 : index
    %swap3A_727 = tpu.vector_load %arg10[%swap3A_725, %swap3A_726] {strides = array<i32>} : memref<8x128xi32, #tpu.memory_space<vmem>>, vector<16xi32>,
    tpu.vector_store %arg10[%swap3A_725, %swap3A_726], %gather3A_723 {strides = array<i32>} : memref<8x128xi32, #tpu.memory_space<vmem>>, vector<16xi32>,
    %swap3A_728 = arith.constant 0 : index
    %swap3A_729 = tpu.vector_load %arg12[%swap3A_728] {strides = array<i32>} : memref<128xi32, #tpu.memory_space<vmem>>, vector<16xi32>,
    tpu.vector_store %arg12[%swap3A_728], %gather3A_723 {strides = array<i32>} : memref<128xi32, #tpu.memory_space<vmem>>, vector<16xi32>,
    %iota3A_730 = tpu.iota {dimensions = array<i32: 0>} : vector<16xi32>
    %add3A_731 = arith.constant 16 : i32
    %add3A_732 = vector.broadcast %add3A_731 : i32 to vector<16xi32>
    %add3A_733 = arith.addi %iota3A_730, %add3A_732 : vector<16xi32>
    %gather3A_734 = tpu.vector_load_idx %arg14[%add3A_733, %broadcast_in_dim3A_400] : memref<128x16xi32, #tpu.memory_space<vmem>>[vector<16xi32>, vector<16xi32>], vector<16xi32>,
    %swap3A_735 = arith.constant 2 : i32
    %swap3A_736 = arith.index_cast %swap3A_735 : i32 to index
    %swap3A_737 = arith.constant 16 : index
    %swap3A_738 = tpu.vector_load %arg10[%swap3A_736, %swap3A_737] {strides = array<i32>} : memref<8x128xi32, #tpu.memory_space<vmem>>, vector<16xi32>,
    tpu.vector_store %arg10[%swap3A_736, %swap3A_737], %gather3A_734 {strides = array<i32>} : memref<8x128xi32, #tpu.memory_space<vmem>>, vector<16xi32>,
    %swap3A_739 = arith.constant 16 : index
    %swap3A_740 = tpu.vector_load %arg12[%swap3A_739] {strides = array<i32>} : memref<128xi32, #tpu.memory_space<vmem>>, vector<16xi32>,
    tpu.vector_store %arg12[%swap3A_739], %gather3A_734 {strides = array<i32>} : memref<128xi32, #tpu.memory_space<vmem>>, vector<16xi32>,
    %iota3A_741 = tpu.iota {dimensions = array<i32: 0>} : vector<16xi32>
    %add3A_742 = arith.constant 32 : i32
    %add3A_743 = vector.broadcast %add3A_742 : i32 to vector<16xi32>
    %add3A_744 = arith.addi %iota3A_741, %add3A_743 : vector<16xi32>
    %gather3A_745 = tpu.vector_load_idx %arg14[%add3A_744, %broadcast_in_dim3A_400] : memref<128x16xi32, #tpu.memory_space<vmem>>[vector<16xi32>, vector<16xi32>], vector<16xi32>,
    %swap3A_746 = arith.constant 2 : i32
    %swap3A_747 = arith.index_cast %swap3A_746 : i32 to index
    %swap3A_748 = arith.constant 32 : index
    %swap3A_749 = tpu.vector_load %arg10[%swap3A_747, %swap3A_748] {strides = array<i32>} : memref<8x128xi32, #tpu.memory_space<vmem>>, vector<16xi32>,
    tpu.vector_store %arg10[%swap3A_747, %swap3A_748], %gather3A_745 {strides = array<i32>} : memref<8x128xi32, #tpu.memory_space<vmem>>, vector<16xi32>,
    %swap3A_750 = arith.constant 32 : index
    %swap3A_751 = tpu.vector_load %arg12[%swap3A_750] {strides = array<i32>} : memref<128xi32, #tpu.memory_space<vmem>>, vector<16xi32>,
    tpu.vector_store %arg12[%swap3A_750], %gather3A_745 {strides = array<i32>} : memref<128xi32, #tpu.memory_space<vmem>>, vector<16xi32>,
    %iota3A_752 = tpu.iota {dimensions = array<i32: 0>} : vector<16xi32>
    %add3A_753 = arith.constant 48 : i32
    %add3A_754 = vector.broadcast %add3A_753 : i32 to vector<16xi32>
    %add3A_755 = arith.addi %iota3A_752, %add3A_754 : vector<16xi32>
    %gather3A_756 = tpu.vector_load_idx %arg14[%add3A_755, %broadcast_in_dim3A_400] : memref<128x16xi32, #tpu.memory_space<vmem>>[vector<16xi32>, vector<16xi32>], vector<16xi32>,
    %swap3A_757 = arith.constant 2 : i32
    %swap3A_758 = arith.index_cast %swap3A_757 : i32 to index
    %swap3A_759 = arith.constant 48 : index
    %swap3A_760 = tpu.vector_load %arg10[%swap3A_758, %swap3A_759] {strides = array<i32>} : memref<8x128xi32, #tpu.memory_space<vmem>>, vector<16xi32>,
    tpu.vector_store %arg10[%swap3A_758, %swap3A_759], %gather3A_756 {strides = array<i32>} : memref<8x128xi32, #tpu.memory_space<vmem>>, vector<16xi32>,
    %swap3A_761 = arith.constant 48 : index
    %swap3A_762 = tpu.vector_load %arg12[%swap3A_761] {strides = array<i32>} : memref<128xi32, #tpu.memory_space<vmem>>, vector<16xi32>,
    tpu.vector_store %arg12[%swap3A_761], %gather3A_756 {strides = array<i32>} : memref<128xi32, #tpu.memory_space<vmem>>, vector<16xi32>,
    %iota3A_763 = tpu.iota {dimensions = array<i32: 0>} : vector<16xi32>
    %add3A_764 = arith.constant 64 : i32
    %add3A_765 = vector.broadcast %add3A_764 : i32 to vector<16xi32>
    %add3A_766 = arith.addi %iota3A_763, %add3A_765 : vector<16xi32>
    %gather3A_767 = tpu.vector_load_idx %arg14[%add3A_766, %broadcast_in_dim3A_400] : memref<128x16xi32, #tpu.memory_space<vmem>>[vector<16xi32>, vector<16xi32>], vector<16xi32>,
    %swap3A_768 = arith.constant 2 : i32
    %swap3A_769 = arith.index_cast %swap3A_768 : i32 to index
    %swap3A_770 = arith.constant 64 : index
    %swap3A_771 = tpu.vector_load %arg10[%swap3A_769, %swap3A_770] {strides = array<i32>} : memref<8x128xi32, #tpu.memory_space<vmem>>, vector<16xi32>,
    tpu.vector_store %arg10[%swap3A_769, %swap3A_770], %gather3A_767 {strides = array<i32>} : memref<8x128xi32, #tpu.memory_space<vmem>>, vector<16xi32>,
    %swap3A_772 = arith.constant 64 : index
    %swap3A_773 = tpu.vector_load %arg12[%swap3A_772] {strides = array<i32>} : memref<128xi32, #tpu.memory_space<vmem>>, vector<16xi32>,
    tpu.vector_store %arg12[%swap3A_772], %gather3A_767 {strides = array<i32>} : memref<128xi32, #tpu.memory_space<vmem>>, vector<16xi32>,
    %iota3A_774 = tpu.iota {dimensions = array<i32: 0>} : vector<16xi32>
    %add3A_775 = arith.constant 80 : i32
    %add3A_776 = vector.broadcast %add3A_775 : i32 to vector<16xi32>
    %add3A_777 = arith.addi %iota3A_774, %add3A_776 : vector<16xi32>
    %gather3A_778 = tpu.vector_load_idx %arg14[%add3A_777, %broadcast_in_dim3A_400] : memref<128x16xi32, #tpu.memory_space<vmem>>[vector<16xi32>, vector<16xi32>], vector<16xi32>,
    %swap3A_779 = arith.constant 2 : i32
    %swap3A_780 = arith.index_cast %swap3A_779 : i32 to index
    %swap3A_781 = arith.constant 80 : index
    %swap3A_782 = tpu.vector_load %arg10[%swap3A_780, %swap3A_781] {strides = array<i32>} : memref<8x128xi32, #tpu.memory_space<vmem>>, vector<16xi32>,
    tpu.vector_store %arg10[%swap3A_780, %swap3A_781], %gather3A_778 {strides = array<i32>} : memref<8x128xi32, #tpu.memory_space<vmem>>, vector<16xi32>,
    %swap3A_783 = arith.constant 80 : index
    %swap3A_784 = tpu.vector_load %arg12[%swap3A_783] {strides = array<i32>} : memref<128xi32, #tpu.memory_space<vmem>>, vector<16xi32>,
    tpu.vector_store %arg12[%swap3A_783], %gather3A_778 {strides = array<i32>} : memref<128xi32, #tpu.memory_space<vmem>>, vector<16xi32>,
    %iota3A_785 = tpu.iota {dimensions = array<i32: 0>} : vector<16xi32>
    %add3A_786 = arith.constant 96 : i32
    %add3A_787 = vector.broadcast %add3A_786 : i32 to vector<16xi32>
    %add3A_788 = arith.addi %iota3A_785, %add3A_787 : vector<16xi32>
    %gather3A_789 = tpu.vector_load_idx %arg14[%add3A_788, %broadcast_in_dim3A_400] : memref<128x16xi32, #tpu.memory_space<vmem>>[vector<16xi32>, vector<16xi32>], vector<16xi32>,
    %swap3A_790 = arith.constant 2 : i32
    %swap3A_791 = arith.index_cast %swap3A_790 : i32 to index
    %swap3A_792 = arith.constant 96 : index
    %swap3A_793 = tpu.vector_load %arg10[%swap3A_791, %swap3A_792] {strides = array<i32>} : memref<8x128xi32, #tpu.memory_space<vmem>>, vector<16xi32>,
    tpu.vector_store %arg10[%swap3A_791, %swap3A_792], %gather3A_789 {strides = array<i32>} : memref<8x128xi32, #tpu.memory_space<vmem>>, vector<16xi32>,
    %swap3A_794 = arith.constant 96 : index
    %swap3A_795 = tpu.vector_load %arg12[%swap3A_794] {strides = array<i32>} : memref<128xi32, #tpu.memory_space<vmem>>, vector<16xi32>,
    tpu.vector_store %arg12[%swap3A_794], %gather3A_789 {strides = array<i32>} : memref<128xi32, #tpu.memory_space<vmem>>, vector<16xi32>,
    %iota3A_796 = tpu.iota {dimensions = array<i32: 0>} : vector<16xi32>
    %add3A_797 = arith.constant 112 : i32
    %add3A_798 = vector.broadcast %add3A_797 : i32 to vector<16xi32>
    %add3A_799 = arith.addi %iota3A_796, %add3A_798 : vector<16xi32>
    %gather3A_800 = tpu.vector_load_idx %arg14[%add3A_799, %broadcast_in_dim3A_400] : memref<128x16xi32, #tpu.memory_space<vmem>>[vector<16xi32>, vector<16xi32>], vector<16xi32>,
    %swap3A_801 = arith.constant 2 : i32
    %swap3A_802 = arith.index_cast %swap3A_801 : i32 to index
    %swap3A_803 = arith.constant 112 : index
    %swap3A_804 = tpu.vector_load %arg10[%swap3A_802, %swap3A_803] {strides = array<i32>} : memref<8x128xi32, #tpu.memory_space<vmem>>, vector<16xi32>,
    tpu.vector_store %arg10[%swap3A_802, %swap3A_803], %gather3A_800 {strides = array<i32>} : memref<8x128xi32, #tpu.memory_space<vmem>>, vector<16xi32>,
    %swap3A_805 = arith.constant 112 : index
    %swap3A_806 = tpu.vector_load %arg12[%swap3A_805] {strides = array<i32>} : memref<128xi32, #tpu.memory_space<vmem>>, vector<16xi32>,
    tpu.vector_store %arg12[%swap3A_805], %gather3A_800 {strides = array<i32>} : memref<128xi32, #tpu.memory_space<vmem>>, vector<16xi32>,
    "tpu.region"() ({
      %run_scoped3A = tpu.sem_alloc : memref<!tpu.dma_semaphore, #tpu.memory_space<semaphore_mem>>
      %dma_start3A = arith.constant 0 : i32
      %dma_start3A_2720 = arith.constant 0 : i32
      %dma_start3A_2721 = tpu.memref_slice %arg20[%dma_start3A, %dma_start3A_2720] : memref<16384x64xf32, #tpu.memory_space<vmem_shared>> -> memref<16384x64xf32, #tpu.memory_space<vmem_shared>>
      tpu.enqueue_indirect_dma source(%arg15 : memref<128x64xf32, #tpu.memory_space<vmem>>) target(%dma_start3A_2721 : memref<16384x64xf32, #tpu.memory_space<vmem_shared>>) offsets(%arg12 : memref<128xi32, #tpu.memory_space<vmem>>) semaphore(%run_scoped3A : memref<!tpu.dma_semaphore, #tpu.memory_space<semaphore_mem>>)
      %dma_wait3A = arith.constant 0 : i32
      %dma_wait3A_2722 = arith.constant 0 : i32
      %dma_wait3A_2723 = tpu.memref_slice %arg20[%dma_wait3A, %dma_wait3A_2722] : memref<16384x64xf32, #tpu.memory_space<vmem_shared>> -> memref<16384x64xf32, #tpu.memory_space<vmem_shared>>
      tpu.wait_indirect_dma semaphore(%run_scoped3A : memref<!tpu.dma_semaphore, #tpu.memory_space<semaphore_mem>>) src(%arg15 : memref<128x64xf32, #tpu.memory_space<vmem>>) dst(%dma_wait3A_2723 : memref<16384x64xf32, #tpu.memory_space<vmem_shared>>)
      tpu.yield
    }) : () -> ()
    %get3A_807 = arith.constant 3 : i32
    %get3A_808 = arith.index_cast %get3A_807 : i32 to index
    %get3A_809 = arith.constant 0 : index
    %get3A_810 = tpu.vector_load %arg9[%get3A_808, %get3A_809] {strides = array<i32>} : memref<8x128xi32, #tpu.memory_space<vmem>>, vector<16xi32>,
    %swap3A_811 = arith.constant 0 : index
    %swap3A_812 = tpu.vector_load %arg11[%swap3A_811] {strides = array<i32>} : memref<128xi32, #tpu.memory_space<vmem>>, vector<16xi32>,
    tpu.vector_store %arg11[%swap3A_811], %get3A_810 {strides = array<i32>} : memref<128xi32, #tpu.memory_space<vmem>>, vector<16xi32>,
    %get3A_813 = arith.constant 3 : i32
    %get3A_814 = arith.index_cast %get3A_813 : i32 to index
    %get3A_815 = arith.constant 16 : index
    %get3A_816 = tpu.vector_load %arg9[%get3A_814, %get3A_815] {strides = array<i32>} : memref<8x128xi32, #tpu.memory_space<vmem>>, vector<16xi32>,
    %swap3A_817 = arith.constant 16 : index
    %swap3A_818 = tpu.vector_load %arg11[%swap3A_817] {strides = array<i32>} : memref<128xi32, #tpu.memory_space<vmem>>, vector<16xi32>,
    tpu.vector_store %arg11[%swap3A_817], %get3A_816 {strides = array<i32>} : memref<128xi32, #tpu.memory_space<vmem>>, vector<16xi32>,
    %get3A_819 = arith.constant 3 : i32
    %get3A_820 = arith.index_cast %get3A_819 : i32 to index
    %get3A_821 = arith.constant 32 : index
    %get3A_822 = tpu.vector_load %arg9[%get3A_820, %get3A_821] {strides = array<i32>} : memref<8x128xi32, #tpu.memory_space<vmem>>, vector<16xi32>,
    %swap3A_823 = arith.constant 32 : index
    %swap3A_824 = tpu.vector_load %arg11[%swap3A_823] {strides = array<i32>} : memref<128xi32, #tpu.memory_space<vmem>>, vector<16xi32>,
    tpu.vector_store %arg11[%swap3A_823], %get3A_822 {strides = array<i32>} : memref<128xi32, #tpu.memory_space<vmem>>, vector<16xi32>,
    %get3A_825 = arith.constant 3 : i32
    %get3A_826 = arith.index_cast %get3A_825 : i32 to index
    %get3A_827 = arith.constant 48 : index
    %get3A_828 = tpu.vector_load %arg9[%get3A_826, %get3A_827] {strides = array<i32>} : memref<8x128xi32, #tpu.memory_space<vmem>>, vector<16xi32>,
    %swap3A_829 = arith.constant 48 : index
    %swap3A_830 = tpu.vector_load %arg11[%swap3A_829] {strides = array<i32>} : memref<128xi32, #tpu.memory_space<vmem>>, vector<16xi32>,
    tpu.vector_store %arg11[%swap3A_829], %get3A_828 {strides = array<i32>} : memref<128xi32, #tpu.memory_space<vmem>>, vector<16xi32>,
    %get3A_831 = arith.constant 3 : i32
    %get3A_832 = arith.index_cast %get3A_831 : i32 to index
    %get3A_833 = arith.constant 64 : index
    %get3A_834 = tpu.vector_load %arg9[%get3A_832, %get3A_833] {strides = array<i32>} : memref<8x128xi32, #tpu.memory_space<vmem>>, vector<16xi32>,
    %swap3A_835 = arith.constant 64 : index
    %swap3A_836 = tpu.vector_load %arg11[%swap3A_835] {strides = array<i32>} : memref<128xi32, #tpu.memory_space<vmem>>, vector<16xi32>,
    tpu.vector_store %arg11[%swap3A_835], %get3A_834 {strides = array<i32>} : memref<128xi32, #tpu.memory_space<vmem>>, vector<16xi32>,
    %get3A_837 = arith.constant 3 : i32
    %get3A_838 = arith.index_cast %get3A_837 : i32 to index
    %get3A_839 = arith.constant 80 : index
    %get3A_840 = tpu.vector_load %arg9[%get3A_838, %get3A_839] {strides = array<i32>} : memref<8x128xi32, #tpu.memory_space<vmem>>, vector<16xi32>,
    %swap3A_841 = arith.constant 80 : index
    %swap3A_842 = tpu.vector_load %arg11[%swap3A_841] {strides = array<i32>} : memref<128xi32, #tpu.memory_space<vmem>>, vector<16xi32>,
    tpu.vector_store %arg11[%swap3A_841], %get3A_840 {strides = array<i32>} : memref<128xi32, #tpu.memory_space<vmem>>, vector<16xi32>,
    %get3A_843 = arith.constant 3 : i32
    %get3A_844 = arith.index_cast %get3A_843 : i32 to index
    %get3A_845 = arith.constant 96 : index
    %get3A_846 = tpu.vector_load %arg9[%get3A_844, %get3A_845] {strides = array<i32>} : memref<8x128xi32, #tpu.memory_space<vmem>>, vector<16xi32>,
    %swap3A_847 = arith.constant 96 : index
    %swap3A_848 = tpu.vector_load %arg11[%swap3A_847] {strides = array<i32>} : memref<128xi32, #tpu.memory_space<vmem>>, vector<16xi32>,
    tpu.vector_store %arg11[%swap3A_847], %get3A_846 {strides = array<i32>} : memref<128xi32, #tpu.memory_space<vmem>>, vector<16xi32>,
    %get3A_849 = arith.constant 3 : i32
    %get3A_850 = arith.index_cast %get3A_849 : i32 to index
    %get3A_851 = arith.constant 112 : index
    %get3A_852 = tpu.vector_load %arg9[%get3A_850, %get3A_851] {strides = array<i32>} : memref<8x128xi32, #tpu.memory_space<vmem>>, vector<16xi32>,
    %swap3A_853 = arith.constant 112 : index
    %swap3A_854 = tpu.vector_load %arg11[%swap3A_853] {strides = array<i32>} : memref<128xi32, #tpu.memory_space<vmem>>, vector<16xi32>,
    tpu.vector_store %arg11[%swap3A_853], %get3A_852 {strides = array<i32>} : memref<128xi32, #tpu.memory_space<vmem>>, vector<16xi32>,
    "tpu.region"() ({
      %run_scoped3A = tpu.sem_alloc : memref<!tpu.dma_semaphore, #tpu.memory_space<semaphore_mem>>
      %dma_start3A = arith.constant 0 : i32
      %dma_start3A_2720 = arith.constant 0 : i32
      %dma_start3A_2721 = tpu.memref_slice %arg8[%dma_start3A, %dma_start3A_2720] : memref<1000000x16xi32, #tpu.memory_space<hbm>> -> memref<1000000x16xi32, #tpu.memory_space<hbm>>
      tpu.enqueue_indirect_dma source(%dma_start3A_2721 : memref<1000000x16xi32, #tpu.memory_space<hbm>>) target(%arg14 : memref<128x16xi32, #tpu.memory_space<vmem>>) offsets(%arg11 : memref<128xi32, #tpu.memory_space<vmem>>) semaphore(%run_scoped3A : memref<!tpu.dma_semaphore, #tpu.memory_space<semaphore_mem>>)
      %dma_wait3A = arith.constant 0 : i32
      %dma_wait3A_2722 = arith.constant 0 : i32
      %dma_wait3A_2723 = tpu.memref_slice %arg8[%dma_wait3A, %dma_wait3A_2722] : memref<1000000x16xi32, #tpu.memory_space<hbm>> -> memref<1000000x16xi32, #tpu.memory_space<hbm>>
      tpu.wait_indirect_dma semaphore(%run_scoped3A : memref<!tpu.dma_semaphore, #tpu.memory_space<semaphore_mem>>) src(%dma_wait3A_2723 : memref<1000000x16xi32, #tpu.memory_space<hbm>>) dst(%arg14 : memref<128x16xi32, #tpu.memory_space<vmem>>)
      tpu.yield
    }) : () -> ()
    %iota3A_855 = tpu.iota {dimensions = array<i32: 0>} : vector<16xi32>
    %add3A_856 = arith.constant 0 : i32
    %add3A_857 = vector.broadcast %add3A_856 : i32 to vector<16xi32>
    %add3A_858 = arith.addi %iota3A_855, %add3A_857 : vector<16xi32>
    %gather3A_859 = tpu.vector_load_idx %arg14[%add3A_858, %broadcast_in_dim3A_400] : memref<128x16xi32, #tpu.memory_space<vmem>>[vector<16xi32>, vector<16xi32>], vector<16xi32>,
    %swap3A_860 = arith.constant 3 : i32
    %swap3A_861 = arith.index_cast %swap3A_860 : i32 to index
    %swap3A_862 = arith.constant 0 : index
    %swap3A_863 = tpu.vector_load %arg10[%swap3A_861, %swap3A_862] {strides = array<i32>} : memref<8x128xi32, #tpu.memory_space<vmem>>, vector<16xi32>,
    tpu.vector_store %arg10[%swap3A_861, %swap3A_862], %gather3A_859 {strides = array<i32>} : memref<8x128xi32, #tpu.memory_space<vmem>>, vector<16xi32>,
    %swap3A_864 = arith.constant 0 : index
    %swap3A_865 = tpu.vector_load %arg12[%swap3A_864] {strides = array<i32>} : memref<128xi32, #tpu.memory_space<vmem>>, vector<16xi32>,
    tpu.vector_store %arg12[%swap3A_864], %gather3A_859 {strides = array<i32>} : memref<128xi32, #tpu.memory_space<vmem>>, vector<16xi32>,
    %iota3A_866 = tpu.iota {dimensions = array<i32: 0>} : vector<16xi32>
    %add3A_867 = arith.constant 16 : i32
    %add3A_868 = vector.broadcast %add3A_867 : i32 to vector<16xi32>
    %add3A_869 = arith.addi %iota3A_866, %add3A_868 : vector<16xi32>
    %gather3A_870 = tpu.vector_load_idx %arg14[%add3A_869, %broadcast_in_dim3A_400] : memref<128x16xi32, #tpu.memory_space<vmem>>[vector<16xi32>, vector<16xi32>], vector<16xi32>,
    %swap3A_871 = arith.constant 3 : i32
    %swap3A_872 = arith.index_cast %swap3A_871 : i32 to index
    %swap3A_873 = arith.constant 16 : index
    %swap3A_874 = tpu.vector_load %arg10[%swap3A_872, %swap3A_873] {strides = array<i32>} : memref<8x128xi32, #tpu.memory_space<vmem>>, vector<16xi32>,
    tpu.vector_store %arg10[%swap3A_872, %swap3A_873], %gather3A_870 {strides = array<i32>} : memref<8x128xi32, #tpu.memory_space<vmem>>, vector<16xi32>,
    %swap3A_875 = arith.constant 16 : index
    %swap3A_876 = tpu.vector_load %arg12[%swap3A_875] {strides = array<i32>} : memref<128xi32, #tpu.memory_space<vmem>>, vector<16xi32>,
    tpu.vector_store %arg12[%swap3A_875], %gather3A_870 {strides = array<i32>} : memref<128xi32, #tpu.memory_space<vmem>>, vector<16xi32>,
    %iota3A_877 = tpu.iota {dimensions = array<i32: 0>} : vector<16xi32>
    %add3A_878 = arith.constant 32 : i32
    %add3A_879 = vector.broadcast %add3A_878 : i32 to vector<16xi32>
    %add3A_880 = arith.addi %iota3A_877, %add3A_879 : vector<16xi32>
    %gather3A_881 = tpu.vector_load_idx %arg14[%add3A_880, %broadcast_in_dim3A_400] : memref<128x16xi32, #tpu.memory_space<vmem>>[vector<16xi32>, vector<16xi32>], vector<16xi32>,
    %swap3A_882 = arith.constant 3 : i32
    %swap3A_883 = arith.index_cast %swap3A_882 : i32 to index
    %swap3A_884 = arith.constant 32 : index
    %swap3A_885 = tpu.vector_load %arg10[%swap3A_883, %swap3A_884] {strides = array<i32>} : memref<8x128xi32, #tpu.memory_space<vmem>>, vector<16xi32>,
    tpu.vector_store %arg10[%swap3A_883, %swap3A_884], %gather3A_881 {strides = array<i32>} : memref<8x128xi32, #tpu.memory_space<vmem>>, vector<16xi32>,
    %swap3A_886 = arith.constant 32 : index
    %swap3A_887 = tpu.vector_load %arg12[%swap3A_886] {strides = array<i32>} : memref<128xi32, #tpu.memory_space<vmem>>, vector<16xi32>,
    tpu.vector_store %arg12[%swap3A_886], %gather3A_881 {strides = array<i32>} : memref<128xi32, #tpu.memory_space<vmem>>, vector<16xi32>,
    %iota3A_888 = tpu.iota {dimensions = array<i32: 0>} : vector<16xi32>
    %add3A_889 = arith.constant 48 : i32
    %add3A_890 = vector.broadcast %add3A_889 : i32 to vector<16xi32>
    %add3A_891 = arith.addi %iota3A_888, %add3A_890 : vector<16xi32>
    %gather3A_892 = tpu.vector_load_idx %arg14[%add3A_891, %broadcast_in_dim3A_400] : memref<128x16xi32, #tpu.memory_space<vmem>>[vector<16xi32>, vector<16xi32>], vector<16xi32>,
    %swap3A_893 = arith.constant 3 : i32
    %swap3A_894 = arith.index_cast %swap3A_893 : i32 to index
    %swap3A_895 = arith.constant 48 : index
    %swap3A_896 = tpu.vector_load %arg10[%swap3A_894, %swap3A_895] {strides = array<i32>} : memref<8x128xi32, #tpu.memory_space<vmem>>, vector<16xi32>,
    tpu.vector_store %arg10[%swap3A_894, %swap3A_895], %gather3A_892 {strides = array<i32>} : memref<8x128xi32, #tpu.memory_space<vmem>>, vector<16xi32>,
    %swap3A_897 = arith.constant 48 : index
    %swap3A_898 = tpu.vector_load %arg12[%swap3A_897] {strides = array<i32>} : memref<128xi32, #tpu.memory_space<vmem>>, vector<16xi32>,
    tpu.vector_store %arg12[%swap3A_897], %gather3A_892 {strides = array<i32>} : memref<128xi32, #tpu.memory_space<vmem>>, vector<16xi32>,
    %iota3A_899 = tpu.iota {dimensions = array<i32: 0>} : vector<16xi32>
    %add3A_900 = arith.constant 64 : i32
    %add3A_901 = vector.broadcast %add3A_900 : i32 to vector<16xi32>
    %add3A_902 = arith.addi %iota3A_899, %add3A_901 : vector<16xi32>
    %gather3A_903 = tpu.vector_load_idx %arg14[%add3A_902, %broadcast_in_dim3A_400] : memref<128x16xi32, #tpu.memory_space<vmem>>[vector<16xi32>, vector<16xi32>], vector<16xi32>,
    %swap3A_904 = arith.constant 3 : i32
    %swap3A_905 = arith.index_cast %swap3A_904 : i32 to index
    %swap3A_906 = arith.constant 64 : index
    %swap3A_907 = tpu.vector_load %arg10[%swap3A_905, %swap3A_906] {strides = array<i32>} : memref<8x128xi32, #tpu.memory_space<vmem>>, vector<16xi32>,
    tpu.vector_store %arg10[%swap3A_905, %swap3A_906], %gather3A_903 {strides = array<i32>} : memref<8x128xi32, #tpu.memory_space<vmem>>, vector<16xi32>,
    %swap3A_908 = arith.constant 64 : index
    %swap3A_909 = tpu.vector_load %arg12[%swap3A_908] {strides = array<i32>} : memref<128xi32, #tpu.memory_space<vmem>>, vector<16xi32>,
    tpu.vector_store %arg12[%swap3A_908], %gather3A_903 {strides = array<i32>} : memref<128xi32, #tpu.memory_space<vmem>>, vector<16xi32>,
    %iota3A_910 = tpu.iota {dimensions = array<i32: 0>} : vector<16xi32>
    %add3A_911 = arith.constant 80 : i32
    %add3A_912 = vector.broadcast %add3A_911 : i32 to vector<16xi32>
    %add3A_913 = arith.addi %iota3A_910, %add3A_912 : vector<16xi32>
    %gather3A_914 = tpu.vector_load_idx %arg14[%add3A_913, %broadcast_in_dim3A_400] : memref<128x16xi32, #tpu.memory_space<vmem>>[vector<16xi32>, vector<16xi32>], vector<16xi32>,
    %swap3A_915 = arith.constant 3 : i32
    %swap3A_916 = arith.index_cast %swap3A_915 : i32 to index
    %swap3A_917 = arith.constant 80 : index
    %swap3A_918 = tpu.vector_load %arg10[%swap3A_916, %swap3A_917] {strides = array<i32>} : memref<8x128xi32, #tpu.memory_space<vmem>>, vector<16xi32>,
    tpu.vector_store %arg10[%swap3A_916, %swap3A_917], %gather3A_914 {strides = array<i32>} : memref<8x128xi32, #tpu.memory_space<vmem>>, vector<16xi32>,
    %swap3A_919 = arith.constant 80 : index
    %swap3A_920 = tpu.vector_load %arg12[%swap3A_919] {strides = array<i32>} : memref<128xi32, #tpu.memory_space<vmem>>, vector<16xi32>,
    tpu.vector_store %arg12[%swap3A_919], %gather3A_914 {strides = array<i32>} : memref<128xi32, #tpu.memory_space<vmem>>, vector<16xi32>,
    %iota3A_921 = tpu.iota {dimensions = array<i32: 0>} : vector<16xi32>
    %add3A_922 = arith.constant 96 : i32
    %add3A_923 = vector.broadcast %add3A_922 : i32 to vector<16xi32>
    %add3A_924 = arith.addi %iota3A_921, %add3A_923 : vector<16xi32>
    %gather3A_925 = tpu.vector_load_idx %arg14[%add3A_924, %broadcast_in_dim3A_400] : memref<128x16xi32, #tpu.memory_space<vmem>>[vector<16xi32>, vector<16xi32>], vector<16xi32>,
    %swap3A_926 = arith.constant 3 : i32
    %swap3A_927 = arith.index_cast %swap3A_926 : i32 to index
    %swap3A_928 = arith.constant 96 : index
    %swap3A_929 = tpu.vector_load %arg10[%swap3A_927, %swap3A_928] {strides = array<i32>} : memref<8x128xi32, #tpu.memory_space<vmem>>, vector<16xi32>,
    tpu.vector_store %arg10[%swap3A_927, %swap3A_928], %gather3A_925 {strides = array<i32>} : memref<8x128xi32, #tpu.memory_space<vmem>>, vector<16xi32>,
    %swap3A_930 = arith.constant 96 : index
    %swap3A_931 = tpu.vector_load %arg12[%swap3A_930] {strides = array<i32>} : memref<128xi32, #tpu.memory_space<vmem>>, vector<16xi32>,
    tpu.vector_store %arg12[%swap3A_930], %gather3A_925 {strides = array<i32>} : memref<128xi32, #tpu.memory_space<vmem>>, vector<16xi32>,
    %iota3A_932 = tpu.iota {dimensions = array<i32: 0>} : vector<16xi32>
    %add3A_933 = arith.constant 112 : i32
    %add3A_934 = vector.broadcast %add3A_933 : i32 to vector<16xi32>
    %add3A_935 = arith.addi %iota3A_932, %add3A_934 : vector<16xi32>
    %gather3A_936 = tpu.vector_load_idx %arg14[%add3A_935, %broadcast_in_dim3A_400] : memref<128x16xi32, #tpu.memory_space<vmem>>[vector<16xi32>, vector<16xi32>], vector<16xi32>,
    %swap3A_937 = arith.constant 3 : i32
    %swap3A_938 = arith.index_cast %swap3A_937 : i32 to index
    %swap3A_939 = arith.constant 112 : index
    %swap3A_940 = tpu.vector_load %arg10[%swap3A_938, %swap3A_939] {strides = array<i32>} : memref<8x128xi32, #tpu.memory_space<vmem>>, vector<16xi32>,
    tpu.vector_store %arg10[%swap3A_938, %swap3A_939], %gather3A_936 {strides = array<i32>} : memref<8x128xi32, #tpu.memory_space<vmem>>, vector<16xi32>,
    %swap3A_941 = arith.constant 112 : index
    %swap3A_942 = tpu.vector_load %arg12[%swap3A_941] {strides = array<i32>} : memref<128xi32, #tpu.memory_space<vmem>>, vector<16xi32>,
    tpu.vector_store %arg12[%swap3A_941], %gather3A_936 {strides = array<i32>} : memref<128xi32, #tpu.memory_space<vmem>>, vector<16xi32>,
    "tpu.region"() ({
      %run_scoped3A = tpu.sem_alloc : memref<!tpu.dma_semaphore, #tpu.memory_space<semaphore_mem>>
      %dma_start3A = arith.constant 0 : i32
      %dma_start3A_2720 = arith.constant 0 : i32
      %dma_start3A_2721 = tpu.memref_slice %arg20[%dma_start3A, %dma_start3A_2720] : memref<16384x64xf32, #tpu.memory_space<vmem_shared>> -> memref<16384x64xf32, #tpu.memory_space<vmem_shared>>
      tpu.enqueue_indirect_dma source(%arg15 : memref<128x64xf32, #tpu.memory_space<vmem>>) target(%dma_start3A_2721 : memref<16384x64xf32, #tpu.memory_space<vmem_shared>>) offsets(%arg12 : memref<128xi32, #tpu.memory_space<vmem>>) semaphore(%run_scoped3A : memref<!tpu.dma_semaphore, #tpu.memory_space<semaphore_mem>>)
      %dma_wait3A = arith.constant 0 : i32
      %dma_wait3A_2722 = arith.constant 0 : i32
      %dma_wait3A_2723 = tpu.memref_slice %arg20[%dma_wait3A, %dma_wait3A_2722] : memref<16384x64xf32, #tpu.memory_space<vmem_shared>> -> memref<16384x64xf32, #tpu.memory_space<vmem_shared>>
      tpu.wait_indirect_dma semaphore(%run_scoped3A : memref<!tpu.dma_semaphore, #tpu.memory_space<semaphore_mem>>) src(%arg15 : memref<128x64xf32, #tpu.memory_space<vmem>>) dst(%dma_wait3A_2723 : memref<16384x64xf32, #tpu.memory_space<vmem_shared>>)
      tpu.yield
    }) : () -> ()
    %get3A_943 = arith.constant 4 : i32
    %get3A_944 = arith.index_cast %get3A_943 : i32 to index
    %get3A_945 = arith.constant 0 : index
    %get3A_946 = tpu.vector_load %arg9[%get3A_944, %get3A_945] {strides = array<i32>} : memref<8x128xi32, #tpu.memory_space<vmem>>, vector<16xi32>,
    %swap3A_947 = arith.constant 0 : index
    %swap3A_948 = tpu.vector_load %arg11[%swap3A_947] {strides = array<i32>} : memref<128xi32, #tpu.memory_space<vmem>>, vector<16xi32>,
    tpu.vector_store %arg11[%swap3A_947], %get3A_946 {strides = array<i32>} : memref<128xi32, #tpu.memory_space<vmem>>, vector<16xi32>,
    %get3A_949 = arith.constant 4 : i32
    %get3A_950 = arith.index_cast %get3A_949 : i32 to index
    %get3A_951 = arith.constant 16 : index
    %get3A_952 = tpu.vector_load %arg9[%get3A_950, %get3A_951] {strides = array<i32>} : memref<8x128xi32, #tpu.memory_space<vmem>>, vector<16xi32>,
    %swap3A_953 = arith.constant 16 : index
    %swap3A_954 = tpu.vector_load %arg11[%swap3A_953] {strides = array<i32>} : memref<128xi32, #tpu.memory_space<vmem>>, vector<16xi32>,
    tpu.vector_store %arg11[%swap3A_953], %get3A_952 {strides = array<i32>} : memref<128xi32, #tpu.memory_space<vmem>>, vector<16xi32>,
    %get3A_955 = arith.constant 4 : i32
    %get3A_956 = arith.index_cast %get3A_955 : i32 to index
    %get3A_957 = arith.constant 32 : index
    %get3A_958 = tpu.vector_load %arg9[%get3A_956, %get3A_957] {strides = array<i32>} : memref<8x128xi32, #tpu.memory_space<vmem>>, vector<16xi32>,
    %swap3A_959 = arith.constant 32 : index
    %swap3A_960 = tpu.vector_load %arg11[%swap3A_959] {strides = array<i32>} : memref<128xi32, #tpu.memory_space<vmem>>, vector<16xi32>,
    tpu.vector_store %arg11[%swap3A_959], %get3A_958 {strides = array<i32>} : memref<128xi32, #tpu.memory_space<vmem>>, vector<16xi32>,
    %get3A_961 = arith.constant 4 : i32
    %get3A_962 = arith.index_cast %get3A_961 : i32 to index
    %get3A_963 = arith.constant 48 : index
    %get3A_964 = tpu.vector_load %arg9[%get3A_962, %get3A_963] {strides = array<i32>} : memref<8x128xi32, #tpu.memory_space<vmem>>, vector<16xi32>,
    %swap3A_965 = arith.constant 48 : index
    %swap3A_966 = tpu.vector_load %arg11[%swap3A_965] {strides = array<i32>} : memref<128xi32, #tpu.memory_space<vmem>>, vector<16xi32>,
    tpu.vector_store %arg11[%swap3A_965], %get3A_964 {strides = array<i32>} : memref<128xi32, #tpu.memory_space<vmem>>, vector<16xi32>,
    %get3A_967 = arith.constant 4 : i32
    %get3A_968 = arith.index_cast %get3A_967 : i32 to index
    %get3A_969 = arith.constant 64 : index
    %get3A_970 = tpu.vector_load %arg9[%get3A_968, %get3A_969] {strides = array<i32>} : memref<8x128xi32, #tpu.memory_space<vmem>>, vector<16xi32>,
    %swap3A_971 = arith.constant 64 : index
    %swap3A_972 = tpu.vector_load %arg11[%swap3A_971] {strides = array<i32>} : memref<128xi32, #tpu.memory_space<vmem>>, vector<16xi32>,
    tpu.vector_store %arg11[%swap3A_971], %get3A_970 {strides = array<i32>} : memref<128xi32, #tpu.memory_space<vmem>>, vector<16xi32>,
    %get3A_973 = arith.constant 4 : i32
    %get3A_974 = arith.index_cast %get3A_973 : i32 to index
    %get3A_975 = arith.constant 80 : index
    %get3A_976 = tpu.vector_load %arg9[%get3A_974, %get3A_975] {strides = array<i32>} : memref<8x128xi32, #tpu.memory_space<vmem>>, vector<16xi32>,
    %swap3A_977 = arith.constant 80 : index
    %swap3A_978 = tpu.vector_load %arg11[%swap3A_977] {strides = array<i32>} : memref<128xi32, #tpu.memory_space<vmem>>, vector<16xi32>,
    tpu.vector_store %arg11[%swap3A_977], %get3A_976 {strides = array<i32>} : memref<128xi32, #tpu.memory_space<vmem>>, vector<16xi32>,
    %get3A_979 = arith.constant 4 : i32
    %get3A_980 = arith.index_cast %get3A_979 : i32 to index
    %get3A_981 = arith.constant 96 : index
    %get3A_982 = tpu.vector_load %arg9[%get3A_980, %get3A_981] {strides = array<i32>} : memref<8x128xi32, #tpu.memory_space<vmem>>, vector<16xi32>,
    %swap3A_983 = arith.constant 96 : index
    %swap3A_984 = tpu.vector_load %arg11[%swap3A_983] {strides = array<i32>} : memref<128xi32, #tpu.memory_space<vmem>>, vector<16xi32>,
    tpu.vector_store %arg11[%swap3A_983], %get3A_982 {strides = array<i32>} : memref<128xi32, #tpu.memory_space<vmem>>, vector<16xi32>,
    %get3A_985 = arith.constant 4 : i32
    %get3A_986 = arith.index_cast %get3A_985 : i32 to index
    %get3A_987 = arith.constant 112 : index
    %get3A_988 = tpu.vector_load %arg9[%get3A_986, %get3A_987] {strides = array<i32>} : memref<8x128xi32, #tpu.memory_space<vmem>>, vector<16xi32>,
    %swap3A_989 = arith.constant 112 : index
    %swap3A_990 = tpu.vector_load %arg11[%swap3A_989] {strides = array<i32>} : memref<128xi32, #tpu.memory_space<vmem>>, vector<16xi32>,
    tpu.vector_store %arg11[%swap3A_989], %get3A_988 {strides = array<i32>} : memref<128xi32, #tpu.memory_space<vmem>>, vector<16xi32>,
    "tpu.region"() ({
      %run_scoped3A = tpu.sem_alloc : memref<!tpu.dma_semaphore, #tpu.memory_space<semaphore_mem>>
      %dma_start3A = arith.constant 0 : i32
      %dma_start3A_2720 = arith.constant 0 : i32
      %dma_start3A_2721 = tpu.memref_slice %arg8[%dma_start3A, %dma_start3A_2720] : memref<1000000x16xi32, #tpu.memory_space<hbm>> -> memref<1000000x16xi32, #tpu.memory_space<hbm>>
      tpu.enqueue_indirect_dma source(%dma_start3A_2721 : memref<1000000x16xi32, #tpu.memory_space<hbm>>) target(%arg14 : memref<128x16xi32, #tpu.memory_space<vmem>>) offsets(%arg11 : memref<128xi32, #tpu.memory_space<vmem>>) semaphore(%run_scoped3A : memref<!tpu.dma_semaphore, #tpu.memory_space<semaphore_mem>>)
      %dma_wait3A = arith.constant 0 : i32
      %dma_wait3A_2722 = arith.constant 0 : i32
      %dma_wait3A_2723 = tpu.memref_slice %arg8[%dma_wait3A, %dma_wait3A_2722] : memref<1000000x16xi32, #tpu.memory_space<hbm>> -> memref<1000000x16xi32, #tpu.memory_space<hbm>>
      tpu.wait_indirect_dma semaphore(%run_scoped3A : memref<!tpu.dma_semaphore, #tpu.memory_space<semaphore_mem>>) src(%dma_wait3A_2723 : memref<1000000x16xi32, #tpu.memory_space<hbm>>) dst(%arg14 : memref<128x16xi32, #tpu.memory_space<vmem>>)
      tpu.yield
    }) : () -> ()
    %iota3A_991 = tpu.iota {dimensions = array<i32: 0>} : vector<16xi32>
    %add3A_992 = arith.constant 0 : i32
    %add3A_993 = vector.broadcast %add3A_992 : i32 to vector<16xi32>
    %add3A_994 = arith.addi %iota3A_991, %add3A_993 : vector<16xi32>
    %gather3A_995 = tpu.vector_load_idx %arg14[%add3A_994, %broadcast_in_dim3A_400] : memref<128x16xi32, #tpu.memory_space<vmem>>[vector<16xi32>, vector<16xi32>], vector<16xi32>,
    %swap3A_996 = arith.constant 4 : i32
    %swap3A_997 = arith.index_cast %swap3A_996 : i32 to index
    %swap3A_998 = arith.constant 0 : index
    %swap3A_999 = tpu.vector_load %arg10[%swap3A_997, %swap3A_998] {strides = array<i32>} : memref<8x128xi32, #tpu.memory_space<vmem>>, vector<16xi32>,
    tpu.vector_store %arg10[%swap3A_997, %swap3A_998], %gather3A_995 {strides = array<i32>} : memref<8x128xi32, #tpu.memory_space<vmem>>, vector<16xi32>,
    %swap3A_1000 = arith.constant 0 : index
    %swap3A_1001 = tpu.vector_load %arg12[%swap3A_1000] {strides = array<i32>} : memref<128xi32, #tpu.memory_space<vmem>>, vector<16xi32>,
    tpu.vector_store %arg12[%swap3A_1000], %gather3A_995 {strides = array<i32>} : memref<128xi32, #tpu.memory_space<vmem>>, vector<16xi32>,
    %iota3A_1002 = tpu.iota {dimensions = array<i32: 0>} : vector<16xi32>
    %add3A_1003 = arith.constant 16 : i32
    %add3A_1004 = vector.broadcast %add3A_1003 : i32 to vector<16xi32>
    %add3A_1005 = arith.addi %iota3A_1002, %add3A_1004 : vector<16xi32>
    %gather3A_1006 = tpu.vector_load_idx %arg14[%add3A_1005, %broadcast_in_dim3A_400] : memref<128x16xi32, #tpu.memory_space<vmem>>[vector<16xi32>, vector<16xi32>], vector<16xi32>,
    %swap3A_1007 = arith.constant 4 : i32
    %swap3A_1008 = arith.index_cast %swap3A_1007 : i32 to index
    %swap3A_1009 = arith.constant 16 : index
    %swap3A_1010 = tpu.vector_load %arg10[%swap3A_1008, %swap3A_1009] {strides = array<i32>} : memref<8x128xi32, #tpu.memory_space<vmem>>, vector<16xi32>,
    tpu.vector_store %arg10[%swap3A_1008, %swap3A_1009], %gather3A_1006 {strides = array<i32>} : memref<8x128xi32, #tpu.memory_space<vmem>>, vector<16xi32>,
    %swap3A_1011 = arith.constant 16 : index
    %swap3A_1012 = tpu.vector_load %arg12[%swap3A_1011] {strides = array<i32>} : memref<128xi32, #tpu.memory_space<vmem>>, vector<16xi32>,
    tpu.vector_store %arg12[%swap3A_1011], %gather3A_1006 {strides = array<i32>} : memref<128xi32, #tpu.memory_space<vmem>>, vector<16xi32>,
    %iota3A_1013 = tpu.iota {dimensions = array<i32: 0>} : vector<16xi32>
    %add3A_1014 = arith.constant 32 : i32
    %add3A_1015 = vector.broadcast %add3A_1014 : i32 to vector<16xi32>
    %add3A_1016 = arith.addi %iota3A_1013, %add3A_1015 : vector<16xi32>
    %gather3A_1017 = tpu.vector_load_idx %arg14[%add3A_1016, %broadcast_in_dim3A_400] : memref<128x16xi32, #tpu.memory_space<vmem>>[vector<16xi32>, vector<16xi32>], vector<16xi32>,
    %swap3A_1018 = arith.constant 4 : i32
    %swap3A_1019 = arith.index_cast %swap3A_1018 : i32 to index
    %swap3A_1020 = arith.constant 32 : index
    %swap3A_1021 = tpu.vector_load %arg10[%swap3A_1019, %swap3A_1020] {strides = array<i32>} : memref<8x128xi32, #tpu.memory_space<vmem>>, vector<16xi32>,
    tpu.vector_store %arg10[%swap3A_1019, %swap3A_1020], %gather3A_1017 {strides = array<i32>} : memref<8x128xi32, #tpu.memory_space<vmem>>, vector<16xi32>,
    %swap3A_1022 = arith.constant 32 : index
    %swap3A_1023 = tpu.vector_load %arg12[%swap3A_1022] {strides = array<i32>} : memref<128xi32, #tpu.memory_space<vmem>>, vector<16xi32>,
    tpu.vector_store %arg12[%swap3A_1022], %gather3A_1017 {strides = array<i32>} : memref<128xi32, #tpu.memory_space<vmem>>, vector<16xi32>,
    %iota3A_1024 = tpu.iota {dimensions = array<i32: 0>} : vector<16xi32>
    %add3A_1025 = arith.constant 48 : i32
    %add3A_1026 = vector.broadcast %add3A_1025 : i32 to vector<16xi32>
    %add3A_1027 = arith.addi %iota3A_1024, %add3A_1026 : vector<16xi32>
    %gather3A_1028 = tpu.vector_load_idx %arg14[%add3A_1027, %broadcast_in_dim3A_400] : memref<128x16xi32, #tpu.memory_space<vmem>>[vector<16xi32>, vector<16xi32>], vector<16xi32>,
    %swap3A_1029 = arith.constant 4 : i32
    %swap3A_1030 = arith.index_cast %swap3A_1029 : i32 to index
    %swap3A_1031 = arith.constant 48 : index
    %swap3A_1032 = tpu.vector_load %arg10[%swap3A_1030, %swap3A_1031] {strides = array<i32>} : memref<8x128xi32, #tpu.memory_space<vmem>>, vector<16xi32>,
    tpu.vector_store %arg10[%swap3A_1030, %swap3A_1031], %gather3A_1028 {strides = array<i32>} : memref<8x128xi32, #tpu.memory_space<vmem>>, vector<16xi32>,
    %swap3A_1033 = arith.constant 48 : index
    %swap3A_1034 = tpu.vector_load %arg12[%swap3A_1033] {strides = array<i32>} : memref<128xi32, #tpu.memory_space<vmem>>, vector<16xi32>,
    tpu.vector_store %arg12[%swap3A_1033], %gather3A_1028 {strides = array<i32>} : memref<128xi32, #tpu.memory_space<vmem>>, vector<16xi32>,
    %iota3A_1035 = tpu.iota {dimensions = array<i32: 0>} : vector<16xi32>
    %add3A_1036 = arith.constant 64 : i32
    %add3A_1037 = vector.broadcast %add3A_1036 : i32 to vector<16xi32>
    %add3A_1038 = arith.addi %iota3A_1035, %add3A_1037 : vector<16xi32>
    %gather3A_1039 = tpu.vector_load_idx %arg14[%add3A_1038, %broadcast_in_dim3A_400] : memref<128x16xi32, #tpu.memory_space<vmem>>[vector<16xi32>, vector<16xi32>], vector<16xi32>,
    %swap3A_1040 = arith.constant 4 : i32
    %swap3A_1041 = arith.index_cast %swap3A_1040 : i32 to index
    %swap3A_1042 = arith.constant 64 : index
    %swap3A_1043 = tpu.vector_load %arg10[%swap3A_1041, %swap3A_1042] {strides = array<i32>} : memref<8x128xi32, #tpu.memory_space<vmem>>, vector<16xi32>,
    tpu.vector_store %arg10[%swap3A_1041, %swap3A_1042], %gather3A_1039 {strides = array<i32>} : memref<8x128xi32, #tpu.memory_space<vmem>>, vector<16xi32>,
    %swap3A_1044 = arith.constant 64 : index
    %swap3A_1045 = tpu.vector_load %arg12[%swap3A_1044] {strides = array<i32>} : memref<128xi32, #tpu.memory_space<vmem>>, vector<16xi32>,
    tpu.vector_store %arg12[%swap3A_1044], %gather3A_1039 {strides = array<i32>} : memref<128xi32, #tpu.memory_space<vmem>>, vector<16xi32>,
    %iota3A_1046 = tpu.iota {dimensions = array<i32: 0>} : vector<16xi32>
    %add3A_1047 = arith.constant 80 : i32
    %add3A_1048 = vector.broadcast %add3A_1047 : i32 to vector<16xi32>
    %add3A_1049 = arith.addi %iota3A_1046, %add3A_1048 : vector<16xi32>
    %gather3A_1050 = tpu.vector_load_idx %arg14[%add3A_1049, %broadcast_in_dim3A_400] : memref<128x16xi32, #tpu.memory_space<vmem>>[vector<16xi32>, vector<16xi32>], vector<16xi32>,
    %swap3A_1051 = arith.constant 4 : i32
    %swap3A_1052 = arith.index_cast %swap3A_1051 : i32 to index
    %swap3A_1053 = arith.constant 80 : index
    %swap3A_1054 = tpu.vector_load %arg10[%swap3A_1052, %swap3A_1053] {strides = array<i32>} : memref<8x128xi32, #tpu.memory_space<vmem>>, vector<16xi32>,
    tpu.vector_store %arg10[%swap3A_1052, %swap3A_1053], %gather3A_1050 {strides = array<i32>} : memref<8x128xi32, #tpu.memory_space<vmem>>, vector<16xi32>,
    %swap3A_1055 = arith.constant 80 : index
    %swap3A_1056 = tpu.vector_load %arg12[%swap3A_1055] {strides = array<i32>} : memref<128xi32, #tpu.memory_space<vmem>>, vector<16xi32>,
    tpu.vector_store %arg12[%swap3A_1055], %gather3A_1050 {strides = array<i32>} : memref<128xi32, #tpu.memory_space<vmem>>, vector<16xi32>,
    %iota3A_1057 = tpu.iota {dimensions = array<i32: 0>} : vector<16xi32>
    %add3A_1058 = arith.constant 96 : i32
    %add3A_1059 = vector.broadcast %add3A_1058 : i32 to vector<16xi32>
    %add3A_1060 = arith.addi %iota3A_1057, %add3A_1059 : vector<16xi32>
    %gather3A_1061 = tpu.vector_load_idx %arg14[%add3A_1060, %broadcast_in_dim3A_400] : memref<128x16xi32, #tpu.memory_space<vmem>>[vector<16xi32>, vector<16xi32>], vector<16xi32>,
    %swap3A_1062 = arith.constant 4 : i32
    %swap3A_1063 = arith.index_cast %swap3A_1062 : i32 to index
    %swap3A_1064 = arith.constant 96 : index
    %swap3A_1065 = tpu.vector_load %arg10[%swap3A_1063, %swap3A_1064] {strides = array<i32>} : memref<8x128xi32, #tpu.memory_space<vmem>>, vector<16xi32>,
    tpu.vector_store %arg10[%swap3A_1063, %swap3A_1064], %gather3A_1061 {strides = array<i32>} : memref<8x128xi32, #tpu.memory_space<vmem>>, vector<16xi32>,
    %swap3A_1066 = arith.constant 96 : index
    %swap3A_1067 = tpu.vector_load %arg12[%swap3A_1066] {strides = array<i32>} : memref<128xi32, #tpu.memory_space<vmem>>, vector<16xi32>,
    tpu.vector_store %arg12[%swap3A_1066], %gather3A_1061 {strides = array<i32>} : memref<128xi32, #tpu.memory_space<vmem>>, vector<16xi32>,
    %iota3A_1068 = tpu.iota {dimensions = array<i32: 0>} : vector<16xi32>
    %add3A_1069 = arith.constant 112 : i32
    %add3A_1070 = vector.broadcast %add3A_1069 : i32 to vector<16xi32>
    %add3A_1071 = arith.addi %iota3A_1068, %add3A_1070 : vector<16xi32>
    %gather3A_1072 = tpu.vector_load_idx %arg14[%add3A_1071, %broadcast_in_dim3A_400] : memref<128x16xi32, #tpu.memory_space<vmem>>[vector<16xi32>, vector<16xi32>], vector<16xi32>,
    %swap3A_1073 = arith.constant 4 : i32
    %swap3A_1074 = arith.index_cast %swap3A_1073 : i32 to index
    %swap3A_1075 = arith.constant 112 : index
    %swap3A_1076 = tpu.vector_load %arg10[%swap3A_1074, %swap3A_1075] {strides = array<i32>} : memref<8x128xi32, #tpu.memory_space<vmem>>, vector<16xi32>,
    tpu.vector_store %arg10[%swap3A_1074, %swap3A_1075], %gather3A_1072 {strides = array<i32>} : memref<8x128xi32, #tpu.memory_space<vmem>>, vector<16xi32>,
    %swap3A_1077 = arith.constant 112 : index
    %swap3A_1078 = tpu.vector_load %arg12[%swap3A_1077] {strides = array<i32>} : memref<128xi32, #tpu.memory_space<vmem>>, vector<16xi32>,
    tpu.vector_store %arg12[%swap3A_1077], %gather3A_1072 {strides = array<i32>} : memref<128xi32, #tpu.memory_space<vmem>>, vector<16xi32>,
    "tpu.region"() ({
      %run_scoped3A = tpu.sem_alloc : memref<!tpu.dma_semaphore, #tpu.memory_space<semaphore_mem>>
      %dma_start3A = arith.constant 0 : i32
      %dma_start3A_2720 = arith.constant 0 : i32
      %dma_start3A_2721 = tpu.memref_slice %arg20[%dma_start3A, %dma_start3A_2720] : memref<16384x64xf32, #tpu.memory_space<vmem_shared>> -> memref<16384x64xf32, #tpu.memory_space<vmem_shared>>
      tpu.enqueue_indirect_dma source(%arg15 : memref<128x64xf32, #tpu.memory_space<vmem>>) target(%dma_start3A_2721 : memref<16384x64xf32, #tpu.memory_space<vmem_shared>>) offsets(%arg12 : memref<128xi32, #tpu.memory_space<vmem>>) semaphore(%run_scoped3A : memref<!tpu.dma_semaphore, #tpu.memory_space<semaphore_mem>>)
      %dma_wait3A = arith.constant 0 : i32
      %dma_wait3A_2722 = arith.constant 0 : i32
      %dma_wait3A_2723 = tpu.memref_slice %arg20[%dma_wait3A, %dma_wait3A_2722] : memref<16384x64xf32, #tpu.memory_space<vmem_shared>> -> memref<16384x64xf32, #tpu.memory_space<vmem_shared>>
      tpu.wait_indirect_dma semaphore(%run_scoped3A : memref<!tpu.dma_semaphore, #tpu.memory_space<semaphore_mem>>) src(%arg15 : memref<128x64xf32, #tpu.memory_space<vmem>>) dst(%dma_wait3A_2723 : memref<16384x64xf32, #tpu.memory_space<vmem_shared>>)
      tpu.yield
    }) : () -> ()
    %get3A_1079 = arith.constant 5 : i32
    %get3A_1080 = arith.index_cast %get3A_1079 : i32 to index
    %get3A_1081 = arith.constant 0 : index
    %get3A_1082 = tpu.vector_load %arg9[%get3A_1080, %get3A_1081] {strides = array<i32>} : memref<8x128xi32, #tpu.memory_space<vmem>>, vector<16xi32>,
    %swap3A_1083 = arith.constant 0 : index
    %swap3A_1084 = tpu.vector_load %arg11[%swap3A_1083] {strides = array<i32>} : memref<128xi32, #tpu.memory_space<vmem>>, vector<16xi32>,
    tpu.vector_store %arg11[%swap3A_1083], %get3A_1082 {strides = array<i32>} : memref<128xi32, #tpu.memory_space<vmem>>, vector<16xi32>,
    %get3A_1085 = arith.constant 5 : i32
    %get3A_1086 = arith.index_cast %get3A_1085 : i32 to index
    %get3A_1087 = arith.constant 16 : index
    %get3A_1088 = tpu.vector_load %arg9[%get3A_1086, %get3A_1087] {strides = array<i32>} : memref<8x128xi32, #tpu.memory_space<vmem>>, vector<16xi32>,
    %swap3A_1089 = arith.constant 16 : index
    %swap3A_1090 = tpu.vector_load %arg11[%swap3A_1089] {strides = array<i32>} : memref<128xi32, #tpu.memory_space<vmem>>, vector<16xi32>,
    tpu.vector_store %arg11[%swap3A_1089], %get3A_1088 {strides = array<i32>} : memref<128xi32, #tpu.memory_space<vmem>>, vector<16xi32>,
    %get3A_1091 = arith.constant 5 : i32
    %get3A_1092 = arith.index_cast %get3A_1091 : i32 to index
    %get3A_1093 = arith.constant 32 : index
    %get3A_1094 = tpu.vector_load %arg9[%get3A_1092, %get3A_1093] {strides = array<i32>} : memref<8x128xi32, #tpu.memory_space<vmem>>, vector<16xi32>,
    %swap3A_1095 = arith.constant 32 : index
    %swap3A_1096 = tpu.vector_load %arg11[%swap3A_1095] {strides = array<i32>} : memref<128xi32, #tpu.memory_space<vmem>>, vector<16xi32>,
    tpu.vector_store %arg11[%swap3A_1095], %get3A_1094 {strides = array<i32>} : memref<128xi32, #tpu.memory_space<vmem>>, vector<16xi32>,
    %get3A_1097 = arith.constant 5 : i32
    %get3A_1098 = arith.index_cast %get3A_1097 : i32 to index
    %get3A_1099 = arith.constant 48 : index
    %get3A_1100 = tpu.vector_load %arg9[%get3A_1098, %get3A_1099] {strides = array<i32>} : memref<8x128xi32, #tpu.memory_space<vmem>>, vector<16xi32>,
    %swap3A_1101 = arith.constant 48 : index
    %swap3A_1102 = tpu.vector_load %arg11[%swap3A_1101] {strides = array<i32>} : memref<128xi32, #tpu.memory_space<vmem>>, vector<16xi32>,
    tpu.vector_store %arg11[%swap3A_1101], %get3A_1100 {strides = array<i32>} : memref<128xi32, #tpu.memory_space<vmem>>, vector<16xi32>,
    %get3A_1103 = arith.constant 5 : i32
    %get3A_1104 = arith.index_cast %get3A_1103 : i32 to index
    %get3A_1105 = arith.constant 64 : index
    %get3A_1106 = tpu.vector_load %arg9[%get3A_1104, %get3A_1105] {strides = array<i32>} : memref<8x128xi32, #tpu.memory_space<vmem>>, vector<16xi32>,
    %swap3A_1107 = arith.constant 64 : index
    %swap3A_1108 = tpu.vector_load %arg11[%swap3A_1107] {strides = array<i32>} : memref<128xi32, #tpu.memory_space<vmem>>, vector<16xi32>,
    tpu.vector_store %arg11[%swap3A_1107], %get3A_1106 {strides = array<i32>} : memref<128xi32, #tpu.memory_space<vmem>>, vector<16xi32>,
    %get3A_1109 = arith.constant 5 : i32
    %get3A_1110 = arith.index_cast %get3A_1109 : i32 to index
    %get3A_1111 = arith.constant 80 : index
    %get3A_1112 = tpu.vector_load %arg9[%get3A_1110, %get3A_1111] {strides = array<i32>} : memref<8x128xi32, #tpu.memory_space<vmem>>, vector<16xi32>,
    %swap3A_1113 = arith.constant 80 : index
    %swap3A_1114 = tpu.vector_load %arg11[%swap3A_1113] {strides = array<i32>} : memref<128xi32, #tpu.memory_space<vmem>>, vector<16xi32>,
    tpu.vector_store %arg11[%swap3A_1113], %get3A_1112 {strides = array<i32>} : memref<128xi32, #tpu.memory_space<vmem>>, vector<16xi32>,
    %get3A_1115 = arith.constant 5 : i32
    %get3A_1116 = arith.index_cast %get3A_1115 : i32 to index
    %get3A_1117 = arith.constant 96 : index
    %get3A_1118 = tpu.vector_load %arg9[%get3A_1116, %get3A_1117] {strides = array<i32>} : memref<8x128xi32, #tpu.memory_space<vmem>>, vector<16xi32>,
    %swap3A_1119 = arith.constant 96 : index
    %swap3A_1120 = tpu.vector_load %arg11[%swap3A_1119] {strides = array<i32>} : memref<128xi32, #tpu.memory_space<vmem>>, vector<16xi32>,
    tpu.vector_store %arg11[%swap3A_1119], %get3A_1118 {strides = array<i32>} : memref<128xi32, #tpu.memory_space<vmem>>, vector<16xi32>,
    %get3A_1121 = arith.constant 5 : i32
    %get3A_1122 = arith.index_cast %get3A_1121 : i32 to index
    %get3A_1123 = arith.constant 112 : index
    %get3A_1124 = tpu.vector_load %arg9[%get3A_1122, %get3A_1123] {strides = array<i32>} : memref<8x128xi32, #tpu.memory_space<vmem>>, vector<16xi32>,
    %swap3A_1125 = arith.constant 112 : index
    %swap3A_1126 = tpu.vector_load %arg11[%swap3A_1125] {strides = array<i32>} : memref<128xi32, #tpu.memory_space<vmem>>, vector<16xi32>,
    tpu.vector_store %arg11[%swap3A_1125], %get3A_1124 {strides = array<i32>} : memref<128xi32, #tpu.memory_space<vmem>>, vector<16xi32>,
    "tpu.region"() ({
      %run_scoped3A = tpu.sem_alloc : memref<!tpu.dma_semaphore, #tpu.memory_space<semaphore_mem>>
      %dma_start3A = arith.constant 0 : i32
      %dma_start3A_2720 = arith.constant 0 : i32
      %dma_start3A_2721 = tpu.memref_slice %arg8[%dma_start3A, %dma_start3A_2720] : memref<1000000x16xi32, #tpu.memory_space<hbm>> -> memref<1000000x16xi32, #tpu.memory_space<hbm>>
      tpu.enqueue_indirect_dma source(%dma_start3A_2721 : memref<1000000x16xi32, #tpu.memory_space<hbm>>) target(%arg14 : memref<128x16xi32, #tpu.memory_space<vmem>>) offsets(%arg11 : memref<128xi32, #tpu.memory_space<vmem>>) semaphore(%run_scoped3A : memref<!tpu.dma_semaphore, #tpu.memory_space<semaphore_mem>>)
      %dma_wait3A = arith.constant 0 : i32
      %dma_wait3A_2722 = arith.constant 0 : i32
      %dma_wait3A_2723 = tpu.memref_slice %arg8[%dma_wait3A, %dma_wait3A_2722] : memref<1000000x16xi32, #tpu.memory_space<hbm>> -> memref<1000000x16xi32, #tpu.memory_space<hbm>>
      tpu.wait_indirect_dma semaphore(%run_scoped3A : memref<!tpu.dma_semaphore, #tpu.memory_space<semaphore_mem>>) src(%dma_wait3A_2723 : memref<1000000x16xi32, #tpu.memory_space<hbm>>) dst(%arg14 : memref<128x16xi32, #tpu.memory_space<vmem>>)
      tpu.yield
    }) : () -> ()
    %iota3A_1127 = tpu.iota {dimensions = array<i32: 0>} : vector<16xi32>
    %add3A_1128 = arith.constant 0 : i32
    %add3A_1129 = vector.broadcast %add3A_1128 : i32 to vector<16xi32>
    %add3A_1130 = arith.addi %iota3A_1127, %add3A_1129 : vector<16xi32>
    %gather3A_1131 = tpu.vector_load_idx %arg14[%add3A_1130, %broadcast_in_dim3A_400] : memref<128x16xi32, #tpu.memory_space<vmem>>[vector<16xi32>, vector<16xi32>], vector<16xi32>,
    %swap3A_1132 = arith.constant 5 : i32
    %swap3A_1133 = arith.index_cast %swap3A_1132 : i32 to index
    %swap3A_1134 = arith.constant 0 : index
    %swap3A_1135 = tpu.vector_load %arg10[%swap3A_1133, %swap3A_1134] {strides = array<i32>} : memref<8x128xi32, #tpu.memory_space<vmem>>, vector<16xi32>,
    tpu.vector_store %arg10[%swap3A_1133, %swap3A_1134], %gather3A_1131 {strides = array<i32>} : memref<8x128xi32, #tpu.memory_space<vmem>>, vector<16xi32>,
    %swap3A_1136 = arith.constant 0 : index
    %swap3A_1137 = tpu.vector_load %arg12[%swap3A_1136] {strides = array<i32>} : memref<128xi32, #tpu.memory_space<vmem>>, vector<16xi32>,
    tpu.vector_store %arg12[%swap3A_1136], %gather3A_1131 {strides = array<i32>} : memref<128xi32, #tpu.memory_space<vmem>>, vector<16xi32>,
    %iota3A_1138 = tpu.iota {dimensions = array<i32: 0>} : vector<16xi32>
    %add3A_1139 = arith.constant 16 : i32
    %add3A_1140 = vector.broadcast %add3A_1139 : i32 to vector<16xi32>
    %add3A_1141 = arith.addi %iota3A_1138, %add3A_1140 : vector<16xi32>
    %gather3A_1142 = tpu.vector_load_idx %arg14[%add3A_1141, %broadcast_in_dim3A_400] : memref<128x16xi32, #tpu.memory_space<vmem>>[vector<16xi32>, vector<16xi32>], vector<16xi32>,
    %swap3A_1143 = arith.constant 5 : i32
    %swap3A_1144 = arith.index_cast %swap3A_1143 : i32 to index
    %swap3A_1145 = arith.constant 16 : index
    %swap3A_1146 = tpu.vector_load %arg10[%swap3A_1144, %swap3A_1145] {strides = array<i32>} : memref<8x128xi32, #tpu.memory_space<vmem>>, vector<16xi32>,
    tpu.vector_store %arg10[%swap3A_1144, %swap3A_1145], %gather3A_1142 {strides = array<i32>} : memref<8x128xi32, #tpu.memory_space<vmem>>, vector<16xi32>,
    %swap3A_1147 = arith.constant 16 : index
    %swap3A_1148 = tpu.vector_load %arg12[%swap3A_1147] {strides = array<i32>} : memref<128xi32, #tpu.memory_space<vmem>>, vector<16xi32>,
    tpu.vector_store %arg12[%swap3A_1147], %gather3A_1142 {strides = array<i32>} : memref<128xi32, #tpu.memory_space<vmem>>, vector<16xi32>,
    %iota3A_1149 = tpu.iota {dimensions = array<i32: 0>} : vector<16xi32>
    %add3A_1150 = arith.constant 32 : i32
    %add3A_1151 = vector.broadcast %add3A_1150 : i32 to vector<16xi32>
    %add3A_1152 = arith.addi %iota3A_1149, %add3A_1151 : vector<16xi32>
    %gather3A_1153 = tpu.vector_load_idx %arg14[%add3A_1152, %broadcast_in_dim3A_400] : memref<128x16xi32, #tpu.memory_space<vmem>>[vector<16xi32>, vector<16xi32>], vector<16xi32>,
    %swap3A_1154 = arith.constant 5 : i32
    %swap3A_1155 = arith.index_cast %swap3A_1154 : i32 to index
    %swap3A_1156 = arith.constant 32 : index
    %swap3A_1157 = tpu.vector_load %arg10[%swap3A_1155, %swap3A_1156] {strides = array<i32>} : memref<8x128xi32, #tpu.memory_space<vmem>>, vector<16xi32>,
    tpu.vector_store %arg10[%swap3A_1155, %swap3A_1156], %gather3A_1153 {strides = array<i32>} : memref<8x128xi32, #tpu.memory_space<vmem>>, vector<16xi32>,
    %swap3A_1158 = arith.constant 32 : index
    %swap3A_1159 = tpu.vector_load %arg12[%swap3A_1158] {strides = array<i32>} : memref<128xi32, #tpu.memory_space<vmem>>, vector<16xi32>,
    tpu.vector_store %arg12[%swap3A_1158], %gather3A_1153 {strides = array<i32>} : memref<128xi32, #tpu.memory_space<vmem>>, vector<16xi32>,
    %iota3A_1160 = tpu.iota {dimensions = array<i32: 0>} : vector<16xi32>
    %add3A_1161 = arith.constant 48 : i32
    %add3A_1162 = vector.broadcast %add3A_1161 : i32 to vector<16xi32>
    %add3A_1163 = arith.addi %iota3A_1160, %add3A_1162 : vector<16xi32>
    %gather3A_1164 = tpu.vector_load_idx %arg14[%add3A_1163, %broadcast_in_dim3A_400] : memref<128x16xi32, #tpu.memory_space<vmem>>[vector<16xi32>, vector<16xi32>], vector<16xi32>,
    %swap3A_1165 = arith.constant 5 : i32
    %swap3A_1166 = arith.index_cast %swap3A_1165 : i32 to index
    %swap3A_1167 = arith.constant 48 : index
    %swap3A_1168 = tpu.vector_load %arg10[%swap3A_1166, %swap3A_1167] {strides = array<i32>} : memref<8x128xi32, #tpu.memory_space<vmem>>, vector<16xi32>,
    tpu.vector_store %arg10[%swap3A_1166, %swap3A_1167], %gather3A_1164 {strides = array<i32>} : memref<8x128xi32, #tpu.memory_space<vmem>>, vector<16xi32>,
    %swap3A_1169 = arith.constant 48 : index
    %swap3A_1170 = tpu.vector_load %arg12[%swap3A_1169] {strides = array<i32>} : memref<128xi32, #tpu.memory_space<vmem>>, vector<16xi32>,
    tpu.vector_store %arg12[%swap3A_1169], %gather3A_1164 {strides = array<i32>} : memref<128xi32, #tpu.memory_space<vmem>>, vector<16xi32>,
    %iota3A_1171 = tpu.iota {dimensions = array<i32: 0>} : vector<16xi32>
    %add3A_1172 = arith.constant 64 : i32
    %add3A_1173 = vector.broadcast %add3A_1172 : i32 to vector<16xi32>
    %add3A_1174 = arith.addi %iota3A_1171, %add3A_1173 : vector<16xi32>
    %gather3A_1175 = tpu.vector_load_idx %arg14[%add3A_1174, %broadcast_in_dim3A_400] : memref<128x16xi32, #tpu.memory_space<vmem>>[vector<16xi32>, vector<16xi32>], vector<16xi32>,
    %swap3A_1176 = arith.constant 5 : i32
    %swap3A_1177 = arith.index_cast %swap3A_1176 : i32 to index
    %swap3A_1178 = arith.constant 64 : index
    %swap3A_1179 = tpu.vector_load %arg10[%swap3A_1177, %swap3A_1178] {strides = array<i32>} : memref<8x128xi32, #tpu.memory_space<vmem>>, vector<16xi32>,
    tpu.vector_store %arg10[%swap3A_1177, %swap3A_1178], %gather3A_1175 {strides = array<i32>} : memref<8x128xi32, #tpu.memory_space<vmem>>, vector<16xi32>,
    %swap3A_1180 = arith.constant 64 : index
    %swap3A_1181 = tpu.vector_load %arg12[%swap3A_1180] {strides = array<i32>} : memref<128xi32, #tpu.memory_space<vmem>>, vector<16xi32>,
    tpu.vector_store %arg12[%swap3A_1180], %gather3A_1175 {strides = array<i32>} : memref<128xi32, #tpu.memory_space<vmem>>, vector<16xi32>,
    %iota3A_1182 = tpu.iota {dimensions = array<i32: 0>} : vector<16xi32>
    %add3A_1183 = arith.constant 80 : i32
    %add3A_1184 = vector.broadcast %add3A_1183 : i32 to vector<16xi32>
    %add3A_1185 = arith.addi %iota3A_1182, %add3A_1184 : vector<16xi32>
    %gather3A_1186 = tpu.vector_load_idx %arg14[%add3A_1185, %broadcast_in_dim3A_400] : memref<128x16xi32, #tpu.memory_space<vmem>>[vector<16xi32>, vector<16xi32>], vector<16xi32>,
    %swap3A_1187 = arith.constant 5 : i32
    %swap3A_1188 = arith.index_cast %swap3A_1187 : i32 to index
    %swap3A_1189 = arith.constant 80 : index
    %swap3A_1190 = tpu.vector_load %arg10[%swap3A_1188, %swap3A_1189] {strides = array<i32>} : memref<8x128xi32, #tpu.memory_space<vmem>>, vector<16xi32>,
    tpu.vector_store %arg10[%swap3A_1188, %swap3A_1189], %gather3A_1186 {strides = array<i32>} : memref<8x128xi32, #tpu.memory_space<vmem>>, vector<16xi32>,
    %swap3A_1191 = arith.constant 80 : index
    %swap3A_1192 = tpu.vector_load %arg12[%swap3A_1191] {strides = array<i32>} : memref<128xi32, #tpu.memory_space<vmem>>, vector<16xi32>,
    tpu.vector_store %arg12[%swap3A_1191], %gather3A_1186 {strides = array<i32>} : memref<128xi32, #tpu.memory_space<vmem>>, vector<16xi32>,
    %iota3A_1193 = tpu.iota {dimensions = array<i32: 0>} : vector<16xi32>
    %add3A_1194 = arith.constant 96 : i32
    %add3A_1195 = vector.broadcast %add3A_1194 : i32 to vector<16xi32>
    %add3A_1196 = arith.addi %iota3A_1193, %add3A_1195 : vector<16xi32>
    %gather3A_1197 = tpu.vector_load_idx %arg14[%add3A_1196, %broadcast_in_dim3A_400] : memref<128x16xi32, #tpu.memory_space<vmem>>[vector<16xi32>, vector<16xi32>], vector<16xi32>,
    %swap3A_1198 = arith.constant 5 : i32
    %swap3A_1199 = arith.index_cast %swap3A_1198 : i32 to index
    %swap3A_1200 = arith.constant 96 : index
    %swap3A_1201 = tpu.vector_load %arg10[%swap3A_1199, %swap3A_1200] {strides = array<i32>} : memref<8x128xi32, #tpu.memory_space<vmem>>, vector<16xi32>,
    tpu.vector_store %arg10[%swap3A_1199, %swap3A_1200], %gather3A_1197 {strides = array<i32>} : memref<8x128xi32, #tpu.memory_space<vmem>>, vector<16xi32>,
    %swap3A_1202 = arith.constant 96 : index
    %swap3A_1203 = tpu.vector_load %arg12[%swap3A_1202] {strides = array<i32>} : memref<128xi32, #tpu.memory_space<vmem>>, vector<16xi32>,
    tpu.vector_store %arg12[%swap3A_1202], %gather3A_1197 {strides = array<i32>} : memref<128xi32, #tpu.memory_space<vmem>>, vector<16xi32>,
    %iota3A_1204 = tpu.iota {dimensions = array<i32: 0>} : vector<16xi32>
    %add3A_1205 = arith.constant 112 : i32
    %add3A_1206 = vector.broadcast %add3A_1205 : i32 to vector<16xi32>
    %add3A_1207 = arith.addi %iota3A_1204, %add3A_1206 : vector<16xi32>
    %gather3A_1208 = tpu.vector_load_idx %arg14[%add3A_1207, %broadcast_in_dim3A_400] : memref<128x16xi32, #tpu.memory_space<vmem>>[vector<16xi32>, vector<16xi32>], vector<16xi32>,
    %swap3A_1209 = arith.constant 5 : i32
    %swap3A_1210 = arith.index_cast %swap3A_1209 : i32 to index
    %swap3A_1211 = arith.constant 112 : index
    %swap3A_1212 = tpu.vector_load %arg10[%swap3A_1210, %swap3A_1211] {strides = array<i32>} : memref<8x128xi32, #tpu.memory_space<vmem>>, vector<16xi32>,
    tpu.vector_store %arg10[%swap3A_1210, %swap3A_1211], %gather3A_1208 {strides = array<i32>} : memref<8x128xi32, #tpu.memory_space<vmem>>, vector<16xi32>,
    %swap3A_1213 = arith.constant 112 : index
    %swap3A_1214 = tpu.vector_load %arg12[%swap3A_1213] {strides = array<i32>} : memref<128xi32, #tpu.memory_space<vmem>>, vector<16xi32>,
    tpu.vector_store %arg12[%swap3A_1213], %gather3A_1208 {strides = array<i32>} : memref<128xi32, #tpu.memory_space<vmem>>, vector<16xi32>,
    "tpu.region"() ({
      %run_scoped3A = tpu.sem_alloc : memref<!tpu.dma_semaphore, #tpu.memory_space<semaphore_mem>>
      %dma_start3A = arith.constant 0 : i32
      %dma_start3A_2720 = arith.constant 0 : i32
      %dma_start3A_2721 = tpu.memref_slice %arg20[%dma_start3A, %dma_start3A_2720] : memref<16384x64xf32, #tpu.memory_space<vmem_shared>> -> memref<16384x64xf32, #tpu.memory_space<vmem_shared>>
      tpu.enqueue_indirect_dma source(%arg15 : memref<128x64xf32, #tpu.memory_space<vmem>>) target(%dma_start3A_2721 : memref<16384x64xf32, #tpu.memory_space<vmem_shared>>) offsets(%arg12 : memref<128xi32, #tpu.memory_space<vmem>>) semaphore(%run_scoped3A : memref<!tpu.dma_semaphore, #tpu.memory_space<semaphore_mem>>)
      %dma_wait3A = arith.constant 0 : i32
      %dma_wait3A_2722 = arith.constant 0 : i32
      %dma_wait3A_2723 = tpu.memref_slice %arg20[%dma_wait3A, %dma_wait3A_2722] : memref<16384x64xf32, #tpu.memory_space<vmem_shared>> -> memref<16384x64xf32, #tpu.memory_space<vmem_shared>>
      tpu.wait_indirect_dma semaphore(%run_scoped3A : memref<!tpu.dma_semaphore, #tpu.memory_space<semaphore_mem>>) src(%arg15 : memref<128x64xf32, #tpu.memory_space<vmem>>) dst(%dma_wait3A_2723 : memref<16384x64xf32, #tpu.memory_space<vmem_shared>>)
      tpu.yield
    }) : () -> ()
    %get3A_1215 = arith.constant 6 : i32
    %get3A_1216 = arith.index_cast %get3A_1215 : i32 to index
    %get3A_1217 = arith.constant 0 : index
    %get3A_1218 = tpu.vector_load %arg9[%get3A_1216, %get3A_1217] {strides = array<i32>} : memref<8x128xi32, #tpu.memory_space<vmem>>, vector<16xi32>,
    %swap3A_1219 = arith.constant 0 : index
    %swap3A_1220 = tpu.vector_load %arg11[%swap3A_1219] {strides = array<i32>} : memref<128xi32, #tpu.memory_space<vmem>>, vector<16xi32>,
    tpu.vector_store %arg11[%swap3A_1219], %get3A_1218 {strides = array<i32>} : memref<128xi32, #tpu.memory_space<vmem>>, vector<16xi32>,
    %get3A_1221 = arith.constant 6 : i32
    %get3A_1222 = arith.index_cast %get3A_1221 : i32 to index
    %get3A_1223 = arith.constant 16 : index
    %get3A_1224 = tpu.vector_load %arg9[%get3A_1222, %get3A_1223] {strides = array<i32>} : memref<8x128xi32, #tpu.memory_space<vmem>>, vector<16xi32>,
    %swap3A_1225 = arith.constant 16 : index
    %swap3A_1226 = tpu.vector_load %arg11[%swap3A_1225] {strides = array<i32>} : memref<128xi32, #tpu.memory_space<vmem>>, vector<16xi32>,
    tpu.vector_store %arg11[%swap3A_1225], %get3A_1224 {strides = array<i32>} : memref<128xi32, #tpu.memory_space<vmem>>, vector<16xi32>,
    %get3A_1227 = arith.constant 6 : i32
    %get3A_1228 = arith.index_cast %get3A_1227 : i32 to index
    %get3A_1229 = arith.constant 32 : index
    %get3A_1230 = tpu.vector_load %arg9[%get3A_1228, %get3A_1229] {strides = array<i32>} : memref<8x128xi32, #tpu.memory_space<vmem>>, vector<16xi32>,
    %swap3A_1231 = arith.constant 32 : index
    %swap3A_1232 = tpu.vector_load %arg11[%swap3A_1231] {strides = array<i32>} : memref<128xi32, #tpu.memory_space<vmem>>, vector<16xi32>,
    tpu.vector_store %arg11[%swap3A_1231], %get3A_1230 {strides = array<i32>} : memref<128xi32, #tpu.memory_space<vmem>>, vector<16xi32>,
    %get3A_1233 = arith.constant 6 : i32
    %get3A_1234 = arith.index_cast %get3A_1233 : i32 to index
    %get3A_1235 = arith.constant 48 : index
    %get3A_1236 = tpu.vector_load %arg9[%get3A_1234, %get3A_1235] {strides = array<i32>} : memref<8x128xi32, #tpu.memory_space<vmem>>, vector<16xi32>,
    %swap3A_1237 = arith.constant 48 : index
    %swap3A_1238 = tpu.vector_load %arg11[%swap3A_1237] {strides = array<i32>} : memref<128xi32, #tpu.memory_space<vmem>>, vector<16xi32>,
    tpu.vector_store %arg11[%swap3A_1237], %get3A_1236 {strides = array<i32>} : memref<128xi32, #tpu.memory_space<vmem>>, vector<16xi32>,
    %get3A_1239 = arith.constant 6 : i32
    %get3A_1240 = arith.index_cast %get3A_1239 : i32 to index
    %get3A_1241 = arith.constant 64 : index
    %get3A_1242 = tpu.vector_load %arg9[%get3A_1240, %get3A_1241] {strides = array<i32>} : memref<8x128xi32, #tpu.memory_space<vmem>>, vector<16xi32>,
    %swap3A_1243 = arith.constant 64 : index
    %swap3A_1244 = tpu.vector_load %arg11[%swap3A_1243] {strides = array<i32>} : memref<128xi32, #tpu.memory_space<vmem>>, vector<16xi32>,
    tpu.vector_store %arg11[%swap3A_1243], %get3A_1242 {strides = array<i32>} : memref<128xi32, #tpu.memory_space<vmem>>, vector<16xi32>,
    %get3A_1245 = arith.constant 6 : i32
    %get3A_1246 = arith.index_cast %get3A_1245 : i32 to index
    %get3A_1247 = arith.constant 80 : index
    %get3A_1248 = tpu.vector_load %arg9[%get3A_1246, %get3A_1247] {strides = array<i32>} : memref<8x128xi32, #tpu.memory_space<vmem>>, vector<16xi32>,
    %swap3A_1249 = arith.constant 80 : index
    %swap3A_1250 = tpu.vector_load %arg11[%swap3A_1249] {strides = array<i32>} : memref<128xi32, #tpu.memory_space<vmem>>, vector<16xi32>,
    tpu.vector_store %arg11[%swap3A_1249], %get3A_1248 {strides = array<i32>} : memref<128xi32, #tpu.memory_space<vmem>>, vector<16xi32>,
    %get3A_1251 = arith.constant 6 : i32
    %get3A_1252 = arith.index_cast %get3A_1251 : i32 to index
    %get3A_1253 = arith.constant 96 : index
    %get3A_1254 = tpu.vector_load %arg9[%get3A_1252, %get3A_1253] {strides = array<i32>} : memref<8x128xi32, #tpu.memory_space<vmem>>, vector<16xi32>,
    %swap3A_1255 = arith.constant 96 : index
    %swap3A_1256 = tpu.vector_load %arg11[%swap3A_1255] {strides = array<i32>} : memref<128xi32, #tpu.memory_space<vmem>>, vector<16xi32>,
    tpu.vector_store %arg11[%swap3A_1255], %get3A_1254 {strides = array<i32>} : memref<128xi32, #tpu.memory_space<vmem>>, vector<16xi32>,
    %get3A_1257 = arith.constant 6 : i32
    %get3A_1258 = arith.index_cast %get3A_1257 : i32 to index
    %get3A_1259 = arith.constant 112 : index
    %get3A_1260 = tpu.vector_load %arg9[%get3A_1258, %get3A_1259] {strides = array<i32>} : memref<8x128xi32, #tpu.memory_space<vmem>>, vector<16xi32>,
    %swap3A_1261 = arith.constant 112 : index
    %swap3A_1262 = tpu.vector_load %arg11[%swap3A_1261] {strides = array<i32>} : memref<128xi32, #tpu.memory_space<vmem>>, vector<16xi32>,
    tpu.vector_store %arg11[%swap3A_1261], %get3A_1260 {strides = array<i32>} : memref<128xi32, #tpu.memory_space<vmem>>, vector<16xi32>,
    "tpu.region"() ({
      %run_scoped3A = tpu.sem_alloc : memref<!tpu.dma_semaphore, #tpu.memory_space<semaphore_mem>>
      %dma_start3A = arith.constant 0 : i32
      %dma_start3A_2720 = arith.constant 0 : i32
      %dma_start3A_2721 = tpu.memref_slice %arg8[%dma_start3A, %dma_start3A_2720] : memref<1000000x16xi32, #tpu.memory_space<hbm>> -> memref<1000000x16xi32, #tpu.memory_space<hbm>>
      tpu.enqueue_indirect_dma source(%dma_start3A_2721 : memref<1000000x16xi32, #tpu.memory_space<hbm>>) target(%arg14 : memref<128x16xi32, #tpu.memory_space<vmem>>) offsets(%arg11 : memref<128xi32, #tpu.memory_space<vmem>>) semaphore(%run_scoped3A : memref<!tpu.dma_semaphore, #tpu.memory_space<semaphore_mem>>)
      %dma_wait3A = arith.constant 0 : i32
      %dma_wait3A_2722 = arith.constant 0 : i32
      %dma_wait3A_2723 = tpu.memref_slice %arg8[%dma_wait3A, %dma_wait3A_2722] : memref<1000000x16xi32, #tpu.memory_space<hbm>> -> memref<1000000x16xi32, #tpu.memory_space<hbm>>
      tpu.wait_indirect_dma semaphore(%run_scoped3A : memref<!tpu.dma_semaphore, #tpu.memory_space<semaphore_mem>>) src(%dma_wait3A_2723 : memref<1000000x16xi32, #tpu.memory_space<hbm>>) dst(%arg14 : memref<128x16xi32, #tpu.memory_space<vmem>>)
      tpu.yield
    }) : () -> ()
    %iota3A_1263 = tpu.iota {dimensions = array<i32: 0>} : vector<16xi32>
    %add3A_1264 = arith.constant 0 : i32
    %add3A_1265 = vector.broadcast %add3A_1264 : i32 to vector<16xi32>
    %add3A_1266 = arith.addi %iota3A_1263, %add3A_1265 : vector<16xi32>
    %gather3A_1267 = tpu.vector_load_idx %arg14[%add3A_1266, %broadcast_in_dim3A_400] : memref<128x16xi32, #tpu.memory_space<vmem>>[vector<16xi32>, vector<16xi32>], vector<16xi32>,
    %swap3A_1268 = arith.constant 6 : i32
    %swap3A_1269 = arith.index_cast %swap3A_1268 : i32 to index
    %swap3A_1270 = arith.constant 0 : index
    %swap3A_1271 = tpu.vector_load %arg10[%swap3A_1269, %swap3A_1270] {strides = array<i32>} : memref<8x128xi32, #tpu.memory_space<vmem>>, vector<16xi32>,
    tpu.vector_store %arg10[%swap3A_1269, %swap3A_1270], %gather3A_1267 {strides = array<i32>} : memref<8x128xi32, #tpu.memory_space<vmem>>, vector<16xi32>,
    %swap3A_1272 = arith.constant 0 : index
    %swap3A_1273 = tpu.vector_load %arg12[%swap3A_1272] {strides = array<i32>} : memref<128xi32, #tpu.memory_space<vmem>>, vector<16xi32>,
    tpu.vector_store %arg12[%swap3A_1272], %gather3A_1267 {strides = array<i32>} : memref<128xi32, #tpu.memory_space<vmem>>, vector<16xi32>,
    %iota3A_1274 = tpu.iota {dimensions = array<i32: 0>} : vector<16xi32>
    %add3A_1275 = arith.constant 16 : i32
    %add3A_1276 = vector.broadcast %add3A_1275 : i32 to vector<16xi32>
    %add3A_1277 = arith.addi %iota3A_1274, %add3A_1276 : vector<16xi32>
    %gather3A_1278 = tpu.vector_load_idx %arg14[%add3A_1277, %broadcast_in_dim3A_400] : memref<128x16xi32, #tpu.memory_space<vmem>>[vector<16xi32>, vector<16xi32>], vector<16xi32>,
    %swap3A_1279 = arith.constant 6 : i32
    %swap3A_1280 = arith.index_cast %swap3A_1279 : i32 to index
    %swap3A_1281 = arith.constant 16 : index
    %swap3A_1282 = tpu.vector_load %arg10[%swap3A_1280, %swap3A_1281] {strides = array<i32>} : memref<8x128xi32, #tpu.memory_space<vmem>>, vector<16xi32>,
    tpu.vector_store %arg10[%swap3A_1280, %swap3A_1281], %gather3A_1278 {strides = array<i32>} : memref<8x128xi32, #tpu.memory_space<vmem>>, vector<16xi32>,
    %swap3A_1283 = arith.constant 16 : index
    %swap3A_1284 = tpu.vector_load %arg12[%swap3A_1283] {strides = array<i32>} : memref<128xi32, #tpu.memory_space<vmem>>, vector<16xi32>,
    tpu.vector_store %arg12[%swap3A_1283], %gather3A_1278 {strides = array<i32>} : memref<128xi32, #tpu.memory_space<vmem>>, vector<16xi32>,
    %iota3A_1285 = tpu.iota {dimensions = array<i32: 0>} : vector<16xi32>
    %add3A_1286 = arith.constant 32 : i32
    %add3A_1287 = vector.broadcast %add3A_1286 : i32 to vector<16xi32>
    %add3A_1288 = arith.addi %iota3A_1285, %add3A_1287 : vector<16xi32>
    %gather3A_1289 = tpu.vector_load_idx %arg14[%add3A_1288, %broadcast_in_dim3A_400] : memref<128x16xi32, #tpu.memory_space<vmem>>[vector<16xi32>, vector<16xi32>], vector<16xi32>,
    %swap3A_1290 = arith.constant 6 : i32
    %swap3A_1291 = arith.index_cast %swap3A_1290 : i32 to index
    %swap3A_1292 = arith.constant 32 : index
    %swap3A_1293 = tpu.vector_load %arg10[%swap3A_1291, %swap3A_1292] {strides = array<i32>} : memref<8x128xi32, #tpu.memory_space<vmem>>, vector<16xi32>,
    tpu.vector_store %arg10[%swap3A_1291, %swap3A_1292], %gather3A_1289 {strides = array<i32>} : memref<8x128xi32, #tpu.memory_space<vmem>>, vector<16xi32>,
    %swap3A_1294 = arith.constant 32 : index
    %swap3A_1295 = tpu.vector_load %arg12[%swap3A_1294] {strides = array<i32>} : memref<128xi32, #tpu.memory_space<vmem>>, vector<16xi32>,
    tpu.vector_store %arg12[%swap3A_1294], %gather3A_1289 {strides = array<i32>} : memref<128xi32, #tpu.memory_space<vmem>>, vector<16xi32>,
    %iota3A_1296 = tpu.iota {dimensions = array<i32: 0>} : vector<16xi32>
    %add3A_1297 = arith.constant 48 : i32
    %add3A_1298 = vector.broadcast %add3A_1297 : i32 to vector<16xi32>
    %add3A_1299 = arith.addi %iota3A_1296, %add3A_1298 : vector<16xi32>
    %gather3A_1300 = tpu.vector_load_idx %arg14[%add3A_1299, %broadcast_in_dim3A_400] : memref<128x16xi32, #tpu.memory_space<vmem>>[vector<16xi32>, vector<16xi32>], vector<16xi32>,
    %swap3A_1301 = arith.constant 6 : i32
    %swap3A_1302 = arith.index_cast %swap3A_1301 : i32 to index
    %swap3A_1303 = arith.constant 48 : index
    %swap3A_1304 = tpu.vector_load %arg10[%swap3A_1302, %swap3A_1303] {strides = array<i32>} : memref<8x128xi32, #tpu.memory_space<vmem>>, vector<16xi32>,
    tpu.vector_store %arg10[%swap3A_1302, %swap3A_1303], %gather3A_1300 {strides = array<i32>} : memref<8x128xi32, #tpu.memory_space<vmem>>, vector<16xi32>,
    %swap3A_1305 = arith.constant 48 : index
    %swap3A_1306 = tpu.vector_load %arg12[%swap3A_1305] {strides = array<i32>} : memref<128xi32, #tpu.memory_space<vmem>>, vector<16xi32>,
    tpu.vector_store %arg12[%swap3A_1305], %gather3A_1300 {strides = array<i32>} : memref<128xi32, #tpu.memory_space<vmem>>, vector<16xi32>,
    %iota3A_1307 = tpu.iota {dimensions = array<i32: 0>} : vector<16xi32>
    %add3A_1308 = arith.constant 64 : i32
    %add3A_1309 = vector.broadcast %add3A_1308 : i32 to vector<16xi32>
    %add3A_1310 = arith.addi %iota3A_1307, %add3A_1309 : vector<16xi32>
    %gather3A_1311 = tpu.vector_load_idx %arg14[%add3A_1310, %broadcast_in_dim3A_400] : memref<128x16xi32, #tpu.memory_space<vmem>>[vector<16xi32>, vector<16xi32>], vector<16xi32>,
    %swap3A_1312 = arith.constant 6 : i32
    %swap3A_1313 = arith.index_cast %swap3A_1312 : i32 to index
    %swap3A_1314 = arith.constant 64 : index
    %swap3A_1315 = tpu.vector_load %arg10[%swap3A_1313, %swap3A_1314] {strides = array<i32>} : memref<8x128xi32, #tpu.memory_space<vmem>>, vector<16xi32>,
    tpu.vector_store %arg10[%swap3A_1313, %swap3A_1314], %gather3A_1311 {strides = array<i32>} : memref<8x128xi32, #tpu.memory_space<vmem>>, vector<16xi32>,
    %swap3A_1316 = arith.constant 64 : index
    %swap3A_1317 = tpu.vector_load %arg12[%swap3A_1316] {strides = array<i32>} : memref<128xi32, #tpu.memory_space<vmem>>, vector<16xi32>,
    tpu.vector_store %arg12[%swap3A_1316], %gather3A_1311 {strides = array<i32>} : memref<128xi32, #tpu.memory_space<vmem>>, vector<16xi32>,
    %iota3A_1318 = tpu.iota {dimensions = array<i32: 0>} : vector<16xi32>
    %add3A_1319 = arith.constant 80 : i32
    %add3A_1320 = vector.broadcast %add3A_1319 : i32 to vector<16xi32>
    %add3A_1321 = arith.addi %iota3A_1318, %add3A_1320 : vector<16xi32>
    %gather3A_1322 = tpu.vector_load_idx %arg14[%add3A_1321, %broadcast_in_dim3A_400] : memref<128x16xi32, #tpu.memory_space<vmem>>[vector<16xi32>, vector<16xi32>], vector<16xi32>,
    %swap3A_1323 = arith.constant 6 : i32
    %swap3A_1324 = arith.index_cast %swap3A_1323 : i32 to index
    %swap3A_1325 = arith.constant 80 : index
    %swap3A_1326 = tpu.vector_load %arg10[%swap3A_1324, %swap3A_1325] {strides = array<i32>} : memref<8x128xi32, #tpu.memory_space<vmem>>, vector<16xi32>,
    tpu.vector_store %arg10[%swap3A_1324, %swap3A_1325], %gather3A_1322 {strides = array<i32>} : memref<8x128xi32, #tpu.memory_space<vmem>>, vector<16xi32>,
    %swap3A_1327 = arith.constant 80 : index
    %swap3A_1328 = tpu.vector_load %arg12[%swap3A_1327] {strides = array<i32>} : memref<128xi32, #tpu.memory_space<vmem>>, vector<16xi32>,
    tpu.vector_store %arg12[%swap3A_1327], %gather3A_1322 {strides = array<i32>} : memref<128xi32, #tpu.memory_space<vmem>>, vector<16xi32>,
    %iota3A_1329 = tpu.iota {dimensions = array<i32: 0>} : vector<16xi32>
    %add3A_1330 = arith.constant 96 : i32
    %add3A_1331 = vector.broadcast %add3A_1330 : i32 to vector<16xi32>
    %add3A_1332 = arith.addi %iota3A_1329, %add3A_1331 : vector<16xi32>
    %gather3A_1333 = tpu.vector_load_idx %arg14[%add3A_1332, %broadcast_in_dim3A_400] : memref<128x16xi32, #tpu.memory_space<vmem>>[vector<16xi32>, vector<16xi32>], vector<16xi32>,
    %swap3A_1334 = arith.constant 6 : i32
    %swap3A_1335 = arith.index_cast %swap3A_1334 : i32 to index
    %swap3A_1336 = arith.constant 96 : index
    %swap3A_1337 = tpu.vector_load %arg10[%swap3A_1335, %swap3A_1336] {strides = array<i32>} : memref<8x128xi32, #tpu.memory_space<vmem>>, vector<16xi32>,
    tpu.vector_store %arg10[%swap3A_1335, %swap3A_1336], %gather3A_1333 {strides = array<i32>} : memref<8x128xi32, #tpu.memory_space<vmem>>, vector<16xi32>,
    %swap3A_1338 = arith.constant 96 : index
    %swap3A_1339 = tpu.vector_load %arg12[%swap3A_1338] {strides = array<i32>} : memref<128xi32, #tpu.memory_space<vmem>>, vector<16xi32>,
    tpu.vector_store %arg12[%swap3A_1338], %gather3A_1333 {strides = array<i32>} : memref<128xi32, #tpu.memory_space<vmem>>, vector<16xi32>,
    %iota3A_1340 = tpu.iota {dimensions = array<i32: 0>} : vector<16xi32>
    %add3A_1341 = arith.constant 112 : i32
    %add3A_1342 = vector.broadcast %add3A_1341 : i32 to vector<16xi32>
    %add3A_1343 = arith.addi %iota3A_1340, %add3A_1342 : vector<16xi32>
    %gather3A_1344 = tpu.vector_load_idx %arg14[%add3A_1343, %broadcast_in_dim3A_400] : memref<128x16xi32, #tpu.memory_space<vmem>>[vector<16xi32>, vector<16xi32>], vector<16xi32>,
    %swap3A_1345 = arith.constant 6 : i32
    %swap3A_1346 = arith.index_cast %swap3A_1345 : i32 to index
    %swap3A_1347 = arith.constant 112 : index
    %swap3A_1348 = tpu.vector_load %arg10[%swap3A_1346, %swap3A_1347] {strides = array<i32>} : memref<8x128xi32, #tpu.memory_space<vmem>>, vector<16xi32>,
    tpu.vector_store %arg10[%swap3A_1346, %swap3A_1347], %gather3A_1344 {strides = array<i32>} : memref<8x128xi32, #tpu.memory_space<vmem>>, vector<16xi32>,
    %swap3A_1349 = arith.constant 112 : index
    %swap3A_1350 = tpu.vector_load %arg12[%swap3A_1349] {strides = array<i32>} : memref<128xi32, #tpu.memory_space<vmem>>, vector<16xi32>,
    tpu.vector_store %arg12[%swap3A_1349], %gather3A_1344 {strides = array<i32>} : memref<128xi32, #tpu.memory_space<vmem>>, vector<16xi32>,
    "tpu.region"() ({
      %run_scoped3A = tpu.sem_alloc : memref<!tpu.dma_semaphore, #tpu.memory_space<semaphore_mem>>
      %dma_start3A = arith.constant 0 : i32
      %dma_start3A_2720 = arith.constant 0 : i32
      %dma_start3A_2721 = tpu.memref_slice %arg20[%dma_start3A, %dma_start3A_2720] : memref<16384x64xf32, #tpu.memory_space<vmem_shared>> -> memref<16384x64xf32, #tpu.memory_space<vmem_shared>>
      tpu.enqueue_indirect_dma source(%arg15 : memref<128x64xf32, #tpu.memory_space<vmem>>) target(%dma_start3A_2721 : memref<16384x64xf32, #tpu.memory_space<vmem_shared>>) offsets(%arg12 : memref<128xi32, #tpu.memory_space<vmem>>) semaphore(%run_scoped3A : memref<!tpu.dma_semaphore, #tpu.memory_space<semaphore_mem>>)
      %dma_wait3A = arith.constant 0 : i32
      %dma_wait3A_2722 = arith.constant 0 : i32
      %dma_wait3A_2723 = tpu.memref_slice %arg20[%dma_wait3A, %dma_wait3A_2722] : memref<16384x64xf32, #tpu.memory_space<vmem_shared>> -> memref<16384x64xf32, #tpu.memory_space<vmem_shared>>
      tpu.wait_indirect_dma semaphore(%run_scoped3A : memref<!tpu.dma_semaphore, #tpu.memory_space<semaphore_mem>>) src(%arg15 : memref<128x64xf32, #tpu.memory_space<vmem>>) dst(%dma_wait3A_2723 : memref<16384x64xf32, #tpu.memory_space<vmem_shared>>)
      tpu.yield
    }) : () -> ()
    %get3A_1351 = arith.constant 7 : i32
    %get3A_1352 = arith.index_cast %get3A_1351 : i32 to index
    %get3A_1353 = arith.constant 0 : index
    %get3A_1354 = tpu.vector_load %arg9[%get3A_1352, %get3A_1353] {strides = array<i32>} : memref<8x128xi32, #tpu.memory_space<vmem>>, vector<16xi32>,
    %swap3A_1355 = arith.constant 0 : index
    %swap3A_1356 = tpu.vector_load %arg11[%swap3A_1355] {strides = array<i32>} : memref<128xi32, #tpu.memory_space<vmem>>, vector<16xi32>,
    tpu.vector_store %arg11[%swap3A_1355], %get3A_1354 {strides = array<i32>} : memref<128xi32, #tpu.memory_space<vmem>>, vector<16xi32>,
    %get3A_1357 = arith.constant 7 : i32
    %get3A_1358 = arith.index_cast %get3A_1357 : i32 to index
    %get3A_1359 = arith.constant 16 : index
    %get3A_1360 = tpu.vector_load %arg9[%get3A_1358, %get3A_1359] {strides = array<i32>} : memref<8x128xi32, #tpu.memory_space<vmem>>, vector<16xi32>,
    %swap3A_1361 = arith.constant 16 : index
    %swap3A_1362 = tpu.vector_load %arg11[%swap3A_1361] {strides = array<i32>} : memref<128xi32, #tpu.memory_space<vmem>>, vector<16xi32>,
    tpu.vector_store %arg11[%swap3A_1361], %get3A_1360 {strides = array<i32>} : memref<128xi32, #tpu.memory_space<vmem>>, vector<16xi32>,
    %get3A_1363 = arith.constant 7 : i32
    %get3A_1364 = arith.index_cast %get3A_1363 : i32 to index
    %get3A_1365 = arith.constant 32 : index
    %get3A_1366 = tpu.vector_load %arg9[%get3A_1364, %get3A_1365] {strides = array<i32>} : memref<8x128xi32, #tpu.memory_space<vmem>>, vector<16xi32>,
    %swap3A_1367 = arith.constant 32 : index
    %swap3A_1368 = tpu.vector_load %arg11[%swap3A_1367] {strides = array<i32>} : memref<128xi32, #tpu.memory_space<vmem>>, vector<16xi32>,
    tpu.vector_store %arg11[%swap3A_1367], %get3A_1366 {strides = array<i32>} : memref<128xi32, #tpu.memory_space<vmem>>, vector<16xi32>,
    %get3A_1369 = arith.constant 7 : i32
    %get3A_1370 = arith.index_cast %get3A_1369 : i32 to index
    %get3A_1371 = arith.constant 48 : index
    %get3A_1372 = tpu.vector_load %arg9[%get3A_1370, %get3A_1371] {strides = array<i32>} : memref<8x128xi32, #tpu.memory_space<vmem>>, vector<16xi32>,
    %swap3A_1373 = arith.constant 48 : index
    %swap3A_1374 = tpu.vector_load %arg11[%swap3A_1373] {strides = array<i32>} : memref<128xi32, #tpu.memory_space<vmem>>, vector<16xi32>,
    tpu.vector_store %arg11[%swap3A_1373], %get3A_1372 {strides = array<i32>} : memref<128xi32, #tpu.memory_space<vmem>>, vector<16xi32>,
    %get3A_1375 = arith.constant 7 : i32
    %get3A_1376 = arith.index_cast %get3A_1375 : i32 to index
    %get3A_1377 = arith.constant 64 : index
    %get3A_1378 = tpu.vector_load %arg9[%get3A_1376, %get3A_1377] {strides = array<i32>} : memref<8x128xi32, #tpu.memory_space<vmem>>, vector<16xi32>,
    %swap3A_1379 = arith.constant 64 : index
    %swap3A_1380 = tpu.vector_load %arg11[%swap3A_1379] {strides = array<i32>} : memref<128xi32, #tpu.memory_space<vmem>>, vector<16xi32>,
    tpu.vector_store %arg11[%swap3A_1379], %get3A_1378 {strides = array<i32>} : memref<128xi32, #tpu.memory_space<vmem>>, vector<16xi32>,
    %get3A_1381 = arith.constant 7 : i32
    %get3A_1382 = arith.index_cast %get3A_1381 : i32 to index
    %get3A_1383 = arith.constant 80 : index
    %get3A_1384 = tpu.vector_load %arg9[%get3A_1382, %get3A_1383] {strides = array<i32>} : memref<8x128xi32, #tpu.memory_space<vmem>>, vector<16xi32>,
    %swap3A_1385 = arith.constant 80 : index
    %swap3A_1386 = tpu.vector_load %arg11[%swap3A_1385] {strides = array<i32>} : memref<128xi32, #tpu.memory_space<vmem>>, vector<16xi32>,
    tpu.vector_store %arg11[%swap3A_1385], %get3A_1384 {strides = array<i32>} : memref<128xi32, #tpu.memory_space<vmem>>, vector<16xi32>,
    %get3A_1387 = arith.constant 7 : i32
    %get3A_1388 = arith.index_cast %get3A_1387 : i32 to index
    %get3A_1389 = arith.constant 96 : index
    %get3A_1390 = tpu.vector_load %arg9[%get3A_1388, %get3A_1389] {strides = array<i32>} : memref<8x128xi32, #tpu.memory_space<vmem>>, vector<16xi32>,
    %swap3A_1391 = arith.constant 96 : index
    %swap3A_1392 = tpu.vector_load %arg11[%swap3A_1391] {strides = array<i32>} : memref<128xi32, #tpu.memory_space<vmem>>, vector<16xi32>,
    tpu.vector_store %arg11[%swap3A_1391], %get3A_1390 {strides = array<i32>} : memref<128xi32, #tpu.memory_space<vmem>>, vector<16xi32>,
    %get3A_1393 = arith.constant 7 : i32
    %get3A_1394 = arith.index_cast %get3A_1393 : i32 to index
    %get3A_1395 = arith.constant 112 : index
    %get3A_1396 = tpu.vector_load %arg9[%get3A_1394, %get3A_1395] {strides = array<i32>} : memref<8x128xi32, #tpu.memory_space<vmem>>, vector<16xi32>,
    %swap3A_1397 = arith.constant 112 : index
    %swap3A_1398 = tpu.vector_load %arg11[%swap3A_1397] {strides = array<i32>} : memref<128xi32, #tpu.memory_space<vmem>>, vector<16xi32>,
    tpu.vector_store %arg11[%swap3A_1397], %get3A_1396 {strides = array<i32>} : memref<128xi32, #tpu.memory_space<vmem>>, vector<16xi32>,
    "tpu.region"() ({
      %run_scoped3A = tpu.sem_alloc : memref<!tpu.dma_semaphore, #tpu.memory_space<semaphore_mem>>
      %dma_start3A = arith.constant 0 : i32
      %dma_start3A_2720 = arith.constant 0 : i32
      %dma_start3A_2721 = tpu.memref_slice %arg8[%dma_start3A, %dma_start3A_2720] : memref<1000000x16xi32, #tpu.memory_space<hbm>> -> memref<1000000x16xi32, #tpu.memory_space<hbm>>
      tpu.enqueue_indirect_dma source(%dma_start3A_2721 : memref<1000000x16xi32, #tpu.memory_space<hbm>>) target(%arg14 : memref<128x16xi32, #tpu.memory_space<vmem>>) offsets(%arg11 : memref<128xi32, #tpu.memory_space<vmem>>) semaphore(%run_scoped3A : memref<!tpu.dma_semaphore, #tpu.memory_space<semaphore_mem>>)
      %dma_wait3A = arith.constant 0 : i32
      %dma_wait3A_2722 = arith.constant 0 : i32
      %dma_wait3A_2723 = tpu.memref_slice %arg8[%dma_wait3A, %dma_wait3A_2722] : memref<1000000x16xi32, #tpu.memory_space<hbm>> -> memref<1000000x16xi32, #tpu.memory_space<hbm>>
      tpu.wait_indirect_dma semaphore(%run_scoped3A : memref<!tpu.dma_semaphore, #tpu.memory_space<semaphore_mem>>) src(%dma_wait3A_2723 : memref<1000000x16xi32, #tpu.memory_space<hbm>>) dst(%arg14 : memref<128x16xi32, #tpu.memory_space<vmem>>)
      tpu.yield
    }) : () -> ()
    %iota3A_1399 = tpu.iota {dimensions = array<i32: 0>} : vector<16xi32>
    %add3A_1400 = arith.constant 0 : i32
    %add3A_1401 = vector.broadcast %add3A_1400 : i32 to vector<16xi32>
    %add3A_1402 = arith.addi %iota3A_1399, %add3A_1401 : vector<16xi32>
    %gather3A_1403 = tpu.vector_load_idx %arg14[%add3A_1402, %broadcast_in_dim3A_400] : memref<128x16xi32, #tpu.memory_space<vmem>>[vector<16xi32>, vector<16xi32>], vector<16xi32>,
    %swap3A_1404 = arith.constant 7 : i32
    %swap3A_1405 = arith.index_cast %swap3A_1404 : i32 to index
    %swap3A_1406 = arith.constant 0 : index
    %swap3A_1407 = tpu.vector_load %arg10[%swap3A_1405, %swap3A_1406] {strides = array<i32>} : memref<8x128xi32, #tpu.memory_space<vmem>>, vector<16xi32>,
    tpu.vector_store %arg10[%swap3A_1405, %swap3A_1406], %gather3A_1403 {strides = array<i32>} : memref<8x128xi32, #tpu.memory_space<vmem>>, vector<16xi32>,
    %swap3A_1408 = arith.constant 0 : index
    %swap3A_1409 = tpu.vector_load %arg12[%swap3A_1408] {strides = array<i32>} : memref<128xi32, #tpu.memory_space<vmem>>, vector<16xi32>,
    tpu.vector_store %arg12[%swap3A_1408], %gather3A_1403 {strides = array<i32>} : memref<128xi32, #tpu.memory_space<vmem>>, vector<16xi32>,
    %iota3A_1410 = tpu.iota {dimensions = array<i32: 0>} : vector<16xi32>
    %add3A_1411 = arith.constant 16 : i32
    %add3A_1412 = vector.broadcast %add3A_1411 : i32 to vector<16xi32>
    %add3A_1413 = arith.addi %iota3A_1410, %add3A_1412 : vector<16xi32>
    %gather3A_1414 = tpu.vector_load_idx %arg14[%add3A_1413, %broadcast_in_dim3A_400] : memref<128x16xi32, #tpu.memory_space<vmem>>[vector<16xi32>, vector<16xi32>], vector<16xi32>,
    %swap3A_1415 = arith.constant 7 : i32
    %swap3A_1416 = arith.index_cast %swap3A_1415 : i32 to index
    %swap3A_1417 = arith.constant 16 : index
    %swap3A_1418 = tpu.vector_load %arg10[%swap3A_1416, %swap3A_1417] {strides = array<i32>} : memref<8x128xi32, #tpu.memory_space<vmem>>, vector<16xi32>,
    tpu.vector_store %arg10[%swap3A_1416, %swap3A_1417], %gather3A_1414 {strides = array<i32>} : memref<8x128xi32, #tpu.memory_space<vmem>>, vector<16xi32>,
    %swap3A_1419 = arith.constant 16 : index
    %swap3A_1420 = tpu.vector_load %arg12[%swap3A_1419] {strides = array<i32>} : memref<128xi32, #tpu.memory_space<vmem>>, vector<16xi32>,
    tpu.vector_store %arg12[%swap3A_1419], %gather3A_1414 {strides = array<i32>} : memref<128xi32, #tpu.memory_space<vmem>>, vector<16xi32>,
    %iota3A_1421 = tpu.iota {dimensions = array<i32: 0>} : vector<16xi32>
    %add3A_1422 = arith.constant 32 : i32
    %add3A_1423 = vector.broadcast %add3A_1422 : i32 to vector<16xi32>
    %add3A_1424 = arith.addi %iota3A_1421, %add3A_1423 : vector<16xi32>
    %gather3A_1425 = tpu.vector_load_idx %arg14[%add3A_1424, %broadcast_in_dim3A_400] : memref<128x16xi32, #tpu.memory_space<vmem>>[vector<16xi32>, vector<16xi32>], vector<16xi32>,
    %swap3A_1426 = arith.constant 7 : i32
    %swap3A_1427 = arith.index_cast %swap3A_1426 : i32 to index
    %swap3A_1428 = arith.constant 32 : index
    %swap3A_1429 = tpu.vector_load %arg10[%swap3A_1427, %swap3A_1428] {strides = array<i32>} : memref<8x128xi32, #tpu.memory_space<vmem>>, vector<16xi32>,
    tpu.vector_store %arg10[%swap3A_1427, %swap3A_1428], %gather3A_1425 {strides = array<i32>} : memref<8x128xi32, #tpu.memory_space<vmem>>, vector<16xi32>,
    %swap3A_1430 = arith.constant 32 : index
    %swap3A_1431 = tpu.vector_load %arg12[%swap3A_1430] {strides = array<i32>} : memref<128xi32, #tpu.memory_space<vmem>>, vector<16xi32>,
    tpu.vector_store %arg12[%swap3A_1430], %gather3A_1425 {strides = array<i32>} : memref<128xi32, #tpu.memory_space<vmem>>, vector<16xi32>,
    %iota3A_1432 = tpu.iota {dimensions = array<i32: 0>} : vector<16xi32>
    %add3A_1433 = arith.constant 48 : i32
    %add3A_1434 = vector.broadcast %add3A_1433 : i32 to vector<16xi32>
    %add3A_1435 = arith.addi %iota3A_1432, %add3A_1434 : vector<16xi32>
    %gather3A_1436 = tpu.vector_load_idx %arg14[%add3A_1435, %broadcast_in_dim3A_400] : memref<128x16xi32, #tpu.memory_space<vmem>>[vector<16xi32>, vector<16xi32>], vector<16xi32>,
    %swap3A_1437 = arith.constant 7 : i32
    %swap3A_1438 = arith.index_cast %swap3A_1437 : i32 to index
    %swap3A_1439 = arith.constant 48 : index
    %swap3A_1440 = tpu.vector_load %arg10[%swap3A_1438, %swap3A_1439] {strides = array<i32>} : memref<8x128xi32, #tpu.memory_space<vmem>>, vector<16xi32>,
    tpu.vector_store %arg10[%swap3A_1438, %swap3A_1439], %gather3A_1436 {strides = array<i32>} : memref<8x128xi32, #tpu.memory_space<vmem>>, vector<16xi32>,
    %swap3A_1441 = arith.constant 48 : index
    %swap3A_1442 = tpu.vector_load %arg12[%swap3A_1441] {strides = array<i32>} : memref<128xi32, #tpu.memory_space<vmem>>, vector<16xi32>,
    tpu.vector_store %arg12[%swap3A_1441], %gather3A_1436 {strides = array<i32>} : memref<128xi32, #tpu.memory_space<vmem>>, vector<16xi32>,
    %iota3A_1443 = tpu.iota {dimensions = array<i32: 0>} : vector<16xi32>
    %add3A_1444 = arith.constant 64 : i32
    %add3A_1445 = vector.broadcast %add3A_1444 : i32 to vector<16xi32>
    %add3A_1446 = arith.addi %iota3A_1443, %add3A_1445 : vector<16xi32>
    %gather3A_1447 = tpu.vector_load_idx %arg14[%add3A_1446, %broadcast_in_dim3A_400] : memref<128x16xi32, #tpu.memory_space<vmem>>[vector<16xi32>, vector<16xi32>], vector<16xi32>,
    %swap3A_1448 = arith.constant 7 : i32
    %swap3A_1449 = arith.index_cast %swap3A_1448 : i32 to index
    %swap3A_1450 = arith.constant 64 : index
    %swap3A_1451 = tpu.vector_load %arg10[%swap3A_1449, %swap3A_1450] {strides = array<i32>} : memref<8x128xi32, #tpu.memory_space<vmem>>, vector<16xi32>,
    tpu.vector_store %arg10[%swap3A_1449, %swap3A_1450], %gather3A_1447 {strides = array<i32>} : memref<8x128xi32, #tpu.memory_space<vmem>>, vector<16xi32>,
    %swap3A_1452 = arith.constant 64 : index
    %swap3A_1453 = tpu.vector_load %arg12[%swap3A_1452] {strides = array<i32>} : memref<128xi32, #tpu.memory_space<vmem>>, vector<16xi32>,
    tpu.vector_store %arg12[%swap3A_1452], %gather3A_1447 {strides = array<i32>} : memref<128xi32, #tpu.memory_space<vmem>>, vector<16xi32>,
    %iota3A_1454 = tpu.iota {dimensions = array<i32: 0>} : vector<16xi32>
    %add3A_1455 = arith.constant 80 : i32
    %add3A_1456 = vector.broadcast %add3A_1455 : i32 to vector<16xi32>
    %add3A_1457 = arith.addi %iota3A_1454, %add3A_1456 : vector<16xi32>
    %gather3A_1458 = tpu.vector_load_idx %arg14[%add3A_1457, %broadcast_in_dim3A_400] : memref<128x16xi32, #tpu.memory_space<vmem>>[vector<16xi32>, vector<16xi32>], vector<16xi32>,
    %swap3A_1459 = arith.constant 7 : i32
    %swap3A_1460 = arith.index_cast %swap3A_1459 : i32 to index
    %swap3A_1461 = arith.constant 80 : index
    %swap3A_1462 = tpu.vector_load %arg10[%swap3A_1460, %swap3A_1461] {strides = array<i32>} : memref<8x128xi32, #tpu.memory_space<vmem>>, vector<16xi32>,
    tpu.vector_store %arg10[%swap3A_1460, %swap3A_1461], %gather3A_1458 {strides = array<i32>} : memref<8x128xi32, #tpu.memory_space<vmem>>, vector<16xi32>,
    %swap3A_1463 = arith.constant 80 : index
    %swap3A_1464 = tpu.vector_load %arg12[%swap3A_1463] {strides = array<i32>} : memref<128xi32, #tpu.memory_space<vmem>>, vector<16xi32>,
    tpu.vector_store %arg12[%swap3A_1463], %gather3A_1458 {strides = array<i32>} : memref<128xi32, #tpu.memory_space<vmem>>, vector<16xi32>,
    %iota3A_1465 = tpu.iota {dimensions = array<i32: 0>} : vector<16xi32>
    %add3A_1466 = arith.constant 96 : i32
    %add3A_1467 = vector.broadcast %add3A_1466 : i32 to vector<16xi32>
    %add3A_1468 = arith.addi %iota3A_1465, %add3A_1467 : vector<16xi32>
    %gather3A_1469 = tpu.vector_load_idx %arg14[%add3A_1468, %broadcast_in_dim3A_400] : memref<128x16xi32, #tpu.memory_space<vmem>>[vector<16xi32>, vector<16xi32>], vector<16xi32>,
    %swap3A_1470 = arith.constant 7 : i32
    %swap3A_1471 = arith.index_cast %swap3A_1470 : i32 to index
    %swap3A_1472 = arith.constant 96 : index
    %swap3A_1473 = tpu.vector_load %arg10[%swap3A_1471, %swap3A_1472] {strides = array<i32>} : memref<8x128xi32, #tpu.memory_space<vmem>>, vector<16xi32>,
    tpu.vector_store %arg10[%swap3A_1471, %swap3A_1472], %gather3A_1469 {strides = array<i32>} : memref<8x128xi32, #tpu.memory_space<vmem>>, vector<16xi32>,
    %swap3A_1474 = arith.constant 96 : index
    %swap3A_1475 = tpu.vector_load %arg12[%swap3A_1474] {strides = array<i32>} : memref<128xi32, #tpu.memory_space<vmem>>, vector<16xi32>,
    tpu.vector_store %arg12[%swap3A_1474], %gather3A_1469 {strides = array<i32>} : memref<128xi32, #tpu.memory_space<vmem>>, vector<16xi32>,
    %iota3A_1476 = tpu.iota {dimensions = array<i32: 0>} : vector<16xi32>
    %add3A_1477 = arith.constant 112 : i32
    %add3A_1478 = vector.broadcast %add3A_1477 : i32 to vector<16xi32>
    %add3A_1479 = arith.addi %iota3A_1476, %add3A_1478 : vector<16xi32>
    %gather3A_1480 = tpu.vector_load_idx %arg14[%add3A_1479, %broadcast_in_dim3A_400] : memref<128x16xi32, #tpu.memory_space<vmem>>[vector<16xi32>, vector<16xi32>], vector<16xi32>,
    %swap3A_1481 = arith.constant 7 : i32
    %swap3A_1482 = arith.index_cast %swap3A_1481 : i32 to index
    %swap3A_1483 = arith.constant 112 : index
    %swap3A_1484 = tpu.vector_load %arg10[%swap3A_1482, %swap3A_1483] {strides = array<i32>} : memref<8x128xi32, #tpu.memory_space<vmem>>, vector<16xi32>,
    tpu.vector_store %arg10[%swap3A_1482, %swap3A_1483], %gather3A_1480 {strides = array<i32>} : memref<8x128xi32, #tpu.memory_space<vmem>>, vector<16xi32>,
    %swap3A_1485 = arith.constant 112 : index
    %swap3A_1486 = tpu.vector_load %arg12[%swap3A_1485] {strides = array<i32>} : memref<128xi32, #tpu.memory_space<vmem>>, vector<16xi32>,
    tpu.vector_store %arg12[%swap3A_1485], %gather3A_1480 {strides = array<i32>} : memref<128xi32, #tpu.memory_space<vmem>>, vector<16xi32>,
    "tpu.region"() ({
      %run_scoped3A = tpu.sem_alloc : memref<!tpu.dma_semaphore, #tpu.memory_space<semaphore_mem>>
      %dma_start3A = arith.constant 0 : i32
      %dma_start3A_2720 = arith.constant 0 : i32
      %dma_start3A_2721 = tpu.memref_slice %arg20[%dma_start3A, %dma_start3A_2720] : memref<16384x64xf32, #tpu.memory_space<vmem_shared>> -> memref<16384x64xf32, #tpu.memory_space<vmem_shared>>
      tpu.enqueue_indirect_dma source(%arg15 : memref<128x64xf32, #tpu.memory_space<vmem>>) target(%dma_start3A_2721 : memref<16384x64xf32, #tpu.memory_space<vmem_shared>>) offsets(%arg12 : memref<128xi32, #tpu.memory_space<vmem>>) semaphore(%run_scoped3A : memref<!tpu.dma_semaphore, #tpu.memory_space<semaphore_mem>>)
      %dma_wait3A = arith.constant 0 : i32
      %dma_wait3A_2722 = arith.constant 0 : i32
      %dma_wait3A_2723 = tpu.memref_slice %arg20[%dma_wait3A, %dma_wait3A_2722] : memref<16384x64xf32, #tpu.memory_space<vmem_shared>> -> memref<16384x64xf32, #tpu.memory_space<vmem_shared>>
      tpu.wait_indirect_dma semaphore(%run_scoped3A : memref<!tpu.dma_semaphore, #tpu.memory_space<semaphore_mem>>) src(%arg15 : memref<128x64xf32, #tpu.memory_space<vmem>>) dst(%dma_wait3A_2723 : memref<16384x64xf32, #tpu.memory_space<vmem_shared>>)
      tpu.yield
    }) : () -> ()
    %barrier3A_1487 = arith.constant 0 : index
    tpu.barrier barrier_id(%barrier3A_1487)
    %get3A_1488 = arith.constant 0 : i32
    %get3A_1489 = arith.index_cast %get3A_1488 : i32 to index
    %get3A_1490 = arith.constant 0 : index
    %get3A_1491 = tpu.vector_load %arg10[%get3A_1489, %get3A_1490] {strides = array<i32>} : memref<8x128xi32, #tpu.memory_space<vmem>>, vector<16xi32>,
    %swap3A_1492 = arith.constant 0 : index
    %swap3A_1493 = tpu.vector_load %arg12[%swap3A_1492] {strides = array<i32>} : memref<128xi32, #tpu.memory_space<vmem>>, vector<16xi32>,
    tpu.vector_store %arg12[%swap3A_1492], %get3A_1491 {strides = array<i32>} : memref<128xi32, #tpu.memory_space<vmem>>, vector<16xi32>,
    %get3A_1494 = arith.constant 0 : i32
    %get3A_1495 = arith.index_cast %get3A_1494 : i32 to index
    %get3A_1496 = arith.constant 16 : index
    %get3A_1497 = tpu.vector_load %arg10[%get3A_1495, %get3A_1496] {strides = array<i32>} : memref<8x128xi32, #tpu.memory_space<vmem>>, vector<16xi32>,
    %swap3A_1498 = arith.constant 16 : index
    %swap3A_1499 = tpu.vector_load %arg12[%swap3A_1498] {strides = array<i32>} : memref<128xi32, #tpu.memory_space<vmem>>, vector<16xi32>,
    tpu.vector_store %arg12[%swap3A_1498], %get3A_1497 {strides = array<i32>} : memref<128xi32, #tpu.memory_space<vmem>>, vector<16xi32>,
    %get3A_1500 = arith.constant 0 : i32
    %get3A_1501 = arith.index_cast %get3A_1500 : i32 to index
    %get3A_1502 = arith.constant 32 : index
    %get3A_1503 = tpu.vector_load %arg10[%get3A_1501, %get3A_1502] {strides = array<i32>} : memref<8x128xi32, #tpu.memory_space<vmem>>, vector<16xi32>,
    %swap3A_1504 = arith.constant 32 : index
    %swap3A_1505 = tpu.vector_load %arg12[%swap3A_1504] {strides = array<i32>} : memref<128xi32, #tpu.memory_space<vmem>>, vector<16xi32>,
    tpu.vector_store %arg12[%swap3A_1504], %get3A_1503 {strides = array<i32>} : memref<128xi32, #tpu.memory_space<vmem>>, vector<16xi32>,
    %get3A_1506 = arith.constant 0 : i32
    %get3A_1507 = arith.index_cast %get3A_1506 : i32 to index
    %get3A_1508 = arith.constant 48 : index
    %get3A_1509 = tpu.vector_load %arg10[%get3A_1507, %get3A_1508] {strides = array<i32>} : memref<8x128xi32, #tpu.memory_space<vmem>>, vector<16xi32>,
    %swap3A_1510 = arith.constant 48 : index
    %swap3A_1511 = tpu.vector_load %arg12[%swap3A_1510] {strides = array<i32>} : memref<128xi32, #tpu.memory_space<vmem>>, vector<16xi32>,
    tpu.vector_store %arg12[%swap3A_1510], %get3A_1509 {strides = array<i32>} : memref<128xi32, #tpu.memory_space<vmem>>, vector<16xi32>,
    %get3A_1512 = arith.constant 0 : i32
    %get3A_1513 = arith.index_cast %get3A_1512 : i32 to index
    %get3A_1514 = arith.constant 64 : index
    %get3A_1515 = tpu.vector_load %arg10[%get3A_1513, %get3A_1514] {strides = array<i32>} : memref<8x128xi32, #tpu.memory_space<vmem>>, vector<16xi32>,
    %swap3A_1516 = arith.constant 64 : index
    %swap3A_1517 = tpu.vector_load %arg12[%swap3A_1516] {strides = array<i32>} : memref<128xi32, #tpu.memory_space<vmem>>, vector<16xi32>,
    tpu.vector_store %arg12[%swap3A_1516], %get3A_1515 {strides = array<i32>} : memref<128xi32, #tpu.memory_space<vmem>>, vector<16xi32>,
    %get3A_1518 = arith.constant 0 : i32
    %get3A_1519 = arith.index_cast %get3A_1518 : i32 to index
    %get3A_1520 = arith.constant 80 : index
    %get3A_1521 = tpu.vector_load %arg10[%get3A_1519, %get3A_1520] {strides = array<i32>} : memref<8x128xi32, #tpu.memory_space<vmem>>, vector<16xi32>,
    %swap3A_1522 = arith.constant 80 : index
    %swap3A_1523 = tpu.vector_load %arg12[%swap3A_1522] {strides = array<i32>} : memref<128xi32, #tpu.memory_space<vmem>>, vector<16xi32>,
    tpu.vector_store %arg12[%swap3A_1522], %get3A_1521 {strides = array<i32>} : memref<128xi32, #tpu.memory_space<vmem>>, vector<16xi32>,
    %get3A_1524 = arith.constant 0 : i32
    %get3A_1525 = arith.index_cast %get3A_1524 : i32 to index
    %get3A_1526 = arith.constant 96 : index
    %get3A_1527 = tpu.vector_load %arg10[%get3A_1525, %get3A_1526] {strides = array<i32>} : memref<8x128xi32, #tpu.memory_space<vmem>>, vector<16xi32>,
    %swap3A_1528 = arith.constant 96 : index
    %swap3A_1529 = tpu.vector_load %arg12[%swap3A_1528] {strides = array<i32>} : memref<128xi32, #tpu.memory_space<vmem>>, vector<16xi32>,
    tpu.vector_store %arg12[%swap3A_1528], %get3A_1527 {strides = array<i32>} : memref<128xi32, #tpu.memory_space<vmem>>, vector<16xi32>,
    %get3A_1530 = arith.constant 0 : i32
    %get3A_1531 = arith.index_cast %get3A_1530 : i32 to index
    %get3A_1532 = arith.constant 112 : index
    %get3A_1533 = tpu.vector_load %arg10[%get3A_1531, %get3A_1532] {strides = array<i32>} : memref<8x128xi32, #tpu.memory_space<vmem>>, vector<16xi32>,
    %swap3A_1534 = arith.constant 112 : index
    %swap3A_1535 = tpu.vector_load %arg12[%swap3A_1534] {strides = array<i32>} : memref<128xi32, #tpu.memory_space<vmem>>, vector<16xi32>,
    tpu.vector_store %arg12[%swap3A_1534], %get3A_1533 {strides = array<i32>} : memref<128xi32, #tpu.memory_space<vmem>>, vector<16xi32>,
    %add3A_1536 = arith.constant 0 : i32
    %add3A_1537 = arith.addi %mul3A_2, %add3A_1536 : i32
    "tpu.region"() ({
      %run_scoped3A = tpu.sem_alloc : memref<!tpu.dma_semaphore, #tpu.memory_space<semaphore_mem>>
      %dma_start3A = arith.constant 0 : i32
      %dma_start3A_2720 = tpu.memref_slice %arg6[%add3A_1537, %dma_start3A] : memref<16384x64xf32, #tpu.memory_space<hbm>> -> memref<128x64xf32, #tpu.memory_space<hbm>>
      %dma_start3A_2721 = arith.constant 0 : i32
      %dma_start3A_2722 = tpu.memref_slice %arg6[%add3A_1537, %dma_start3A_2721] : memref<16384x64xf32, #tpu.memory_space<hbm>> -> memref<128x64xf32, #tpu.memory_space<hbm>>
      tpu.enqueue_dma source(%dma_start3A_2722 : memref<128x64xf32, #tpu.memory_space<hbm>>) target(%arg16 : memref<128x64xf32, #tpu.memory_space<vmem>>) target_semaphore(%run_scoped3A : memref<!tpu.dma_semaphore, #tpu.memory_space<semaphore_mem>>)
      %dma_wait3A = arith.constant 0 : i32
      %dma_wait3A_2723 = tpu.memref_slice %arg6[%add3A_1537, %dma_wait3A] : memref<16384x64xf32, #tpu.memory_space<hbm>> -> memref<128x64xf32, #tpu.memory_space<hbm>>
      %dma_wait3A_2724 = arith.constant 0 : i32
      %dma_wait3A_2725 = tpu.memref_slice %arg6[%add3A_1537, %dma_wait3A_2724] : memref<16384x64xf32, #tpu.memory_space<hbm>> -> memref<128x64xf32, #tpu.memory_space<hbm>>
      tpu.wait_dma2 semaphore(%run_scoped3A : memref<!tpu.dma_semaphore, #tpu.memory_space<semaphore_mem>>) src(%dma_wait3A_2725 : memref<128x64xf32, #tpu.memory_space<hbm>>) dst(%arg16 : memref<128x64xf32, #tpu.memory_space<vmem>>)
      tpu.yield
    }) : () -> ()
    "tpu.region"() ({
      %run_scoped3A = tpu.sem_alloc : memref<!tpu.dma_semaphore, #tpu.memory_space<semaphore_mem>>
      %dma_start3A = arith.constant 0 : i32
      %dma_start3A_2720 = arith.constant 0 : i32
      %dma_start3A_2721 = tpu.memref_slice %arg20[%dma_start3A, %dma_start3A_2720] : memref<16384x64xf32, #tpu.memory_space<vmem_shared>> -> memref<16384x64xf32, #tpu.memory_space<vmem_shared>>
      tpu.enqueue_indirect_dma source(%arg16 : memref<128x64xf32, #tpu.memory_space<vmem>>) target(%dma_start3A_2721 : memref<16384x64xf32, #tpu.memory_space<vmem_shared>>) offsets(%arg12 : memref<128xi32, #tpu.memory_space<vmem>>) semaphore(%run_scoped3A : memref<!tpu.dma_semaphore, #tpu.memory_space<semaphore_mem>>) {add = true}
      %dma_wait3A = arith.constant 0 : i32
      %dma_wait3A_2722 = arith.constant 0 : i32
      %dma_wait3A_2723 = tpu.memref_slice %arg20[%dma_wait3A, %dma_wait3A_2722] : memref<16384x64xf32, #tpu.memory_space<vmem_shared>> -> memref<16384x64xf32, #tpu.memory_space<vmem_shared>>
      tpu.wait_indirect_dma semaphore(%run_scoped3A : memref<!tpu.dma_semaphore, #tpu.memory_space<semaphore_mem>>) src(%arg16 : memref<128x64xf32, #tpu.memory_space<vmem>>) dst(%dma_wait3A_2723 : memref<16384x64xf32, #tpu.memory_space<vmem_shared>>)
      tpu.yield
    }) : () -> ()
    %get3A_1538 = arith.constant 1 : i32
    %get3A_1539 = arith.index_cast %get3A_1538 : i32 to index
    %get3A_1540 = arith.constant 0 : index
    %get3A_1541 = tpu.vector_load %arg10[%get3A_1539, %get3A_1540] {strides = array<i32>} : memref<8x128xi32, #tpu.memory_space<vmem>>, vector<16xi32>,
    %swap3A_1542 = arith.constant 0 : index
    %swap3A_1543 = tpu.vector_load %arg12[%swap3A_1542] {strides = array<i32>} : memref<128xi32, #tpu.memory_space<vmem>>, vector<16xi32>,
    tpu.vector_store %arg12[%swap3A_1542], %get3A_1541 {strides = array<i32>} : memref<128xi32, #tpu.memory_space<vmem>>, vector<16xi32>,
    %get3A_1544 = arith.constant 1 : i32
    %get3A_1545 = arith.index_cast %get3A_1544 : i32 to index
    %get3A_1546 = arith.constant 16 : index
    %get3A_1547 = tpu.vector_load %arg10[%get3A_1545, %get3A_1546] {strides = array<i32>} : memref<8x128xi32, #tpu.memory_space<vmem>>, vector<16xi32>,
    %swap3A_1548 = arith.constant 16 : index
    %swap3A_1549 = tpu.vector_load %arg12[%swap3A_1548] {strides = array<i32>} : memref<128xi32, #tpu.memory_space<vmem>>, vector<16xi32>,
    tpu.vector_store %arg12[%swap3A_1548], %get3A_1547 {strides = array<i32>} : memref<128xi32, #tpu.memory_space<vmem>>, vector<16xi32>,
    %get3A_1550 = arith.constant 1 : i32
    %get3A_1551 = arith.index_cast %get3A_1550 : i32 to index
    %get3A_1552 = arith.constant 32 : index
    %get3A_1553 = tpu.vector_load %arg10[%get3A_1551, %get3A_1552] {strides = array<i32>} : memref<8x128xi32, #tpu.memory_space<vmem>>, vector<16xi32>,
    %swap3A_1554 = arith.constant 32 : index
    %swap3A_1555 = tpu.vector_load %arg12[%swap3A_1554] {strides = array<i32>} : memref<128xi32, #tpu.memory_space<vmem>>, vector<16xi32>,
    tpu.vector_store %arg12[%swap3A_1554], %get3A_1553 {strides = array<i32>} : memref<128xi32, #tpu.memory_space<vmem>>, vector<16xi32>,
    %get3A_1556 = arith.constant 1 : i32
    %get3A_1557 = arith.index_cast %get3A_1556 : i32 to index
    %get3A_1558 = arith.constant 48 : index
    %get3A_1559 = tpu.vector_load %arg10[%get3A_1557, %get3A_1558] {strides = array<i32>} : memref<8x128xi32, #tpu.memory_space<vmem>>, vector<16xi32>,
    %swap3A_1560 = arith.constant 48 : index
    %swap3A_1561 = tpu.vector_load %arg12[%swap3A_1560] {strides = array<i32>} : memref<128xi32, #tpu.memory_space<vmem>>, vector<16xi32>,
    tpu.vector_store %arg12[%swap3A_1560], %get3A_1559 {strides = array<i32>} : memref<128xi32, #tpu.memory_space<vmem>>, vector<16xi32>,
    %get3A_1562 = arith.constant 1 : i32
    %get3A_1563 = arith.index_cast %get3A_1562 : i32 to index
    %get3A_1564 = arith.constant 64 : index
    %get3A_1565 = tpu.vector_load %arg10[%get3A_1563, %get3A_1564] {strides = array<i32>} : memref<8x128xi32, #tpu.memory_space<vmem>>, vector<16xi32>,
    %swap3A_1566 = arith.constant 64 : index
    %swap3A_1567 = tpu.vector_load %arg12[%swap3A_1566] {strides = array<i32>} : memref<128xi32, #tpu.memory_space<vmem>>, vector<16xi32>,
    tpu.vector_store %arg12[%swap3A_1566], %get3A_1565 {strides = array<i32>} : memref<128xi32, #tpu.memory_space<vmem>>, vector<16xi32>,
    %get3A_1568 = arith.constant 1 : i32
    %get3A_1569 = arith.index_cast %get3A_1568 : i32 to index
    %get3A_1570 = arith.constant 80 : index
    %get3A_1571 = tpu.vector_load %arg10[%get3A_1569, %get3A_1570] {strides = array<i32>} : memref<8x128xi32, #tpu.memory_space<vmem>>, vector<16xi32>,
    %swap3A_1572 = arith.constant 80 : index
    %swap3A_1573 = tpu.vector_load %arg12[%swap3A_1572] {strides = array<i32>} : memref<128xi32, #tpu.memory_space<vmem>>, vector<16xi32>,
    tpu.vector_store %arg12[%swap3A_1572], %get3A_1571 {strides = array<i32>} : memref<128xi32, #tpu.memory_space<vmem>>, vector<16xi32>,
    %get3A_1574 = arith.constant 1 : i32
    %get3A_1575 = arith.index_cast %get3A_1574 : i32 to index
    %get3A_1576 = arith.constant 96 : index
    %get3A_1577 = tpu.vector_load %arg10[%get3A_1575, %get3A_1576] {strides = array<i32>} : memref<8x128xi32, #tpu.memory_space<vmem>>, vector<16xi32>,
    %swap3A_1578 = arith.constant 96 : index
    %swap3A_1579 = tpu.vector_load %arg12[%swap3A_1578] {strides = array<i32>} : memref<128xi32, #tpu.memory_space<vmem>>, vector<16xi32>,
    tpu.vector_store %arg12[%swap3A_1578], %get3A_1577 {strides = array<i32>} : memref<128xi32, #tpu.memory_space<vmem>>, vector<16xi32>,
    %get3A_1580 = arith.constant 1 : i32
    %get3A_1581 = arith.index_cast %get3A_1580 : i32 to index
    %get3A_1582 = arith.constant 112 : index
    %get3A_1583 = tpu.vector_load %arg10[%get3A_1581, %get3A_1582] {strides = array<i32>} : memref<8x128xi32, #tpu.memory_space<vmem>>, vector<16xi32>,
    %swap3A_1584 = arith.constant 112 : index
    %swap3A_1585 = tpu.vector_load %arg12[%swap3A_1584] {strides = array<i32>} : memref<128xi32, #tpu.memory_space<vmem>>, vector<16xi32>,
    tpu.vector_store %arg12[%swap3A_1584], %get3A_1583 {strides = array<i32>} : memref<128xi32, #tpu.memory_space<vmem>>, vector<16xi32>,
    %add3A_1586 = arith.constant 128 : i32
    %add3A_1587 = arith.addi %mul3A_2, %add3A_1586 : i32
    "tpu.region"() ({
      %run_scoped3A = tpu.sem_alloc : memref<!tpu.dma_semaphore, #tpu.memory_space<semaphore_mem>>
      %dma_start3A = arith.constant 0 : i32
      %dma_start3A_2720 = tpu.memref_slice %arg6[%add3A_1587, %dma_start3A] : memref<16384x64xf32, #tpu.memory_space<hbm>> -> memref<128x64xf32, #tpu.memory_space<hbm>>
      %dma_start3A_2721 = arith.constant 0 : i32
      %dma_start3A_2722 = tpu.memref_slice %arg6[%add3A_1587, %dma_start3A_2721] : memref<16384x64xf32, #tpu.memory_space<hbm>> -> memref<128x64xf32, #tpu.memory_space<hbm>>
      tpu.enqueue_dma source(%dma_start3A_2722 : memref<128x64xf32, #tpu.memory_space<hbm>>) target(%arg16 : memref<128x64xf32, #tpu.memory_space<vmem>>) target_semaphore(%run_scoped3A : memref<!tpu.dma_semaphore, #tpu.memory_space<semaphore_mem>>)
      %dma_wait3A = arith.constant 0 : i32
      %dma_wait3A_2723 = tpu.memref_slice %arg6[%add3A_1587, %dma_wait3A] : memref<16384x64xf32, #tpu.memory_space<hbm>> -> memref<128x64xf32, #tpu.memory_space<hbm>>
      %dma_wait3A_2724 = arith.constant 0 : i32
      %dma_wait3A_2725 = tpu.memref_slice %arg6[%add3A_1587, %dma_wait3A_2724] : memref<16384x64xf32, #tpu.memory_space<hbm>> -> memref<128x64xf32, #tpu.memory_space<hbm>>
      tpu.wait_dma2 semaphore(%run_scoped3A : memref<!tpu.dma_semaphore, #tpu.memory_space<semaphore_mem>>) src(%dma_wait3A_2725 : memref<128x64xf32, #tpu.memory_space<hbm>>) dst(%arg16 : memref<128x64xf32, #tpu.memory_space<vmem>>)
      tpu.yield
    }) : () -> ()
    "tpu.region"() ({
      %run_scoped3A = tpu.sem_alloc : memref<!tpu.dma_semaphore, #tpu.memory_space<semaphore_mem>>
      %dma_start3A = arith.constant 0 : i32
      %dma_start3A_2720 = arith.constant 0 : i32
      %dma_start3A_2721 = tpu.memref_slice %arg20[%dma_start3A, %dma_start3A_2720] : memref<16384x64xf32, #tpu.memory_space<vmem_shared>> -> memref<16384x64xf32, #tpu.memory_space<vmem_shared>>
      tpu.enqueue_indirect_dma source(%arg16 : memref<128x64xf32, #tpu.memory_space<vmem>>) target(%dma_start3A_2721 : memref<16384x64xf32, #tpu.memory_space<vmem_shared>>) offsets(%arg12 : memref<128xi32, #tpu.memory_space<vmem>>) semaphore(%run_scoped3A : memref<!tpu.dma_semaphore, #tpu.memory_space<semaphore_mem>>) {add = true}
      %dma_wait3A = arith.constant 0 : i32
      %dma_wait3A_2722 = arith.constant 0 : i32
      %dma_wait3A_2723 = tpu.memref_slice %arg20[%dma_wait3A, %dma_wait3A_2722] : memref<16384x64xf32, #tpu.memory_space<vmem_shared>> -> memref<16384x64xf32, #tpu.memory_space<vmem_shared>>
      tpu.wait_indirect_dma semaphore(%run_scoped3A : memref<!tpu.dma_semaphore, #tpu.memory_space<semaphore_mem>>) src(%arg16 : memref<128x64xf32, #tpu.memory_space<vmem>>) dst(%dma_wait3A_2723 : memref<16384x64xf32, #tpu.memory_space<vmem_shared>>)
      tpu.yield
    }) : () -> ()
    %get3A_1588 = arith.constant 2 : i32
    %get3A_1589 = arith.index_cast %get3A_1588 : i32 to index
    %get3A_1590 = arith.constant 0 : index
    %get3A_1591 = tpu.vector_load %arg10[%get3A_1589, %get3A_1590] {strides = array<i32>} : memref<8x128xi32, #tpu.memory_space<vmem>>, vector<16xi32>,
    %swap3A_1592 = arith.constant 0 : index
    %swap3A_1593 = tpu.vector_load %arg12[%swap3A_1592] {strides = array<i32>} : memref<128xi32, #tpu.memory_space<vmem>>, vector<16xi32>,
    tpu.vector_store %arg12[%swap3A_1592], %get3A_1591 {strides = array<i32>} : memref<128xi32, #tpu.memory_space<vmem>>, vector<16xi32>,
    %get3A_1594 = arith.constant 2 : i32
    %get3A_1595 = arith.index_cast %get3A_1594 : i32 to index
    %get3A_1596 = arith.constant 16 : index
    %get3A_1597 = tpu.vector_load %arg10[%get3A_1595, %get3A_1596] {strides = array<i32>} : memref<8x128xi32, #tpu.memory_space<vmem>>, vector<16xi32>,
    %swap3A_1598 = arith.constant 16 : index
    %swap3A_1599 = tpu.vector_load %arg12[%swap3A_1598] {strides = array<i32>} : memref<128xi32, #tpu.memory_space<vmem>>, vector<16xi32>,
    tpu.vector_store %arg12[%swap3A_1598], %get3A_1597 {strides = array<i32>} : memref<128xi32, #tpu.memory_space<vmem>>, vector<16xi32>,
    %get3A_1600 = arith.constant 2 : i32
    %get3A_1601 = arith.index_cast %get3A_1600 : i32 to index
    %get3A_1602 = arith.constant 32 : index
    %get3A_1603 = tpu.vector_load %arg10[%get3A_1601, %get3A_1602] {strides = array<i32>} : memref<8x128xi32, #tpu.memory_space<vmem>>, vector<16xi32>,
    %swap3A_1604 = arith.constant 32 : index
    %swap3A_1605 = tpu.vector_load %arg12[%swap3A_1604] {strides = array<i32>} : memref<128xi32, #tpu.memory_space<vmem>>, vector<16xi32>,
    tpu.vector_store %arg12[%swap3A_1604], %get3A_1603 {strides = array<i32>} : memref<128xi32, #tpu.memory_space<vmem>>, vector<16xi32>,
    %get3A_1606 = arith.constant 2 : i32
    %get3A_1607 = arith.index_cast %get3A_1606 : i32 to index
    %get3A_1608 = arith.constant 48 : index
    %get3A_1609 = tpu.vector_load %arg10[%get3A_1607, %get3A_1608] {strides = array<i32>} : memref<8x128xi32, #tpu.memory_space<vmem>>, vector<16xi32>,
    %swap3A_1610 = arith.constant 48 : index
    %swap3A_1611 = tpu.vector_load %arg12[%swap3A_1610] {strides = array<i32>} : memref<128xi32, #tpu.memory_space<vmem>>, vector<16xi32>,
    tpu.vector_store %arg12[%swap3A_1610], %get3A_1609 {strides = array<i32>} : memref<128xi32, #tpu.memory_space<vmem>>, vector<16xi32>,
    %get3A_1612 = arith.constant 2 : i32
    %get3A_1613 = arith.index_cast %get3A_1612 : i32 to index
    %get3A_1614 = arith.constant 64 : index
    %get3A_1615 = tpu.vector_load %arg10[%get3A_1613, %get3A_1614] {strides = array<i32>} : memref<8x128xi32, #tpu.memory_space<vmem>>, vector<16xi32>,
    %swap3A_1616 = arith.constant 64 : index
    %swap3A_1617 = tpu.vector_load %arg12[%swap3A_1616] {strides = array<i32>} : memref<128xi32, #tpu.memory_space<vmem>>, vector<16xi32>,
    tpu.vector_store %arg12[%swap3A_1616], %get3A_1615 {strides = array<i32>} : memref<128xi32, #tpu.memory_space<vmem>>, vector<16xi32>,
    %get3A_1618 = arith.constant 2 : i32
    %get3A_1619 = arith.index_cast %get3A_1618 : i32 to index
    %get3A_1620 = arith.constant 80 : index
    %get3A_1621 = tpu.vector_load %arg10[%get3A_1619, %get3A_1620] {strides = array<i32>} : memref<8x128xi32, #tpu.memory_space<vmem>>, vector<16xi32>,
    %swap3A_1622 = arith.constant 80 : index
    %swap3A_1623 = tpu.vector_load %arg12[%swap3A_1622] {strides = array<i32>} : memref<128xi32, #tpu.memory_space<vmem>>, vector<16xi32>,
    tpu.vector_store %arg12[%swap3A_1622], %get3A_1621 {strides = array<i32>} : memref<128xi32, #tpu.memory_space<vmem>>, vector<16xi32>,
    %get3A_1624 = arith.constant 2 : i32
    %get3A_1625 = arith.index_cast %get3A_1624 : i32 to index
    %get3A_1626 = arith.constant 96 : index
    %get3A_1627 = tpu.vector_load %arg10[%get3A_1625, %get3A_1626] {strides = array<i32>} : memref<8x128xi32, #tpu.memory_space<vmem>>, vector<16xi32>,
    %swap3A_1628 = arith.constant 96 : index
    %swap3A_1629 = tpu.vector_load %arg12[%swap3A_1628] {strides = array<i32>} : memref<128xi32, #tpu.memory_space<vmem>>, vector<16xi32>,
    tpu.vector_store %arg12[%swap3A_1628], %get3A_1627 {strides = array<i32>} : memref<128xi32, #tpu.memory_space<vmem>>, vector<16xi32>,
    %get3A_1630 = arith.constant 2 : i32
    %get3A_1631 = arith.index_cast %get3A_1630 : i32 to index
    %get3A_1632 = arith.constant 112 : index
    %get3A_1633 = tpu.vector_load %arg10[%get3A_1631, %get3A_1632] {strides = array<i32>} : memref<8x128xi32, #tpu.memory_space<vmem>>, vector<16xi32>,
    %swap3A_1634 = arith.constant 112 : index
    %swap3A_1635 = tpu.vector_load %arg12[%swap3A_1634] {strides = array<i32>} : memref<128xi32, #tpu.memory_space<vmem>>, vector<16xi32>,
    tpu.vector_store %arg12[%swap3A_1634], %get3A_1633 {strides = array<i32>} : memref<128xi32, #tpu.memory_space<vmem>>, vector<16xi32>,
    %add3A_1636 = arith.constant 256 : i32
    %add3A_1637 = arith.addi %mul3A_2, %add3A_1636 : i32
    "tpu.region"() ({
      %run_scoped3A = tpu.sem_alloc : memref<!tpu.dma_semaphore, #tpu.memory_space<semaphore_mem>>
      %dma_start3A = arith.constant 0 : i32
      %dma_start3A_2720 = tpu.memref_slice %arg6[%add3A_1637, %dma_start3A] : memref<16384x64xf32, #tpu.memory_space<hbm>> -> memref<128x64xf32, #tpu.memory_space<hbm>>
      %dma_start3A_2721 = arith.constant 0 : i32
      %dma_start3A_2722 = tpu.memref_slice %arg6[%add3A_1637, %dma_start3A_2721] : memref<16384x64xf32, #tpu.memory_space<hbm>> -> memref<128x64xf32, #tpu.memory_space<hbm>>
      tpu.enqueue_dma source(%dma_start3A_2722 : memref<128x64xf32, #tpu.memory_space<hbm>>) target(%arg16 : memref<128x64xf32, #tpu.memory_space<vmem>>) target_semaphore(%run_scoped3A : memref<!tpu.dma_semaphore, #tpu.memory_space<semaphore_mem>>)
      %dma_wait3A = arith.constant 0 : i32
      %dma_wait3A_2723 = tpu.memref_slice %arg6[%add3A_1637, %dma_wait3A] : memref<16384x64xf32, #tpu.memory_space<hbm>> -> memref<128x64xf32, #tpu.memory_space<hbm>>
      %dma_wait3A_2724 = arith.constant 0 : i32
      %dma_wait3A_2725 = tpu.memref_slice %arg6[%add3A_1637, %dma_wait3A_2724] : memref<16384x64xf32, #tpu.memory_space<hbm>> -> memref<128x64xf32, #tpu.memory_space<hbm>>
      tpu.wait_dma2 semaphore(%run_scoped3A : memref<!tpu.dma_semaphore, #tpu.memory_space<semaphore_mem>>) src(%dma_wait3A_2725 : memref<128x64xf32, #tpu.memory_space<hbm>>) dst(%arg16 : memref<128x64xf32, #tpu.memory_space<vmem>>)
      tpu.yield
    }) : () -> ()
    "tpu.region"() ({
      %run_scoped3A = tpu.sem_alloc : memref<!tpu.dma_semaphore, #tpu.memory_space<semaphore_mem>>
      %dma_start3A = arith.constant 0 : i32
      %dma_start3A_2720 = arith.constant 0 : i32
      %dma_start3A_2721 = tpu.memref_slice %arg20[%dma_start3A, %dma_start3A_2720] : memref<16384x64xf32, #tpu.memory_space<vmem_shared>> -> memref<16384x64xf32, #tpu.memory_space<vmem_shared>>
      tpu.enqueue_indirect_dma source(%arg16 : memref<128x64xf32, #tpu.memory_space<vmem>>) target(%dma_start3A_2721 : memref<16384x64xf32, #tpu.memory_space<vmem_shared>>) offsets(%arg12 : memref<128xi32, #tpu.memory_space<vmem>>) semaphore(%run_scoped3A : memref<!tpu.dma_semaphore, #tpu.memory_space<semaphore_mem>>) {add = true}
      %dma_wait3A = arith.constant 0 : i32
      %dma_wait3A_2722 = arith.constant 0 : i32
      %dma_wait3A_2723 = tpu.memref_slice %arg20[%dma_wait3A, %dma_wait3A_2722] : memref<16384x64xf32, #tpu.memory_space<vmem_shared>> -> memref<16384x64xf32, #tpu.memory_space<vmem_shared>>
      tpu.wait_indirect_dma semaphore(%run_scoped3A : memref<!tpu.dma_semaphore, #tpu.memory_space<semaphore_mem>>) src(%arg16 : memref<128x64xf32, #tpu.memory_space<vmem>>) dst(%dma_wait3A_2723 : memref<16384x64xf32, #tpu.memory_space<vmem_shared>>)
      tpu.yield
    }) : () -> ()
    %get3A_1638 = arith.constant 3 : i32
    %get3A_1639 = arith.index_cast %get3A_1638 : i32 to index
    %get3A_1640 = arith.constant 0 : index
    %get3A_1641 = tpu.vector_load %arg10[%get3A_1639, %get3A_1640] {strides = array<i32>} : memref<8x128xi32, #tpu.memory_space<vmem>>, vector<16xi32>,
    %swap3A_1642 = arith.constant 0 : index
    %swap3A_1643 = tpu.vector_load %arg12[%swap3A_1642] {strides = array<i32>} : memref<128xi32, #tpu.memory_space<vmem>>, vector<16xi32>,
    tpu.vector_store %arg12[%swap3A_1642], %get3A_1641 {strides = array<i32>} : memref<128xi32, #tpu.memory_space<vmem>>, vector<16xi32>,
    %get3A_1644 = arith.constant 3 : i32
    %get3A_1645 = arith.index_cast %get3A_1644 : i32 to index
    %get3A_1646 = arith.constant 16 : index
    %get3A_1647 = tpu.vector_load %arg10[%get3A_1645, %get3A_1646] {strides = array<i32>} : memref<8x128xi32, #tpu.memory_space<vmem>>, vector<16xi32>,
    %swap3A_1648 = arith.constant 16 : index
    %swap3A_1649 = tpu.vector_load %arg12[%swap3A_1648] {strides = array<i32>} : memref<128xi32, #tpu.memory_space<vmem>>, vector<16xi32>,
    tpu.vector_store %arg12[%swap3A_1648], %get3A_1647 {strides = array<i32>} : memref<128xi32, #tpu.memory_space<vmem>>, vector<16xi32>,
    %get3A_1650 = arith.constant 3 : i32
    %get3A_1651 = arith.index_cast %get3A_1650 : i32 to index
    %get3A_1652 = arith.constant 32 : index
    %get3A_1653 = tpu.vector_load %arg10[%get3A_1651, %get3A_1652] {strides = array<i32>} : memref<8x128xi32, #tpu.memory_space<vmem>>, vector<16xi32>,
    %swap3A_1654 = arith.constant 32 : index
    %swap3A_1655 = tpu.vector_load %arg12[%swap3A_1654] {strides = array<i32>} : memref<128xi32, #tpu.memory_space<vmem>>, vector<16xi32>,
    tpu.vector_store %arg12[%swap3A_1654], %get3A_1653 {strides = array<i32>} : memref<128xi32, #tpu.memory_space<vmem>>, vector<16xi32>,
    %get3A_1656 = arith.constant 3 : i32
    %get3A_1657 = arith.index_cast %get3A_1656 : i32 to index
    %get3A_1658 = arith.constant 48 : index
    %get3A_1659 = tpu.vector_load %arg10[%get3A_1657, %get3A_1658] {strides = array<i32>} : memref<8x128xi32, #tpu.memory_space<vmem>>, vector<16xi32>,
    %swap3A_1660 = arith.constant 48 : index
    %swap3A_1661 = tpu.vector_load %arg12[%swap3A_1660] {strides = array<i32>} : memref<128xi32, #tpu.memory_space<vmem>>, vector<16xi32>,
    tpu.vector_store %arg12[%swap3A_1660], %get3A_1659 {strides = array<i32>} : memref<128xi32, #tpu.memory_space<vmem>>, vector<16xi32>,
    %get3A_1662 = arith.constant 3 : i32
    %get3A_1663 = arith.index_cast %get3A_1662 : i32 to index
    %get3A_1664 = arith.constant 64 : index
    %get3A_1665 = tpu.vector_load %arg10[%get3A_1663, %get3A_1664] {strides = array<i32>} : memref<8x128xi32, #tpu.memory_space<vmem>>, vector<16xi32>,
    %swap3A_1666 = arith.constant 64 : index
    %swap3A_1667 = tpu.vector_load %arg12[%swap3A_1666] {strides = array<i32>} : memref<128xi32, #tpu.memory_space<vmem>>, vector<16xi32>,
    tpu.vector_store %arg12[%swap3A_1666], %get3A_1665 {strides = array<i32>} : memref<128xi32, #tpu.memory_space<vmem>>, vector<16xi32>,
    %get3A_1668 = arith.constant 3 : i32
    %get3A_1669 = arith.index_cast %get3A_1668 : i32 to index
    %get3A_1670 = arith.constant 80 : index
    %get3A_1671 = tpu.vector_load %arg10[%get3A_1669, %get3A_1670] {strides = array<i32>} : memref<8x128xi32, #tpu.memory_space<vmem>>, vector<16xi32>,
    %swap3A_1672 = arith.constant 80 : index
    %swap3A_1673 = tpu.vector_load %arg12[%swap3A_1672] {strides = array<i32>} : memref<128xi32, #tpu.memory_space<vmem>>, vector<16xi32>,
    tpu.vector_store %arg12[%swap3A_1672], %get3A_1671 {strides = array<i32>} : memref<128xi32, #tpu.memory_space<vmem>>, vector<16xi32>,
    %get3A_1674 = arith.constant 3 : i32
    %get3A_1675 = arith.index_cast %get3A_1674 : i32 to index
    %get3A_1676 = arith.constant 96 : index
    %get3A_1677 = tpu.vector_load %arg10[%get3A_1675, %get3A_1676] {strides = array<i32>} : memref<8x128xi32, #tpu.memory_space<vmem>>, vector<16xi32>,
    %swap3A_1678 = arith.constant 96 : index
    %swap3A_1679 = tpu.vector_load %arg12[%swap3A_1678] {strides = array<i32>} : memref<128xi32, #tpu.memory_space<vmem>>, vector<16xi32>,
    tpu.vector_store %arg12[%swap3A_1678], %get3A_1677 {strides = array<i32>} : memref<128xi32, #tpu.memory_space<vmem>>, vector<16xi32>,
    %get3A_1680 = arith.constant 3 : i32
    %get3A_1681 = arith.index_cast %get3A_1680 : i32 to index
    %get3A_1682 = arith.constant 112 : index
    %get3A_1683 = tpu.vector_load %arg10[%get3A_1681, %get3A_1682] {strides = array<i32>} : memref<8x128xi32, #tpu.memory_space<vmem>>, vector<16xi32>,
    %swap3A_1684 = arith.constant 112 : index
    %swap3A_1685 = tpu.vector_load %arg12[%swap3A_1684] {strides = array<i32>} : memref<128xi32, #tpu.memory_space<vmem>>, vector<16xi32>,
    tpu.vector_store %arg12[%swap3A_1684], %get3A_1683 {strides = array<i32>} : memref<128xi32, #tpu.memory_space<vmem>>, vector<16xi32>,
    %add3A_1686 = arith.constant 384 : i32
    %add3A_1687 = arith.addi %mul3A_2, %add3A_1686 : i32
    "tpu.region"() ({
      %run_scoped3A = tpu.sem_alloc : memref<!tpu.dma_semaphore, #tpu.memory_space<semaphore_mem>>
      %dma_start3A = arith.constant 0 : i32
      %dma_start3A_2720 = tpu.memref_slice %arg6[%add3A_1687, %dma_start3A] : memref<16384x64xf32, #tpu.memory_space<hbm>> -> memref<128x64xf32, #tpu.memory_space<hbm>>
      %dma_start3A_2721 = arith.constant 0 : i32
      %dma_start3A_2722 = tpu.memref_slice %arg6[%add3A_1687, %dma_start3A_2721] : memref<16384x64xf32, #tpu.memory_space<hbm>> -> memref<128x64xf32, #tpu.memory_space<hbm>>
      tpu.enqueue_dma source(%dma_start3A_2722 : memref<128x64xf32, #tpu.memory_space<hbm>>) target(%arg16 : memref<128x64xf32, #tpu.memory_space<vmem>>) target_semaphore(%run_scoped3A : memref<!tpu.dma_semaphore, #tpu.memory_space<semaphore_mem>>)
      %dma_wait3A = arith.constant 0 : i32
      %dma_wait3A_2723 = tpu.memref_slice %arg6[%add3A_1687, %dma_wait3A] : memref<16384x64xf32, #tpu.memory_space<hbm>> -> memref<128x64xf32, #tpu.memory_space<hbm>>
      %dma_wait3A_2724 = arith.constant 0 : i32
      %dma_wait3A_2725 = tpu.memref_slice %arg6[%add3A_1687, %dma_wait3A_2724] : memref<16384x64xf32, #tpu.memory_space<hbm>> -> memref<128x64xf32, #tpu.memory_space<hbm>>
      tpu.wait_dma2 semaphore(%run_scoped3A : memref<!tpu.dma_semaphore, #tpu.memory_space<semaphore_mem>>) src(%dma_wait3A_2725 : memref<128x64xf32, #tpu.memory_space<hbm>>) dst(%arg16 : memref<128x64xf32, #tpu.memory_space<vmem>>)
      tpu.yield
    }) : () -> ()
    "tpu.region"() ({
      %run_scoped3A = tpu.sem_alloc : memref<!tpu.dma_semaphore, #tpu.memory_space<semaphore_mem>>
      %dma_start3A = arith.constant 0 : i32
      %dma_start3A_2720 = arith.constant 0 : i32
      %dma_start3A_2721 = tpu.memref_slice %arg20[%dma_start3A, %dma_start3A_2720] : memref<16384x64xf32, #tpu.memory_space<vmem_shared>> -> memref<16384x64xf32, #tpu.memory_space<vmem_shared>>
      tpu.enqueue_indirect_dma source(%arg16 : memref<128x64xf32, #tpu.memory_space<vmem>>) target(%dma_start3A_2721 : memref<16384x64xf32, #tpu.memory_space<vmem_shared>>) offsets(%arg12 : memref<128xi32, #tpu.memory_space<vmem>>) semaphore(%run_scoped3A : memref<!tpu.dma_semaphore, #tpu.memory_space<semaphore_mem>>) {add = true}
      %dma_wait3A = arith.constant 0 : i32
      %dma_wait3A_2722 = arith.constant 0 : i32
      %dma_wait3A_2723 = tpu.memref_slice %arg20[%dma_wait3A, %dma_wait3A_2722] : memref<16384x64xf32, #tpu.memory_space<vmem_shared>> -> memref<16384x64xf32, #tpu.memory_space<vmem_shared>>
      tpu.wait_indirect_dma semaphore(%run_scoped3A : memref<!tpu.dma_semaphore, #tpu.memory_space<semaphore_mem>>) src(%arg16 : memref<128x64xf32, #tpu.memory_space<vmem>>) dst(%dma_wait3A_2723 : memref<16384x64xf32, #tpu.memory_space<vmem_shared>>)
      tpu.yield
    }) : () -> ()
    %get3A_1688 = arith.constant 4 : i32
    %get3A_1689 = arith.index_cast %get3A_1688 : i32 to index
    %get3A_1690 = arith.constant 0 : index
    %get3A_1691 = tpu.vector_load %arg10[%get3A_1689, %get3A_1690] {strides = array<i32>} : memref<8x128xi32, #tpu.memory_space<vmem>>, vector<16xi32>,
    %swap3A_1692 = arith.constant 0 : index
    %swap3A_1693 = tpu.vector_load %arg12[%swap3A_1692] {strides = array<i32>} : memref<128xi32, #tpu.memory_space<vmem>>, vector<16xi32>,
    tpu.vector_store %arg12[%swap3A_1692], %get3A_1691 {strides = array<i32>} : memref<128xi32, #tpu.memory_space<vmem>>, vector<16xi32>,
    %get3A_1694 = arith.constant 4 : i32
    %get3A_1695 = arith.index_cast %get3A_1694 : i32 to index
    %get3A_1696 = arith.constant 16 : index
    %get3A_1697 = tpu.vector_load %arg10[%get3A_1695, %get3A_1696] {strides = array<i32>} : memref<8x128xi32, #tpu.memory_space<vmem>>, vector<16xi32>,
    %swap3A_1698 = arith.constant 16 : index
    %swap3A_1699 = tpu.vector_load %arg12[%swap3A_1698] {strides = array<i32>} : memref<128xi32, #tpu.memory_space<vmem>>, vector<16xi32>,
    tpu.vector_store %arg12[%swap3A_1698], %get3A_1697 {strides = array<i32>} : memref<128xi32, #tpu.memory_space<vmem>>, vector<16xi32>,
    %get3A_1700 = arith.constant 4 : i32
    %get3A_1701 = arith.index_cast %get3A_1700 : i32 to index
    %get3A_1702 = arith.constant 32 : index
    %get3A_1703 = tpu.vector_load %arg10[%get3A_1701, %get3A_1702] {strides = array<i32>} : memref<8x128xi32, #tpu.memory_space<vmem>>, vector<16xi32>,
    %swap3A_1704 = arith.constant 32 : index
    %swap3A_1705 = tpu.vector_load %arg12[%swap3A_1704] {strides = array<i32>} : memref<128xi32, #tpu.memory_space<vmem>>, vector<16xi32>,
    tpu.vector_store %arg12[%swap3A_1704], %get3A_1703 {strides = array<i32>} : memref<128xi32, #tpu.memory_space<vmem>>, vector<16xi32>,
    %get3A_1706 = arith.constant 4 : i32
    %get3A_1707 = arith.index_cast %get3A_1706 : i32 to index
    %get3A_1708 = arith.constant 48 : index
    %get3A_1709 = tpu.vector_load %arg10[%get3A_1707, %get3A_1708] {strides = array<i32>} : memref<8x128xi32, #tpu.memory_space<vmem>>, vector<16xi32>,
    %swap3A_1710 = arith.constant 48 : index
    %swap3A_1711 = tpu.vector_load %arg12[%swap3A_1710] {strides = array<i32>} : memref<128xi32, #tpu.memory_space<vmem>>, vector<16xi32>,
    tpu.vector_store %arg12[%swap3A_1710], %get3A_1709 {strides = array<i32>} : memref<128xi32, #tpu.memory_space<vmem>>, vector<16xi32>,
    %get3A_1712 = arith.constant 4 : i32
    %get3A_1713 = arith.index_cast %get3A_1712 : i32 to index
    %get3A_1714 = arith.constant 64 : index
    %get3A_1715 = tpu.vector_load %arg10[%get3A_1713, %get3A_1714] {strides = array<i32>} : memref<8x128xi32, #tpu.memory_space<vmem>>, vector<16xi32>,
    %swap3A_1716 = arith.constant 64 : index
    %swap3A_1717 = tpu.vector_load %arg12[%swap3A_1716] {strides = array<i32>} : memref<128xi32, #tpu.memory_space<vmem>>, vector<16xi32>,
    tpu.vector_store %arg12[%swap3A_1716], %get3A_1715 {strides = array<i32>} : memref<128xi32, #tpu.memory_space<vmem>>, vector<16xi32>,
    %get3A_1718 = arith.constant 4 : i32
    %get3A_1719 = arith.index_cast %get3A_1718 : i32 to index
    %get3A_1720 = arith.constant 80 : index
    %get3A_1721 = tpu.vector_load %arg10[%get3A_1719, %get3A_1720] {strides = array<i32>} : memref<8x128xi32, #tpu.memory_space<vmem>>, vector<16xi32>,
    %swap3A_1722 = arith.constant 80 : index
    %swap3A_1723 = tpu.vector_load %arg12[%swap3A_1722] {strides = array<i32>} : memref<128xi32, #tpu.memory_space<vmem>>, vector<16xi32>,
    tpu.vector_store %arg12[%swap3A_1722], %get3A_1721 {strides = array<i32>} : memref<128xi32, #tpu.memory_space<vmem>>, vector<16xi32>,
    %get3A_1724 = arith.constant 4 : i32
    %get3A_1725 = arith.index_cast %get3A_1724 : i32 to index
    %get3A_1726 = arith.constant 96 : index
    %get3A_1727 = tpu.vector_load %arg10[%get3A_1725, %get3A_1726] {strides = array<i32>} : memref<8x128xi32, #tpu.memory_space<vmem>>, vector<16xi32>,
    %swap3A_1728 = arith.constant 96 : index
    %swap3A_1729 = tpu.vector_load %arg12[%swap3A_1728] {strides = array<i32>} : memref<128xi32, #tpu.memory_space<vmem>>, vector<16xi32>,
    tpu.vector_store %arg12[%swap3A_1728], %get3A_1727 {strides = array<i32>} : memref<128xi32, #tpu.memory_space<vmem>>, vector<16xi32>,
    %get3A_1730 = arith.constant 4 : i32
    %get3A_1731 = arith.index_cast %get3A_1730 : i32 to index
    %get3A_1732 = arith.constant 112 : index
    %get3A_1733 = tpu.vector_load %arg10[%get3A_1731, %get3A_1732] {strides = array<i32>} : memref<8x128xi32, #tpu.memory_space<vmem>>, vector<16xi32>,
    %swap3A_1734 = arith.constant 112 : index
    %swap3A_1735 = tpu.vector_load %arg12[%swap3A_1734] {strides = array<i32>} : memref<128xi32, #tpu.memory_space<vmem>>, vector<16xi32>,
    tpu.vector_store %arg12[%swap3A_1734], %get3A_1733 {strides = array<i32>} : memref<128xi32, #tpu.memory_space<vmem>>, vector<16xi32>,
    %add3A_1736 = arith.constant 512 : i32
    %add3A_1737 = arith.addi %mul3A_2, %add3A_1736 : i32
    "tpu.region"() ({
      %run_scoped3A = tpu.sem_alloc : memref<!tpu.dma_semaphore, #tpu.memory_space<semaphore_mem>>
      %dma_start3A = arith.constant 0 : i32
      %dma_start3A_2720 = tpu.memref_slice %arg6[%add3A_1737, %dma_start3A] : memref<16384x64xf32, #tpu.memory_space<hbm>> -> memref<128x64xf32, #tpu.memory_space<hbm>>
      %dma_start3A_2721 = arith.constant 0 : i32
      %dma_start3A_2722 = tpu.memref_slice %arg6[%add3A_1737, %dma_start3A_2721] : memref<16384x64xf32, #tpu.memory_space<hbm>> -> memref<128x64xf32, #tpu.memory_space<hbm>>
      tpu.enqueue_dma source(%dma_start3A_2722 : memref<128x64xf32, #tpu.memory_space<hbm>>) target(%arg16 : memref<128x64xf32, #tpu.memory_space<vmem>>) target_semaphore(%run_scoped3A : memref<!tpu.dma_semaphore, #tpu.memory_space<semaphore_mem>>)
      %dma_wait3A = arith.constant 0 : i32
      %dma_wait3A_2723 = tpu.memref_slice %arg6[%add3A_1737, %dma_wait3A] : memref<16384x64xf32, #tpu.memory_space<hbm>> -> memref<128x64xf32, #tpu.memory_space<hbm>>
      %dma_wait3A_2724 = arith.constant 0 : i32
      %dma_wait3A_2725 = tpu.memref_slice %arg6[%add3A_1737, %dma_wait3A_2724] : memref<16384x64xf32, #tpu.memory_space<hbm>> -> memref<128x64xf32, #tpu.memory_space<hbm>>
      tpu.wait_dma2 semaphore(%run_scoped3A : memref<!tpu.dma_semaphore, #tpu.memory_space<semaphore_mem>>) src(%dma_wait3A_2725 : memref<128x64xf32, #tpu.memory_space<hbm>>) dst(%arg16 : memref<128x64xf32, #tpu.memory_space<vmem>>)
      tpu.yield
    }) : () -> ()
    "tpu.region"() ({
      %run_scoped3A = tpu.sem_alloc : memref<!tpu.dma_semaphore, #tpu.memory_space<semaphore_mem>>
      %dma_start3A = arith.constant 0 : i32
      %dma_start3A_2720 = arith.constant 0 : i32
      %dma_start3A_2721 = tpu.memref_slice %arg20[%dma_start3A, %dma_start3A_2720] : memref<16384x64xf32, #tpu.memory_space<vmem_shared>> -> memref<16384x64xf32, #tpu.memory_space<vmem_shared>>
      tpu.enqueue_indirect_dma source(%arg16 : memref<128x64xf32, #tpu.memory_space<vmem>>) target(%dma_start3A_2721 : memref<16384x64xf32, #tpu.memory_space<vmem_shared>>) offsets(%arg12 : memref<128xi32, #tpu.memory_space<vmem>>) semaphore(%run_scoped3A : memref<!tpu.dma_semaphore, #tpu.memory_space<semaphore_mem>>) {add = true}
      %dma_wait3A = arith.constant 0 : i32
      %dma_wait3A_2722 = arith.constant 0 : i32
      %dma_wait3A_2723 = tpu.memref_slice %arg20[%dma_wait3A, %dma_wait3A_2722] : memref<16384x64xf32, #tpu.memory_space<vmem_shared>> -> memref<16384x64xf32, #tpu.memory_space<vmem_shared>>
      tpu.wait_indirect_dma semaphore(%run_scoped3A : memref<!tpu.dma_semaphore, #tpu.memory_space<semaphore_mem>>) src(%arg16 : memref<128x64xf32, #tpu.memory_space<vmem>>) dst(%dma_wait3A_2723 : memref<16384x64xf32, #tpu.memory_space<vmem_shared>>)
      tpu.yield
    }) : () -> ()
    %get3A_1738 = arith.constant 5 : i32
    %get3A_1739 = arith.index_cast %get3A_1738 : i32 to index
    %get3A_1740 = arith.constant 0 : index
    %get3A_1741 = tpu.vector_load %arg10[%get3A_1739, %get3A_1740] {strides = array<i32>} : memref<8x128xi32, #tpu.memory_space<vmem>>, vector<16xi32>,
    %swap3A_1742 = arith.constant 0 : index
    %swap3A_1743 = tpu.vector_load %arg12[%swap3A_1742] {strides = array<i32>} : memref<128xi32, #tpu.memory_space<vmem>>, vector<16xi32>,
    tpu.vector_store %arg12[%swap3A_1742], %get3A_1741 {strides = array<i32>} : memref<128xi32, #tpu.memory_space<vmem>>, vector<16xi32>,
    %get3A_1744 = arith.constant 5 : i32
    %get3A_1745 = arith.index_cast %get3A_1744 : i32 to index
    %get3A_1746 = arith.constant 16 : index
    %get3A_1747 = tpu.vector_load %arg10[%get3A_1745, %get3A_1746] {strides = array<i32>} : memref<8x128xi32, #tpu.memory_space<vmem>>, vector<16xi32>,
    %swap3A_1748 = arith.constant 16 : index
    %swap3A_1749 = tpu.vector_load %arg12[%swap3A_1748] {strides = array<i32>} : memref<128xi32, #tpu.memory_space<vmem>>, vector<16xi32>,
    tpu.vector_store %arg12[%swap3A_1748], %get3A_1747 {strides = array<i32>} : memref<128xi32, #tpu.memory_space<vmem>>, vector<16xi32>,
    %get3A_1750 = arith.constant 5 : i32
    %get3A_1751 = arith.index_cast %get3A_1750 : i32 to index
    %get3A_1752 = arith.constant 32 : index
    %get3A_1753 = tpu.vector_load %arg10[%get3A_1751, %get3A_1752] {strides = array<i32>} : memref<8x128xi32, #tpu.memory_space<vmem>>, vector<16xi32>,
    %swap3A_1754 = arith.constant 32 : index
    %swap3A_1755 = tpu.vector_load %arg12[%swap3A_1754] {strides = array<i32>} : memref<128xi32, #tpu.memory_space<vmem>>, vector<16xi32>,
    tpu.vector_store %arg12[%swap3A_1754], %get3A_1753 {strides = array<i32>} : memref<128xi32, #tpu.memory_space<vmem>>, vector<16xi32>,
    %get3A_1756 = arith.constant 5 : i32
    %get3A_1757 = arith.index_cast %get3A_1756 : i32 to index
    %get3A_1758 = arith.constant 48 : index
    %get3A_1759 = tpu.vector_load %arg10[%get3A_1757, %get3A_1758] {strides = array<i32>} : memref<8x128xi32, #tpu.memory_space<vmem>>, vector<16xi32>,
    %swap3A_1760 = arith.constant 48 : index
    %swap3A_1761 = tpu.vector_load %arg12[%swap3A_1760] {strides = array<i32>} : memref<128xi32, #tpu.memory_space<vmem>>, vector<16xi32>,
    tpu.vector_store %arg12[%swap3A_1760], %get3A_1759 {strides = array<i32>} : memref<128xi32, #tpu.memory_space<vmem>>, vector<16xi32>,
    %get3A_1762 = arith.constant 5 : i32
    %get3A_1763 = arith.index_cast %get3A_1762 : i32 to index
    %get3A_1764 = arith.constant 64 : index
    %get3A_1765 = tpu.vector_load %arg10[%get3A_1763, %get3A_1764] {strides = array<i32>} : memref<8x128xi32, #tpu.memory_space<vmem>>, vector<16xi32>,
    %swap3A_1766 = arith.constant 64 : index
    %swap3A_1767 = tpu.vector_load %arg12[%swap3A_1766] {strides = array<i32>} : memref<128xi32, #tpu.memory_space<vmem>>, vector<16xi32>,
    tpu.vector_store %arg12[%swap3A_1766], %get3A_1765 {strides = array<i32>} : memref<128xi32, #tpu.memory_space<vmem>>, vector<16xi32>,
    %get3A_1768 = arith.constant 5 : i32
    %get3A_1769 = arith.index_cast %get3A_1768 : i32 to index
    %get3A_1770 = arith.constant 80 : index
    %get3A_1771 = tpu.vector_load %arg10[%get3A_1769, %get3A_1770] {strides = array<i32>} : memref<8x128xi32, #tpu.memory_space<vmem>>, vector<16xi32>,
    %swap3A_1772 = arith.constant 80 : index
    %swap3A_1773 = tpu.vector_load %arg12[%swap3A_1772] {strides = array<i32>} : memref<128xi32, #tpu.memory_space<vmem>>, vector<16xi32>,
    tpu.vector_store %arg12[%swap3A_1772], %get3A_1771 {strides = array<i32>} : memref<128xi32, #tpu.memory_space<vmem>>, vector<16xi32>,
    %get3A_1774 = arith.constant 5 : i32
    %get3A_1775 = arith.index_cast %get3A_1774 : i32 to index
    %get3A_1776 = arith.constant 96 : index
    %get3A_1777 = tpu.vector_load %arg10[%get3A_1775, %get3A_1776] {strides = array<i32>} : memref<8x128xi32, #tpu.memory_space<vmem>>, vector<16xi32>,
    %swap3A_1778 = arith.constant 96 : index
    %swap3A_1779 = tpu.vector_load %arg12[%swap3A_1778] {strides = array<i32>} : memref<128xi32, #tpu.memory_space<vmem>>, vector<16xi32>,
    tpu.vector_store %arg12[%swap3A_1778], %get3A_1777 {strides = array<i32>} : memref<128xi32, #tpu.memory_space<vmem>>, vector<16xi32>,
    %get3A_1780 = arith.constant 5 : i32
    %get3A_1781 = arith.index_cast %get3A_1780 : i32 to index
    %get3A_1782 = arith.constant 112 : index
    %get3A_1783 = tpu.vector_load %arg10[%get3A_1781, %get3A_1782] {strides = array<i32>} : memref<8x128xi32, #tpu.memory_space<vmem>>, vector<16xi32>,
    %swap3A_1784 = arith.constant 112 : index
    %swap3A_1785 = tpu.vector_load %arg12[%swap3A_1784] {strides = array<i32>} : memref<128xi32, #tpu.memory_space<vmem>>, vector<16xi32>,
    tpu.vector_store %arg12[%swap3A_1784], %get3A_1783 {strides = array<i32>} : memref<128xi32, #tpu.memory_space<vmem>>, vector<16xi32>,
    %add3A_1786 = arith.constant 640 : i32
    %add3A_1787 = arith.addi %mul3A_2, %add3A_1786 : i32
    "tpu.region"() ({
      %run_scoped3A = tpu.sem_alloc : memref<!tpu.dma_semaphore, #tpu.memory_space<semaphore_mem>>
      %dma_start3A = arith.constant 0 : i32
      %dma_start3A_2720 = tpu.memref_slice %arg6[%add3A_1787, %dma_start3A] : memref<16384x64xf32, #tpu.memory_space<hbm>> -> memref<128x64xf32, #tpu.memory_space<hbm>>
      %dma_start3A_2721 = arith.constant 0 : i32
      %dma_start3A_2722 = tpu.memref_slice %arg6[%add3A_1787, %dma_start3A_2721] : memref<16384x64xf32, #tpu.memory_space<hbm>> -> memref<128x64xf32, #tpu.memory_space<hbm>>
      tpu.enqueue_dma source(%dma_start3A_2722 : memref<128x64xf32, #tpu.memory_space<hbm>>) target(%arg16 : memref<128x64xf32, #tpu.memory_space<vmem>>) target_semaphore(%run_scoped3A : memref<!tpu.dma_semaphore, #tpu.memory_space<semaphore_mem>>)
      %dma_wait3A = arith.constant 0 : i32
      %dma_wait3A_2723 = tpu.memref_slice %arg6[%add3A_1787, %dma_wait3A] : memref<16384x64xf32, #tpu.memory_space<hbm>> -> memref<128x64xf32, #tpu.memory_space<hbm>>
      %dma_wait3A_2724 = arith.constant 0 : i32
      %dma_wait3A_2725 = tpu.memref_slice %arg6[%add3A_1787, %dma_wait3A_2724] : memref<16384x64xf32, #tpu.memory_space<hbm>> -> memref<128x64xf32, #tpu.memory_space<hbm>>
      tpu.wait_dma2 semaphore(%run_scoped3A : memref<!tpu.dma_semaphore, #tpu.memory_space<semaphore_mem>>) src(%dma_wait3A_2725 : memref<128x64xf32, #tpu.memory_space<hbm>>) dst(%arg16 : memref<128x64xf32, #tpu.memory_space<vmem>>)
      tpu.yield
    }) : () -> ()
    "tpu.region"() ({
      %run_scoped3A = tpu.sem_alloc : memref<!tpu.dma_semaphore, #tpu.memory_space<semaphore_mem>>
      %dma_start3A = arith.constant 0 : i32
      %dma_start3A_2720 = arith.constant 0 : i32
      %dma_start3A_2721 = tpu.memref_slice %arg20[%dma_start3A, %dma_start3A_2720] : memref<16384x64xf32, #tpu.memory_space<vmem_shared>> -> memref<16384x64xf32, #tpu.memory_space<vmem_shared>>
      tpu.enqueue_indirect_dma source(%arg16 : memref<128x64xf32, #tpu.memory_space<vmem>>) target(%dma_start3A_2721 : memref<16384x64xf32, #tpu.memory_space<vmem_shared>>) offsets(%arg12 : memref<128xi32, #tpu.memory_space<vmem>>) semaphore(%run_scoped3A : memref<!tpu.dma_semaphore, #tpu.memory_space<semaphore_mem>>) {add = true}
      %dma_wait3A = arith.constant 0 : i32
      %dma_wait3A_2722 = arith.constant 0 : i32
      %dma_wait3A_2723 = tpu.memref_slice %arg20[%dma_wait3A, %dma_wait3A_2722] : memref<16384x64xf32, #tpu.memory_space<vmem_shared>> -> memref<16384x64xf32, #tpu.memory_space<vmem_shared>>
      tpu.wait_indirect_dma semaphore(%run_scoped3A : memref<!tpu.dma_semaphore, #tpu.memory_space<semaphore_mem>>) src(%arg16 : memref<128x64xf32, #tpu.memory_space<vmem>>) dst(%dma_wait3A_2723 : memref<16384x64xf32, #tpu.memory_space<vmem_shared>>)
      tpu.yield
    }) : () -> ()
    %get3A_1788 = arith.constant 6 : i32
    %get3A_1789 = arith.index_cast %get3A_1788 : i32 to index
    %get3A_1790 = arith.constant 0 : index
    %get3A_1791 = tpu.vector_load %arg10[%get3A_1789, %get3A_1790] {strides = array<i32>} : memref<8x128xi32, #tpu.memory_space<vmem>>, vector<16xi32>,
    %swap3A_1792 = arith.constant 0 : index
    %swap3A_1793 = tpu.vector_load %arg12[%swap3A_1792] {strides = array<i32>} : memref<128xi32, #tpu.memory_space<vmem>>, vector<16xi32>,
    tpu.vector_store %arg12[%swap3A_1792], %get3A_1791 {strides = array<i32>} : memref<128xi32, #tpu.memory_space<vmem>>, vector<16xi32>,
    %get3A_1794 = arith.constant 6 : i32
    %get3A_1795 = arith.index_cast %get3A_1794 : i32 to index
    %get3A_1796 = arith.constant 16 : index
    %get3A_1797 = tpu.vector_load %arg10[%get3A_1795, %get3A_1796] {strides = array<i32>} : memref<8x128xi32, #tpu.memory_space<vmem>>, vector<16xi32>,
    %swap3A_1798 = arith.constant 16 : index
    %swap3A_1799 = tpu.vector_load %arg12[%swap3A_1798] {strides = array<i32>} : memref<128xi32, #tpu.memory_space<vmem>>, vector<16xi32>,
    tpu.vector_store %arg12[%swap3A_1798], %get3A_1797 {strides = array<i32>} : memref<128xi32, #tpu.memory_space<vmem>>, vector<16xi32>,
    %get3A_1800 = arith.constant 6 : i32
    %get3A_1801 = arith.index_cast %get3A_1800 : i32 to index
    %get3A_1802 = arith.constant 32 : index
    %get3A_1803 = tpu.vector_load %arg10[%get3A_1801, %get3A_1802] {strides = array<i32>} : memref<8x128xi32, #tpu.memory_space<vmem>>, vector<16xi32>,
    %swap3A_1804 = arith.constant 32 : index
    %swap3A_1805 = tpu.vector_load %arg12[%swap3A_1804] {strides = array<i32>} : memref<128xi32, #tpu.memory_space<vmem>>, vector<16xi32>,
    tpu.vector_store %arg12[%swap3A_1804], %get3A_1803 {strides = array<i32>} : memref<128xi32, #tpu.memory_space<vmem>>, vector<16xi32>,
    %get3A_1806 = arith.constant 6 : i32
    %get3A_1807 = arith.index_cast %get3A_1806 : i32 to index
    %get3A_1808 = arith.constant 48 : index
    %get3A_1809 = tpu.vector_load %arg10[%get3A_1807, %get3A_1808] {strides = array<i32>} : memref<8x128xi32, #tpu.memory_space<vmem>>, vector<16xi32>,
    %swap3A_1810 = arith.constant 48 : index
    %swap3A_1811 = tpu.vector_load %arg12[%swap3A_1810] {strides = array<i32>} : memref<128xi32, #tpu.memory_space<vmem>>, vector<16xi32>,
    tpu.vector_store %arg12[%swap3A_1810], %get3A_1809 {strides = array<i32>} : memref<128xi32, #tpu.memory_space<vmem>>, vector<16xi32>,
    %get3A_1812 = arith.constant 6 : i32
    %get3A_1813 = arith.index_cast %get3A_1812 : i32 to index
    %get3A_1814 = arith.constant 64 : index
    %get3A_1815 = tpu.vector_load %arg10[%get3A_1813, %get3A_1814] {strides = array<i32>} : memref<8x128xi32, #tpu.memory_space<vmem>>, vector<16xi32>,
    %swap3A_1816 = arith.constant 64 : index
    %swap3A_1817 = tpu.vector_load %arg12[%swap3A_1816] {strides = array<i32>} : memref<128xi32, #tpu.memory_space<vmem>>, vector<16xi32>,
    tpu.vector_store %arg12[%swap3A_1816], %get3A_1815 {strides = array<i32>} : memref<128xi32, #tpu.memory_space<vmem>>, vector<16xi32>,
    %get3A_1818 = arith.constant 6 : i32
    %get3A_1819 = arith.index_cast %get3A_1818 : i32 to index
    %get3A_1820 = arith.constant 80 : index
    %get3A_1821 = tpu.vector_load %arg10[%get3A_1819, %get3A_1820] {strides = array<i32>} : memref<8x128xi32, #tpu.memory_space<vmem>>, vector<16xi32>,
    %swap3A_1822 = arith.constant 80 : index
    %swap3A_1823 = tpu.vector_load %arg12[%swap3A_1822] {strides = array<i32>} : memref<128xi32, #tpu.memory_space<vmem>>, vector<16xi32>,
    tpu.vector_store %arg12[%swap3A_1822], %get3A_1821 {strides = array<i32>} : memref<128xi32, #tpu.memory_space<vmem>>, vector<16xi32>,
    %get3A_1824 = arith.constant 6 : i32
    %get3A_1825 = arith.index_cast %get3A_1824 : i32 to index
    %get3A_1826 = arith.constant 96 : index
    %get3A_1827 = tpu.vector_load %arg10[%get3A_1825, %get3A_1826] {strides = array<i32>} : memref<8x128xi32, #tpu.memory_space<vmem>>, vector<16xi32>,
    %swap3A_1828 = arith.constant 96 : index
    %swap3A_1829 = tpu.vector_load %arg12[%swap3A_1828] {strides = array<i32>} : memref<128xi32, #tpu.memory_space<vmem>>, vector<16xi32>,
    tpu.vector_store %arg12[%swap3A_1828], %get3A_1827 {strides = array<i32>} : memref<128xi32, #tpu.memory_space<vmem>>, vector<16xi32>,
    %get3A_1830 = arith.constant 6 : i32
    %get3A_1831 = arith.index_cast %get3A_1830 : i32 to index
    %get3A_1832 = arith.constant 112 : index
    %get3A_1833 = tpu.vector_load %arg10[%get3A_1831, %get3A_1832] {strides = array<i32>} : memref<8x128xi32, #tpu.memory_space<vmem>>, vector<16xi32>,
    %swap3A_1834 = arith.constant 112 : index
    %swap3A_1835 = tpu.vector_load %arg12[%swap3A_1834] {strides = array<i32>} : memref<128xi32, #tpu.memory_space<vmem>>, vector<16xi32>,
    tpu.vector_store %arg12[%swap3A_1834], %get3A_1833 {strides = array<i32>} : memref<128xi32, #tpu.memory_space<vmem>>, vector<16xi32>,
    %add3A_1836 = arith.constant 768 : i32
    %add3A_1837 = arith.addi %mul3A_2, %add3A_1836 : i32
    "tpu.region"() ({
      %run_scoped3A = tpu.sem_alloc : memref<!tpu.dma_semaphore, #tpu.memory_space<semaphore_mem>>
      %dma_start3A = arith.constant 0 : i32
      %dma_start3A_2720 = tpu.memref_slice %arg6[%add3A_1837, %dma_start3A] : memref<16384x64xf32, #tpu.memory_space<hbm>> -> memref<128x64xf32, #tpu.memory_space<hbm>>
      %dma_start3A_2721 = arith.constant 0 : i32
      %dma_start3A_2722 = tpu.memref_slice %arg6[%add3A_1837, %dma_start3A_2721] : memref<16384x64xf32, #tpu.memory_space<hbm>> -> memref<128x64xf32, #tpu.memory_space<hbm>>
      tpu.enqueue_dma source(%dma_start3A_2722 : memref<128x64xf32, #tpu.memory_space<hbm>>) target(%arg16 : memref<128x64xf32, #tpu.memory_space<vmem>>) target_semaphore(%run_scoped3A : memref<!tpu.dma_semaphore, #tpu.memory_space<semaphore_mem>>)
      %dma_wait3A = arith.constant 0 : i32
      %dma_wait3A_2723 = tpu.memref_slice %arg6[%add3A_1837, %dma_wait3A] : memref<16384x64xf32, #tpu.memory_space<hbm>> -> memref<128x64xf32, #tpu.memory_space<hbm>>
      %dma_wait3A_2724 = arith.constant 0 : i32
      %dma_wait3A_2725 = tpu.memref_slice %arg6[%add3A_1837, %dma_wait3A_2724] : memref<16384x64xf32, #tpu.memory_space<hbm>> -> memref<128x64xf32, #tpu.memory_space<hbm>>
      tpu.wait_dma2 semaphore(%run_scoped3A : memref<!tpu.dma_semaphore, #tpu.memory_space<semaphore_mem>>) src(%dma_wait3A_2725 : memref<128x64xf32, #tpu.memory_space<hbm>>) dst(%arg16 : memref<128x64xf32, #tpu.memory_space<vmem>>)
      tpu.yield
    }) : () -> ()
    "tpu.region"() ({
      %run_scoped3A = tpu.sem_alloc : memref<!tpu.dma_semaphore, #tpu.memory_space<semaphore_mem>>
      %dma_start3A = arith.constant 0 : i32
      %dma_start3A_2720 = arith.constant 0 : i32
      %dma_start3A_2721 = tpu.memref_slice %arg20[%dma_start3A, %dma_start3A_2720] : memref<16384x64xf32, #tpu.memory_space<vmem_shared>> -> memref<16384x64xf32, #tpu.memory_space<vmem_shared>>
      tpu.enqueue_indirect_dma source(%arg16 : memref<128x64xf32, #tpu.memory_space<vmem>>) target(%dma_start3A_2721 : memref<16384x64xf32, #tpu.memory_space<vmem_shared>>) offsets(%arg12 : memref<128xi32, #tpu.memory_space<vmem>>) semaphore(%run_scoped3A : memref<!tpu.dma_semaphore, #tpu.memory_space<semaphore_mem>>) {add = true}
      %dma_wait3A = arith.constant 0 : i32
      %dma_wait3A_2722 = arith.constant 0 : i32
      %dma_wait3A_2723 = tpu.memref_slice %arg20[%dma_wait3A, %dma_wait3A_2722] : memref<16384x64xf32, #tpu.memory_space<vmem_shared>> -> memref<16384x64xf32, #tpu.memory_space<vmem_shared>>
      tpu.wait_indirect_dma semaphore(%run_scoped3A : memref<!tpu.dma_semaphore, #tpu.memory_space<semaphore_mem>>) src(%arg16 : memref<128x64xf32, #tpu.memory_space<vmem>>) dst(%dma_wait3A_2723 : memref<16384x64xf32, #tpu.memory_space<vmem_shared>>)
      tpu.yield
    }) : () -> ()
    %get3A_1838 = arith.constant 7 : i32
    %get3A_1839 = arith.index_cast %get3A_1838 : i32 to index
    %get3A_1840 = arith.constant 0 : index
    %get3A_1841 = tpu.vector_load %arg10[%get3A_1839, %get3A_1840] {strides = array<i32>} : memref<8x128xi32, #tpu.memory_space<vmem>>, vector<16xi32>,
    %swap3A_1842 = arith.constant 0 : index
    %swap3A_1843 = tpu.vector_load %arg12[%swap3A_1842] {strides = array<i32>} : memref<128xi32, #tpu.memory_space<vmem>>, vector<16xi32>,
    tpu.vector_store %arg12[%swap3A_1842], %get3A_1841 {strides = array<i32>} : memref<128xi32, #tpu.memory_space<vmem>>, vector<16xi32>,
    %get3A_1844 = arith.constant 7 : i32
    %get3A_1845 = arith.index_cast %get3A_1844 : i32 to index
    %get3A_1846 = arith.constant 16 : index
    %get3A_1847 = tpu.vector_load %arg10[%get3A_1845, %get3A_1846] {strides = array<i32>} : memref<8x128xi32, #tpu.memory_space<vmem>>, vector<16xi32>,
    %swap3A_1848 = arith.constant 16 : index
    %swap3A_1849 = tpu.vector_load %arg12[%swap3A_1848] {strides = array<i32>} : memref<128xi32, #tpu.memory_space<vmem>>, vector<16xi32>,
    tpu.vector_store %arg12[%swap3A_1848], %get3A_1847 {strides = array<i32>} : memref<128xi32, #tpu.memory_space<vmem>>, vector<16xi32>,
    %get3A_1850 = arith.constant 7 : i32
    %get3A_1851 = arith.index_cast %get3A_1850 : i32 to index
    %get3A_1852 = arith.constant 32 : index
    %get3A_1853 = tpu.vector_load %arg10[%get3A_1851, %get3A_1852] {strides = array<i32>} : memref<8x128xi32, #tpu.memory_space<vmem>>, vector<16xi32>,
    %swap3A_1854 = arith.constant 32 : index
    %swap3A_1855 = tpu.vector_load %arg12[%swap3A_1854] {strides = array<i32>} : memref<128xi32, #tpu.memory_space<vmem>>, vector<16xi32>,
    tpu.vector_store %arg12[%swap3A_1854], %get3A_1853 {strides = array<i32>} : memref<128xi32, #tpu.memory_space<vmem>>, vector<16xi32>,
    %get3A_1856 = arith.constant 7 : i32
    %get3A_1857 = arith.index_cast %get3A_1856 : i32 to index
    %get3A_1858 = arith.constant 48 : index
    %get3A_1859 = tpu.vector_load %arg10[%get3A_1857, %get3A_1858] {strides = array<i32>} : memref<8x128xi32, #tpu.memory_space<vmem>>, vector<16xi32>,
    %swap3A_1860 = arith.constant 48 : index
    %swap3A_1861 = tpu.vector_load %arg12[%swap3A_1860] {strides = array<i32>} : memref<128xi32, #tpu.memory_space<vmem>>, vector<16xi32>,
    tpu.vector_store %arg12[%swap3A_1860], %get3A_1859 {strides = array<i32>} : memref<128xi32, #tpu.memory_space<vmem>>, vector<16xi32>,
    %get3A_1862 = arith.constant 7 : i32
    %get3A_1863 = arith.index_cast %get3A_1862 : i32 to index
    %get3A_1864 = arith.constant 64 : index
    %get3A_1865 = tpu.vector_load %arg10[%get3A_1863, %get3A_1864] {strides = array<i32>} : memref<8x128xi32, #tpu.memory_space<vmem>>, vector<16xi32>,
    %swap3A_1866 = arith.constant 64 : index
    %swap3A_1867 = tpu.vector_load %arg12[%swap3A_1866] {strides = array<i32>} : memref<128xi32, #tpu.memory_space<vmem>>, vector<16xi32>,
    tpu.vector_store %arg12[%swap3A_1866], %get3A_1865 {strides = array<i32>} : memref<128xi32, #tpu.memory_space<vmem>>, vector<16xi32>,
    %get3A_1868 = arith.constant 7 : i32
    %get3A_1869 = arith.index_cast %get3A_1868 : i32 to index
    %get3A_1870 = arith.constant 80 : index
    %get3A_1871 = tpu.vector_load %arg10[%get3A_1869, %get3A_1870] {strides = array<i32>} : memref<8x128xi32, #tpu.memory_space<vmem>>, vector<16xi32>,
    %swap3A_1872 = arith.constant 80 : index
    %swap3A_1873 = tpu.vector_load %arg12[%swap3A_1872] {strides = array<i32>} : memref<128xi32, #tpu.memory_space<vmem>>, vector<16xi32>,
    tpu.vector_store %arg12[%swap3A_1872], %get3A_1871 {strides = array<i32>} : memref<128xi32, #tpu.memory_space<vmem>>, vector<16xi32>,
    %get3A_1874 = arith.constant 7 : i32
    %get3A_1875 = arith.index_cast %get3A_1874 : i32 to index
    %get3A_1876 = arith.constant 96 : index
    %get3A_1877 = tpu.vector_load %arg10[%get3A_1875, %get3A_1876] {strides = array<i32>} : memref<8x128xi32, #tpu.memory_space<vmem>>, vector<16xi32>,
    %swap3A_1878 = arith.constant 96 : index
    %swap3A_1879 = tpu.vector_load %arg12[%swap3A_1878] {strides = array<i32>} : memref<128xi32, #tpu.memory_space<vmem>>, vector<16xi32>,
    tpu.vector_store %arg12[%swap3A_1878], %get3A_1877 {strides = array<i32>} : memref<128xi32, #tpu.memory_space<vmem>>, vector<16xi32>,
    %get3A_1880 = arith.constant 7 : i32
    %get3A_1881 = arith.index_cast %get3A_1880 : i32 to index
    %get3A_1882 = arith.constant 112 : index
    %get3A_1883 = tpu.vector_load %arg10[%get3A_1881, %get3A_1882] {strides = array<i32>} : memref<8x128xi32, #tpu.memory_space<vmem>>, vector<16xi32>,
    %swap3A_1884 = arith.constant 112 : index
    %swap3A_1885 = tpu.vector_load %arg12[%swap3A_1884] {strides = array<i32>} : memref<128xi32, #tpu.memory_space<vmem>>, vector<16xi32>,
    tpu.vector_store %arg12[%swap3A_1884], %get3A_1883 {strides = array<i32>} : memref<128xi32, #tpu.memory_space<vmem>>, vector<16xi32>,
    %add3A_1886 = arith.constant 896 : i32
    %add3A_1887 = arith.addi %mul3A_2, %add3A_1886 : i32
    "tpu.region"() ({
      %run_scoped3A = tpu.sem_alloc : memref<!tpu.dma_semaphore, #tpu.memory_space<semaphore_mem>>
      %dma_start3A = arith.constant 0 : i32
      %dma_start3A_2720 = tpu.memref_slice %arg6[%add3A_1887, %dma_start3A] : memref<16384x64xf32, #tpu.memory_space<hbm>> -> memref<128x64xf32, #tpu.memory_space<hbm>>
      %dma_start3A_2721 = arith.constant 0 : i32
      %dma_start3A_2722 = tpu.memref_slice %arg6[%add3A_1887, %dma_start3A_2721] : memref<16384x64xf32, #tpu.memory_space<hbm>> -> memref<128x64xf32, #tpu.memory_space<hbm>>
      tpu.enqueue_dma source(%dma_start3A_2722 : memref<128x64xf32, #tpu.memory_space<hbm>>) target(%arg16 : memref<128x64xf32, #tpu.memory_space<vmem>>) target_semaphore(%run_scoped3A : memref<!tpu.dma_semaphore, #tpu.memory_space<semaphore_mem>>)
      %dma_wait3A = arith.constant 0 : i32
      %dma_wait3A_2723 = tpu.memref_slice %arg6[%add3A_1887, %dma_wait3A] : memref<16384x64xf32, #tpu.memory_space<hbm>> -> memref<128x64xf32, #tpu.memory_space<hbm>>
      %dma_wait3A_2724 = arith.constant 0 : i32
      %dma_wait3A_2725 = tpu.memref_slice %arg6[%add3A_1887, %dma_wait3A_2724] : memref<16384x64xf32, #tpu.memory_space<hbm>> -> memref<128x64xf32, #tpu.memory_space<hbm>>
      tpu.wait_dma2 semaphore(%run_scoped3A : memref<!tpu.dma_semaphore, #tpu.memory_space<semaphore_mem>>) src(%dma_wait3A_2725 : memref<128x64xf32, #tpu.memory_space<hbm>>) dst(%arg16 : memref<128x64xf32, #tpu.memory_space<vmem>>)
      tpu.yield
    }) : () -> ()
    "tpu.region"() ({
      %run_scoped3A = tpu.sem_alloc : memref<!tpu.dma_semaphore, #tpu.memory_space<semaphore_mem>>
      %dma_start3A = arith.constant 0 : i32
      %dma_start3A_2720 = arith.constant 0 : i32
      %dma_start3A_2721 = tpu.memref_slice %arg20[%dma_start3A, %dma_start3A_2720] : memref<16384x64xf32, #tpu.memory_space<vmem_shared>> -> memref<16384x64xf32, #tpu.memory_space<vmem_shared>>
      tpu.enqueue_indirect_dma source(%arg16 : memref<128x64xf32, #tpu.memory_space<vmem>>) target(%dma_start3A_2721 : memref<16384x64xf32, #tpu.memory_space<vmem_shared>>) offsets(%arg12 : memref<128xi32, #tpu.memory_space<vmem>>) semaphore(%run_scoped3A : memref<!tpu.dma_semaphore, #tpu.memory_space<semaphore_mem>>) {add = true}
      %dma_wait3A = arith.constant 0 : i32
      %dma_wait3A_2722 = arith.constant 0 : i32
      %dma_wait3A_2723 = tpu.memref_slice %arg20[%dma_wait3A, %dma_wait3A_2722] : memref<16384x64xf32, #tpu.memory_space<vmem_shared>> -> memref<16384x64xf32, #tpu.memory_space<vmem_shared>>
      tpu.wait_indirect_dma semaphore(%run_scoped3A : memref<!tpu.dma_semaphore, #tpu.memory_space<semaphore_mem>>) src(%arg16 : memref<128x64xf32, #tpu.memory_space<vmem>>) dst(%dma_wait3A_2723 : memref<16384x64xf32, #tpu.memory_space<vmem_shared>>)
      tpu.yield
    }) : () -> ()
    %barrier3A_1888 = arith.constant 0 : index
    tpu.barrier barrier_id(%barrier3A_1888)
    %get3A_1889 = arith.constant 0 : i32
    %get3A_1890 = arith.index_cast %get3A_1889 : i32 to index
    %get3A_1891 = arith.constant 0 : index
    %get3A_1892 = tpu.vector_load %arg9[%get3A_1890, %get3A_1891] {strides = array<i32>} : memref<8x128xi32, #tpu.memory_space<vmem>>, vector<16xi32>,
    %swap3A_1893 = arith.constant 0 : index
    %swap3A_1894 = tpu.vector_load %arg11[%swap3A_1893] {strides = array<i32>} : memref<128xi32, #tpu.memory_space<vmem>>, vector<16xi32>,
    tpu.vector_store %arg11[%swap3A_1893], %get3A_1892 {strides = array<i32>} : memref<128xi32, #tpu.memory_space<vmem>>, vector<16xi32>,
    %get3A_1895 = arith.constant 0 : i32
    %get3A_1896 = arith.index_cast %get3A_1895 : i32 to index
    %get3A_1897 = arith.constant 0 : index
    %get3A_1898 = tpu.vector_load %arg10[%get3A_1896, %get3A_1897] {strides = array<i32>} : memref<8x128xi32, #tpu.memory_space<vmem>>, vector<16xi32>,
    %swap3A_1899 = arith.constant 0 : index
    %swap3A_1900 = tpu.vector_load %arg12[%swap3A_1899] {strides = array<i32>} : memref<128xi32, #tpu.memory_space<vmem>>, vector<16xi32>,
    tpu.vector_store %arg12[%swap3A_1899], %get3A_1898 {strides = array<i32>} : memref<128xi32, #tpu.memory_space<vmem>>, vector<16xi32>,
    %get3A_1901 = arith.constant 0 : i32
    %get3A_1902 = arith.index_cast %get3A_1901 : i32 to index
    %get3A_1903 = arith.constant 16 : index
    %get3A_1904 = tpu.vector_load %arg9[%get3A_1902, %get3A_1903] {strides = array<i32>} : memref<8x128xi32, #tpu.memory_space<vmem>>, vector<16xi32>,
    %swap3A_1905 = arith.constant 16 : index
    %swap3A_1906 = tpu.vector_load %arg11[%swap3A_1905] {strides = array<i32>} : memref<128xi32, #tpu.memory_space<vmem>>, vector<16xi32>,
    tpu.vector_store %arg11[%swap3A_1905], %get3A_1904 {strides = array<i32>} : memref<128xi32, #tpu.memory_space<vmem>>, vector<16xi32>,
    %get3A_1907 = arith.constant 0 : i32
    %get3A_1908 = arith.index_cast %get3A_1907 : i32 to index
    %get3A_1909 = arith.constant 16 : index
    %get3A_1910 = tpu.vector_load %arg10[%get3A_1908, %get3A_1909] {strides = array<i32>} : memref<8x128xi32, #tpu.memory_space<vmem>>, vector<16xi32>,
    %swap3A_1911 = arith.constant 16 : index
    %swap3A_1912 = tpu.vector_load %arg12[%swap3A_1911] {strides = array<i32>} : memref<128xi32, #tpu.memory_space<vmem>>, vector<16xi32>,
    tpu.vector_store %arg12[%swap3A_1911], %get3A_1910 {strides = array<i32>} : memref<128xi32, #tpu.memory_space<vmem>>, vector<16xi32>,
    %get3A_1913 = arith.constant 0 : i32
    %get3A_1914 = arith.index_cast %get3A_1913 : i32 to index
    %get3A_1915 = arith.constant 32 : index
    %get3A_1916 = tpu.vector_load %arg9[%get3A_1914, %get3A_1915] {strides = array<i32>} : memref<8x128xi32, #tpu.memory_space<vmem>>, vector<16xi32>,
    %swap3A_1917 = arith.constant 32 : index
    %swap3A_1918 = tpu.vector_load %arg11[%swap3A_1917] {strides = array<i32>} : memref<128xi32, #tpu.memory_space<vmem>>, vector<16xi32>,
    tpu.vector_store %arg11[%swap3A_1917], %get3A_1916 {strides = array<i32>} : memref<128xi32, #tpu.memory_space<vmem>>, vector<16xi32>,
    %get3A_1919 = arith.constant 0 : i32
    %get3A_1920 = arith.index_cast %get3A_1919 : i32 to index
    %get3A_1921 = arith.constant 32 : index
    %get3A_1922 = tpu.vector_load %arg10[%get3A_1920, %get3A_1921] {strides = array<i32>} : memref<8x128xi32, #tpu.memory_space<vmem>>, vector<16xi32>,
    %swap3A_1923 = arith.constant 32 : index
    %swap3A_1924 = tpu.vector_load %arg12[%swap3A_1923] {strides = array<i32>} : memref<128xi32, #tpu.memory_space<vmem>>, vector<16xi32>,
    tpu.vector_store %arg12[%swap3A_1923], %get3A_1922 {strides = array<i32>} : memref<128xi32, #tpu.memory_space<vmem>>, vector<16xi32>,
    %get3A_1925 = arith.constant 0 : i32
    %get3A_1926 = arith.index_cast %get3A_1925 : i32 to index
    %get3A_1927 = arith.constant 48 : index
    %get3A_1928 = tpu.vector_load %arg9[%get3A_1926, %get3A_1927] {strides = array<i32>} : memref<8x128xi32, #tpu.memory_space<vmem>>, vector<16xi32>,
    %swap3A_1929 = arith.constant 48 : index
    %swap3A_1930 = tpu.vector_load %arg11[%swap3A_1929] {strides = array<i32>} : memref<128xi32, #tpu.memory_space<vmem>>, vector<16xi32>,
    tpu.vector_store %arg11[%swap3A_1929], %get3A_1928 {strides = array<i32>} : memref<128xi32, #tpu.memory_space<vmem>>, vector<16xi32>,
    %get3A_1931 = arith.constant 0 : i32
    %get3A_1932 = arith.index_cast %get3A_1931 : i32 to index
    %get3A_1933 = arith.constant 48 : index
    %get3A_1934 = tpu.vector_load %arg10[%get3A_1932, %get3A_1933] {strides = array<i32>} : memref<8x128xi32, #tpu.memory_space<vmem>>, vector<16xi32>,
    %swap3A_1935 = arith.constant 48 : index
    %swap3A_1936 = tpu.vector_load %arg12[%swap3A_1935] {strides = array<i32>} : memref<128xi32, #tpu.memory_space<vmem>>, vector<16xi32>,
    tpu.vector_store %arg12[%swap3A_1935], %get3A_1934 {strides = array<i32>} : memref<128xi32, #tpu.memory_space<vmem>>, vector<16xi32>,
    %get3A_1937 = arith.constant 0 : i32
    %get3A_1938 = arith.index_cast %get3A_1937 : i32 to index
    %get3A_1939 = arith.constant 64 : index
    %get3A_1940 = tpu.vector_load %arg9[%get3A_1938, %get3A_1939] {strides = array<i32>} : memref<8x128xi32, #tpu.memory_space<vmem>>, vector<16xi32>,
    %swap3A_1941 = arith.constant 64 : index
    %swap3A_1942 = tpu.vector_load %arg11[%swap3A_1941] {strides = array<i32>} : memref<128xi32, #tpu.memory_space<vmem>>, vector<16xi32>,
    tpu.vector_store %arg11[%swap3A_1941], %get3A_1940 {strides = array<i32>} : memref<128xi32, #tpu.memory_space<vmem>>, vector<16xi32>,
    %get3A_1943 = arith.constant 0 : i32
    %get3A_1944 = arith.index_cast %get3A_1943 : i32 to index
    %get3A_1945 = arith.constant 64 : index
    %get3A_1946 = tpu.vector_load %arg10[%get3A_1944, %get3A_1945] {strides = array<i32>} : memref<8x128xi32, #tpu.memory_space<vmem>>, vector<16xi32>,
    %swap3A_1947 = arith.constant 64 : index
    %swap3A_1948 = tpu.vector_load %arg12[%swap3A_1947] {strides = array<i32>} : memref<128xi32, #tpu.memory_space<vmem>>, vector<16xi32>,
    tpu.vector_store %arg12[%swap3A_1947], %get3A_1946 {strides = array<i32>} : memref<128xi32, #tpu.memory_space<vmem>>, vector<16xi32>,
    %get3A_1949 = arith.constant 0 : i32
    %get3A_1950 = arith.index_cast %get3A_1949 : i32 to index
    %get3A_1951 = arith.constant 80 : index
    %get3A_1952 = tpu.vector_load %arg9[%get3A_1950, %get3A_1951] {strides = array<i32>} : memref<8x128xi32, #tpu.memory_space<vmem>>, vector<16xi32>,
    %swap3A_1953 = arith.constant 80 : index
    %swap3A_1954 = tpu.vector_load %arg11[%swap3A_1953] {strides = array<i32>} : memref<128xi32, #tpu.memory_space<vmem>>, vector<16xi32>,
    tpu.vector_store %arg11[%swap3A_1953], %get3A_1952 {strides = array<i32>} : memref<128xi32, #tpu.memory_space<vmem>>, vector<16xi32>,
    %get3A_1955 = arith.constant 0 : i32
    %get3A_1956 = arith.index_cast %get3A_1955 : i32 to index
    %get3A_1957 = arith.constant 80 : index
    %get3A_1958 = tpu.vector_load %arg10[%get3A_1956, %get3A_1957] {strides = array<i32>} : memref<8x128xi32, #tpu.memory_space<vmem>>, vector<16xi32>,
    %swap3A_1959 = arith.constant 80 : index
    %swap3A_1960 = tpu.vector_load %arg12[%swap3A_1959] {strides = array<i32>} : memref<128xi32, #tpu.memory_space<vmem>>, vector<16xi32>,
    tpu.vector_store %arg12[%swap3A_1959], %get3A_1958 {strides = array<i32>} : memref<128xi32, #tpu.memory_space<vmem>>, vector<16xi32>,
    %get3A_1961 = arith.constant 0 : i32
    %get3A_1962 = arith.index_cast %get3A_1961 : i32 to index
    %get3A_1963 = arith.constant 96 : index
    %get3A_1964 = tpu.vector_load %arg9[%get3A_1962, %get3A_1963] {strides = array<i32>} : memref<8x128xi32, #tpu.memory_space<vmem>>, vector<16xi32>,
    %swap3A_1965 = arith.constant 96 : index
    %swap3A_1966 = tpu.vector_load %arg11[%swap3A_1965] {strides = array<i32>} : memref<128xi32, #tpu.memory_space<vmem>>, vector<16xi32>,
    tpu.vector_store %arg11[%swap3A_1965], %get3A_1964 {strides = array<i32>} : memref<128xi32, #tpu.memory_space<vmem>>, vector<16xi32>,
    %get3A_1967 = arith.constant 0 : i32
    %get3A_1968 = arith.index_cast %get3A_1967 : i32 to index
    %get3A_1969 = arith.constant 96 : index
    %get3A_1970 = tpu.vector_load %arg10[%get3A_1968, %get3A_1969] {strides = array<i32>} : memref<8x128xi32, #tpu.memory_space<vmem>>, vector<16xi32>,
    %swap3A_1971 = arith.constant 96 : index
    %swap3A_1972 = tpu.vector_load %arg12[%swap3A_1971] {strides = array<i32>} : memref<128xi32, #tpu.memory_space<vmem>>, vector<16xi32>,
    tpu.vector_store %arg12[%swap3A_1971], %get3A_1970 {strides = array<i32>} : memref<128xi32, #tpu.memory_space<vmem>>, vector<16xi32>,
    %get3A_1973 = arith.constant 0 : i32
    %get3A_1974 = arith.index_cast %get3A_1973 : i32 to index
    %get3A_1975 = arith.constant 112 : index
    %get3A_1976 = tpu.vector_load %arg9[%get3A_1974, %get3A_1975] {strides = array<i32>} : memref<8x128xi32, #tpu.memory_space<vmem>>, vector<16xi32>,
    %swap3A_1977 = arith.constant 112 : index
    %swap3A_1978 = tpu.vector_load %arg11[%swap3A_1977] {strides = array<i32>} : memref<128xi32, #tpu.memory_space<vmem>>, vector<16xi32>,
    tpu.vector_store %arg11[%swap3A_1977], %get3A_1976 {strides = array<i32>} : memref<128xi32, #tpu.memory_space<vmem>>, vector<16xi32>,
    %get3A_1979 = arith.constant 0 : i32
    %get3A_1980 = arith.index_cast %get3A_1979 : i32 to index
    %get3A_1981 = arith.constant 112 : index
    %get3A_1982 = tpu.vector_load %arg10[%get3A_1980, %get3A_1981] {strides = array<i32>} : memref<8x128xi32, #tpu.memory_space<vmem>>, vector<16xi32>,
    %swap3A_1983 = arith.constant 112 : index
    %swap3A_1984 = tpu.vector_load %arg12[%swap3A_1983] {strides = array<i32>} : memref<128xi32, #tpu.memory_space<vmem>>, vector<16xi32>,
    tpu.vector_store %arg12[%swap3A_1983], %get3A_1982 {strides = array<i32>} : memref<128xi32, #tpu.memory_space<vmem>>, vector<16xi32>,
    "tpu.region"() ({
      %run_scoped3A = tpu.sem_alloc : memref<!tpu.dma_semaphore, #tpu.memory_space<semaphore_mem>>
      %dma_start3A = arith.constant 0 : i32
      %dma_start3A_2720 = arith.constant 0 : i32
      %dma_start3A_2721 = tpu.memref_slice %arg2[%dma_start3A, %dma_start3A_2720] : memref<1000000x64xf32, #tpu.memory_space<hbm>> -> memref<1000000x64xf32, #tpu.memory_space<hbm>>
      tpu.enqueue_indirect_dma source(%dma_start3A_2721 : memref<1000000x64xf32, #tpu.memory_space<hbm>>) target(%arg17 : memref<128x64xf32, #tpu.memory_space<vmem>>) offsets(%arg11 : memref<128xi32, #tpu.memory_space<vmem>>) semaphore(%run_scoped3A : memref<!tpu.dma_semaphore, #tpu.memory_space<semaphore_mem>>)
      %dma_wait3A = arith.constant 0 : i32
      %dma_wait3A_2722 = arith.constant 0 : i32
      %dma_wait3A_2723 = tpu.memref_slice %arg2[%dma_wait3A, %dma_wait3A_2722] : memref<1000000x64xf32, #tpu.memory_space<hbm>> -> memref<1000000x64xf32, #tpu.memory_space<hbm>>
      tpu.wait_indirect_dma semaphore(%run_scoped3A : memref<!tpu.dma_semaphore, #tpu.memory_space<semaphore_mem>>) src(%dma_wait3A_2723 : memref<1000000x64xf32, #tpu.memory_space<hbm>>) dst(%arg17 : memref<128x64xf32, #tpu.memory_space<vmem>>)
      tpu.yield
    }) : () -> ()
    "tpu.region"() ({
      %run_scoped3A = tpu.sem_alloc : memref<!tpu.dma_semaphore, #tpu.memory_space<semaphore_mem>>
      %dma_start3A = arith.constant 0 : i32
      %dma_start3A_2720 = arith.constant 0 : i32
      %dma_start3A_2721 = tpu.memref_slice %arg20[%dma_start3A, %dma_start3A_2720] : memref<16384x64xf32, #tpu.memory_space<vmem_shared>> -> memref<16384x64xf32, #tpu.memory_space<vmem_shared>>
      tpu.enqueue_indirect_dma source(%dma_start3A_2721 : memref<16384x64xf32, #tpu.memory_space<vmem_shared>>) target(%arg18 : memref<128x64xf32, #tpu.memory_space<vmem>>) offsets(%arg12 : memref<128xi32, #tpu.memory_space<vmem>>) semaphore(%run_scoped3A : memref<!tpu.dma_semaphore, #tpu.memory_space<semaphore_mem>>)
      %dma_wait3A = arith.constant 0 : i32
      %dma_wait3A_2722 = arith.constant 0 : i32
      %dma_wait3A_2723 = tpu.memref_slice %arg20[%dma_wait3A, %dma_wait3A_2722] : memref<16384x64xf32, #tpu.memory_space<vmem_shared>> -> memref<16384x64xf32, #tpu.memory_space<vmem_shared>>
      tpu.wait_indirect_dma semaphore(%run_scoped3A : memref<!tpu.dma_semaphore, #tpu.memory_space<semaphore_mem>>) src(%dma_wait3A_2723 : memref<16384x64xf32, #tpu.memory_space<vmem_shared>>) dst(%arg18 : memref<128x64xf32, #tpu.memory_space<vmem>>)
      tpu.yield
    }) : () -> ()
    %scan3A = arith.constant 0 : i32
    %scan3A_1985 = arith.constant 0 : i32
    %scan3A_1986 = arith.constant 128 : i32
    %scan3A_1987 = arith.addi %scan3A_1985, %scan3A_1986 : i32
    %scan3A_1988 = arith.constant 1 : i32
    scf.for %scan3A_2720 = %scan3A_1985 to %scan3A_1987 step %scan3A_1988  : i32 {
      %get3A_2721 = arith.index_cast %scan3A_2720 : i32 to index
      %get3A_2722 = arith.constant 0 : index
      %get3A_2723 = tpu.vector_load %arg17[%get3A_2721, %get3A_2722] {strides = array<i32>} : memref<128x64xf32, #tpu.memory_space<vmem>>, vector<16xf32>,
      %get3A_2724 = arith.index_cast %scan3A_2720 : i32 to index
      %get3A_2725 = arith.constant 0 : index
      %get3A_2726 = tpu.vector_load %arg18[%get3A_2724, %get3A_2725] {strides = array<i32>} : memref<128x64xf32, #tpu.memory_space<vmem>>, vector<16xf32>,
      %add3A_2727 = arith.addf %get3A_2723, %get3A_2726 : vector<16xf32>
      %swap3A_2728 = arith.index_cast %scan3A_2720 : i32 to index
      %swap3A_2729 = arith.constant 0 : index
      %swap3A_2730 = tpu.vector_load %arg19[%swap3A_2728, %swap3A_2729] {strides = array<i32>} : memref<128x64xf32, #tpu.memory_space<vmem>>, vector<16xf32>,
      tpu.vector_store %arg19[%swap3A_2728, %swap3A_2729], %add3A_2727 {strides = array<i32>} : memref<128x64xf32, #tpu.memory_space<vmem>>, vector<16xf32>,
      %get3A_2731 = arith.index_cast %scan3A_2720 : i32 to index
      %get3A_2732 = arith.constant 16 : index
      %get3A_2733 = tpu.vector_load %arg17[%get3A_2731, %get3A_2732] {strides = array<i32>} : memref<128x64xf32, #tpu.memory_space<vmem>>, vector<16xf32>,
      %get3A_2734 = arith.index_cast %scan3A_2720 : i32 to index
      %get3A_2735 = arith.constant 16 : index
      %get3A_2736 = tpu.vector_load %arg18[%get3A_2734, %get3A_2735] {strides = array<i32>} : memref<128x64xf32, #tpu.memory_space<vmem>>, vector<16xf32>,
      %add3A_2737 = arith.addf %get3A_2733, %get3A_2736 : vector<16xf32>
      %swap3A_2738 = arith.index_cast %scan3A_2720 : i32 to index
      %swap3A_2739 = arith.constant 16 : index
      %swap3A_2740 = tpu.vector_load %arg19[%swap3A_2738, %swap3A_2739] {strides = array<i32>} : memref<128x64xf32, #tpu.memory_space<vmem>>, vector<16xf32>,
      tpu.vector_store %arg19[%swap3A_2738, %swap3A_2739], %add3A_2737 {strides = array<i32>} : memref<128x64xf32, #tpu.memory_space<vmem>>, vector<16xf32>,
      %get3A_2741 = arith.index_cast %scan3A_2720 : i32 to index
      %get3A_2742 = arith.constant 32 : index
      %get3A_2743 = tpu.vector_load %arg17[%get3A_2741, %get3A_2742] {strides = array<i32>} : memref<128x64xf32, #tpu.memory_space<vmem>>, vector<16xf32>,
      %get3A_2744 = arith.index_cast %scan3A_2720 : i32 to index
      %get3A_2745 = arith.constant 32 : index
      %get3A_2746 = tpu.vector_load %arg18[%get3A_2744, %get3A_2745] {strides = array<i32>} : memref<128x64xf32, #tpu.memory_space<vmem>>, vector<16xf32>,
      %add3A_2747 = arith.addf %get3A_2743, %get3A_2746 : vector<16xf32>
      %swap3A_2748 = arith.index_cast %scan3A_2720 : i32 to index
      %swap3A_2749 = arith.constant 32 : index
      %swap3A_2750 = tpu.vector_load %arg19[%swap3A_2748, %swap3A_2749] {strides = array<i32>} : memref<128x64xf32, #tpu.memory_space<vmem>>, vector<16xf32>,
      tpu.vector_store %arg19[%swap3A_2748, %swap3A_2749], %add3A_2747 {strides = array<i32>} : memref<128x64xf32, #tpu.memory_space<vmem>>, vector<16xf32>,
      %get3A_2751 = arith.index_cast %scan3A_2720 : i32 to index
      %get3A_2752 = arith.constant 48 : index
      %get3A_2753 = tpu.vector_load %arg17[%get3A_2751, %get3A_2752] {strides = array<i32>} : memref<128x64xf32, #tpu.memory_space<vmem>>, vector<16xf32>,
      %get3A_2754 = arith.index_cast %scan3A_2720 : i32 to index
      %get3A_2755 = arith.constant 48 : index
      %get3A_2756 = tpu.vector_load %arg18[%get3A_2754, %get3A_2755] {strides = array<i32>} : memref<128x64xf32, #tpu.memory_space<vmem>>, vector<16xf32>,
      %add3A_2757 = arith.addf %get3A_2753, %get3A_2756 : vector<16xf32>
      %swap3A_2758 = arith.index_cast %scan3A_2720 : i32 to index
      %swap3A_2759 = arith.constant 48 : index
      %swap3A_2760 = tpu.vector_load %arg19[%swap3A_2758, %swap3A_2759] {strides = array<i32>} : memref<128x64xf32, #tpu.memory_space<vmem>>, vector<16xf32>,
      tpu.vector_store %arg19[%swap3A_2758, %swap3A_2759], %add3A_2757 {strides = array<i32>} : memref<128x64xf32, #tpu.memory_space<vmem>>, vector<16xf32>,
    }
    %scan3A_1989 = arith.constant 128 : i32
    %add3A_1990 = arith.constant 0 : i32
    %add3A_1991 = arith.addi %mul3A_2, %add3A_1990 : i32
    "tpu.region"() ({
      %run_scoped3A = tpu.sem_alloc : memref<!tpu.dma_semaphore, #tpu.memory_space<semaphore_mem>>
      %dma_start3A = arith.constant 0 : i32
      %dma_start3A_2720 = tpu.memref_slice %arg7[%add3A_1991, %dma_start3A] : memref<16384x64xf32, #tpu.memory_space<hbm>> -> memref<128x64xf32, #tpu.memory_space<hbm>>
      %dma_start3A_2721 = arith.constant 0 : i32
      %dma_start3A_2722 = tpu.memref_slice %arg7[%add3A_1991, %dma_start3A_2721] : memref<16384x64xf32, #tpu.memory_space<hbm>> -> memref<128x64xf32, #tpu.memory_space<hbm>>
      tpu.enqueue_dma source(%arg19 : memref<128x64xf32, #tpu.memory_space<vmem>>) target(%dma_start3A_2722 : memref<128x64xf32, #tpu.memory_space<hbm>>) target_semaphore(%run_scoped3A : memref<!tpu.dma_semaphore, #tpu.memory_space<semaphore_mem>>)
      %dma_wait3A = arith.constant 0 : i32
      %dma_wait3A_2723 = tpu.memref_slice %arg7[%add3A_1991, %dma_wait3A] : memref<16384x64xf32, #tpu.memory_space<hbm>> -> memref<128x64xf32, #tpu.memory_space<hbm>>
      %dma_wait3A_2724 = arith.constant 0 : i32
      %dma_wait3A_2725 = tpu.memref_slice %arg7[%add3A_1991, %dma_wait3A_2724] : memref<16384x64xf32, #tpu.memory_space<hbm>> -> memref<128x64xf32, #tpu.memory_space<hbm>>
      tpu.wait_dma2 semaphore(%run_scoped3A : memref<!tpu.dma_semaphore, #tpu.memory_space<semaphore_mem>>) src(%arg19 : memref<128x64xf32, #tpu.memory_space<vmem>>) dst(%dma_wait3A_2725 : memref<128x64xf32, #tpu.memory_space<hbm>>)
      tpu.yield
    }) : () -> ()
    %get3A_1992 = arith.constant 1 : i32
    %get3A_1993 = arith.index_cast %get3A_1992 : i32 to index
    %get3A_1994 = arith.constant 0 : index
    %get3A_1995 = tpu.vector_load %arg9[%get3A_1993, %get3A_1994] {strides = array<i32>} : memref<8x128xi32, #tpu.memory_space<vmem>>, vector<16xi32>,
    %swap3A_1996 = arith.constant 0 : index
    %swap3A_1997 = tpu.vector_load %arg11[%swap3A_1996] {strides = array<i32>} : memref<128xi32, #tpu.memory_space<vmem>>, vector<16xi32>,
    tpu.vector_store %arg11[%swap3A_1996], %get3A_1995 {strides = array<i32>} : memref<128xi32, #tpu.memory_space<vmem>>, vector<16xi32>,
    %get3A_1998 = arith.constant 1 : i32
    %get3A_1999 = arith.index_cast %get3A_1998 : i32 to index
    %get3A_2000 = arith.constant 0 : index
    %get3A_2001 = tpu.vector_load %arg10[%get3A_1999, %get3A_2000] {strides = array<i32>} : memref<8x128xi32, #tpu.memory_space<vmem>>, vector<16xi32>,
    %swap3A_2002 = arith.constant 0 : index
    %swap3A_2003 = tpu.vector_load %arg12[%swap3A_2002] {strides = array<i32>} : memref<128xi32, #tpu.memory_space<vmem>>, vector<16xi32>,
    tpu.vector_store %arg12[%swap3A_2002], %get3A_2001 {strides = array<i32>} : memref<128xi32, #tpu.memory_space<vmem>>, vector<16xi32>,
    %get3A_2004 = arith.constant 1 : i32
    %get3A_2005 = arith.index_cast %get3A_2004 : i32 to index
    %get3A_2006 = arith.constant 16 : index
    %get3A_2007 = tpu.vector_load %arg9[%get3A_2005, %get3A_2006] {strides = array<i32>} : memref<8x128xi32, #tpu.memory_space<vmem>>, vector<16xi32>,
    %swap3A_2008 = arith.constant 16 : index
    %swap3A_2009 = tpu.vector_load %arg11[%swap3A_2008] {strides = array<i32>} : memref<128xi32, #tpu.memory_space<vmem>>, vector<16xi32>,
    tpu.vector_store %arg11[%swap3A_2008], %get3A_2007 {strides = array<i32>} : memref<128xi32, #tpu.memory_space<vmem>>, vector<16xi32>,
    %get3A_2010 = arith.constant 1 : i32
    %get3A_2011 = arith.index_cast %get3A_2010 : i32 to index
    %get3A_2012 = arith.constant 16 : index
    %get3A_2013 = tpu.vector_load %arg10[%get3A_2011, %get3A_2012] {strides = array<i32>} : memref<8x128xi32, #tpu.memory_space<vmem>>, vector<16xi32>,
    %swap3A_2014 = arith.constant 16 : index
    %swap3A_2015 = tpu.vector_load %arg12[%swap3A_2014] {strides = array<i32>} : memref<128xi32, #tpu.memory_space<vmem>>, vector<16xi32>,
    tpu.vector_store %arg12[%swap3A_2014], %get3A_2013 {strides = array<i32>} : memref<128xi32, #tpu.memory_space<vmem>>, vector<16xi32>,
    %get3A_2016 = arith.constant 1 : i32
    %get3A_2017 = arith.index_cast %get3A_2016 : i32 to index
    %get3A_2018 = arith.constant 32 : index
    %get3A_2019 = tpu.vector_load %arg9[%get3A_2017, %get3A_2018] {strides = array<i32>} : memref<8x128xi32, #tpu.memory_space<vmem>>, vector<16xi32>,
    %swap3A_2020 = arith.constant 32 : index
    %swap3A_2021 = tpu.vector_load %arg11[%swap3A_2020] {strides = array<i32>} : memref<128xi32, #tpu.memory_space<vmem>>, vector<16xi32>,
    tpu.vector_store %arg11[%swap3A_2020], %get3A_2019 {strides = array<i32>} : memref<128xi32, #tpu.memory_space<vmem>>, vector<16xi32>,
    %get3A_2022 = arith.constant 1 : i32
    %get3A_2023 = arith.index_cast %get3A_2022 : i32 to index
    %get3A_2024 = arith.constant 32 : index
    %get3A_2025 = tpu.vector_load %arg10[%get3A_2023, %get3A_2024] {strides = array<i32>} : memref<8x128xi32, #tpu.memory_space<vmem>>, vector<16xi32>,
    %swap3A_2026 = arith.constant 32 : index
    %swap3A_2027 = tpu.vector_load %arg12[%swap3A_2026] {strides = array<i32>} : memref<128xi32, #tpu.memory_space<vmem>>, vector<16xi32>,
    tpu.vector_store %arg12[%swap3A_2026], %get3A_2025 {strides = array<i32>} : memref<128xi32, #tpu.memory_space<vmem>>, vector<16xi32>,
    %get3A_2028 = arith.constant 1 : i32
    %get3A_2029 = arith.index_cast %get3A_2028 : i32 to index
    %get3A_2030 = arith.constant 48 : index
    %get3A_2031 = tpu.vector_load %arg9[%get3A_2029, %get3A_2030] {strides = array<i32>} : memref<8x128xi32, #tpu.memory_space<vmem>>, vector<16xi32>,
    %swap3A_2032 = arith.constant 48 : index
    %swap3A_2033 = tpu.vector_load %arg11[%swap3A_2032] {strides = array<i32>} : memref<128xi32, #tpu.memory_space<vmem>>, vector<16xi32>,
    tpu.vector_store %arg11[%swap3A_2032], %get3A_2031 {strides = array<i32>} : memref<128xi32, #tpu.memory_space<vmem>>, vector<16xi32>,
    %get3A_2034 = arith.constant 1 : i32
    %get3A_2035 = arith.index_cast %get3A_2034 : i32 to index
    %get3A_2036 = arith.constant 48 : index
    %get3A_2037 = tpu.vector_load %arg10[%get3A_2035, %get3A_2036] {strides = array<i32>} : memref<8x128xi32, #tpu.memory_space<vmem>>, vector<16xi32>,
    %swap3A_2038 = arith.constant 48 : index
    %swap3A_2039 = tpu.vector_load %arg12[%swap3A_2038] {strides = array<i32>} : memref<128xi32, #tpu.memory_space<vmem>>, vector<16xi32>,
    tpu.vector_store %arg12[%swap3A_2038], %get3A_2037 {strides = array<i32>} : memref<128xi32, #tpu.memory_space<vmem>>, vector<16xi32>,
    %get3A_2040 = arith.constant 1 : i32
    %get3A_2041 = arith.index_cast %get3A_2040 : i32 to index
    %get3A_2042 = arith.constant 64 : index
    %get3A_2043 = tpu.vector_load %arg9[%get3A_2041, %get3A_2042] {strides = array<i32>} : memref<8x128xi32, #tpu.memory_space<vmem>>, vector<16xi32>,
    %swap3A_2044 = arith.constant 64 : index
    %swap3A_2045 = tpu.vector_load %arg11[%swap3A_2044] {strides = array<i32>} : memref<128xi32, #tpu.memory_space<vmem>>, vector<16xi32>,
    tpu.vector_store %arg11[%swap3A_2044], %get3A_2043 {strides = array<i32>} : memref<128xi32, #tpu.memory_space<vmem>>, vector<16xi32>,
    %get3A_2046 = arith.constant 1 : i32
    %get3A_2047 = arith.index_cast %get3A_2046 : i32 to index
    %get3A_2048 = arith.constant 64 : index
    %get3A_2049 = tpu.vector_load %arg10[%get3A_2047, %get3A_2048] {strides = array<i32>} : memref<8x128xi32, #tpu.memory_space<vmem>>, vector<16xi32>,
    %swap3A_2050 = arith.constant 64 : index
    %swap3A_2051 = tpu.vector_load %arg12[%swap3A_2050] {strides = array<i32>} : memref<128xi32, #tpu.memory_space<vmem>>, vector<16xi32>,
    tpu.vector_store %arg12[%swap3A_2050], %get3A_2049 {strides = array<i32>} : memref<128xi32, #tpu.memory_space<vmem>>, vector<16xi32>,
    %get3A_2052 = arith.constant 1 : i32
    %get3A_2053 = arith.index_cast %get3A_2052 : i32 to index
    %get3A_2054 = arith.constant 80 : index
    %get3A_2055 = tpu.vector_load %arg9[%get3A_2053, %get3A_2054] {strides = array<i32>} : memref<8x128xi32, #tpu.memory_space<vmem>>, vector<16xi32>,
    %swap3A_2056 = arith.constant 80 : index
    %swap3A_2057 = tpu.vector_load %arg11[%swap3A_2056] {strides = array<i32>} : memref<128xi32, #tpu.memory_space<vmem>>, vector<16xi32>,
    tpu.vector_store %arg11[%swap3A_2056], %get3A_2055 {strides = array<i32>} : memref<128xi32, #tpu.memory_space<vmem>>, vector<16xi32>,
    %get3A_2058 = arith.constant 1 : i32
    %get3A_2059 = arith.index_cast %get3A_2058 : i32 to index
    %get3A_2060 = arith.constant 80 : index
    %get3A_2061 = tpu.vector_load %arg10[%get3A_2059, %get3A_2060] {strides = array<i32>} : memref<8x128xi32, #tpu.memory_space<vmem>>, vector<16xi32>,
    %swap3A_2062 = arith.constant 80 : index
    %swap3A_2063 = tpu.vector_load %arg12[%swap3A_2062] {strides = array<i32>} : memref<128xi32, #tpu.memory_space<vmem>>, vector<16xi32>,
    tpu.vector_store %arg12[%swap3A_2062], %get3A_2061 {strides = array<i32>} : memref<128xi32, #tpu.memory_space<vmem>>, vector<16xi32>,
    %get3A_2064 = arith.constant 1 : i32
    %get3A_2065 = arith.index_cast %get3A_2064 : i32 to index
    %get3A_2066 = arith.constant 96 : index
    %get3A_2067 = tpu.vector_load %arg9[%get3A_2065, %get3A_2066] {strides = array<i32>} : memref<8x128xi32, #tpu.memory_space<vmem>>, vector<16xi32>,
    %swap3A_2068 = arith.constant 96 : index
    %swap3A_2069 = tpu.vector_load %arg11[%swap3A_2068] {strides = array<i32>} : memref<128xi32, #tpu.memory_space<vmem>>, vector<16xi32>,
    tpu.vector_store %arg11[%swap3A_2068], %get3A_2067 {strides = array<i32>} : memref<128xi32, #tpu.memory_space<vmem>>, vector<16xi32>,
    %get3A_2070 = arith.constant 1 : i32
    %get3A_2071 = arith.index_cast %get3A_2070 : i32 to index
    %get3A_2072 = arith.constant 96 : index
    %get3A_2073 = tpu.vector_load %arg10[%get3A_2071, %get3A_2072] {strides = array<i32>} : memref<8x128xi32, #tpu.memory_space<vmem>>, vector<16xi32>,
    %swap3A_2074 = arith.constant 96 : index
    %swap3A_2075 = tpu.vector_load %arg12[%swap3A_2074] {strides = array<i32>} : memref<128xi32, #tpu.memory_space<vmem>>, vector<16xi32>,
    tpu.vector_store %arg12[%swap3A_2074], %get3A_2073 {strides = array<i32>} : memref<128xi32, #tpu.memory_space<vmem>>, vector<16xi32>,
    %get3A_2076 = arith.constant 1 : i32
    %get3A_2077 = arith.index_cast %get3A_2076 : i32 to index
    %get3A_2078 = arith.constant 112 : index
    %get3A_2079 = tpu.vector_load %arg9[%get3A_2077, %get3A_2078] {strides = array<i32>} : memref<8x128xi32, #tpu.memory_space<vmem>>, vector<16xi32>,
    %swap3A_2080 = arith.constant 112 : index
    %swap3A_2081 = tpu.vector_load %arg11[%swap3A_2080] {strides = array<i32>} : memref<128xi32, #tpu.memory_space<vmem>>, vector<16xi32>,
    tpu.vector_store %arg11[%swap3A_2080], %get3A_2079 {strides = array<i32>} : memref<128xi32, #tpu.memory_space<vmem>>, vector<16xi32>,
    %get3A_2082 = arith.constant 1 : i32
    %get3A_2083 = arith.index_cast %get3A_2082 : i32 to index
    %get3A_2084 = arith.constant 112 : index
    %get3A_2085 = tpu.vector_load %arg10[%get3A_2083, %get3A_2084] {strides = array<i32>} : memref<8x128xi32, #tpu.memory_space<vmem>>, vector<16xi32>,
    %swap3A_2086 = arith.constant 112 : index
    %swap3A_2087 = tpu.vector_load %arg12[%swap3A_2086] {strides = array<i32>} : memref<128xi32, #tpu.memory_space<vmem>>, vector<16xi32>,
    tpu.vector_store %arg12[%swap3A_2086], %get3A_2085 {strides = array<i32>} : memref<128xi32, #tpu.memory_space<vmem>>, vector<16xi32>,
    "tpu.region"() ({
      %run_scoped3A = tpu.sem_alloc : memref<!tpu.dma_semaphore, #tpu.memory_space<semaphore_mem>>
      %dma_start3A = arith.constant 0 : i32
      %dma_start3A_2720 = arith.constant 0 : i32
      %dma_start3A_2721 = tpu.memref_slice %arg2[%dma_start3A, %dma_start3A_2720] : memref<1000000x64xf32, #tpu.memory_space<hbm>> -> memref<1000000x64xf32, #tpu.memory_space<hbm>>
      tpu.enqueue_indirect_dma source(%dma_start3A_2721 : memref<1000000x64xf32, #tpu.memory_space<hbm>>) target(%arg17 : memref<128x64xf32, #tpu.memory_space<vmem>>) offsets(%arg11 : memref<128xi32, #tpu.memory_space<vmem>>) semaphore(%run_scoped3A : memref<!tpu.dma_semaphore, #tpu.memory_space<semaphore_mem>>)
      %dma_wait3A = arith.constant 0 : i32
      %dma_wait3A_2722 = arith.constant 0 : i32
      %dma_wait3A_2723 = tpu.memref_slice %arg2[%dma_wait3A, %dma_wait3A_2722] : memref<1000000x64xf32, #tpu.memory_space<hbm>> -> memref<1000000x64xf32, #tpu.memory_space<hbm>>
      tpu.wait_indirect_dma semaphore(%run_scoped3A : memref<!tpu.dma_semaphore, #tpu.memory_space<semaphore_mem>>) src(%dma_wait3A_2723 : memref<1000000x64xf32, #tpu.memory_space<hbm>>) dst(%arg17 : memref<128x64xf32, #tpu.memory_space<vmem>>)
      tpu.yield
    }) : () -> ()
    "tpu.region"() ({
      %run_scoped3A = tpu.sem_alloc : memref<!tpu.dma_semaphore, #tpu.memory_space<semaphore_mem>>
      %dma_start3A = arith.constant 0 : i32
      %dma_start3A_2720 = arith.constant 0 : i32
      %dma_start3A_2721 = tpu.memref_slice %arg20[%dma_start3A, %dma_start3A_2720] : memref<16384x64xf32, #tpu.memory_space<vmem_shared>> -> memref<16384x64xf32, #tpu.memory_space<vmem_shared>>
      tpu.enqueue_indirect_dma source(%dma_start3A_2721 : memref<16384x64xf32, #tpu.memory_space<vmem_shared>>) target(%arg18 : memref<128x64xf32, #tpu.memory_space<vmem>>) offsets(%arg12 : memref<128xi32, #tpu.memory_space<vmem>>) semaphore(%run_scoped3A : memref<!tpu.dma_semaphore, #tpu.memory_space<semaphore_mem>>)
      %dma_wait3A = arith.constant 0 : i32
      %dma_wait3A_2722 = arith.constant 0 : i32
      %dma_wait3A_2723 = tpu.memref_slice %arg20[%dma_wait3A, %dma_wait3A_2722] : memref<16384x64xf32, #tpu.memory_space<vmem_shared>> -> memref<16384x64xf32, #tpu.memory_space<vmem_shared>>
      tpu.wait_indirect_dma semaphore(%run_scoped3A : memref<!tpu.dma_semaphore, #tpu.memory_space<semaphore_mem>>) src(%dma_wait3A_2723 : memref<16384x64xf32, #tpu.memory_space<vmem_shared>>) dst(%arg18 : memref<128x64xf32, #tpu.memory_space<vmem>>)
      tpu.yield
    }) : () -> ()
    %scan3A_2088 = arith.constant 0 : i32
    %scan3A_2089 = arith.constant 0 : i32
    %scan3A_2090 = arith.constant 128 : i32
    %scan3A_2091 = arith.addi %scan3A_2089, %scan3A_2090 : i32
    %scan3A_2092 = arith.constant 1 : i32
    scf.for %scan3A_2720 = %scan3A_2089 to %scan3A_2091 step %scan3A_2092  : i32 {
      %get3A_2721 = arith.index_cast %scan3A_2720 : i32 to index
      %get3A_2722 = arith.constant 0 : index
      %get3A_2723 = tpu.vector_load %arg17[%get3A_2721, %get3A_2722] {strides = array<i32>} : memref<128x64xf32, #tpu.memory_space<vmem>>, vector<16xf32>,
      %get3A_2724 = arith.index_cast %scan3A_2720 : i32 to index
      %get3A_2725 = arith.constant 0 : index
      %get3A_2726 = tpu.vector_load %arg18[%get3A_2724, %get3A_2725] {strides = array<i32>} : memref<128x64xf32, #tpu.memory_space<vmem>>, vector<16xf32>,
      %add3A_2727 = arith.addf %get3A_2723, %get3A_2726 : vector<16xf32>
      %swap3A_2728 = arith.index_cast %scan3A_2720 : i32 to index
      %swap3A_2729 = arith.constant 0 : index
      %swap3A_2730 = tpu.vector_load %arg19[%swap3A_2728, %swap3A_2729] {strides = array<i32>} : memref<128x64xf32, #tpu.memory_space<vmem>>, vector<16xf32>,
      tpu.vector_store %arg19[%swap3A_2728, %swap3A_2729], %add3A_2727 {strides = array<i32>} : memref<128x64xf32, #tpu.memory_space<vmem>>, vector<16xf32>,
      %get3A_2731 = arith.index_cast %scan3A_2720 : i32 to index
      %get3A_2732 = arith.constant 16 : index
      %get3A_2733 = tpu.vector_load %arg17[%get3A_2731, %get3A_2732] {strides = array<i32>} : memref<128x64xf32, #tpu.memory_space<vmem>>, vector<16xf32>,
      %get3A_2734 = arith.index_cast %scan3A_2720 : i32 to index
      %get3A_2735 = arith.constant 16 : index
      %get3A_2736 = tpu.vector_load %arg18[%get3A_2734, %get3A_2735] {strides = array<i32>} : memref<128x64xf32, #tpu.memory_space<vmem>>, vector<16xf32>,
      %add3A_2737 = arith.addf %get3A_2733, %get3A_2736 : vector<16xf32>
      %swap3A_2738 = arith.index_cast %scan3A_2720 : i32 to index
      %swap3A_2739 = arith.constant 16 : index
      %swap3A_2740 = tpu.vector_load %arg19[%swap3A_2738, %swap3A_2739] {strides = array<i32>} : memref<128x64xf32, #tpu.memory_space<vmem>>, vector<16xf32>,
      tpu.vector_store %arg19[%swap3A_2738, %swap3A_2739], %add3A_2737 {strides = array<i32>} : memref<128x64xf32, #tpu.memory_space<vmem>>, vector<16xf32>,
      %get3A_2741 = arith.index_cast %scan3A_2720 : i32 to index
      %get3A_2742 = arith.constant 32 : index
      %get3A_2743 = tpu.vector_load %arg17[%get3A_2741, %get3A_2742] {strides = array<i32>} : memref<128x64xf32, #tpu.memory_space<vmem>>, vector<16xf32>,
      %get3A_2744 = arith.index_cast %scan3A_2720 : i32 to index
      %get3A_2745 = arith.constant 32 : index
      %get3A_2746 = tpu.vector_load %arg18[%get3A_2744, %get3A_2745] {strides = array<i32>} : memref<128x64xf32, #tpu.memory_space<vmem>>, vector<16xf32>,
      %add3A_2747 = arith.addf %get3A_2743, %get3A_2746 : vector<16xf32>
      %swap3A_2748 = arith.index_cast %scan3A_2720 : i32 to index
      %swap3A_2749 = arith.constant 32 : index
      %swap3A_2750 = tpu.vector_load %arg19[%swap3A_2748, %swap3A_2749] {strides = array<i32>} : memref<128x64xf32, #tpu.memory_space<vmem>>, vector<16xf32>,
      tpu.vector_store %arg19[%swap3A_2748, %swap3A_2749], %add3A_2747 {strides = array<i32>} : memref<128x64xf32, #tpu.memory_space<vmem>>, vector<16xf32>,
      %get3A_2751 = arith.index_cast %scan3A_2720 : i32 to index
      %get3A_2752 = arith.constant 48 : index
      %get3A_2753 = tpu.vector_load %arg17[%get3A_2751, %get3A_2752] {strides = array<i32>} : memref<128x64xf32, #tpu.memory_space<vmem>>, vector<16xf32>,
      %get3A_2754 = arith.index_cast %scan3A_2720 : i32 to index
      %get3A_2755 = arith.constant 48 : index
      %get3A_2756 = tpu.vector_load %arg18[%get3A_2754, %get3A_2755] {strides = array<i32>} : memref<128x64xf32, #tpu.memory_space<vmem>>, vector<16xf32>,
      %add3A_2757 = arith.addf %get3A_2753, %get3A_2756 : vector<16xf32>
      %swap3A_2758 = arith.index_cast %scan3A_2720 : i32 to index
      %swap3A_2759 = arith.constant 48 : index
      %swap3A_2760 = tpu.vector_load %arg19[%swap3A_2758, %swap3A_2759] {strides = array<i32>} : memref<128x64xf32, #tpu.memory_space<vmem>>, vector<16xf32>,
      tpu.vector_store %arg19[%swap3A_2758, %swap3A_2759], %add3A_2757 {strides = array<i32>} : memref<128x64xf32, #tpu.memory_space<vmem>>, vector<16xf32>,
    }
    %scan3A_2093 = arith.constant 128 : i32
    %add3A_2094 = arith.constant 128 : i32
    %add3A_2095 = arith.addi %mul3A_2, %add3A_2094 : i32
    "tpu.region"() ({
      %run_scoped3A = tpu.sem_alloc : memref<!tpu.dma_semaphore, #tpu.memory_space<semaphore_mem>>
      %dma_start3A = arith.constant 0 : i32
      %dma_start3A_2720 = tpu.memref_slice %arg7[%add3A_2095, %dma_start3A] : memref<16384x64xf32, #tpu.memory_space<hbm>> -> memref<128x64xf32, #tpu.memory_space<hbm>>
      %dma_start3A_2721 = arith.constant 0 : i32
      %dma_start3A_2722 = tpu.memref_slice %arg7[%add3A_2095, %dma_start3A_2721] : memref<16384x64xf32, #tpu.memory_space<hbm>> -> memref<128x64xf32, #tpu.memory_space<hbm>>
      tpu.enqueue_dma source(%arg19 : memref<128x64xf32, #tpu.memory_space<vmem>>) target(%dma_start3A_2722 : memref<128x64xf32, #tpu.memory_space<hbm>>) target_semaphore(%run_scoped3A : memref<!tpu.dma_semaphore, #tpu.memory_space<semaphore_mem>>)
      %dma_wait3A = arith.constant 0 : i32
      %dma_wait3A_2723 = tpu.memref_slice %arg7[%add3A_2095, %dma_wait3A] : memref<16384x64xf32, #tpu.memory_space<hbm>> -> memref<128x64xf32, #tpu.memory_space<hbm>>
      %dma_wait3A_2724 = arith.constant 0 : i32
      %dma_wait3A_2725 = tpu.memref_slice %arg7[%add3A_2095, %dma_wait3A_2724] : memref<16384x64xf32, #tpu.memory_space<hbm>> -> memref<128x64xf32, #tpu.memory_space<hbm>>
      tpu.wait_dma2 semaphore(%run_scoped3A : memref<!tpu.dma_semaphore, #tpu.memory_space<semaphore_mem>>) src(%arg19 : memref<128x64xf32, #tpu.memory_space<vmem>>) dst(%dma_wait3A_2725 : memref<128x64xf32, #tpu.memory_space<hbm>>)
      tpu.yield
    }) : () -> ()
    %get3A_2096 = arith.constant 2 : i32
    %get3A_2097 = arith.index_cast %get3A_2096 : i32 to index
    %get3A_2098 = arith.constant 0 : index
    %get3A_2099 = tpu.vector_load %arg9[%get3A_2097, %get3A_2098] {strides = array<i32>} : memref<8x128xi32, #tpu.memory_space<vmem>>, vector<16xi32>,
    %swap3A_2100 = arith.constant 0 : index
    %swap3A_2101 = tpu.vector_load %arg11[%swap3A_2100] {strides = array<i32>} : memref<128xi32, #tpu.memory_space<vmem>>, vector<16xi32>,
    tpu.vector_store %arg11[%swap3A_2100], %get3A_2099 {strides = array<i32>} : memref<128xi32, #tpu.memory_space<vmem>>, vector<16xi32>,
    %get3A_2102 = arith.constant 2 : i32
    %get3A_2103 = arith.index_cast %get3A_2102 : i32 to index
    %get3A_2104 = arith.constant 0 : index
    %get3A_2105 = tpu.vector_load %arg10[%get3A_2103, %get3A_2104] {strides = array<i32>} : memref<8x128xi32, #tpu.memory_space<vmem>>, vector<16xi32>,
    %swap3A_2106 = arith.constant 0 : index
    %swap3A_2107 = tpu.vector_load %arg12[%swap3A_2106] {strides = array<i32>} : memref<128xi32, #tpu.memory_space<vmem>>, vector<16xi32>,
    tpu.vector_store %arg12[%swap3A_2106], %get3A_2105 {strides = array<i32>} : memref<128xi32, #tpu.memory_space<vmem>>, vector<16xi32>,
    %get3A_2108 = arith.constant 2 : i32
    %get3A_2109 = arith.index_cast %get3A_2108 : i32 to index
    %get3A_2110 = arith.constant 16 : index
    %get3A_2111 = tpu.vector_load %arg9[%get3A_2109, %get3A_2110] {strides = array<i32>} : memref<8x128xi32, #tpu.memory_space<vmem>>, vector<16xi32>,
    %swap3A_2112 = arith.constant 16 : index
    %swap3A_2113 = tpu.vector_load %arg11[%swap3A_2112] {strides = array<i32>} : memref<128xi32, #tpu.memory_space<vmem>>, vector<16xi32>,
    tpu.vector_store %arg11[%swap3A_2112], %get3A_2111 {strides = array<i32>} : memref<128xi32, #tpu.memory_space<vmem>>, vector<16xi32>,
    %get3A_2114 = arith.constant 2 : i32
    %get3A_2115 = arith.index_cast %get3A_2114 : i32 to index
    %get3A_2116 = arith.constant 16 : index
    %get3A_2117 = tpu.vector_load %arg10[%get3A_2115, %get3A_2116] {strides = array<i32>} : memref<8x128xi32, #tpu.memory_space<vmem>>, vector<16xi32>,
    %swap3A_2118 = arith.constant 16 : index
    %swap3A_2119 = tpu.vector_load %arg12[%swap3A_2118] {strides = array<i32>} : memref<128xi32, #tpu.memory_space<vmem>>, vector<16xi32>,
    tpu.vector_store %arg12[%swap3A_2118], %get3A_2117 {strides = array<i32>} : memref<128xi32, #tpu.memory_space<vmem>>, vector<16xi32>,
    %get3A_2120 = arith.constant 2 : i32
    %get3A_2121 = arith.index_cast %get3A_2120 : i32 to index
    %get3A_2122 = arith.constant 32 : index
    %get3A_2123 = tpu.vector_load %arg9[%get3A_2121, %get3A_2122] {strides = array<i32>} : memref<8x128xi32, #tpu.memory_space<vmem>>, vector<16xi32>,
    %swap3A_2124 = arith.constant 32 : index
    %swap3A_2125 = tpu.vector_load %arg11[%swap3A_2124] {strides = array<i32>} : memref<128xi32, #tpu.memory_space<vmem>>, vector<16xi32>,
    tpu.vector_store %arg11[%swap3A_2124], %get3A_2123 {strides = array<i32>} : memref<128xi32, #tpu.memory_space<vmem>>, vector<16xi32>,
    %get3A_2126 = arith.constant 2 : i32
    %get3A_2127 = arith.index_cast %get3A_2126 : i32 to index
    %get3A_2128 = arith.constant 32 : index
    %get3A_2129 = tpu.vector_load %arg10[%get3A_2127, %get3A_2128] {strides = array<i32>} : memref<8x128xi32, #tpu.memory_space<vmem>>, vector<16xi32>,
    %swap3A_2130 = arith.constant 32 : index
    %swap3A_2131 = tpu.vector_load %arg12[%swap3A_2130] {strides = array<i32>} : memref<128xi32, #tpu.memory_space<vmem>>, vector<16xi32>,
    tpu.vector_store %arg12[%swap3A_2130], %get3A_2129 {strides = array<i32>} : memref<128xi32, #tpu.memory_space<vmem>>, vector<16xi32>,
    %get3A_2132 = arith.constant 2 : i32
    %get3A_2133 = arith.index_cast %get3A_2132 : i32 to index
    %get3A_2134 = arith.constant 48 : index
    %get3A_2135 = tpu.vector_load %arg9[%get3A_2133, %get3A_2134] {strides = array<i32>} : memref<8x128xi32, #tpu.memory_space<vmem>>, vector<16xi32>,
    %swap3A_2136 = arith.constant 48 : index
    %swap3A_2137 = tpu.vector_load %arg11[%swap3A_2136] {strides = array<i32>} : memref<128xi32, #tpu.memory_space<vmem>>, vector<16xi32>,
    tpu.vector_store %arg11[%swap3A_2136], %get3A_2135 {strides = array<i32>} : memref<128xi32, #tpu.memory_space<vmem>>, vector<16xi32>,
    %get3A_2138 = arith.constant 2 : i32
    %get3A_2139 = arith.index_cast %get3A_2138 : i32 to index
    %get3A_2140 = arith.constant 48 : index
    %get3A_2141 = tpu.vector_load %arg10[%get3A_2139, %get3A_2140] {strides = array<i32>} : memref<8x128xi32, #tpu.memory_space<vmem>>, vector<16xi32>,
    %swap3A_2142 = arith.constant 48 : index
    %swap3A_2143 = tpu.vector_load %arg12[%swap3A_2142] {strides = array<i32>} : memref<128xi32, #tpu.memory_space<vmem>>, vector<16xi32>,
    tpu.vector_store %arg12[%swap3A_2142], %get3A_2141 {strides = array<i32>} : memref<128xi32, #tpu.memory_space<vmem>>, vector<16xi32>,
    %get3A_2144 = arith.constant 2 : i32
    %get3A_2145 = arith.index_cast %get3A_2144 : i32 to index
    %get3A_2146 = arith.constant 64 : index
    %get3A_2147 = tpu.vector_load %arg9[%get3A_2145, %get3A_2146] {strides = array<i32>} : memref<8x128xi32, #tpu.memory_space<vmem>>, vector<16xi32>,
    %swap3A_2148 = arith.constant 64 : index
    %swap3A_2149 = tpu.vector_load %arg11[%swap3A_2148] {strides = array<i32>} : memref<128xi32, #tpu.memory_space<vmem>>, vector<16xi32>,
    tpu.vector_store %arg11[%swap3A_2148], %get3A_2147 {strides = array<i32>} : memref<128xi32, #tpu.memory_space<vmem>>, vector<16xi32>,
    %get3A_2150 = arith.constant 2 : i32
    %get3A_2151 = arith.index_cast %get3A_2150 : i32 to index
    %get3A_2152 = arith.constant 64 : index
    %get3A_2153 = tpu.vector_load %arg10[%get3A_2151, %get3A_2152] {strides = array<i32>} : memref<8x128xi32, #tpu.memory_space<vmem>>, vector<16xi32>,
    %swap3A_2154 = arith.constant 64 : index
    %swap3A_2155 = tpu.vector_load %arg12[%swap3A_2154] {strides = array<i32>} : memref<128xi32, #tpu.memory_space<vmem>>, vector<16xi32>,
    tpu.vector_store %arg12[%swap3A_2154], %get3A_2153 {strides = array<i32>} : memref<128xi32, #tpu.memory_space<vmem>>, vector<16xi32>,
    %get3A_2156 = arith.constant 2 : i32
    %get3A_2157 = arith.index_cast %get3A_2156 : i32 to index
    %get3A_2158 = arith.constant 80 : index
    %get3A_2159 = tpu.vector_load %arg9[%get3A_2157, %get3A_2158] {strides = array<i32>} : memref<8x128xi32, #tpu.memory_space<vmem>>, vector<16xi32>,
    %swap3A_2160 = arith.constant 80 : index
    %swap3A_2161 = tpu.vector_load %arg11[%swap3A_2160] {strides = array<i32>} : memref<128xi32, #tpu.memory_space<vmem>>, vector<16xi32>,
    tpu.vector_store %arg11[%swap3A_2160], %get3A_2159 {strides = array<i32>} : memref<128xi32, #tpu.memory_space<vmem>>, vector<16xi32>,
    %get3A_2162 = arith.constant 2 : i32
    %get3A_2163 = arith.index_cast %get3A_2162 : i32 to index
    %get3A_2164 = arith.constant 80 : index
    %get3A_2165 = tpu.vector_load %arg10[%get3A_2163, %get3A_2164] {strides = array<i32>} : memref<8x128xi32, #tpu.memory_space<vmem>>, vector<16xi32>,
    %swap3A_2166 = arith.constant 80 : index
    %swap3A_2167 = tpu.vector_load %arg12[%swap3A_2166] {strides = array<i32>} : memref<128xi32, #tpu.memory_space<vmem>>, vector<16xi32>,
    tpu.vector_store %arg12[%swap3A_2166], %get3A_2165 {strides = array<i32>} : memref<128xi32, #tpu.memory_space<vmem>>, vector<16xi32>,
    %get3A_2168 = arith.constant 2 : i32
    %get3A_2169 = arith.index_cast %get3A_2168 : i32 to index
    %get3A_2170 = arith.constant 96 : index
    %get3A_2171 = tpu.vector_load %arg9[%get3A_2169, %get3A_2170] {strides = array<i32>} : memref<8x128xi32, #tpu.memory_space<vmem>>, vector<16xi32>,
    %swap3A_2172 = arith.constant 96 : index
    %swap3A_2173 = tpu.vector_load %arg11[%swap3A_2172] {strides = array<i32>} : memref<128xi32, #tpu.memory_space<vmem>>, vector<16xi32>,
    tpu.vector_store %arg11[%swap3A_2172], %get3A_2171 {strides = array<i32>} : memref<128xi32, #tpu.memory_space<vmem>>, vector<16xi32>,
    %get3A_2174 = arith.constant 2 : i32
    %get3A_2175 = arith.index_cast %get3A_2174 : i32 to index
    %get3A_2176 = arith.constant 96 : index
    %get3A_2177 = tpu.vector_load %arg10[%get3A_2175, %get3A_2176] {strides = array<i32>} : memref<8x128xi32, #tpu.memory_space<vmem>>, vector<16xi32>,
    %swap3A_2178 = arith.constant 96 : index
    %swap3A_2179 = tpu.vector_load %arg12[%swap3A_2178] {strides = array<i32>} : memref<128xi32, #tpu.memory_space<vmem>>, vector<16xi32>,
    tpu.vector_store %arg12[%swap3A_2178], %get3A_2177 {strides = array<i32>} : memref<128xi32, #tpu.memory_space<vmem>>, vector<16xi32>,
    %get3A_2180 = arith.constant 2 : i32
    %get3A_2181 = arith.index_cast %get3A_2180 : i32 to index
    %get3A_2182 = arith.constant 112 : index
    %get3A_2183 = tpu.vector_load %arg9[%get3A_2181, %get3A_2182] {strides = array<i32>} : memref<8x128xi32, #tpu.memory_space<vmem>>, vector<16xi32>,
    %swap3A_2184 = arith.constant 112 : index
    %swap3A_2185 = tpu.vector_load %arg11[%swap3A_2184] {strides = array<i32>} : memref<128xi32, #tpu.memory_space<vmem>>, vector<16xi32>,
    tpu.vector_store %arg11[%swap3A_2184], %get3A_2183 {strides = array<i32>} : memref<128xi32, #tpu.memory_space<vmem>>, vector<16xi32>,
    %get3A_2186 = arith.constant 2 : i32
    %get3A_2187 = arith.index_cast %get3A_2186 : i32 to index
    %get3A_2188 = arith.constant 112 : index
    %get3A_2189 = tpu.vector_load %arg10[%get3A_2187, %get3A_2188] {strides = array<i32>} : memref<8x128xi32, #tpu.memory_space<vmem>>, vector<16xi32>,
    %swap3A_2190 = arith.constant 112 : index
    %swap3A_2191 = tpu.vector_load %arg12[%swap3A_2190] {strides = array<i32>} : memref<128xi32, #tpu.memory_space<vmem>>, vector<16xi32>,
    tpu.vector_store %arg12[%swap3A_2190], %get3A_2189 {strides = array<i32>} : memref<128xi32, #tpu.memory_space<vmem>>, vector<16xi32>,
    "tpu.region"() ({
      %run_scoped3A = tpu.sem_alloc : memref<!tpu.dma_semaphore, #tpu.memory_space<semaphore_mem>>
      %dma_start3A = arith.constant 0 : i32
      %dma_start3A_2720 = arith.constant 0 : i32
      %dma_start3A_2721 = tpu.memref_slice %arg2[%dma_start3A, %dma_start3A_2720] : memref<1000000x64xf32, #tpu.memory_space<hbm>> -> memref<1000000x64xf32, #tpu.memory_space<hbm>>
      tpu.enqueue_indirect_dma source(%dma_start3A_2721 : memref<1000000x64xf32, #tpu.memory_space<hbm>>) target(%arg17 : memref<128x64xf32, #tpu.memory_space<vmem>>) offsets(%arg11 : memref<128xi32, #tpu.memory_space<vmem>>) semaphore(%run_scoped3A : memref<!tpu.dma_semaphore, #tpu.memory_space<semaphore_mem>>)
      %dma_wait3A = arith.constant 0 : i32
      %dma_wait3A_2722 = arith.constant 0 : i32
      %dma_wait3A_2723 = tpu.memref_slice %arg2[%dma_wait3A, %dma_wait3A_2722] : memref<1000000x64xf32, #tpu.memory_space<hbm>> -> memref<1000000x64xf32, #tpu.memory_space<hbm>>
      tpu.wait_indirect_dma semaphore(%run_scoped3A : memref<!tpu.dma_semaphore, #tpu.memory_space<semaphore_mem>>) src(%dma_wait3A_2723 : memref<1000000x64xf32, #tpu.memory_space<hbm>>) dst(%arg17 : memref<128x64xf32, #tpu.memory_space<vmem>>)
      tpu.yield
    }) : () -> ()
    "tpu.region"() ({
      %run_scoped3A = tpu.sem_alloc : memref<!tpu.dma_semaphore, #tpu.memory_space<semaphore_mem>>
      %dma_start3A = arith.constant 0 : i32
      %dma_start3A_2720 = arith.constant 0 : i32
      %dma_start3A_2721 = tpu.memref_slice %arg20[%dma_start3A, %dma_start3A_2720] : memref<16384x64xf32, #tpu.memory_space<vmem_shared>> -> memref<16384x64xf32, #tpu.memory_space<vmem_shared>>
      tpu.enqueue_indirect_dma source(%dma_start3A_2721 : memref<16384x64xf32, #tpu.memory_space<vmem_shared>>) target(%arg18 : memref<128x64xf32, #tpu.memory_space<vmem>>) offsets(%arg12 : memref<128xi32, #tpu.memory_space<vmem>>) semaphore(%run_scoped3A : memref<!tpu.dma_semaphore, #tpu.memory_space<semaphore_mem>>)
      %dma_wait3A = arith.constant 0 : i32
      %dma_wait3A_2722 = arith.constant 0 : i32
      %dma_wait3A_2723 = tpu.memref_slice %arg20[%dma_wait3A, %dma_wait3A_2722] : memref<16384x64xf32, #tpu.memory_space<vmem_shared>> -> memref<16384x64xf32, #tpu.memory_space<vmem_shared>>
      tpu.wait_indirect_dma semaphore(%run_scoped3A : memref<!tpu.dma_semaphore, #tpu.memory_space<semaphore_mem>>) src(%dma_wait3A_2723 : memref<16384x64xf32, #tpu.memory_space<vmem_shared>>) dst(%arg18 : memref<128x64xf32, #tpu.memory_space<vmem>>)
      tpu.yield
    }) : () -> ()
    %scan3A_2192 = arith.constant 0 : i32
    %scan3A_2193 = arith.constant 0 : i32
    %scan3A_2194 = arith.constant 128 : i32
    %scan3A_2195 = arith.addi %scan3A_2193, %scan3A_2194 : i32
    %scan3A_2196 = arith.constant 1 : i32
    scf.for %scan3A_2720 = %scan3A_2193 to %scan3A_2195 step %scan3A_2196  : i32 {
      %get3A_2721 = arith.index_cast %scan3A_2720 : i32 to index
      %get3A_2722 = arith.constant 0 : index
      %get3A_2723 = tpu.vector_load %arg17[%get3A_2721, %get3A_2722] {strides = array<i32>} : memref<128x64xf32, #tpu.memory_space<vmem>>, vector<16xf32>,
      %get3A_2724 = arith.index_cast %scan3A_2720 : i32 to index
      %get3A_2725 = arith.constant 0 : index
      %get3A_2726 = tpu.vector_load %arg18[%get3A_2724, %get3A_2725] {strides = array<i32>} : memref<128x64xf32, #tpu.memory_space<vmem>>, vector<16xf32>,
      %add3A_2727 = arith.addf %get3A_2723, %get3A_2726 : vector<16xf32>
      %swap3A_2728 = arith.index_cast %scan3A_2720 : i32 to index
      %swap3A_2729 = arith.constant 0 : index
      %swap3A_2730 = tpu.vector_load %arg19[%swap3A_2728, %swap3A_2729] {strides = array<i32>} : memref<128x64xf32, #tpu.memory_space<vmem>>, vector<16xf32>,
      tpu.vector_store %arg19[%swap3A_2728, %swap3A_2729], %add3A_2727 {strides = array<i32>} : memref<128x64xf32, #tpu.memory_space<vmem>>, vector<16xf32>,
      %get3A_2731 = arith.index_cast %scan3A_2720 : i32 to index
      %get3A_2732 = arith.constant 16 : index
      %get3A_2733 = tpu.vector_load %arg17[%get3A_2731, %get3A_2732] {strides = array<i32>} : memref<128x64xf32, #tpu.memory_space<vmem>>, vector<16xf32>,
      %get3A_2734 = arith.index_cast %scan3A_2720 : i32 to index
      %get3A_2735 = arith.constant 16 : index
      %get3A_2736 = tpu.vector_load %arg18[%get3A_2734, %get3A_2735] {strides = array<i32>} : memref<128x64xf32, #tpu.memory_space<vmem>>, vector<16xf32>,
      %add3A_2737 = arith.addf %get3A_2733, %get3A_2736 : vector<16xf32>
      %swap3A_2738 = arith.index_cast %scan3A_2720 : i32 to index
      %swap3A_2739 = arith.constant 16 : index
      %swap3A_2740 = tpu.vector_load %arg19[%swap3A_2738, %swap3A_2739] {strides = array<i32>} : memref<128x64xf32, #tpu.memory_space<vmem>>, vector<16xf32>,
      tpu.vector_store %arg19[%swap3A_2738, %swap3A_2739], %add3A_2737 {strides = array<i32>} : memref<128x64xf32, #tpu.memory_space<vmem>>, vector<16xf32>,
      %get3A_2741 = arith.index_cast %scan3A_2720 : i32 to index
      %get3A_2742 = arith.constant 32 : index
      %get3A_2743 = tpu.vector_load %arg17[%get3A_2741, %get3A_2742] {strides = array<i32>} : memref<128x64xf32, #tpu.memory_space<vmem>>, vector<16xf32>,
      %get3A_2744 = arith.index_cast %scan3A_2720 : i32 to index
      %get3A_2745 = arith.constant 32 : index
      %get3A_2746 = tpu.vector_load %arg18[%get3A_2744, %get3A_2745] {strides = array<i32>} : memref<128x64xf32, #tpu.memory_space<vmem>>, vector<16xf32>,
      %add3A_2747 = arith.addf %get3A_2743, %get3A_2746 : vector<16xf32>
      %swap3A_2748 = arith.index_cast %scan3A_2720 : i32 to index
      %swap3A_2749 = arith.constant 32 : index
      %swap3A_2750 = tpu.vector_load %arg19[%swap3A_2748, %swap3A_2749] {strides = array<i32>} : memref<128x64xf32, #tpu.memory_space<vmem>>, vector<16xf32>,
      tpu.vector_store %arg19[%swap3A_2748, %swap3A_2749], %add3A_2747 {strides = array<i32>} : memref<128x64xf32, #tpu.memory_space<vmem>>, vector<16xf32>,
      %get3A_2751 = arith.index_cast %scan3A_2720 : i32 to index
      %get3A_2752 = arith.constant 48 : index
      %get3A_2753 = tpu.vector_load %arg17[%get3A_2751, %get3A_2752] {strides = array<i32>} : memref<128x64xf32, #tpu.memory_space<vmem>>, vector<16xf32>,
      %get3A_2754 = arith.index_cast %scan3A_2720 : i32 to index
      %get3A_2755 = arith.constant 48 : index
      %get3A_2756 = tpu.vector_load %arg18[%get3A_2754, %get3A_2755] {strides = array<i32>} : memref<128x64xf32, #tpu.memory_space<vmem>>, vector<16xf32>,
      %add3A_2757 = arith.addf %get3A_2753, %get3A_2756 : vector<16xf32>
      %swap3A_2758 = arith.index_cast %scan3A_2720 : i32 to index
      %swap3A_2759 = arith.constant 48 : index
      %swap3A_2760 = tpu.vector_load %arg19[%swap3A_2758, %swap3A_2759] {strides = array<i32>} : memref<128x64xf32, #tpu.memory_space<vmem>>, vector<16xf32>,
      tpu.vector_store %arg19[%swap3A_2758, %swap3A_2759], %add3A_2757 {strides = array<i32>} : memref<128x64xf32, #tpu.memory_space<vmem>>, vector<16xf32>,
    }
    %scan3A_2197 = arith.constant 128 : i32
    %add3A_2198 = arith.constant 256 : i32
    %add3A_2199 = arith.addi %mul3A_2, %add3A_2198 : i32
    "tpu.region"() ({
      %run_scoped3A = tpu.sem_alloc : memref<!tpu.dma_semaphore, #tpu.memory_space<semaphore_mem>>
      %dma_start3A = arith.constant 0 : i32
      %dma_start3A_2720 = tpu.memref_slice %arg7[%add3A_2199, %dma_start3A] : memref<16384x64xf32, #tpu.memory_space<hbm>> -> memref<128x64xf32, #tpu.memory_space<hbm>>
      %dma_start3A_2721 = arith.constant 0 : i32
      %dma_start3A_2722 = tpu.memref_slice %arg7[%add3A_2199, %dma_start3A_2721] : memref<16384x64xf32, #tpu.memory_space<hbm>> -> memref<128x64xf32, #tpu.memory_space<hbm>>
      tpu.enqueue_dma source(%arg19 : memref<128x64xf32, #tpu.memory_space<vmem>>) target(%dma_start3A_2722 : memref<128x64xf32, #tpu.memory_space<hbm>>) target_semaphore(%run_scoped3A : memref<!tpu.dma_semaphore, #tpu.memory_space<semaphore_mem>>)
      %dma_wait3A = arith.constant 0 : i32
      %dma_wait3A_2723 = tpu.memref_slice %arg7[%add3A_2199, %dma_wait3A] : memref<16384x64xf32, #tpu.memory_space<hbm>> -> memref<128x64xf32, #tpu.memory_space<hbm>>
      %dma_wait3A_2724 = arith.constant 0 : i32
      %dma_wait3A_2725 = tpu.memref_slice %arg7[%add3A_2199, %dma_wait3A_2724] : memref<16384x64xf32, #tpu.memory_space<hbm>> -> memref<128x64xf32, #tpu.memory_space<hbm>>
      tpu.wait_dma2 semaphore(%run_scoped3A : memref<!tpu.dma_semaphore, #tpu.memory_space<semaphore_mem>>) src(%arg19 : memref<128x64xf32, #tpu.memory_space<vmem>>) dst(%dma_wait3A_2725 : memref<128x64xf32, #tpu.memory_space<hbm>>)
      tpu.yield
    }) : () -> ()
    %get3A_2200 = arith.constant 3 : i32
    %get3A_2201 = arith.index_cast %get3A_2200 : i32 to index
    %get3A_2202 = arith.constant 0 : index
    %get3A_2203 = tpu.vector_load %arg9[%get3A_2201, %get3A_2202] {strides = array<i32>} : memref<8x128xi32, #tpu.memory_space<vmem>>, vector<16xi32>,
    %swap3A_2204 = arith.constant 0 : index
    %swap3A_2205 = tpu.vector_load %arg11[%swap3A_2204] {strides = array<i32>} : memref<128xi32, #tpu.memory_space<vmem>>, vector<16xi32>,
    tpu.vector_store %arg11[%swap3A_2204], %get3A_2203 {strides = array<i32>} : memref<128xi32, #tpu.memory_space<vmem>>, vector<16xi32>,
    %get3A_2206 = arith.constant 3 : i32
    %get3A_2207 = arith.index_cast %get3A_2206 : i32 to index
    %get3A_2208 = arith.constant 0 : index
    %get3A_2209 = tpu.vector_load %arg10[%get3A_2207, %get3A_2208] {strides = array<i32>} : memref<8x128xi32, #tpu.memory_space<vmem>>, vector<16xi32>,
    %swap3A_2210 = arith.constant 0 : index
    %swap3A_2211 = tpu.vector_load %arg12[%swap3A_2210] {strides = array<i32>} : memref<128xi32, #tpu.memory_space<vmem>>, vector<16xi32>,
    tpu.vector_store %arg12[%swap3A_2210], %get3A_2209 {strides = array<i32>} : memref<128xi32, #tpu.memory_space<vmem>>, vector<16xi32>,
    %get3A_2212 = arith.constant 3 : i32
    %get3A_2213 = arith.index_cast %get3A_2212 : i32 to index
    %get3A_2214 = arith.constant 16 : index
    %get3A_2215 = tpu.vector_load %arg9[%get3A_2213, %get3A_2214] {strides = array<i32>} : memref<8x128xi32, #tpu.memory_space<vmem>>, vector<16xi32>,
    %swap3A_2216 = arith.constant 16 : index
    %swap3A_2217 = tpu.vector_load %arg11[%swap3A_2216] {strides = array<i32>} : memref<128xi32, #tpu.memory_space<vmem>>, vector<16xi32>,
    tpu.vector_store %arg11[%swap3A_2216], %get3A_2215 {strides = array<i32>} : memref<128xi32, #tpu.memory_space<vmem>>, vector<16xi32>,
    %get3A_2218 = arith.constant 3 : i32
    %get3A_2219 = arith.index_cast %get3A_2218 : i32 to index
    %get3A_2220 = arith.constant 16 : index
    %get3A_2221 = tpu.vector_load %arg10[%get3A_2219, %get3A_2220] {strides = array<i32>} : memref<8x128xi32, #tpu.memory_space<vmem>>, vector<16xi32>,
    %swap3A_2222 = arith.constant 16 : index
    %swap3A_2223 = tpu.vector_load %arg12[%swap3A_2222] {strides = array<i32>} : memref<128xi32, #tpu.memory_space<vmem>>, vector<16xi32>,
    tpu.vector_store %arg12[%swap3A_2222], %get3A_2221 {strides = array<i32>} : memref<128xi32, #tpu.memory_space<vmem>>, vector<16xi32>,
    %get3A_2224 = arith.constant 3 : i32
    %get3A_2225 = arith.index_cast %get3A_2224 : i32 to index
    %get3A_2226 = arith.constant 32 : index
    %get3A_2227 = tpu.vector_load %arg9[%get3A_2225, %get3A_2226] {strides = array<i32>} : memref<8x128xi32, #tpu.memory_space<vmem>>, vector<16xi32>,
    %swap3A_2228 = arith.constant 32 : index
    %swap3A_2229 = tpu.vector_load %arg11[%swap3A_2228] {strides = array<i32>} : memref<128xi32, #tpu.memory_space<vmem>>, vector<16xi32>,
    tpu.vector_store %arg11[%swap3A_2228], %get3A_2227 {strides = array<i32>} : memref<128xi32, #tpu.memory_space<vmem>>, vector<16xi32>,
    %get3A_2230 = arith.constant 3 : i32
    %get3A_2231 = arith.index_cast %get3A_2230 : i32 to index
    %get3A_2232 = arith.constant 32 : index
    %get3A_2233 = tpu.vector_load %arg10[%get3A_2231, %get3A_2232] {strides = array<i32>} : memref<8x128xi32, #tpu.memory_space<vmem>>, vector<16xi32>,
    %swap3A_2234 = arith.constant 32 : index
    %swap3A_2235 = tpu.vector_load %arg12[%swap3A_2234] {strides = array<i32>} : memref<128xi32, #tpu.memory_space<vmem>>, vector<16xi32>,
    tpu.vector_store %arg12[%swap3A_2234], %get3A_2233 {strides = array<i32>} : memref<128xi32, #tpu.memory_space<vmem>>, vector<16xi32>,
    %get3A_2236 = arith.constant 3 : i32
    %get3A_2237 = arith.index_cast %get3A_2236 : i32 to index
    %get3A_2238 = arith.constant 48 : index
    %get3A_2239 = tpu.vector_load %arg9[%get3A_2237, %get3A_2238] {strides = array<i32>} : memref<8x128xi32, #tpu.memory_space<vmem>>, vector<16xi32>,
    %swap3A_2240 = arith.constant 48 : index
    %swap3A_2241 = tpu.vector_load %arg11[%swap3A_2240] {strides = array<i32>} : memref<128xi32, #tpu.memory_space<vmem>>, vector<16xi32>,
    tpu.vector_store %arg11[%swap3A_2240], %get3A_2239 {strides = array<i32>} : memref<128xi32, #tpu.memory_space<vmem>>, vector<16xi32>,
    %get3A_2242 = arith.constant 3 : i32
    %get3A_2243 = arith.index_cast %get3A_2242 : i32 to index
    %get3A_2244 = arith.constant 48 : index
    %get3A_2245 = tpu.vector_load %arg10[%get3A_2243, %get3A_2244] {strides = array<i32>} : memref<8x128xi32, #tpu.memory_space<vmem>>, vector<16xi32>,
    %swap3A_2246 = arith.constant 48 : index
    %swap3A_2247 = tpu.vector_load %arg12[%swap3A_2246] {strides = array<i32>} : memref<128xi32, #tpu.memory_space<vmem>>, vector<16xi32>,
    tpu.vector_store %arg12[%swap3A_2246], %get3A_2245 {strides = array<i32>} : memref<128xi32, #tpu.memory_space<vmem>>, vector<16xi32>,
    %get3A_2248 = arith.constant 3 : i32
    %get3A_2249 = arith.index_cast %get3A_2248 : i32 to index
    %get3A_2250 = arith.constant 64 : index
    %get3A_2251 = tpu.vector_load %arg9[%get3A_2249, %get3A_2250] {strides = array<i32>} : memref<8x128xi32, #tpu.memory_space<vmem>>, vector<16xi32>,
    %swap3A_2252 = arith.constant 64 : index
    %swap3A_2253 = tpu.vector_load %arg11[%swap3A_2252] {strides = array<i32>} : memref<128xi32, #tpu.memory_space<vmem>>, vector<16xi32>,
    tpu.vector_store %arg11[%swap3A_2252], %get3A_2251 {strides = array<i32>} : memref<128xi32, #tpu.memory_space<vmem>>, vector<16xi32>,
    %get3A_2254 = arith.constant 3 : i32
    %get3A_2255 = arith.index_cast %get3A_2254 : i32 to index
    %get3A_2256 = arith.constant 64 : index
    %get3A_2257 = tpu.vector_load %arg10[%get3A_2255, %get3A_2256] {strides = array<i32>} : memref<8x128xi32, #tpu.memory_space<vmem>>, vector<16xi32>,
    %swap3A_2258 = arith.constant 64 : index
    %swap3A_2259 = tpu.vector_load %arg12[%swap3A_2258] {strides = array<i32>} : memref<128xi32, #tpu.memory_space<vmem>>, vector<16xi32>,
    tpu.vector_store %arg12[%swap3A_2258], %get3A_2257 {strides = array<i32>} : memref<128xi32, #tpu.memory_space<vmem>>, vector<16xi32>,
    %get3A_2260 = arith.constant 3 : i32
    %get3A_2261 = arith.index_cast %get3A_2260 : i32 to index
    %get3A_2262 = arith.constant 80 : index
    %get3A_2263 = tpu.vector_load %arg9[%get3A_2261, %get3A_2262] {strides = array<i32>} : memref<8x128xi32, #tpu.memory_space<vmem>>, vector<16xi32>,
    %swap3A_2264 = arith.constant 80 : index
    %swap3A_2265 = tpu.vector_load %arg11[%swap3A_2264] {strides = array<i32>} : memref<128xi32, #tpu.memory_space<vmem>>, vector<16xi32>,
    tpu.vector_store %arg11[%swap3A_2264], %get3A_2263 {strides = array<i32>} : memref<128xi32, #tpu.memory_space<vmem>>, vector<16xi32>,
    %get3A_2266 = arith.constant 3 : i32
    %get3A_2267 = arith.index_cast %get3A_2266 : i32 to index
    %get3A_2268 = arith.constant 80 : index
    %get3A_2269 = tpu.vector_load %arg10[%get3A_2267, %get3A_2268] {strides = array<i32>} : memref<8x128xi32, #tpu.memory_space<vmem>>, vector<16xi32>,
    %swap3A_2270 = arith.constant 80 : index
    %swap3A_2271 = tpu.vector_load %arg12[%swap3A_2270] {strides = array<i32>} : memref<128xi32, #tpu.memory_space<vmem>>, vector<16xi32>,
    tpu.vector_store %arg12[%swap3A_2270], %get3A_2269 {strides = array<i32>} : memref<128xi32, #tpu.memory_space<vmem>>, vector<16xi32>,
    %get3A_2272 = arith.constant 3 : i32
    %get3A_2273 = arith.index_cast %get3A_2272 : i32 to index
    %get3A_2274 = arith.constant 96 : index
    %get3A_2275 = tpu.vector_load %arg9[%get3A_2273, %get3A_2274] {strides = array<i32>} : memref<8x128xi32, #tpu.memory_space<vmem>>, vector<16xi32>,
    %swap3A_2276 = arith.constant 96 : index
    %swap3A_2277 = tpu.vector_load %arg11[%swap3A_2276] {strides = array<i32>} : memref<128xi32, #tpu.memory_space<vmem>>, vector<16xi32>,
    tpu.vector_store %arg11[%swap3A_2276], %get3A_2275 {strides = array<i32>} : memref<128xi32, #tpu.memory_space<vmem>>, vector<16xi32>,
    %get3A_2278 = arith.constant 3 : i32
    %get3A_2279 = arith.index_cast %get3A_2278 : i32 to index
    %get3A_2280 = arith.constant 96 : index
    %get3A_2281 = tpu.vector_load %arg10[%get3A_2279, %get3A_2280] {strides = array<i32>} : memref<8x128xi32, #tpu.memory_space<vmem>>, vector<16xi32>,
    %swap3A_2282 = arith.constant 96 : index
    %swap3A_2283 = tpu.vector_load %arg12[%swap3A_2282] {strides = array<i32>} : memref<128xi32, #tpu.memory_space<vmem>>, vector<16xi32>,
    tpu.vector_store %arg12[%swap3A_2282], %get3A_2281 {strides = array<i32>} : memref<128xi32, #tpu.memory_space<vmem>>, vector<16xi32>,
    %get3A_2284 = arith.constant 3 : i32
    %get3A_2285 = arith.index_cast %get3A_2284 : i32 to index
    %get3A_2286 = arith.constant 112 : index
    %get3A_2287 = tpu.vector_load %arg9[%get3A_2285, %get3A_2286] {strides = array<i32>} : memref<8x128xi32, #tpu.memory_space<vmem>>, vector<16xi32>,
    %swap3A_2288 = arith.constant 112 : index
    %swap3A_2289 = tpu.vector_load %arg11[%swap3A_2288] {strides = array<i32>} : memref<128xi32, #tpu.memory_space<vmem>>, vector<16xi32>,
    tpu.vector_store %arg11[%swap3A_2288], %get3A_2287 {strides = array<i32>} : memref<128xi32, #tpu.memory_space<vmem>>, vector<16xi32>,
    %get3A_2290 = arith.constant 3 : i32
    %get3A_2291 = arith.index_cast %get3A_2290 : i32 to index
    %get3A_2292 = arith.constant 112 : index
    %get3A_2293 = tpu.vector_load %arg10[%get3A_2291, %get3A_2292] {strides = array<i32>} : memref<8x128xi32, #tpu.memory_space<vmem>>, vector<16xi32>,
    %swap3A_2294 = arith.constant 112 : index
    %swap3A_2295 = tpu.vector_load %arg12[%swap3A_2294] {strides = array<i32>} : memref<128xi32, #tpu.memory_space<vmem>>, vector<16xi32>,
    tpu.vector_store %arg12[%swap3A_2294], %get3A_2293 {strides = array<i32>} : memref<128xi32, #tpu.memory_space<vmem>>, vector<16xi32>,
    "tpu.region"() ({
      %run_scoped3A = tpu.sem_alloc : memref<!tpu.dma_semaphore, #tpu.memory_space<semaphore_mem>>
      %dma_start3A = arith.constant 0 : i32
      %dma_start3A_2720 = arith.constant 0 : i32
      %dma_start3A_2721 = tpu.memref_slice %arg2[%dma_start3A, %dma_start3A_2720] : memref<1000000x64xf32, #tpu.memory_space<hbm>> -> memref<1000000x64xf32, #tpu.memory_space<hbm>>
      tpu.enqueue_indirect_dma source(%dma_start3A_2721 : memref<1000000x64xf32, #tpu.memory_space<hbm>>) target(%arg17 : memref<128x64xf32, #tpu.memory_space<vmem>>) offsets(%arg11 : memref<128xi32, #tpu.memory_space<vmem>>) semaphore(%run_scoped3A : memref<!tpu.dma_semaphore, #tpu.memory_space<semaphore_mem>>)
      %dma_wait3A = arith.constant 0 : i32
      %dma_wait3A_2722 = arith.constant 0 : i32
      %dma_wait3A_2723 = tpu.memref_slice %arg2[%dma_wait3A, %dma_wait3A_2722] : memref<1000000x64xf32, #tpu.memory_space<hbm>> -> memref<1000000x64xf32, #tpu.memory_space<hbm>>
      tpu.wait_indirect_dma semaphore(%run_scoped3A : memref<!tpu.dma_semaphore, #tpu.memory_space<semaphore_mem>>) src(%dma_wait3A_2723 : memref<1000000x64xf32, #tpu.memory_space<hbm>>) dst(%arg17 : memref<128x64xf32, #tpu.memory_space<vmem>>)
      tpu.yield
    }) : () -> ()
    "tpu.region"() ({
      %run_scoped3A = tpu.sem_alloc : memref<!tpu.dma_semaphore, #tpu.memory_space<semaphore_mem>>
      %dma_start3A = arith.constant 0 : i32
      %dma_start3A_2720 = arith.constant 0 : i32
      %dma_start3A_2721 = tpu.memref_slice %arg20[%dma_start3A, %dma_start3A_2720] : memref<16384x64xf32, #tpu.memory_space<vmem_shared>> -> memref<16384x64xf32, #tpu.memory_space<vmem_shared>>
      tpu.enqueue_indirect_dma source(%dma_start3A_2721 : memref<16384x64xf32, #tpu.memory_space<vmem_shared>>) target(%arg18 : memref<128x64xf32, #tpu.memory_space<vmem>>) offsets(%arg12 : memref<128xi32, #tpu.memory_space<vmem>>) semaphore(%run_scoped3A : memref<!tpu.dma_semaphore, #tpu.memory_space<semaphore_mem>>)
      %dma_wait3A = arith.constant 0 : i32
      %dma_wait3A_2722 = arith.constant 0 : i32
      %dma_wait3A_2723 = tpu.memref_slice %arg20[%dma_wait3A, %dma_wait3A_2722] : memref<16384x64xf32, #tpu.memory_space<vmem_shared>> -> memref<16384x64xf32, #tpu.memory_space<vmem_shared>>
      tpu.wait_indirect_dma semaphore(%run_scoped3A : memref<!tpu.dma_semaphore, #tpu.memory_space<semaphore_mem>>) src(%dma_wait3A_2723 : memref<16384x64xf32, #tpu.memory_space<vmem_shared>>) dst(%arg18 : memref<128x64xf32, #tpu.memory_space<vmem>>)
      tpu.yield
    }) : () -> ()
    %scan3A_2296 = arith.constant 0 : i32
    %scan3A_2297 = arith.constant 0 : i32
    %scan3A_2298 = arith.constant 128 : i32
    %scan3A_2299 = arith.addi %scan3A_2297, %scan3A_2298 : i32
    %scan3A_2300 = arith.constant 1 : i32
    scf.for %scan3A_2720 = %scan3A_2297 to %scan3A_2299 step %scan3A_2300  : i32 {
      %get3A_2721 = arith.index_cast %scan3A_2720 : i32 to index
      %get3A_2722 = arith.constant 0 : index
      %get3A_2723 = tpu.vector_load %arg17[%get3A_2721, %get3A_2722] {strides = array<i32>} : memref<128x64xf32, #tpu.memory_space<vmem>>, vector<16xf32>,
      %get3A_2724 = arith.index_cast %scan3A_2720 : i32 to index
      %get3A_2725 = arith.constant 0 : index
      %get3A_2726 = tpu.vector_load %arg18[%get3A_2724, %get3A_2725] {strides = array<i32>} : memref<128x64xf32, #tpu.memory_space<vmem>>, vector<16xf32>,
      %add3A_2727 = arith.addf %get3A_2723, %get3A_2726 : vector<16xf32>
      %swap3A_2728 = arith.index_cast %scan3A_2720 : i32 to index
      %swap3A_2729 = arith.constant 0 : index
      %swap3A_2730 = tpu.vector_load %arg19[%swap3A_2728, %swap3A_2729] {strides = array<i32>} : memref<128x64xf32, #tpu.memory_space<vmem>>, vector<16xf32>,
      tpu.vector_store %arg19[%swap3A_2728, %swap3A_2729], %add3A_2727 {strides = array<i32>} : memref<128x64xf32, #tpu.memory_space<vmem>>, vector<16xf32>,
      %get3A_2731 = arith.index_cast %scan3A_2720 : i32 to index
      %get3A_2732 = arith.constant 16 : index
      %get3A_2733 = tpu.vector_load %arg17[%get3A_2731, %get3A_2732] {strides = array<i32>} : memref<128x64xf32, #tpu.memory_space<vmem>>, vector<16xf32>,
      %get3A_2734 = arith.index_cast %scan3A_2720 : i32 to index
      %get3A_2735 = arith.constant 16 : index
      %get3A_2736 = tpu.vector_load %arg18[%get3A_2734, %get3A_2735] {strides = array<i32>} : memref<128x64xf32, #tpu.memory_space<vmem>>, vector<16xf32>,
      %add3A_2737 = arith.addf %get3A_2733, %get3A_2736 : vector<16xf32>
      %swap3A_2738 = arith.index_cast %scan3A_2720 : i32 to index
      %swap3A_2739 = arith.constant 16 : index
      %swap3A_2740 = tpu.vector_load %arg19[%swap3A_2738, %swap3A_2739] {strides = array<i32>} : memref<128x64xf32, #tpu.memory_space<vmem>>, vector<16xf32>,
      tpu.vector_store %arg19[%swap3A_2738, %swap3A_2739], %add3A_2737 {strides = array<i32>} : memref<128x64xf32, #tpu.memory_space<vmem>>, vector<16xf32>,
      %get3A_2741 = arith.index_cast %scan3A_2720 : i32 to index
      %get3A_2742 = arith.constant 32 : index
      %get3A_2743 = tpu.vector_load %arg17[%get3A_2741, %get3A_2742] {strides = array<i32>} : memref<128x64xf32, #tpu.memory_space<vmem>>, vector<16xf32>,
      %get3A_2744 = arith.index_cast %scan3A_2720 : i32 to index
      %get3A_2745 = arith.constant 32 : index
      %get3A_2746 = tpu.vector_load %arg18[%get3A_2744, %get3A_2745] {strides = array<i32>} : memref<128x64xf32, #tpu.memory_space<vmem>>, vector<16xf32>,
      %add3A_2747 = arith.addf %get3A_2743, %get3A_2746 : vector<16xf32>
      %swap3A_2748 = arith.index_cast %scan3A_2720 : i32 to index
      %swap3A_2749 = arith.constant 32 : index
      %swap3A_2750 = tpu.vector_load %arg19[%swap3A_2748, %swap3A_2749] {strides = array<i32>} : memref<128x64xf32, #tpu.memory_space<vmem>>, vector<16xf32>,
      tpu.vector_store %arg19[%swap3A_2748, %swap3A_2749], %add3A_2747 {strides = array<i32>} : memref<128x64xf32, #tpu.memory_space<vmem>>, vector<16xf32>,
      %get3A_2751 = arith.index_cast %scan3A_2720 : i32 to index
      %get3A_2752 = arith.constant 48 : index
      %get3A_2753 = tpu.vector_load %arg17[%get3A_2751, %get3A_2752] {strides = array<i32>} : memref<128x64xf32, #tpu.memory_space<vmem>>, vector<16xf32>,
      %get3A_2754 = arith.index_cast %scan3A_2720 : i32 to index
      %get3A_2755 = arith.constant 48 : index
      %get3A_2756 = tpu.vector_load %arg18[%get3A_2754, %get3A_2755] {strides = array<i32>} : memref<128x64xf32, #tpu.memory_space<vmem>>, vector<16xf32>,
      %add3A_2757 = arith.addf %get3A_2753, %get3A_2756 : vector<16xf32>
      %swap3A_2758 = arith.index_cast %scan3A_2720 : i32 to index
      %swap3A_2759 = arith.constant 48 : index
      %swap3A_2760 = tpu.vector_load %arg19[%swap3A_2758, %swap3A_2759] {strides = array<i32>} : memref<128x64xf32, #tpu.memory_space<vmem>>, vector<16xf32>,
      tpu.vector_store %arg19[%swap3A_2758, %swap3A_2759], %add3A_2757 {strides = array<i32>} : memref<128x64xf32, #tpu.memory_space<vmem>>, vector<16xf32>,
    }
    %scan3A_2301 = arith.constant 128 : i32
    %add3A_2302 = arith.constant 384 : i32
    %add3A_2303 = arith.addi %mul3A_2, %add3A_2302 : i32
    "tpu.region"() ({
      %run_scoped3A = tpu.sem_alloc : memref<!tpu.dma_semaphore, #tpu.memory_space<semaphore_mem>>
      %dma_start3A = arith.constant 0 : i32
      %dma_start3A_2720 = tpu.memref_slice %arg7[%add3A_2303, %dma_start3A] : memref<16384x64xf32, #tpu.memory_space<hbm>> -> memref<128x64xf32, #tpu.memory_space<hbm>>
      %dma_start3A_2721 = arith.constant 0 : i32
      %dma_start3A_2722 = tpu.memref_slice %arg7[%add3A_2303, %dma_start3A_2721] : memref<16384x64xf32, #tpu.memory_space<hbm>> -> memref<128x64xf32, #tpu.memory_space<hbm>>
      tpu.enqueue_dma source(%arg19 : memref<128x64xf32, #tpu.memory_space<vmem>>) target(%dma_start3A_2722 : memref<128x64xf32, #tpu.memory_space<hbm>>) target_semaphore(%run_scoped3A : memref<!tpu.dma_semaphore, #tpu.memory_space<semaphore_mem>>)
      %dma_wait3A = arith.constant 0 : i32
      %dma_wait3A_2723 = tpu.memref_slice %arg7[%add3A_2303, %dma_wait3A] : memref<16384x64xf32, #tpu.memory_space<hbm>> -> memref<128x64xf32, #tpu.memory_space<hbm>>
      %dma_wait3A_2724 = arith.constant 0 : i32
      %dma_wait3A_2725 = tpu.memref_slice %arg7[%add3A_2303, %dma_wait3A_2724] : memref<16384x64xf32, #tpu.memory_space<hbm>> -> memref<128x64xf32, #tpu.memory_space<hbm>>
      tpu.wait_dma2 semaphore(%run_scoped3A : memref<!tpu.dma_semaphore, #tpu.memory_space<semaphore_mem>>) src(%arg19 : memref<128x64xf32, #tpu.memory_space<vmem>>) dst(%dma_wait3A_2725 : memref<128x64xf32, #tpu.memory_space<hbm>>)
      tpu.yield
    }) : () -> ()
    %get3A_2304 = arith.constant 4 : i32
    %get3A_2305 = arith.index_cast %get3A_2304 : i32 to index
    %get3A_2306 = arith.constant 0 : index
    %get3A_2307 = tpu.vector_load %arg9[%get3A_2305, %get3A_2306] {strides = array<i32>} : memref<8x128xi32, #tpu.memory_space<vmem>>, vector<16xi32>,
    %swap3A_2308 = arith.constant 0 : index
    %swap3A_2309 = tpu.vector_load %arg11[%swap3A_2308] {strides = array<i32>} : memref<128xi32, #tpu.memory_space<vmem>>, vector<16xi32>,
    tpu.vector_store %arg11[%swap3A_2308], %get3A_2307 {strides = array<i32>} : memref<128xi32, #tpu.memory_space<vmem>>, vector<16xi32>,
    %get3A_2310 = arith.constant 4 : i32
    %get3A_2311 = arith.index_cast %get3A_2310 : i32 to index
    %get3A_2312 = arith.constant 0 : index
    %get3A_2313 = tpu.vector_load %arg10[%get3A_2311, %get3A_2312] {strides = array<i32>} : memref<8x128xi32, #tpu.memory_space<vmem>>, vector<16xi32>,
    %swap3A_2314 = arith.constant 0 : index
    %swap3A_2315 = tpu.vector_load %arg12[%swap3A_2314] {strides = array<i32>} : memref<128xi32, #tpu.memory_space<vmem>>, vector<16xi32>,
    tpu.vector_store %arg12[%swap3A_2314], %get3A_2313 {strides = array<i32>} : memref<128xi32, #tpu.memory_space<vmem>>, vector<16xi32>,
    %get3A_2316 = arith.constant 4 : i32
    %get3A_2317 = arith.index_cast %get3A_2316 : i32 to index
    %get3A_2318 = arith.constant 16 : index
    %get3A_2319 = tpu.vector_load %arg9[%get3A_2317, %get3A_2318] {strides = array<i32>} : memref<8x128xi32, #tpu.memory_space<vmem>>, vector<16xi32>,
    %swap3A_2320 = arith.constant 16 : index
    %swap3A_2321 = tpu.vector_load %arg11[%swap3A_2320] {strides = array<i32>} : memref<128xi32, #tpu.memory_space<vmem>>, vector<16xi32>,
    tpu.vector_store %arg11[%swap3A_2320], %get3A_2319 {strides = array<i32>} : memref<128xi32, #tpu.memory_space<vmem>>, vector<16xi32>,
    %get3A_2322 = arith.constant 4 : i32
    %get3A_2323 = arith.index_cast %get3A_2322 : i32 to index
    %get3A_2324 = arith.constant 16 : index
    %get3A_2325 = tpu.vector_load %arg10[%get3A_2323, %get3A_2324] {strides = array<i32>} : memref<8x128xi32, #tpu.memory_space<vmem>>, vector<16xi32>,
    %swap3A_2326 = arith.constant 16 : index
    %swap3A_2327 = tpu.vector_load %arg12[%swap3A_2326] {strides = array<i32>} : memref<128xi32, #tpu.memory_space<vmem>>, vector<16xi32>,
    tpu.vector_store %arg12[%swap3A_2326], %get3A_2325 {strides = array<i32>} : memref<128xi32, #tpu.memory_space<vmem>>, vector<16xi32>,
    %get3A_2328 = arith.constant 4 : i32
    %get3A_2329 = arith.index_cast %get3A_2328 : i32 to index
    %get3A_2330 = arith.constant 32 : index
    %get3A_2331 = tpu.vector_load %arg9[%get3A_2329, %get3A_2330] {strides = array<i32>} : memref<8x128xi32, #tpu.memory_space<vmem>>, vector<16xi32>,
    %swap3A_2332 = arith.constant 32 : index
    %swap3A_2333 = tpu.vector_load %arg11[%swap3A_2332] {strides = array<i32>} : memref<128xi32, #tpu.memory_space<vmem>>, vector<16xi32>,
    tpu.vector_store %arg11[%swap3A_2332], %get3A_2331 {strides = array<i32>} : memref<128xi32, #tpu.memory_space<vmem>>, vector<16xi32>,
    %get3A_2334 = arith.constant 4 : i32
    %get3A_2335 = arith.index_cast %get3A_2334 : i32 to index
    %get3A_2336 = arith.constant 32 : index
    %get3A_2337 = tpu.vector_load %arg10[%get3A_2335, %get3A_2336] {strides = array<i32>} : memref<8x128xi32, #tpu.memory_space<vmem>>, vector<16xi32>,
    %swap3A_2338 = arith.constant 32 : index
    %swap3A_2339 = tpu.vector_load %arg12[%swap3A_2338] {strides = array<i32>} : memref<128xi32, #tpu.memory_space<vmem>>, vector<16xi32>,
    tpu.vector_store %arg12[%swap3A_2338], %get3A_2337 {strides = array<i32>} : memref<128xi32, #tpu.memory_space<vmem>>, vector<16xi32>,
    %get3A_2340 = arith.constant 4 : i32
    %get3A_2341 = arith.index_cast %get3A_2340 : i32 to index
    %get3A_2342 = arith.constant 48 : index
    %get3A_2343 = tpu.vector_load %arg9[%get3A_2341, %get3A_2342] {strides = array<i32>} : memref<8x128xi32, #tpu.memory_space<vmem>>, vector<16xi32>,
    %swap3A_2344 = arith.constant 48 : index
    %swap3A_2345 = tpu.vector_load %arg11[%swap3A_2344] {strides = array<i32>} : memref<128xi32, #tpu.memory_space<vmem>>, vector<16xi32>,
    tpu.vector_store %arg11[%swap3A_2344], %get3A_2343 {strides = array<i32>} : memref<128xi32, #tpu.memory_space<vmem>>, vector<16xi32>,
    %get3A_2346 = arith.constant 4 : i32
    %get3A_2347 = arith.index_cast %get3A_2346 : i32 to index
    %get3A_2348 = arith.constant 48 : index
    %get3A_2349 = tpu.vector_load %arg10[%get3A_2347, %get3A_2348] {strides = array<i32>} : memref<8x128xi32, #tpu.memory_space<vmem>>, vector<16xi32>,
    %swap3A_2350 = arith.constant 48 : index
    %swap3A_2351 = tpu.vector_load %arg12[%swap3A_2350] {strides = array<i32>} : memref<128xi32, #tpu.memory_space<vmem>>, vector<16xi32>,
    tpu.vector_store %arg12[%swap3A_2350], %get3A_2349 {strides = array<i32>} : memref<128xi32, #tpu.memory_space<vmem>>, vector<16xi32>,
    %get3A_2352 = arith.constant 4 : i32
    %get3A_2353 = arith.index_cast %get3A_2352 : i32 to index
    %get3A_2354 = arith.constant 64 : index
    %get3A_2355 = tpu.vector_load %arg9[%get3A_2353, %get3A_2354] {strides = array<i32>} : memref<8x128xi32, #tpu.memory_space<vmem>>, vector<16xi32>,
    %swap3A_2356 = arith.constant 64 : index
    %swap3A_2357 = tpu.vector_load %arg11[%swap3A_2356] {strides = array<i32>} : memref<128xi32, #tpu.memory_space<vmem>>, vector<16xi32>,
    tpu.vector_store %arg11[%swap3A_2356], %get3A_2355 {strides = array<i32>} : memref<128xi32, #tpu.memory_space<vmem>>, vector<16xi32>,
    %get3A_2358 = arith.constant 4 : i32
    %get3A_2359 = arith.index_cast %get3A_2358 : i32 to index
    %get3A_2360 = arith.constant 64 : index
    %get3A_2361 = tpu.vector_load %arg10[%get3A_2359, %get3A_2360] {strides = array<i32>} : memref<8x128xi32, #tpu.memory_space<vmem>>, vector<16xi32>,
    %swap3A_2362 = arith.constant 64 : index
    %swap3A_2363 = tpu.vector_load %arg12[%swap3A_2362] {strides = array<i32>} : memref<128xi32, #tpu.memory_space<vmem>>, vector<16xi32>,
    tpu.vector_store %arg12[%swap3A_2362], %get3A_2361 {strides = array<i32>} : memref<128xi32, #tpu.memory_space<vmem>>, vector<16xi32>,
    %get3A_2364 = arith.constant 4 : i32
    %get3A_2365 = arith.index_cast %get3A_2364 : i32 to index
    %get3A_2366 = arith.constant 80 : index
    %get3A_2367 = tpu.vector_load %arg9[%get3A_2365, %get3A_2366] {strides = array<i32>} : memref<8x128xi32, #tpu.memory_space<vmem>>, vector<16xi32>,
    %swap3A_2368 = arith.constant 80 : index
    %swap3A_2369 = tpu.vector_load %arg11[%swap3A_2368] {strides = array<i32>} : memref<128xi32, #tpu.memory_space<vmem>>, vector<16xi32>,
    tpu.vector_store %arg11[%swap3A_2368], %get3A_2367 {strides = array<i32>} : memref<128xi32, #tpu.memory_space<vmem>>, vector<16xi32>,
    %get3A_2370 = arith.constant 4 : i32
    %get3A_2371 = arith.index_cast %get3A_2370 : i32 to index
    %get3A_2372 = arith.constant 80 : index
    %get3A_2373 = tpu.vector_load %arg10[%get3A_2371, %get3A_2372] {strides = array<i32>} : memref<8x128xi32, #tpu.memory_space<vmem>>, vector<16xi32>,
    %swap3A_2374 = arith.constant 80 : index
    %swap3A_2375 = tpu.vector_load %arg12[%swap3A_2374] {strides = array<i32>} : memref<128xi32, #tpu.memory_space<vmem>>, vector<16xi32>,
    tpu.vector_store %arg12[%swap3A_2374], %get3A_2373 {strides = array<i32>} : memref<128xi32, #tpu.memory_space<vmem>>, vector<16xi32>,
    %get3A_2376 = arith.constant 4 : i32
    %get3A_2377 = arith.index_cast %get3A_2376 : i32 to index
    %get3A_2378 = arith.constant 96 : index
    %get3A_2379 = tpu.vector_load %arg9[%get3A_2377, %get3A_2378] {strides = array<i32>} : memref<8x128xi32, #tpu.memory_space<vmem>>, vector<16xi32>,
    %swap3A_2380 = arith.constant 96 : index
    %swap3A_2381 = tpu.vector_load %arg11[%swap3A_2380] {strides = array<i32>} : memref<128xi32, #tpu.memory_space<vmem>>, vector<16xi32>,
    tpu.vector_store %arg11[%swap3A_2380], %get3A_2379 {strides = array<i32>} : memref<128xi32, #tpu.memory_space<vmem>>, vector<16xi32>,
    %get3A_2382 = arith.constant 4 : i32
    %get3A_2383 = arith.index_cast %get3A_2382 : i32 to index
    %get3A_2384 = arith.constant 96 : index
    %get3A_2385 = tpu.vector_load %arg10[%get3A_2383, %get3A_2384] {strides = array<i32>} : memref<8x128xi32, #tpu.memory_space<vmem>>, vector<16xi32>,
    %swap3A_2386 = arith.constant 96 : index
    %swap3A_2387 = tpu.vector_load %arg12[%swap3A_2386] {strides = array<i32>} : memref<128xi32, #tpu.memory_space<vmem>>, vector<16xi32>,
    tpu.vector_store %arg12[%swap3A_2386], %get3A_2385 {strides = array<i32>} : memref<128xi32, #tpu.memory_space<vmem>>, vector<16xi32>,
    %get3A_2388 = arith.constant 4 : i32
    %get3A_2389 = arith.index_cast %get3A_2388 : i32 to index
    %get3A_2390 = arith.constant 112 : index
    %get3A_2391 = tpu.vector_load %arg9[%get3A_2389, %get3A_2390] {strides = array<i32>} : memref<8x128xi32, #tpu.memory_space<vmem>>, vector<16xi32>,
    %swap3A_2392 = arith.constant 112 : index
    %swap3A_2393 = tpu.vector_load %arg11[%swap3A_2392] {strides = array<i32>} : memref<128xi32, #tpu.memory_space<vmem>>, vector<16xi32>,
    tpu.vector_store %arg11[%swap3A_2392], %get3A_2391 {strides = array<i32>} : memref<128xi32, #tpu.memory_space<vmem>>, vector<16xi32>,
    %get3A_2394 = arith.constant 4 : i32
    %get3A_2395 = arith.index_cast %get3A_2394 : i32 to index
    %get3A_2396 = arith.constant 112 : index
    %get3A_2397 = tpu.vector_load %arg10[%get3A_2395, %get3A_2396] {strides = array<i32>} : memref<8x128xi32, #tpu.memory_space<vmem>>, vector<16xi32>,
    %swap3A_2398 = arith.constant 112 : index
    %swap3A_2399 = tpu.vector_load %arg12[%swap3A_2398] {strides = array<i32>} : memref<128xi32, #tpu.memory_space<vmem>>, vector<16xi32>,
    tpu.vector_store %arg12[%swap3A_2398], %get3A_2397 {strides = array<i32>} : memref<128xi32, #tpu.memory_space<vmem>>, vector<16xi32>,
    "tpu.region"() ({
      %run_scoped3A = tpu.sem_alloc : memref<!tpu.dma_semaphore, #tpu.memory_space<semaphore_mem>>
      %dma_start3A = arith.constant 0 : i32
      %dma_start3A_2720 = arith.constant 0 : i32
      %dma_start3A_2721 = tpu.memref_slice %arg2[%dma_start3A, %dma_start3A_2720] : memref<1000000x64xf32, #tpu.memory_space<hbm>> -> memref<1000000x64xf32, #tpu.memory_space<hbm>>
      tpu.enqueue_indirect_dma source(%dma_start3A_2721 : memref<1000000x64xf32, #tpu.memory_space<hbm>>) target(%arg17 : memref<128x64xf32, #tpu.memory_space<vmem>>) offsets(%arg11 : memref<128xi32, #tpu.memory_space<vmem>>) semaphore(%run_scoped3A : memref<!tpu.dma_semaphore, #tpu.memory_space<semaphore_mem>>)
      %dma_wait3A = arith.constant 0 : i32
      %dma_wait3A_2722 = arith.constant 0 : i32
      %dma_wait3A_2723 = tpu.memref_slice %arg2[%dma_wait3A, %dma_wait3A_2722] : memref<1000000x64xf32, #tpu.memory_space<hbm>> -> memref<1000000x64xf32, #tpu.memory_space<hbm>>
      tpu.wait_indirect_dma semaphore(%run_scoped3A : memref<!tpu.dma_semaphore, #tpu.memory_space<semaphore_mem>>) src(%dma_wait3A_2723 : memref<1000000x64xf32, #tpu.memory_space<hbm>>) dst(%arg17 : memref<128x64xf32, #tpu.memory_space<vmem>>)
      tpu.yield
    }) : () -> ()
    "tpu.region"() ({
      %run_scoped3A = tpu.sem_alloc : memref<!tpu.dma_semaphore, #tpu.memory_space<semaphore_mem>>
      %dma_start3A = arith.constant 0 : i32
      %dma_start3A_2720 = arith.constant 0 : i32
      %dma_start3A_2721 = tpu.memref_slice %arg20[%dma_start3A, %dma_start3A_2720] : memref<16384x64xf32, #tpu.memory_space<vmem_shared>> -> memref<16384x64xf32, #tpu.memory_space<vmem_shared>>
      tpu.enqueue_indirect_dma source(%dma_start3A_2721 : memref<16384x64xf32, #tpu.memory_space<vmem_shared>>) target(%arg18 : memref<128x64xf32, #tpu.memory_space<vmem>>) offsets(%arg12 : memref<128xi32, #tpu.memory_space<vmem>>) semaphore(%run_scoped3A : memref<!tpu.dma_semaphore, #tpu.memory_space<semaphore_mem>>)
      %dma_wait3A = arith.constant 0 : i32
      %dma_wait3A_2722 = arith.constant 0 : i32
      %dma_wait3A_2723 = tpu.memref_slice %arg20[%dma_wait3A, %dma_wait3A_2722] : memref<16384x64xf32, #tpu.memory_space<vmem_shared>> -> memref<16384x64xf32, #tpu.memory_space<vmem_shared>>
      tpu.wait_indirect_dma semaphore(%run_scoped3A : memref<!tpu.dma_semaphore, #tpu.memory_space<semaphore_mem>>) src(%dma_wait3A_2723 : memref<16384x64xf32, #tpu.memory_space<vmem_shared>>) dst(%arg18 : memref<128x64xf32, #tpu.memory_space<vmem>>)
      tpu.yield
    }) : () -> ()
    %scan3A_2400 = arith.constant 0 : i32
    %scan3A_2401 = arith.constant 0 : i32
    %scan3A_2402 = arith.constant 128 : i32
    %scan3A_2403 = arith.addi %scan3A_2401, %scan3A_2402 : i32
    %scan3A_2404 = arith.constant 1 : i32
    scf.for %scan3A_2720 = %scan3A_2401 to %scan3A_2403 step %scan3A_2404  : i32 {
      %get3A_2721 = arith.index_cast %scan3A_2720 : i32 to index
      %get3A_2722 = arith.constant 0 : index
      %get3A_2723 = tpu.vector_load %arg17[%get3A_2721, %get3A_2722] {strides = array<i32>} : memref<128x64xf32, #tpu.memory_space<vmem>>, vector<16xf32>,
      %get3A_2724 = arith.index_cast %scan3A_2720 : i32 to index
      %get3A_2725 = arith.constant 0 : index
      %get3A_2726 = tpu.vector_load %arg18[%get3A_2724, %get3A_2725] {strides = array<i32>} : memref<128x64xf32, #tpu.memory_space<vmem>>, vector<16xf32>,
      %add3A_2727 = arith.addf %get3A_2723, %get3A_2726 : vector<16xf32>
      %swap3A_2728 = arith.index_cast %scan3A_2720 : i32 to index
      %swap3A_2729 = arith.constant 0 : index
      %swap3A_2730 = tpu.vector_load %arg19[%swap3A_2728, %swap3A_2729] {strides = array<i32>} : memref<128x64xf32, #tpu.memory_space<vmem>>, vector<16xf32>,
      tpu.vector_store %arg19[%swap3A_2728, %swap3A_2729], %add3A_2727 {strides = array<i32>} : memref<128x64xf32, #tpu.memory_space<vmem>>, vector<16xf32>,
      %get3A_2731 = arith.index_cast %scan3A_2720 : i32 to index
      %get3A_2732 = arith.constant 16 : index
      %get3A_2733 = tpu.vector_load %arg17[%get3A_2731, %get3A_2732] {strides = array<i32>} : memref<128x64xf32, #tpu.memory_space<vmem>>, vector<16xf32>,
      %get3A_2734 = arith.index_cast %scan3A_2720 : i32 to index
      %get3A_2735 = arith.constant 16 : index
      %get3A_2736 = tpu.vector_load %arg18[%get3A_2734, %get3A_2735] {strides = array<i32>} : memref<128x64xf32, #tpu.memory_space<vmem>>, vector<16xf32>,
      %add3A_2737 = arith.addf %get3A_2733, %get3A_2736 : vector<16xf32>
      %swap3A_2738 = arith.index_cast %scan3A_2720 : i32 to index
      %swap3A_2739 = arith.constant 16 : index
      %swap3A_2740 = tpu.vector_load %arg19[%swap3A_2738, %swap3A_2739] {strides = array<i32>} : memref<128x64xf32, #tpu.memory_space<vmem>>, vector<16xf32>,
      tpu.vector_store %arg19[%swap3A_2738, %swap3A_2739], %add3A_2737 {strides = array<i32>} : memref<128x64xf32, #tpu.memory_space<vmem>>, vector<16xf32>,
      %get3A_2741 = arith.index_cast %scan3A_2720 : i32 to index
      %get3A_2742 = arith.constant 32 : index
      %get3A_2743 = tpu.vector_load %arg17[%get3A_2741, %get3A_2742] {strides = array<i32>} : memref<128x64xf32, #tpu.memory_space<vmem>>, vector<16xf32>,
      %get3A_2744 = arith.index_cast %scan3A_2720 : i32 to index
      %get3A_2745 = arith.constant 32 : index
      %get3A_2746 = tpu.vector_load %arg18[%get3A_2744, %get3A_2745] {strides = array<i32>} : memref<128x64xf32, #tpu.memory_space<vmem>>, vector<16xf32>,
      %add3A_2747 = arith.addf %get3A_2743, %get3A_2746 : vector<16xf32>
      %swap3A_2748 = arith.index_cast %scan3A_2720 : i32 to index
      %swap3A_2749 = arith.constant 32 : index
      %swap3A_2750 = tpu.vector_load %arg19[%swap3A_2748, %swap3A_2749] {strides = array<i32>} : memref<128x64xf32, #tpu.memory_space<vmem>>, vector<16xf32>,
      tpu.vector_store %arg19[%swap3A_2748, %swap3A_2749], %add3A_2747 {strides = array<i32>} : memref<128x64xf32, #tpu.memory_space<vmem>>, vector<16xf32>,
      %get3A_2751 = arith.index_cast %scan3A_2720 : i32 to index
      %get3A_2752 = arith.constant 48 : index
      %get3A_2753 = tpu.vector_load %arg17[%get3A_2751, %get3A_2752] {strides = array<i32>} : memref<128x64xf32, #tpu.memory_space<vmem>>, vector<16xf32>,
      %get3A_2754 = arith.index_cast %scan3A_2720 : i32 to index
      %get3A_2755 = arith.constant 48 : index
      %get3A_2756 = tpu.vector_load %arg18[%get3A_2754, %get3A_2755] {strides = array<i32>} : memref<128x64xf32, #tpu.memory_space<vmem>>, vector<16xf32>,
      %add3A_2757 = arith.addf %get3A_2753, %get3A_2756 : vector<16xf32>
      %swap3A_2758 = arith.index_cast %scan3A_2720 : i32 to index
      %swap3A_2759 = arith.constant 48 : index
      %swap3A_2760 = tpu.vector_load %arg19[%swap3A_2758, %swap3A_2759] {strides = array<i32>} : memref<128x64xf32, #tpu.memory_space<vmem>>, vector<16xf32>,
      tpu.vector_store %arg19[%swap3A_2758, %swap3A_2759], %add3A_2757 {strides = array<i32>} : memref<128x64xf32, #tpu.memory_space<vmem>>, vector<16xf32>,
    }
    %scan3A_2405 = arith.constant 128 : i32
    %add3A_2406 = arith.constant 512 : i32
    %add3A_2407 = arith.addi %mul3A_2, %add3A_2406 : i32
    "tpu.region"() ({
      %run_scoped3A = tpu.sem_alloc : memref<!tpu.dma_semaphore, #tpu.memory_space<semaphore_mem>>
      %dma_start3A = arith.constant 0 : i32
      %dma_start3A_2720 = tpu.memref_slice %arg7[%add3A_2407, %dma_start3A] : memref<16384x64xf32, #tpu.memory_space<hbm>> -> memref<128x64xf32, #tpu.memory_space<hbm>>
      %dma_start3A_2721 = arith.constant 0 : i32
      %dma_start3A_2722 = tpu.memref_slice %arg7[%add3A_2407, %dma_start3A_2721] : memref<16384x64xf32, #tpu.memory_space<hbm>> -> memref<128x64xf32, #tpu.memory_space<hbm>>
      tpu.enqueue_dma source(%arg19 : memref<128x64xf32, #tpu.memory_space<vmem>>) target(%dma_start3A_2722 : memref<128x64xf32, #tpu.memory_space<hbm>>) target_semaphore(%run_scoped3A : memref<!tpu.dma_semaphore, #tpu.memory_space<semaphore_mem>>)
      %dma_wait3A = arith.constant 0 : i32
      %dma_wait3A_2723 = tpu.memref_slice %arg7[%add3A_2407, %dma_wait3A] : memref<16384x64xf32, #tpu.memory_space<hbm>> -> memref<128x64xf32, #tpu.memory_space<hbm>>
      %dma_wait3A_2724 = arith.constant 0 : i32
      %dma_wait3A_2725 = tpu.memref_slice %arg7[%add3A_2407, %dma_wait3A_2724] : memref<16384x64xf32, #tpu.memory_space<hbm>> -> memref<128x64xf32, #tpu.memory_space<hbm>>
      tpu.wait_dma2 semaphore(%run_scoped3A : memref<!tpu.dma_semaphore, #tpu.memory_space<semaphore_mem>>) src(%arg19 : memref<128x64xf32, #tpu.memory_space<vmem>>) dst(%dma_wait3A_2725 : memref<128x64xf32, #tpu.memory_space<hbm>>)
      tpu.yield
    }) : () -> ()
    %get3A_2408 = arith.constant 5 : i32
    %get3A_2409 = arith.index_cast %get3A_2408 : i32 to index
    %get3A_2410 = arith.constant 0 : index
    %get3A_2411 = tpu.vector_load %arg9[%get3A_2409, %get3A_2410] {strides = array<i32>} : memref<8x128xi32, #tpu.memory_space<vmem>>, vector<16xi32>,
    %swap3A_2412 = arith.constant 0 : index
    %swap3A_2413 = tpu.vector_load %arg11[%swap3A_2412] {strides = array<i32>} : memref<128xi32, #tpu.memory_space<vmem>>, vector<16xi32>,
    tpu.vector_store %arg11[%swap3A_2412], %get3A_2411 {strides = array<i32>} : memref<128xi32, #tpu.memory_space<vmem>>, vector<16xi32>,
    %get3A_2414 = arith.constant 5 : i32
    %get3A_2415 = arith.index_cast %get3A_2414 : i32 to index
    %get3A_2416 = arith.constant 0 : index
    %get3A_2417 = tpu.vector_load %arg10[%get3A_2415, %get3A_2416] {strides = array<i32>} : memref<8x128xi32, #tpu.memory_space<vmem>>, vector<16xi32>,
    %swap3A_2418 = arith.constant 0 : index
    %swap3A_2419 = tpu.vector_load %arg12[%swap3A_2418] {strides = array<i32>} : memref<128xi32, #tpu.memory_space<vmem>>, vector<16xi32>,
    tpu.vector_store %arg12[%swap3A_2418], %get3A_2417 {strides = array<i32>} : memref<128xi32, #tpu.memory_space<vmem>>, vector<16xi32>,
    %get3A_2420 = arith.constant 5 : i32
    %get3A_2421 = arith.index_cast %get3A_2420 : i32 to index
    %get3A_2422 = arith.constant 16 : index
    %get3A_2423 = tpu.vector_load %arg9[%get3A_2421, %get3A_2422] {strides = array<i32>} : memref<8x128xi32, #tpu.memory_space<vmem>>, vector<16xi32>,
    %swap3A_2424 = arith.constant 16 : index
    %swap3A_2425 = tpu.vector_load %arg11[%swap3A_2424] {strides = array<i32>} : memref<128xi32, #tpu.memory_space<vmem>>, vector<16xi32>,
    tpu.vector_store %arg11[%swap3A_2424], %get3A_2423 {strides = array<i32>} : memref<128xi32, #tpu.memory_space<vmem>>, vector<16xi32>,
    %get3A_2426 = arith.constant 5 : i32
    %get3A_2427 = arith.index_cast %get3A_2426 : i32 to index
    %get3A_2428 = arith.constant 16 : index
    %get3A_2429 = tpu.vector_load %arg10[%get3A_2427, %get3A_2428] {strides = array<i32>} : memref<8x128xi32, #tpu.memory_space<vmem>>, vector<16xi32>,
    %swap3A_2430 = arith.constant 16 : index
    %swap3A_2431 = tpu.vector_load %arg12[%swap3A_2430] {strides = array<i32>} : memref<128xi32, #tpu.memory_space<vmem>>, vector<16xi32>,
    tpu.vector_store %arg12[%swap3A_2430], %get3A_2429 {strides = array<i32>} : memref<128xi32, #tpu.memory_space<vmem>>, vector<16xi32>,
    %get3A_2432 = arith.constant 5 : i32
    %get3A_2433 = arith.index_cast %get3A_2432 : i32 to index
    %get3A_2434 = arith.constant 32 : index
    %get3A_2435 = tpu.vector_load %arg9[%get3A_2433, %get3A_2434] {strides = array<i32>} : memref<8x128xi32, #tpu.memory_space<vmem>>, vector<16xi32>,
    %swap3A_2436 = arith.constant 32 : index
    %swap3A_2437 = tpu.vector_load %arg11[%swap3A_2436] {strides = array<i32>} : memref<128xi32, #tpu.memory_space<vmem>>, vector<16xi32>,
    tpu.vector_store %arg11[%swap3A_2436], %get3A_2435 {strides = array<i32>} : memref<128xi32, #tpu.memory_space<vmem>>, vector<16xi32>,
    %get3A_2438 = arith.constant 5 : i32
    %get3A_2439 = arith.index_cast %get3A_2438 : i32 to index
    %get3A_2440 = arith.constant 32 : index
    %get3A_2441 = tpu.vector_load %arg10[%get3A_2439, %get3A_2440] {strides = array<i32>} : memref<8x128xi32, #tpu.memory_space<vmem>>, vector<16xi32>,
    %swap3A_2442 = arith.constant 32 : index
    %swap3A_2443 = tpu.vector_load %arg12[%swap3A_2442] {strides = array<i32>} : memref<128xi32, #tpu.memory_space<vmem>>, vector<16xi32>,
    tpu.vector_store %arg12[%swap3A_2442], %get3A_2441 {strides = array<i32>} : memref<128xi32, #tpu.memory_space<vmem>>, vector<16xi32>,
    %get3A_2444 = arith.constant 5 : i32
    %get3A_2445 = arith.index_cast %get3A_2444 : i32 to index
    %get3A_2446 = arith.constant 48 : index
    %get3A_2447 = tpu.vector_load %arg9[%get3A_2445, %get3A_2446] {strides = array<i32>} : memref<8x128xi32, #tpu.memory_space<vmem>>, vector<16xi32>,
    %swap3A_2448 = arith.constant 48 : index
    %swap3A_2449 = tpu.vector_load %arg11[%swap3A_2448] {strides = array<i32>} : memref<128xi32, #tpu.memory_space<vmem>>, vector<16xi32>,
    tpu.vector_store %arg11[%swap3A_2448], %get3A_2447 {strides = array<i32>} : memref<128xi32, #tpu.memory_space<vmem>>, vector<16xi32>,
    %get3A_2450 = arith.constant 5 : i32
    %get3A_2451 = arith.index_cast %get3A_2450 : i32 to index
    %get3A_2452 = arith.constant 48 : index
    %get3A_2453 = tpu.vector_load %arg10[%get3A_2451, %get3A_2452] {strides = array<i32>} : memref<8x128xi32, #tpu.memory_space<vmem>>, vector<16xi32>,
    %swap3A_2454 = arith.constant 48 : index
    %swap3A_2455 = tpu.vector_load %arg12[%swap3A_2454] {strides = array<i32>} : memref<128xi32, #tpu.memory_space<vmem>>, vector<16xi32>,
    tpu.vector_store %arg12[%swap3A_2454], %get3A_2453 {strides = array<i32>} : memref<128xi32, #tpu.memory_space<vmem>>, vector<16xi32>,
    %get3A_2456 = arith.constant 5 : i32
    %get3A_2457 = arith.index_cast %get3A_2456 : i32 to index
    %get3A_2458 = arith.constant 64 : index
    %get3A_2459 = tpu.vector_load %arg9[%get3A_2457, %get3A_2458] {strides = array<i32>} : memref<8x128xi32, #tpu.memory_space<vmem>>, vector<16xi32>,
    %swap3A_2460 = arith.constant 64 : index
    %swap3A_2461 = tpu.vector_load %arg11[%swap3A_2460] {strides = array<i32>} : memref<128xi32, #tpu.memory_space<vmem>>, vector<16xi32>,
    tpu.vector_store %arg11[%swap3A_2460], %get3A_2459 {strides = array<i32>} : memref<128xi32, #tpu.memory_space<vmem>>, vector<16xi32>,
    %get3A_2462 = arith.constant 5 : i32
    %get3A_2463 = arith.index_cast %get3A_2462 : i32 to index
    %get3A_2464 = arith.constant 64 : index
    %get3A_2465 = tpu.vector_load %arg10[%get3A_2463, %get3A_2464] {strides = array<i32>} : memref<8x128xi32, #tpu.memory_space<vmem>>, vector<16xi32>,
    %swap3A_2466 = arith.constant 64 : index
    %swap3A_2467 = tpu.vector_load %arg12[%swap3A_2466] {strides = array<i32>} : memref<128xi32, #tpu.memory_space<vmem>>, vector<16xi32>,
    tpu.vector_store %arg12[%swap3A_2466], %get3A_2465 {strides = array<i32>} : memref<128xi32, #tpu.memory_space<vmem>>, vector<16xi32>,
    %get3A_2468 = arith.constant 5 : i32
    %get3A_2469 = arith.index_cast %get3A_2468 : i32 to index
    %get3A_2470 = arith.constant 80 : index
    %get3A_2471 = tpu.vector_load %arg9[%get3A_2469, %get3A_2470] {strides = array<i32>} : memref<8x128xi32, #tpu.memory_space<vmem>>, vector<16xi32>,
    %swap3A_2472 = arith.constant 80 : index
    %swap3A_2473 = tpu.vector_load %arg11[%swap3A_2472] {strides = array<i32>} : memref<128xi32, #tpu.memory_space<vmem>>, vector<16xi32>,
    tpu.vector_store %arg11[%swap3A_2472], %get3A_2471 {strides = array<i32>} : memref<128xi32, #tpu.memory_space<vmem>>, vector<16xi32>,
    %get3A_2474 = arith.constant 5 : i32
    %get3A_2475 = arith.index_cast %get3A_2474 : i32 to index
    %get3A_2476 = arith.constant 80 : index
    %get3A_2477 = tpu.vector_load %arg10[%get3A_2475, %get3A_2476] {strides = array<i32>} : memref<8x128xi32, #tpu.memory_space<vmem>>, vector<16xi32>,
    %swap3A_2478 = arith.constant 80 : index
    %swap3A_2479 = tpu.vector_load %arg12[%swap3A_2478] {strides = array<i32>} : memref<128xi32, #tpu.memory_space<vmem>>, vector<16xi32>,
    tpu.vector_store %arg12[%swap3A_2478], %get3A_2477 {strides = array<i32>} : memref<128xi32, #tpu.memory_space<vmem>>, vector<16xi32>,
    %get3A_2480 = arith.constant 5 : i32
    %get3A_2481 = arith.index_cast %get3A_2480 : i32 to index
    %get3A_2482 = arith.constant 96 : index
    %get3A_2483 = tpu.vector_load %arg9[%get3A_2481, %get3A_2482] {strides = array<i32>} : memref<8x128xi32, #tpu.memory_space<vmem>>, vector<16xi32>,
    %swap3A_2484 = arith.constant 96 : index
    %swap3A_2485 = tpu.vector_load %arg11[%swap3A_2484] {strides = array<i32>} : memref<128xi32, #tpu.memory_space<vmem>>, vector<16xi32>,
    tpu.vector_store %arg11[%swap3A_2484], %get3A_2483 {strides = array<i32>} : memref<128xi32, #tpu.memory_space<vmem>>, vector<16xi32>,
    %get3A_2486 = arith.constant 5 : i32
    %get3A_2487 = arith.index_cast %get3A_2486 : i32 to index
    %get3A_2488 = arith.constant 96 : index
    %get3A_2489 = tpu.vector_load %arg10[%get3A_2487, %get3A_2488] {strides = array<i32>} : memref<8x128xi32, #tpu.memory_space<vmem>>, vector<16xi32>,
    %swap3A_2490 = arith.constant 96 : index
    %swap3A_2491 = tpu.vector_load %arg12[%swap3A_2490] {strides = array<i32>} : memref<128xi32, #tpu.memory_space<vmem>>, vector<16xi32>,
    tpu.vector_store %arg12[%swap3A_2490], %get3A_2489 {strides = array<i32>} : memref<128xi32, #tpu.memory_space<vmem>>, vector<16xi32>,
    %get3A_2492 = arith.constant 5 : i32
    %get3A_2493 = arith.index_cast %get3A_2492 : i32 to index
    %get3A_2494 = arith.constant 112 : index
    %get3A_2495 = tpu.vector_load %arg9[%get3A_2493, %get3A_2494] {strides = array<i32>} : memref<8x128xi32, #tpu.memory_space<vmem>>, vector<16xi32>,
    %swap3A_2496 = arith.constant 112 : index
    %swap3A_2497 = tpu.vector_load %arg11[%swap3A_2496] {strides = array<i32>} : memref<128xi32, #tpu.memory_space<vmem>>, vector<16xi32>,
    tpu.vector_store %arg11[%swap3A_2496], %get3A_2495 {strides = array<i32>} : memref<128xi32, #tpu.memory_space<vmem>>, vector<16xi32>,
    %get3A_2498 = arith.constant 5 : i32
    %get3A_2499 = arith.index_cast %get3A_2498 : i32 to index
    %get3A_2500 = arith.constant 112 : index
    %get3A_2501 = tpu.vector_load %arg10[%get3A_2499, %get3A_2500] {strides = array<i32>} : memref<8x128xi32, #tpu.memory_space<vmem>>, vector<16xi32>,
    %swap3A_2502 = arith.constant 112 : index
    %swap3A_2503 = tpu.vector_load %arg12[%swap3A_2502] {strides = array<i32>} : memref<128xi32, #tpu.memory_space<vmem>>, vector<16xi32>,
    tpu.vector_store %arg12[%swap3A_2502], %get3A_2501 {strides = array<i32>} : memref<128xi32, #tpu.memory_space<vmem>>, vector<16xi32>,
    "tpu.region"() ({
      %run_scoped3A = tpu.sem_alloc : memref<!tpu.dma_semaphore, #tpu.memory_space<semaphore_mem>>
      %dma_start3A = arith.constant 0 : i32
      %dma_start3A_2720 = arith.constant 0 : i32
      %dma_start3A_2721 = tpu.memref_slice %arg2[%dma_start3A, %dma_start3A_2720] : memref<1000000x64xf32, #tpu.memory_space<hbm>> -> memref<1000000x64xf32, #tpu.memory_space<hbm>>
      tpu.enqueue_indirect_dma source(%dma_start3A_2721 : memref<1000000x64xf32, #tpu.memory_space<hbm>>) target(%arg17 : memref<128x64xf32, #tpu.memory_space<vmem>>) offsets(%arg11 : memref<128xi32, #tpu.memory_space<vmem>>) semaphore(%run_scoped3A : memref<!tpu.dma_semaphore, #tpu.memory_space<semaphore_mem>>)
      %dma_wait3A = arith.constant 0 : i32
      %dma_wait3A_2722 = arith.constant 0 : i32
      %dma_wait3A_2723 = tpu.memref_slice %arg2[%dma_wait3A, %dma_wait3A_2722] : memref<1000000x64xf32, #tpu.memory_space<hbm>> -> memref<1000000x64xf32, #tpu.memory_space<hbm>>
      tpu.wait_indirect_dma semaphore(%run_scoped3A : memref<!tpu.dma_semaphore, #tpu.memory_space<semaphore_mem>>) src(%dma_wait3A_2723 : memref<1000000x64xf32, #tpu.memory_space<hbm>>) dst(%arg17 : memref<128x64xf32, #tpu.memory_space<vmem>>)
      tpu.yield
    }) : () -> ()
    "tpu.region"() ({
      %run_scoped3A = tpu.sem_alloc : memref<!tpu.dma_semaphore, #tpu.memory_space<semaphore_mem>>
      %dma_start3A = arith.constant 0 : i32
      %dma_start3A_2720 = arith.constant 0 : i32
      %dma_start3A_2721 = tpu.memref_slice %arg20[%dma_start3A, %dma_start3A_2720] : memref<16384x64xf32, #tpu.memory_space<vmem_shared>> -> memref<16384x64xf32, #tpu.memory_space<vmem_shared>>
      tpu.enqueue_indirect_dma source(%dma_start3A_2721 : memref<16384x64xf32, #tpu.memory_space<vmem_shared>>) target(%arg18 : memref<128x64xf32, #tpu.memory_space<vmem>>) offsets(%arg12 : memref<128xi32, #tpu.memory_space<vmem>>) semaphore(%run_scoped3A : memref<!tpu.dma_semaphore, #tpu.memory_space<semaphore_mem>>)
      %dma_wait3A = arith.constant 0 : i32
      %dma_wait3A_2722 = arith.constant 0 : i32
      %dma_wait3A_2723 = tpu.memref_slice %arg20[%dma_wait3A, %dma_wait3A_2722] : memref<16384x64xf32, #tpu.memory_space<vmem_shared>> -> memref<16384x64xf32, #tpu.memory_space<vmem_shared>>
      tpu.wait_indirect_dma semaphore(%run_scoped3A : memref<!tpu.dma_semaphore, #tpu.memory_space<semaphore_mem>>) src(%dma_wait3A_2723 : memref<16384x64xf32, #tpu.memory_space<vmem_shared>>) dst(%arg18 : memref<128x64xf32, #tpu.memory_space<vmem>>)
      tpu.yield
    }) : () -> ()
    %scan3A_2504 = arith.constant 0 : i32
    %scan3A_2505 = arith.constant 0 : i32
    %scan3A_2506 = arith.constant 128 : i32
    %scan3A_2507 = arith.addi %scan3A_2505, %scan3A_2506 : i32
    %scan3A_2508 = arith.constant 1 : i32
    scf.for %scan3A_2720 = %scan3A_2505 to %scan3A_2507 step %scan3A_2508  : i32 {
      %get3A_2721 = arith.index_cast %scan3A_2720 : i32 to index
      %get3A_2722 = arith.constant 0 : index
      %get3A_2723 = tpu.vector_load %arg17[%get3A_2721, %get3A_2722] {strides = array<i32>} : memref<128x64xf32, #tpu.memory_space<vmem>>, vector<16xf32>,
      %get3A_2724 = arith.index_cast %scan3A_2720 : i32 to index
      %get3A_2725 = arith.constant 0 : index
      %get3A_2726 = tpu.vector_load %arg18[%get3A_2724, %get3A_2725] {strides = array<i32>} : memref<128x64xf32, #tpu.memory_space<vmem>>, vector<16xf32>,
      %add3A_2727 = arith.addf %get3A_2723, %get3A_2726 : vector<16xf32>
      %swap3A_2728 = arith.index_cast %scan3A_2720 : i32 to index
      %swap3A_2729 = arith.constant 0 : index
      %swap3A_2730 = tpu.vector_load %arg19[%swap3A_2728, %swap3A_2729] {strides = array<i32>} : memref<128x64xf32, #tpu.memory_space<vmem>>, vector<16xf32>,
      tpu.vector_store %arg19[%swap3A_2728, %swap3A_2729], %add3A_2727 {strides = array<i32>} : memref<128x64xf32, #tpu.memory_space<vmem>>, vector<16xf32>,
      %get3A_2731 = arith.index_cast %scan3A_2720 : i32 to index
      %get3A_2732 = arith.constant 16 : index
      %get3A_2733 = tpu.vector_load %arg17[%get3A_2731, %get3A_2732] {strides = array<i32>} : memref<128x64xf32, #tpu.memory_space<vmem>>, vector<16xf32>,
      %get3A_2734 = arith.index_cast %scan3A_2720 : i32 to index
      %get3A_2735 = arith.constant 16 : index
      %get3A_2736 = tpu.vector_load %arg18[%get3A_2734, %get3A_2735] {strides = array<i32>} : memref<128x64xf32, #tpu.memory_space<vmem>>, vector<16xf32>,
      %add3A_2737 = arith.addf %get3A_2733, %get3A_2736 : vector<16xf32>
      %swap3A_2738 = arith.index_cast %scan3A_2720 : i32 to index
      %swap3A_2739 = arith.constant 16 : index
      %swap3A_2740 = tpu.vector_load %arg19[%swap3A_2738, %swap3A_2739] {strides = array<i32>} : memref<128x64xf32, #tpu.memory_space<vmem>>, vector<16xf32>,
      tpu.vector_store %arg19[%swap3A_2738, %swap3A_2739], %add3A_2737 {strides = array<i32>} : memref<128x64xf32, #tpu.memory_space<vmem>>, vector<16xf32>,
      %get3A_2741 = arith.index_cast %scan3A_2720 : i32 to index
      %get3A_2742 = arith.constant 32 : index
      %get3A_2743 = tpu.vector_load %arg17[%get3A_2741, %get3A_2742] {strides = array<i32>} : memref<128x64xf32, #tpu.memory_space<vmem>>, vector<16xf32>,
      %get3A_2744 = arith.index_cast %scan3A_2720 : i32 to index
      %get3A_2745 = arith.constant 32 : index
      %get3A_2746 = tpu.vector_load %arg18[%get3A_2744, %get3A_2745] {strides = array<i32>} : memref<128x64xf32, #tpu.memory_space<vmem>>, vector<16xf32>,
      %add3A_2747 = arith.addf %get3A_2743, %get3A_2746 : vector<16xf32>
      %swap3A_2748 = arith.index_cast %scan3A_2720 : i32 to index
      %swap3A_2749 = arith.constant 32 : index
      %swap3A_2750 = tpu.vector_load %arg19[%swap3A_2748, %swap3A_2749] {strides = array<i32>} : memref<128x64xf32, #tpu.memory_space<vmem>>, vector<16xf32>,
      tpu.vector_store %arg19[%swap3A_2748, %swap3A_2749], %add3A_2747 {strides = array<i32>} : memref<128x64xf32, #tpu.memory_space<vmem>>, vector<16xf32>,
      %get3A_2751 = arith.index_cast %scan3A_2720 : i32 to index
      %get3A_2752 = arith.constant 48 : index
      %get3A_2753 = tpu.vector_load %arg17[%get3A_2751, %get3A_2752] {strides = array<i32>} : memref<128x64xf32, #tpu.memory_space<vmem>>, vector<16xf32>,
      %get3A_2754 = arith.index_cast %scan3A_2720 : i32 to index
      %get3A_2755 = arith.constant 48 : index
      %get3A_2756 = tpu.vector_load %arg18[%get3A_2754, %get3A_2755] {strides = array<i32>} : memref<128x64xf32, #tpu.memory_space<vmem>>, vector<16xf32>,
      %add3A_2757 = arith.addf %get3A_2753, %get3A_2756 : vector<16xf32>
      %swap3A_2758 = arith.index_cast %scan3A_2720 : i32 to index
      %swap3A_2759 = arith.constant 48 : index
      %swap3A_2760 = tpu.vector_load %arg19[%swap3A_2758, %swap3A_2759] {strides = array<i32>} : memref<128x64xf32, #tpu.memory_space<vmem>>, vector<16xf32>,
      tpu.vector_store %arg19[%swap3A_2758, %swap3A_2759], %add3A_2757 {strides = array<i32>} : memref<128x64xf32, #tpu.memory_space<vmem>>, vector<16xf32>,
    }
    %scan3A_2509 = arith.constant 128 : i32
    %add3A_2510 = arith.constant 640 : i32
    %add3A_2511 = arith.addi %mul3A_2, %add3A_2510 : i32
    "tpu.region"() ({
      %run_scoped3A = tpu.sem_alloc : memref<!tpu.dma_semaphore, #tpu.memory_space<semaphore_mem>>
      %dma_start3A = arith.constant 0 : i32
      %dma_start3A_2720 = tpu.memref_slice %arg7[%add3A_2511, %dma_start3A] : memref<16384x64xf32, #tpu.memory_space<hbm>> -> memref<128x64xf32, #tpu.memory_space<hbm>>
      %dma_start3A_2721 = arith.constant 0 : i32
      %dma_start3A_2722 = tpu.memref_slice %arg7[%add3A_2511, %dma_start3A_2721] : memref<16384x64xf32, #tpu.memory_space<hbm>> -> memref<128x64xf32, #tpu.memory_space<hbm>>
      tpu.enqueue_dma source(%arg19 : memref<128x64xf32, #tpu.memory_space<vmem>>) target(%dma_start3A_2722 : memref<128x64xf32, #tpu.memory_space<hbm>>) target_semaphore(%run_scoped3A : memref<!tpu.dma_semaphore, #tpu.memory_space<semaphore_mem>>)
      %dma_wait3A = arith.constant 0 : i32
      %dma_wait3A_2723 = tpu.memref_slice %arg7[%add3A_2511, %dma_wait3A] : memref<16384x64xf32, #tpu.memory_space<hbm>> -> memref<128x64xf32, #tpu.memory_space<hbm>>
      %dma_wait3A_2724 = arith.constant 0 : i32
      %dma_wait3A_2725 = tpu.memref_slice %arg7[%add3A_2511, %dma_wait3A_2724] : memref<16384x64xf32, #tpu.memory_space<hbm>> -> memref<128x64xf32, #tpu.memory_space<hbm>>
      tpu.wait_dma2 semaphore(%run_scoped3A : memref<!tpu.dma_semaphore, #tpu.memory_space<semaphore_mem>>) src(%arg19 : memref<128x64xf32, #tpu.memory_space<vmem>>) dst(%dma_wait3A_2725 : memref<128x64xf32, #tpu.memory_space<hbm>>)
      tpu.yield
    }) : () -> ()
    %get3A_2512 = arith.constant 6 : i32
    %get3A_2513 = arith.index_cast %get3A_2512 : i32 to index
    %get3A_2514 = arith.constant 0 : index
    %get3A_2515 = tpu.vector_load %arg9[%get3A_2513, %get3A_2514] {strides = array<i32>} : memref<8x128xi32, #tpu.memory_space<vmem>>, vector<16xi32>,
    %swap3A_2516 = arith.constant 0 : index
    %swap3A_2517 = tpu.vector_load %arg11[%swap3A_2516] {strides = array<i32>} : memref<128xi32, #tpu.memory_space<vmem>>, vector<16xi32>,
    tpu.vector_store %arg11[%swap3A_2516], %get3A_2515 {strides = array<i32>} : memref<128xi32, #tpu.memory_space<vmem>>, vector<16xi32>,
    %get3A_2518 = arith.constant 6 : i32
    %get3A_2519 = arith.index_cast %get3A_2518 : i32 to index
    %get3A_2520 = arith.constant 0 : index
    %get3A_2521 = tpu.vector_load %arg10[%get3A_2519, %get3A_2520] {strides = array<i32>} : memref<8x128xi32, #tpu.memory_space<vmem>>, vector<16xi32>,
    %swap3A_2522 = arith.constant 0 : index
    %swap3A_2523 = tpu.vector_load %arg12[%swap3A_2522] {strides = array<i32>} : memref<128xi32, #tpu.memory_space<vmem>>, vector<16xi32>,
    tpu.vector_store %arg12[%swap3A_2522], %get3A_2521 {strides = array<i32>} : memref<128xi32, #tpu.memory_space<vmem>>, vector<16xi32>,
    %get3A_2524 = arith.constant 6 : i32
    %get3A_2525 = arith.index_cast %get3A_2524 : i32 to index
    %get3A_2526 = arith.constant 16 : index
    %get3A_2527 = tpu.vector_load %arg9[%get3A_2525, %get3A_2526] {strides = array<i32>} : memref<8x128xi32, #tpu.memory_space<vmem>>, vector<16xi32>,
    %swap3A_2528 = arith.constant 16 : index
    %swap3A_2529 = tpu.vector_load %arg11[%swap3A_2528] {strides = array<i32>} : memref<128xi32, #tpu.memory_space<vmem>>, vector<16xi32>,
    tpu.vector_store %arg11[%swap3A_2528], %get3A_2527 {strides = array<i32>} : memref<128xi32, #tpu.memory_space<vmem>>, vector<16xi32>,
    %get3A_2530 = arith.constant 6 : i32
    %get3A_2531 = arith.index_cast %get3A_2530 : i32 to index
    %get3A_2532 = arith.constant 16 : index
    %get3A_2533 = tpu.vector_load %arg10[%get3A_2531, %get3A_2532] {strides = array<i32>} : memref<8x128xi32, #tpu.memory_space<vmem>>, vector<16xi32>,
    %swap3A_2534 = arith.constant 16 : index
    %swap3A_2535 = tpu.vector_load %arg12[%swap3A_2534] {strides = array<i32>} : memref<128xi32, #tpu.memory_space<vmem>>, vector<16xi32>,
    tpu.vector_store %arg12[%swap3A_2534], %get3A_2533 {strides = array<i32>} : memref<128xi32, #tpu.memory_space<vmem>>, vector<16xi32>,
    %get3A_2536 = arith.constant 6 : i32
    %get3A_2537 = arith.index_cast %get3A_2536 : i32 to index
    %get3A_2538 = arith.constant 32 : index
    %get3A_2539 = tpu.vector_load %arg9[%get3A_2537, %get3A_2538] {strides = array<i32>} : memref<8x128xi32, #tpu.memory_space<vmem>>, vector<16xi32>,
    %swap3A_2540 = arith.constant 32 : index
    %swap3A_2541 = tpu.vector_load %arg11[%swap3A_2540] {strides = array<i32>} : memref<128xi32, #tpu.memory_space<vmem>>, vector<16xi32>,
    tpu.vector_store %arg11[%swap3A_2540], %get3A_2539 {strides = array<i32>} : memref<128xi32, #tpu.memory_space<vmem>>, vector<16xi32>,
    %get3A_2542 = arith.constant 6 : i32
    %get3A_2543 = arith.index_cast %get3A_2542 : i32 to index
    %get3A_2544 = arith.constant 32 : index
    %get3A_2545 = tpu.vector_load %arg10[%get3A_2543, %get3A_2544] {strides = array<i32>} : memref<8x128xi32, #tpu.memory_space<vmem>>, vector<16xi32>,
    %swap3A_2546 = arith.constant 32 : index
    %swap3A_2547 = tpu.vector_load %arg12[%swap3A_2546] {strides = array<i32>} : memref<128xi32, #tpu.memory_space<vmem>>, vector<16xi32>,
    tpu.vector_store %arg12[%swap3A_2546], %get3A_2545 {strides = array<i32>} : memref<128xi32, #tpu.memory_space<vmem>>, vector<16xi32>,
    %get3A_2548 = arith.constant 6 : i32
    %get3A_2549 = arith.index_cast %get3A_2548 : i32 to index
    %get3A_2550 = arith.constant 48 : index
    %get3A_2551 = tpu.vector_load %arg9[%get3A_2549, %get3A_2550] {strides = array<i32>} : memref<8x128xi32, #tpu.memory_space<vmem>>, vector<16xi32>,
    %swap3A_2552 = arith.constant 48 : index
    %swap3A_2553 = tpu.vector_load %arg11[%swap3A_2552] {strides = array<i32>} : memref<128xi32, #tpu.memory_space<vmem>>, vector<16xi32>,
    tpu.vector_store %arg11[%swap3A_2552], %get3A_2551 {strides = array<i32>} : memref<128xi32, #tpu.memory_space<vmem>>, vector<16xi32>,
    %get3A_2554 = arith.constant 6 : i32
    %get3A_2555 = arith.index_cast %get3A_2554 : i32 to index
    %get3A_2556 = arith.constant 48 : index
    %get3A_2557 = tpu.vector_load %arg10[%get3A_2555, %get3A_2556] {strides = array<i32>} : memref<8x128xi32, #tpu.memory_space<vmem>>, vector<16xi32>,
    %swap3A_2558 = arith.constant 48 : index
    %swap3A_2559 = tpu.vector_load %arg12[%swap3A_2558] {strides = array<i32>} : memref<128xi32, #tpu.memory_space<vmem>>, vector<16xi32>,
    tpu.vector_store %arg12[%swap3A_2558], %get3A_2557 {strides = array<i32>} : memref<128xi32, #tpu.memory_space<vmem>>, vector<16xi32>,
    %get3A_2560 = arith.constant 6 : i32
    %get3A_2561 = arith.index_cast %get3A_2560 : i32 to index
    %get3A_2562 = arith.constant 64 : index
    %get3A_2563 = tpu.vector_load %arg9[%get3A_2561, %get3A_2562] {strides = array<i32>} : memref<8x128xi32, #tpu.memory_space<vmem>>, vector<16xi32>,
    %swap3A_2564 = arith.constant 64 : index
    %swap3A_2565 = tpu.vector_load %arg11[%swap3A_2564] {strides = array<i32>} : memref<128xi32, #tpu.memory_space<vmem>>, vector<16xi32>,
    tpu.vector_store %arg11[%swap3A_2564], %get3A_2563 {strides = array<i32>} : memref<128xi32, #tpu.memory_space<vmem>>, vector<16xi32>,
    %get3A_2566 = arith.constant 6 : i32
    %get3A_2567 = arith.index_cast %get3A_2566 : i32 to index
    %get3A_2568 = arith.constant 64 : index
    %get3A_2569 = tpu.vector_load %arg10[%get3A_2567, %get3A_2568] {strides = array<i32>} : memref<8x128xi32, #tpu.memory_space<vmem>>, vector<16xi32>,
    %swap3A_2570 = arith.constant 64 : index
    %swap3A_2571 = tpu.vector_load %arg12[%swap3A_2570] {strides = array<i32>} : memref<128xi32, #tpu.memory_space<vmem>>, vector<16xi32>,
    tpu.vector_store %arg12[%swap3A_2570], %get3A_2569 {strides = array<i32>} : memref<128xi32, #tpu.memory_space<vmem>>, vector<16xi32>,
    %get3A_2572 = arith.constant 6 : i32
    %get3A_2573 = arith.index_cast %get3A_2572 : i32 to index
    %get3A_2574 = arith.constant 80 : index
    %get3A_2575 = tpu.vector_load %arg9[%get3A_2573, %get3A_2574] {strides = array<i32>} : memref<8x128xi32, #tpu.memory_space<vmem>>, vector<16xi32>,
    %swap3A_2576 = arith.constant 80 : index
    %swap3A_2577 = tpu.vector_load %arg11[%swap3A_2576] {strides = array<i32>} : memref<128xi32, #tpu.memory_space<vmem>>, vector<16xi32>,
    tpu.vector_store %arg11[%swap3A_2576], %get3A_2575 {strides = array<i32>} : memref<128xi32, #tpu.memory_space<vmem>>, vector<16xi32>,
    %get3A_2578 = arith.constant 6 : i32
    %get3A_2579 = arith.index_cast %get3A_2578 : i32 to index
    %get3A_2580 = arith.constant 80 : index
    %get3A_2581 = tpu.vector_load %arg10[%get3A_2579, %get3A_2580] {strides = array<i32>} : memref<8x128xi32, #tpu.memory_space<vmem>>, vector<16xi32>,
    %swap3A_2582 = arith.constant 80 : index
    %swap3A_2583 = tpu.vector_load %arg12[%swap3A_2582] {strides = array<i32>} : memref<128xi32, #tpu.memory_space<vmem>>, vector<16xi32>,
    tpu.vector_store %arg12[%swap3A_2582], %get3A_2581 {strides = array<i32>} : memref<128xi32, #tpu.memory_space<vmem>>, vector<16xi32>,
    %get3A_2584 = arith.constant 6 : i32
    %get3A_2585 = arith.index_cast %get3A_2584 : i32 to index
    %get3A_2586 = arith.constant 96 : index
    %get3A_2587 = tpu.vector_load %arg9[%get3A_2585, %get3A_2586] {strides = array<i32>} : memref<8x128xi32, #tpu.memory_space<vmem>>, vector<16xi32>,
    %swap3A_2588 = arith.constant 96 : index
    %swap3A_2589 = tpu.vector_load %arg11[%swap3A_2588] {strides = array<i32>} : memref<128xi32, #tpu.memory_space<vmem>>, vector<16xi32>,
    tpu.vector_store %arg11[%swap3A_2588], %get3A_2587 {strides = array<i32>} : memref<128xi32, #tpu.memory_space<vmem>>, vector<16xi32>,
    %get3A_2590 = arith.constant 6 : i32
    %get3A_2591 = arith.index_cast %get3A_2590 : i32 to index
    %get3A_2592 = arith.constant 96 : index
    %get3A_2593 = tpu.vector_load %arg10[%get3A_2591, %get3A_2592] {strides = array<i32>} : memref<8x128xi32, #tpu.memory_space<vmem>>, vector<16xi32>,
    %swap3A_2594 = arith.constant 96 : index
    %swap3A_2595 = tpu.vector_load %arg12[%swap3A_2594] {strides = array<i32>} : memref<128xi32, #tpu.memory_space<vmem>>, vector<16xi32>,
    tpu.vector_store %arg12[%swap3A_2594], %get3A_2593 {strides = array<i32>} : memref<128xi32, #tpu.memory_space<vmem>>, vector<16xi32>,
    %get3A_2596 = arith.constant 6 : i32
    %get3A_2597 = arith.index_cast %get3A_2596 : i32 to index
    %get3A_2598 = arith.constant 112 : index
    %get3A_2599 = tpu.vector_load %arg9[%get3A_2597, %get3A_2598] {strides = array<i32>} : memref<8x128xi32, #tpu.memory_space<vmem>>, vector<16xi32>,
    %swap3A_2600 = arith.constant 112 : index
    %swap3A_2601 = tpu.vector_load %arg11[%swap3A_2600] {strides = array<i32>} : memref<128xi32, #tpu.memory_space<vmem>>, vector<16xi32>,
    tpu.vector_store %arg11[%swap3A_2600], %get3A_2599 {strides = array<i32>} : memref<128xi32, #tpu.memory_space<vmem>>, vector<16xi32>,
    %get3A_2602 = arith.constant 6 : i32
    %get3A_2603 = arith.index_cast %get3A_2602 : i32 to index
    %get3A_2604 = arith.constant 112 : index
    %get3A_2605 = tpu.vector_load %arg10[%get3A_2603, %get3A_2604] {strides = array<i32>} : memref<8x128xi32, #tpu.memory_space<vmem>>, vector<16xi32>,
    %swap3A_2606 = arith.constant 112 : index
    %swap3A_2607 = tpu.vector_load %arg12[%swap3A_2606] {strides = array<i32>} : memref<128xi32, #tpu.memory_space<vmem>>, vector<16xi32>,
    tpu.vector_store %arg12[%swap3A_2606], %get3A_2605 {strides = array<i32>} : memref<128xi32, #tpu.memory_space<vmem>>, vector<16xi32>,
    "tpu.region"() ({
      %run_scoped3A = tpu.sem_alloc : memref<!tpu.dma_semaphore, #tpu.memory_space<semaphore_mem>>
      %dma_start3A = arith.constant 0 : i32
      %dma_start3A_2720 = arith.constant 0 : i32
      %dma_start3A_2721 = tpu.memref_slice %arg2[%dma_start3A, %dma_start3A_2720] : memref<1000000x64xf32, #tpu.memory_space<hbm>> -> memref<1000000x64xf32, #tpu.memory_space<hbm>>
      tpu.enqueue_indirect_dma source(%dma_start3A_2721 : memref<1000000x64xf32, #tpu.memory_space<hbm>>) target(%arg17 : memref<128x64xf32, #tpu.memory_space<vmem>>) offsets(%arg11 : memref<128xi32, #tpu.memory_space<vmem>>) semaphore(%run_scoped3A : memref<!tpu.dma_semaphore, #tpu.memory_space<semaphore_mem>>)
      %dma_wait3A = arith.constant 0 : i32
      %dma_wait3A_2722 = arith.constant 0 : i32
      %dma_wait3A_2723 = tpu.memref_slice %arg2[%dma_wait3A, %dma_wait3A_2722] : memref<1000000x64xf32, #tpu.memory_space<hbm>> -> memref<1000000x64xf32, #tpu.memory_space<hbm>>
      tpu.wait_indirect_dma semaphore(%run_scoped3A : memref<!tpu.dma_semaphore, #tpu.memory_space<semaphore_mem>>) src(%dma_wait3A_2723 : memref<1000000x64xf32, #tpu.memory_space<hbm>>) dst(%arg17 : memref<128x64xf32, #tpu.memory_space<vmem>>)
      tpu.yield
    }) : () -> ()
    "tpu.region"() ({
      %run_scoped3A = tpu.sem_alloc : memref<!tpu.dma_semaphore, #tpu.memory_space<semaphore_mem>>
      %dma_start3A = arith.constant 0 : i32
      %dma_start3A_2720 = arith.constant 0 : i32
      %dma_start3A_2721 = tpu.memref_slice %arg20[%dma_start3A, %dma_start3A_2720] : memref<16384x64xf32, #tpu.memory_space<vmem_shared>> -> memref<16384x64xf32, #tpu.memory_space<vmem_shared>>
      tpu.enqueue_indirect_dma source(%dma_start3A_2721 : memref<16384x64xf32, #tpu.memory_space<vmem_shared>>) target(%arg18 : memref<128x64xf32, #tpu.memory_space<vmem>>) offsets(%arg12 : memref<128xi32, #tpu.memory_space<vmem>>) semaphore(%run_scoped3A : memref<!tpu.dma_semaphore, #tpu.memory_space<semaphore_mem>>)
      %dma_wait3A = arith.constant 0 : i32
      %dma_wait3A_2722 = arith.constant 0 : i32
      %dma_wait3A_2723 = tpu.memref_slice %arg20[%dma_wait3A, %dma_wait3A_2722] : memref<16384x64xf32, #tpu.memory_space<vmem_shared>> -> memref<16384x64xf32, #tpu.memory_space<vmem_shared>>
      tpu.wait_indirect_dma semaphore(%run_scoped3A : memref<!tpu.dma_semaphore, #tpu.memory_space<semaphore_mem>>) src(%dma_wait3A_2723 : memref<16384x64xf32, #tpu.memory_space<vmem_shared>>) dst(%arg18 : memref<128x64xf32, #tpu.memory_space<vmem>>)
      tpu.yield
    }) : () -> ()
    %scan3A_2608 = arith.constant 0 : i32
    %scan3A_2609 = arith.constant 0 : i32
    %scan3A_2610 = arith.constant 128 : i32
    %scan3A_2611 = arith.addi %scan3A_2609, %scan3A_2610 : i32
    %scan3A_2612 = arith.constant 1 : i32
    scf.for %scan3A_2720 = %scan3A_2609 to %scan3A_2611 step %scan3A_2612  : i32 {
      %get3A_2721 = arith.index_cast %scan3A_2720 : i32 to index
      %get3A_2722 = arith.constant 0 : index
      %get3A_2723 = tpu.vector_load %arg17[%get3A_2721, %get3A_2722] {strides = array<i32>} : memref<128x64xf32, #tpu.memory_space<vmem>>, vector<16xf32>,
      %get3A_2724 = arith.index_cast %scan3A_2720 : i32 to index
      %get3A_2725 = arith.constant 0 : index
      %get3A_2726 = tpu.vector_load %arg18[%get3A_2724, %get3A_2725] {strides = array<i32>} : memref<128x64xf32, #tpu.memory_space<vmem>>, vector<16xf32>,
      %add3A_2727 = arith.addf %get3A_2723, %get3A_2726 : vector<16xf32>
      %swap3A_2728 = arith.index_cast %scan3A_2720 : i32 to index
      %swap3A_2729 = arith.constant 0 : index
      %swap3A_2730 = tpu.vector_load %arg19[%swap3A_2728, %swap3A_2729] {strides = array<i32>} : memref<128x64xf32, #tpu.memory_space<vmem>>, vector<16xf32>,
      tpu.vector_store %arg19[%swap3A_2728, %swap3A_2729], %add3A_2727 {strides = array<i32>} : memref<128x64xf32, #tpu.memory_space<vmem>>, vector<16xf32>,
      %get3A_2731 = arith.index_cast %scan3A_2720 : i32 to index
      %get3A_2732 = arith.constant 16 : index
      %get3A_2733 = tpu.vector_load %arg17[%get3A_2731, %get3A_2732] {strides = array<i32>} : memref<128x64xf32, #tpu.memory_space<vmem>>, vector<16xf32>,
      %get3A_2734 = arith.index_cast %scan3A_2720 : i32 to index
      %get3A_2735 = arith.constant 16 : index
      %get3A_2736 = tpu.vector_load %arg18[%get3A_2734, %get3A_2735] {strides = array<i32>} : memref<128x64xf32, #tpu.memory_space<vmem>>, vector<16xf32>,
      %add3A_2737 = arith.addf %get3A_2733, %get3A_2736 : vector<16xf32>
      %swap3A_2738 = arith.index_cast %scan3A_2720 : i32 to index
      %swap3A_2739 = arith.constant 16 : index
      %swap3A_2740 = tpu.vector_load %arg19[%swap3A_2738, %swap3A_2739] {strides = array<i32>} : memref<128x64xf32, #tpu.memory_space<vmem>>, vector<16xf32>,
      tpu.vector_store %arg19[%swap3A_2738, %swap3A_2739], %add3A_2737 {strides = array<i32>} : memref<128x64xf32, #tpu.memory_space<vmem>>, vector<16xf32>,
      %get3A_2741 = arith.index_cast %scan3A_2720 : i32 to index
      %get3A_2742 = arith.constant 32 : index
      %get3A_2743 = tpu.vector_load %arg17[%get3A_2741, %get3A_2742] {strides = array<i32>} : memref<128x64xf32, #tpu.memory_space<vmem>>, vector<16xf32>,
      %get3A_2744 = arith.index_cast %scan3A_2720 : i32 to index
      %get3A_2745 = arith.constant 32 : index
      %get3A_2746 = tpu.vector_load %arg18[%get3A_2744, %get3A_2745] {strides = array<i32>} : memref<128x64xf32, #tpu.memory_space<vmem>>, vector<16xf32>,
      %add3A_2747 = arith.addf %get3A_2743, %get3A_2746 : vector<16xf32>
      %swap3A_2748 = arith.index_cast %scan3A_2720 : i32 to index
      %swap3A_2749 = arith.constant 32 : index
      %swap3A_2750 = tpu.vector_load %arg19[%swap3A_2748, %swap3A_2749] {strides = array<i32>} : memref<128x64xf32, #tpu.memory_space<vmem>>, vector<16xf32>,
      tpu.vector_store %arg19[%swap3A_2748, %swap3A_2749], %add3A_2747 {strides = array<i32>} : memref<128x64xf32, #tpu.memory_space<vmem>>, vector<16xf32>,
      %get3A_2751 = arith.index_cast %scan3A_2720 : i32 to index
      %get3A_2752 = arith.constant 48 : index
      %get3A_2753 = tpu.vector_load %arg17[%get3A_2751, %get3A_2752] {strides = array<i32>} : memref<128x64xf32, #tpu.memory_space<vmem>>, vector<16xf32>,
      %get3A_2754 = arith.index_cast %scan3A_2720 : i32 to index
      %get3A_2755 = arith.constant 48 : index
      %get3A_2756 = tpu.vector_load %arg18[%get3A_2754, %get3A_2755] {strides = array<i32>} : memref<128x64xf32, #tpu.memory_space<vmem>>, vector<16xf32>,
      %add3A_2757 = arith.addf %get3A_2753, %get3A_2756 : vector<16xf32>
      %swap3A_2758 = arith.index_cast %scan3A_2720 : i32 to index
      %swap3A_2759 = arith.constant 48 : index
      %swap3A_2760 = tpu.vector_load %arg19[%swap3A_2758, %swap3A_2759] {strides = array<i32>} : memref<128x64xf32, #tpu.memory_space<vmem>>, vector<16xf32>,
      tpu.vector_store %arg19[%swap3A_2758, %swap3A_2759], %add3A_2757 {strides = array<i32>} : memref<128x64xf32, #tpu.memory_space<vmem>>, vector<16xf32>,
    }
    %scan3A_2613 = arith.constant 128 : i32
    %add3A_2614 = arith.constant 768 : i32
    %add3A_2615 = arith.addi %mul3A_2, %add3A_2614 : i32
    "tpu.region"() ({
      %run_scoped3A = tpu.sem_alloc : memref<!tpu.dma_semaphore, #tpu.memory_space<semaphore_mem>>
      %dma_start3A = arith.constant 0 : i32
      %dma_start3A_2720 = tpu.memref_slice %arg7[%add3A_2615, %dma_start3A] : memref<16384x64xf32, #tpu.memory_space<hbm>> -> memref<128x64xf32, #tpu.memory_space<hbm>>
      %dma_start3A_2721 = arith.constant 0 : i32
      %dma_start3A_2722 = tpu.memref_slice %arg7[%add3A_2615, %dma_start3A_2721] : memref<16384x64xf32, #tpu.memory_space<hbm>> -> memref<128x64xf32, #tpu.memory_space<hbm>>
      tpu.enqueue_dma source(%arg19 : memref<128x64xf32, #tpu.memory_space<vmem>>) target(%dma_start3A_2722 : memref<128x64xf32, #tpu.memory_space<hbm>>) target_semaphore(%run_scoped3A : memref<!tpu.dma_semaphore, #tpu.memory_space<semaphore_mem>>)
      %dma_wait3A = arith.constant 0 : i32
      %dma_wait3A_2723 = tpu.memref_slice %arg7[%add3A_2615, %dma_wait3A] : memref<16384x64xf32, #tpu.memory_space<hbm>> -> memref<128x64xf32, #tpu.memory_space<hbm>>
      %dma_wait3A_2724 = arith.constant 0 : i32
      %dma_wait3A_2725 = tpu.memref_slice %arg7[%add3A_2615, %dma_wait3A_2724] : memref<16384x64xf32, #tpu.memory_space<hbm>> -> memref<128x64xf32, #tpu.memory_space<hbm>>
      tpu.wait_dma2 semaphore(%run_scoped3A : memref<!tpu.dma_semaphore, #tpu.memory_space<semaphore_mem>>) src(%arg19 : memref<128x64xf32, #tpu.memory_space<vmem>>) dst(%dma_wait3A_2725 : memref<128x64xf32, #tpu.memory_space<hbm>>)
      tpu.yield
    }) : () -> ()
    %get3A_2616 = arith.constant 7 : i32
    %get3A_2617 = arith.index_cast %get3A_2616 : i32 to index
    %get3A_2618 = arith.constant 0 : index
    %get3A_2619 = tpu.vector_load %arg9[%get3A_2617, %get3A_2618] {strides = array<i32>} : memref<8x128xi32, #tpu.memory_space<vmem>>, vector<16xi32>,
    %swap3A_2620 = arith.constant 0 : index
    %swap3A_2621 = tpu.vector_load %arg11[%swap3A_2620] {strides = array<i32>} : memref<128xi32, #tpu.memory_space<vmem>>, vector<16xi32>,
    tpu.vector_store %arg11[%swap3A_2620], %get3A_2619 {strides = array<i32>} : memref<128xi32, #tpu.memory_space<vmem>>, vector<16xi32>,
    %get3A_2622 = arith.constant 7 : i32
    %get3A_2623 = arith.index_cast %get3A_2622 : i32 to index
    %get3A_2624 = arith.constant 0 : index
    %get3A_2625 = tpu.vector_load %arg10[%get3A_2623, %get3A_2624] {strides = array<i32>} : memref<8x128xi32, #tpu.memory_space<vmem>>, vector<16xi32>,
    %swap3A_2626 = arith.constant 0 : index
    %swap3A_2627 = tpu.vector_load %arg12[%swap3A_2626] {strides = array<i32>} : memref<128xi32, #tpu.memory_space<vmem>>, vector<16xi32>,
    tpu.vector_store %arg12[%swap3A_2626], %get3A_2625 {strides = array<i32>} : memref<128xi32, #tpu.memory_space<vmem>>, vector<16xi32>,
    %get3A_2628 = arith.constant 7 : i32
    %get3A_2629 = arith.index_cast %get3A_2628 : i32 to index
    %get3A_2630 = arith.constant 16 : index
    %get3A_2631 = tpu.vector_load %arg9[%get3A_2629, %get3A_2630] {strides = array<i32>} : memref<8x128xi32, #tpu.memory_space<vmem>>, vector<16xi32>,
    %swap3A_2632 = arith.constant 16 : index
    %swap3A_2633 = tpu.vector_load %arg11[%swap3A_2632] {strides = array<i32>} : memref<128xi32, #tpu.memory_space<vmem>>, vector<16xi32>,
    tpu.vector_store %arg11[%swap3A_2632], %get3A_2631 {strides = array<i32>} : memref<128xi32, #tpu.memory_space<vmem>>, vector<16xi32>,
    %get3A_2634 = arith.constant 7 : i32
    %get3A_2635 = arith.index_cast %get3A_2634 : i32 to index
    %get3A_2636 = arith.constant 16 : index
    %get3A_2637 = tpu.vector_load %arg10[%get3A_2635, %get3A_2636] {strides = array<i32>} : memref<8x128xi32, #tpu.memory_space<vmem>>, vector<16xi32>,
    %swap3A_2638 = arith.constant 16 : index
    %swap3A_2639 = tpu.vector_load %arg12[%swap3A_2638] {strides = array<i32>} : memref<128xi32, #tpu.memory_space<vmem>>, vector<16xi32>,
    tpu.vector_store %arg12[%swap3A_2638], %get3A_2637 {strides = array<i32>} : memref<128xi32, #tpu.memory_space<vmem>>, vector<16xi32>,
    %get3A_2640 = arith.constant 7 : i32
    %get3A_2641 = arith.index_cast %get3A_2640 : i32 to index
    %get3A_2642 = arith.constant 32 : index
    %get3A_2643 = tpu.vector_load %arg9[%get3A_2641, %get3A_2642] {strides = array<i32>} : memref<8x128xi32, #tpu.memory_space<vmem>>, vector<16xi32>,
    %swap3A_2644 = arith.constant 32 : index
    %swap3A_2645 = tpu.vector_load %arg11[%swap3A_2644] {strides = array<i32>} : memref<128xi32, #tpu.memory_space<vmem>>, vector<16xi32>,
    tpu.vector_store %arg11[%swap3A_2644], %get3A_2643 {strides = array<i32>} : memref<128xi32, #tpu.memory_space<vmem>>, vector<16xi32>,
    %get3A_2646 = arith.constant 7 : i32
    %get3A_2647 = arith.index_cast %get3A_2646 : i32 to index
    %get3A_2648 = arith.constant 32 : index
    %get3A_2649 = tpu.vector_load %arg10[%get3A_2647, %get3A_2648] {strides = array<i32>} : memref<8x128xi32, #tpu.memory_space<vmem>>, vector<16xi32>,
    %swap3A_2650 = arith.constant 32 : index
    %swap3A_2651 = tpu.vector_load %arg12[%swap3A_2650] {strides = array<i32>} : memref<128xi32, #tpu.memory_space<vmem>>, vector<16xi32>,
    tpu.vector_store %arg12[%swap3A_2650], %get3A_2649 {strides = array<i32>} : memref<128xi32, #tpu.memory_space<vmem>>, vector<16xi32>,
    %get3A_2652 = arith.constant 7 : i32
    %get3A_2653 = arith.index_cast %get3A_2652 : i32 to index
    %get3A_2654 = arith.constant 48 : index
    %get3A_2655 = tpu.vector_load %arg9[%get3A_2653, %get3A_2654] {strides = array<i32>} : memref<8x128xi32, #tpu.memory_space<vmem>>, vector<16xi32>,
    %swap3A_2656 = arith.constant 48 : index
    %swap3A_2657 = tpu.vector_load %arg11[%swap3A_2656] {strides = array<i32>} : memref<128xi32, #tpu.memory_space<vmem>>, vector<16xi32>,
    tpu.vector_store %arg11[%swap3A_2656], %get3A_2655 {strides = array<i32>} : memref<128xi32, #tpu.memory_space<vmem>>, vector<16xi32>,
    %get3A_2658 = arith.constant 7 : i32
    %get3A_2659 = arith.index_cast %get3A_2658 : i32 to index
    %get3A_2660 = arith.constant 48 : index
    %get3A_2661 = tpu.vector_load %arg10[%get3A_2659, %get3A_2660] {strides = array<i32>} : memref<8x128xi32, #tpu.memory_space<vmem>>, vector<16xi32>,
    %swap3A_2662 = arith.constant 48 : index
    %swap3A_2663 = tpu.vector_load %arg12[%swap3A_2662] {strides = array<i32>} : memref<128xi32, #tpu.memory_space<vmem>>, vector<16xi32>,
    tpu.vector_store %arg12[%swap3A_2662], %get3A_2661 {strides = array<i32>} : memref<128xi32, #tpu.memory_space<vmem>>, vector<16xi32>,
    %get3A_2664 = arith.constant 7 : i32
    %get3A_2665 = arith.index_cast %get3A_2664 : i32 to index
    %get3A_2666 = arith.constant 64 : index
    %get3A_2667 = tpu.vector_load %arg9[%get3A_2665, %get3A_2666] {strides = array<i32>} : memref<8x128xi32, #tpu.memory_space<vmem>>, vector<16xi32>,
    %swap3A_2668 = arith.constant 64 : index
    %swap3A_2669 = tpu.vector_load %arg11[%swap3A_2668] {strides = array<i32>} : memref<128xi32, #tpu.memory_space<vmem>>, vector<16xi32>,
    tpu.vector_store %arg11[%swap3A_2668], %get3A_2667 {strides = array<i32>} : memref<128xi32, #tpu.memory_space<vmem>>, vector<16xi32>,
    %get3A_2670 = arith.constant 7 : i32
    %get3A_2671 = arith.index_cast %get3A_2670 : i32 to index
    %get3A_2672 = arith.constant 64 : index
    %get3A_2673 = tpu.vector_load %arg10[%get3A_2671, %get3A_2672] {strides = array<i32>} : memref<8x128xi32, #tpu.memory_space<vmem>>, vector<16xi32>,
    %swap3A_2674 = arith.constant 64 : index
    %swap3A_2675 = tpu.vector_load %arg12[%swap3A_2674] {strides = array<i32>} : memref<128xi32, #tpu.memory_space<vmem>>, vector<16xi32>,
    tpu.vector_store %arg12[%swap3A_2674], %get3A_2673 {strides = array<i32>} : memref<128xi32, #tpu.memory_space<vmem>>, vector<16xi32>,
    %get3A_2676 = arith.constant 7 : i32
    %get3A_2677 = arith.index_cast %get3A_2676 : i32 to index
    %get3A_2678 = arith.constant 80 : index
    %get3A_2679 = tpu.vector_load %arg9[%get3A_2677, %get3A_2678] {strides = array<i32>} : memref<8x128xi32, #tpu.memory_space<vmem>>, vector<16xi32>,
    %swap3A_2680 = arith.constant 80 : index
    %swap3A_2681 = tpu.vector_load %arg11[%swap3A_2680] {strides = array<i32>} : memref<128xi32, #tpu.memory_space<vmem>>, vector<16xi32>,
    tpu.vector_store %arg11[%swap3A_2680], %get3A_2679 {strides = array<i32>} : memref<128xi32, #tpu.memory_space<vmem>>, vector<16xi32>,
    %get3A_2682 = arith.constant 7 : i32
    %get3A_2683 = arith.index_cast %get3A_2682 : i32 to index
    %get3A_2684 = arith.constant 80 : index
    %get3A_2685 = tpu.vector_load %arg10[%get3A_2683, %get3A_2684] {strides = array<i32>} : memref<8x128xi32, #tpu.memory_space<vmem>>, vector<16xi32>,
    %swap3A_2686 = arith.constant 80 : index
    %swap3A_2687 = tpu.vector_load %arg12[%swap3A_2686] {strides = array<i32>} : memref<128xi32, #tpu.memory_space<vmem>>, vector<16xi32>,
    tpu.vector_store %arg12[%swap3A_2686], %get3A_2685 {strides = array<i32>} : memref<128xi32, #tpu.memory_space<vmem>>, vector<16xi32>,
    %get3A_2688 = arith.constant 7 : i32
    %get3A_2689 = arith.index_cast %get3A_2688 : i32 to index
    %get3A_2690 = arith.constant 96 : index
    %get3A_2691 = tpu.vector_load %arg9[%get3A_2689, %get3A_2690] {strides = array<i32>} : memref<8x128xi32, #tpu.memory_space<vmem>>, vector<16xi32>,
    %swap3A_2692 = arith.constant 96 : index
    %swap3A_2693 = tpu.vector_load %arg11[%swap3A_2692] {strides = array<i32>} : memref<128xi32, #tpu.memory_space<vmem>>, vector<16xi32>,
    tpu.vector_store %arg11[%swap3A_2692], %get3A_2691 {strides = array<i32>} : memref<128xi32, #tpu.memory_space<vmem>>, vector<16xi32>,
    %get3A_2694 = arith.constant 7 : i32
    %get3A_2695 = arith.index_cast %get3A_2694 : i32 to index
    %get3A_2696 = arith.constant 96 : index
    %get3A_2697 = tpu.vector_load %arg10[%get3A_2695, %get3A_2696] {strides = array<i32>} : memref<8x128xi32, #tpu.memory_space<vmem>>, vector<16xi32>,
    %swap3A_2698 = arith.constant 96 : index
    %swap3A_2699 = tpu.vector_load %arg12[%swap3A_2698] {strides = array<i32>} : memref<128xi32, #tpu.memory_space<vmem>>, vector<16xi32>,
    tpu.vector_store %arg12[%swap3A_2698], %get3A_2697 {strides = array<i32>} : memref<128xi32, #tpu.memory_space<vmem>>, vector<16xi32>,
    %get3A_2700 = arith.constant 7 : i32
    %get3A_2701 = arith.index_cast %get3A_2700 : i32 to index
    %get3A_2702 = arith.constant 112 : index
    %get3A_2703 = tpu.vector_load %arg9[%get3A_2701, %get3A_2702] {strides = array<i32>} : memref<8x128xi32, #tpu.memory_space<vmem>>, vector<16xi32>,
    %swap3A_2704 = arith.constant 112 : index
    %swap3A_2705 = tpu.vector_load %arg11[%swap3A_2704] {strides = array<i32>} : memref<128xi32, #tpu.memory_space<vmem>>, vector<16xi32>,
    tpu.vector_store %arg11[%swap3A_2704], %get3A_2703 {strides = array<i32>} : memref<128xi32, #tpu.memory_space<vmem>>, vector<16xi32>,
    %get3A_2706 = arith.constant 7 : i32
    %get3A_2707 = arith.index_cast %get3A_2706 : i32 to index
    %get3A_2708 = arith.constant 112 : index
    %get3A_2709 = tpu.vector_load %arg10[%get3A_2707, %get3A_2708] {strides = array<i32>} : memref<8x128xi32, #tpu.memory_space<vmem>>, vector<16xi32>,
    %swap3A_2710 = arith.constant 112 : index
    %swap3A_2711 = tpu.vector_load %arg12[%swap3A_2710] {strides = array<i32>} : memref<128xi32, #tpu.memory_space<vmem>>, vector<16xi32>,
    tpu.vector_store %arg12[%swap3A_2710], %get3A_2709 {strides = array<i32>} : memref<128xi32, #tpu.memory_space<vmem>>, vector<16xi32>,
    "tpu.region"() ({
      %run_scoped3A = tpu.sem_alloc : memref<!tpu.dma_semaphore, #tpu.memory_space<semaphore_mem>>
      %dma_start3A = arith.constant 0 : i32
      %dma_start3A_2720 = arith.constant 0 : i32
      %dma_start3A_2721 = tpu.memref_slice %arg2[%dma_start3A, %dma_start3A_2720] : memref<1000000x64xf32, #tpu.memory_space<hbm>> -> memref<1000000x64xf32, #tpu.memory_space<hbm>>
      tpu.enqueue_indirect_dma source(%dma_start3A_2721 : memref<1000000x64xf32, #tpu.memory_space<hbm>>) target(%arg17 : memref<128x64xf32, #tpu.memory_space<vmem>>) offsets(%arg11 : memref<128xi32, #tpu.memory_space<vmem>>) semaphore(%run_scoped3A : memref<!tpu.dma_semaphore, #tpu.memory_space<semaphore_mem>>)
      %dma_wait3A = arith.constant 0 : i32
      %dma_wait3A_2722 = arith.constant 0 : i32
      %dma_wait3A_2723 = tpu.memref_slice %arg2[%dma_wait3A, %dma_wait3A_2722] : memref<1000000x64xf32, #tpu.memory_space<hbm>> -> memref<1000000x64xf32, #tpu.memory_space<hbm>>
      tpu.wait_indirect_dma semaphore(%run_scoped3A : memref<!tpu.dma_semaphore, #tpu.memory_space<semaphore_mem>>) src(%dma_wait3A_2723 : memref<1000000x64xf32, #tpu.memory_space<hbm>>) dst(%arg17 : memref<128x64xf32, #tpu.memory_space<vmem>>)
      tpu.yield
    }) : () -> ()
    "tpu.region"() ({
      %run_scoped3A = tpu.sem_alloc : memref<!tpu.dma_semaphore, #tpu.memory_space<semaphore_mem>>
      %dma_start3A = arith.constant 0 : i32
      %dma_start3A_2720 = arith.constant 0 : i32
      %dma_start3A_2721 = tpu.memref_slice %arg20[%dma_start3A, %dma_start3A_2720] : memref<16384x64xf32, #tpu.memory_space<vmem_shared>> -> memref<16384x64xf32, #tpu.memory_space<vmem_shared>>
      tpu.enqueue_indirect_dma source(%dma_start3A_2721 : memref<16384x64xf32, #tpu.memory_space<vmem_shared>>) target(%arg18 : memref<128x64xf32, #tpu.memory_space<vmem>>) offsets(%arg12 : memref<128xi32, #tpu.memory_space<vmem>>) semaphore(%run_scoped3A : memref<!tpu.dma_semaphore, #tpu.memory_space<semaphore_mem>>)
      %dma_wait3A = arith.constant 0 : i32
      %dma_wait3A_2722 = arith.constant 0 : i32
      %dma_wait3A_2723 = tpu.memref_slice %arg20[%dma_wait3A, %dma_wait3A_2722] : memref<16384x64xf32, #tpu.memory_space<vmem_shared>> -> memref<16384x64xf32, #tpu.memory_space<vmem_shared>>
      tpu.wait_indirect_dma semaphore(%run_scoped3A : memref<!tpu.dma_semaphore, #tpu.memory_space<semaphore_mem>>) src(%dma_wait3A_2723 : memref<16384x64xf32, #tpu.memory_space<vmem_shared>>) dst(%arg18 : memref<128x64xf32, #tpu.memory_space<vmem>>)
      tpu.yield
    }) : () -> ()
    %scan3A_2712 = arith.constant 0 : i32
    %scan3A_2713 = arith.constant 0 : i32
    %scan3A_2714 = arith.constant 128 : i32
    %scan3A_2715 = arith.addi %scan3A_2713, %scan3A_2714 : i32
    %scan3A_2716 = arith.constant 1 : i32
    scf.for %scan3A_2720 = %scan3A_2713 to %scan3A_2715 step %scan3A_2716  : i32 {
      %get3A_2721 = arith.index_cast %scan3A_2720 : i32 to index
      %get3A_2722 = arith.constant 0 : index
      %get3A_2723 = tpu.vector_load %arg17[%get3A_2721, %get3A_2722] {strides = array<i32>} : memref<128x64xf32, #tpu.memory_space<vmem>>, vector<16xf32>,
      %get3A_2724 = arith.index_cast %scan3A_2720 : i32 to index
      %get3A_2725 = arith.constant 0 : index
      %get3A_2726 = tpu.vector_load %arg18[%get3A_2724, %get3A_2725] {strides = array<i32>} : memref<128x64xf32, #tpu.memory_space<vmem>>, vector<16xf32>,
      %add3A_2727 = arith.addf %get3A_2723, %get3A_2726 : vector<16xf32>
      %swap3A_2728 = arith.index_cast %scan3A_2720 : i32 to index
      %swap3A_2729 = arith.constant 0 : index
      %swap3A_2730 = tpu.vector_load %arg19[%swap3A_2728, %swap3A_2729] {strides = array<i32>} : memref<128x64xf32, #tpu.memory_space<vmem>>, vector<16xf32>,
      tpu.vector_store %arg19[%swap3A_2728, %swap3A_2729], %add3A_2727 {strides = array<i32>} : memref<128x64xf32, #tpu.memory_space<vmem>>, vector<16xf32>,
      %get3A_2731 = arith.index_cast %scan3A_2720 : i32 to index
      %get3A_2732 = arith.constant 16 : index
      %get3A_2733 = tpu.vector_load %arg17[%get3A_2731, %get3A_2732] {strides = array<i32>} : memref<128x64xf32, #tpu.memory_space<vmem>>, vector<16xf32>,
      %get3A_2734 = arith.index_cast %scan3A_2720 : i32 to index
      %get3A_2735 = arith.constant 16 : index
      %get3A_2736 = tpu.vector_load %arg18[%get3A_2734, %get3A_2735] {strides = array<i32>} : memref<128x64xf32, #tpu.memory_space<vmem>>, vector<16xf32>,
      %add3A_2737 = arith.addf %get3A_2733, %get3A_2736 : vector<16xf32>
      %swap3A_2738 = arith.index_cast %scan3A_2720 : i32 to index
      %swap3A_2739 = arith.constant 16 : index
      %swap3A_2740 = tpu.vector_load %arg19[%swap3A_2738, %swap3A_2739] {strides = array<i32>} : memref<128x64xf32, #tpu.memory_space<vmem>>, vector<16xf32>,
      tpu.vector_store %arg19[%swap3A_2738, %swap3A_2739], %add3A_2737 {strides = array<i32>} : memref<128x64xf32, #tpu.memory_space<vmem>>, vector<16xf32>,
      %get3A_2741 = arith.index_cast %scan3A_2720 : i32 to index
      %get3A_2742 = arith.constant 32 : index
      %get3A_2743 = tpu.vector_load %arg17[%get3A_2741, %get3A_2742] {strides = array<i32>} : memref<128x64xf32, #tpu.memory_space<vmem>>, vector<16xf32>,
      %get3A_2744 = arith.index_cast %scan3A_2720 : i32 to index
      %get3A_2745 = arith.constant 32 : index
      %get3A_2746 = tpu.vector_load %arg18[%get3A_2744, %get3A_2745] {strides = array<i32>} : memref<128x64xf32, #tpu.memory_space<vmem>>, vector<16xf32>,
      %add3A_2747 = arith.addf %get3A_2743, %get3A_2746 : vector<16xf32>
      %swap3A_2748 = arith.index_cast %scan3A_2720 : i32 to index
      %swap3A_2749 = arith.constant 32 : index
      %swap3A_2750 = tpu.vector_load %arg19[%swap3A_2748, %swap3A_2749] {strides = array<i32>} : memref<128x64xf32, #tpu.memory_space<vmem>>, vector<16xf32>,
      tpu.vector_store %arg19[%swap3A_2748, %swap3A_2749], %add3A_2747 {strides = array<i32>} : memref<128x64xf32, #tpu.memory_space<vmem>>, vector<16xf32>,
      %get3A_2751 = arith.index_cast %scan3A_2720 : i32 to index
      %get3A_2752 = arith.constant 48 : index
      %get3A_2753 = tpu.vector_load %arg17[%get3A_2751, %get3A_2752] {strides = array<i32>} : memref<128x64xf32, #tpu.memory_space<vmem>>, vector<16xf32>,
      %get3A_2754 = arith.index_cast %scan3A_2720 : i32 to index
      %get3A_2755 = arith.constant 48 : index
      %get3A_2756 = tpu.vector_load %arg18[%get3A_2754, %get3A_2755] {strides = array<i32>} : memref<128x64xf32, #tpu.memory_space<vmem>>, vector<16xf32>,
      %add3A_2757 = arith.addf %get3A_2753, %get3A_2756 : vector<16xf32>
      %swap3A_2758 = arith.index_cast %scan3A_2720 : i32 to index
      %swap3A_2759 = arith.constant 48 : index
      %swap3A_2760 = tpu.vector_load %arg19[%swap3A_2758, %swap3A_2759] {strides = array<i32>} : memref<128x64xf32, #tpu.memory_space<vmem>>, vector<16xf32>,
      tpu.vector_store %arg19[%swap3A_2758, %swap3A_2759], %add3A_2757 {strides = array<i32>} : memref<128x64xf32, #tpu.memory_space<vmem>>, vector<16xf32>,
    }
    %scan3A_2717 = arith.constant 128 : i32
    %add3A_2718 = arith.constant 896 : i32
    %add3A_2719 = arith.addi %mul3A_2, %add3A_2718 : i32
    "tpu.region"() ({
      %run_scoped3A = tpu.sem_alloc : memref<!tpu.dma_semaphore, #tpu.memory_space<semaphore_mem>>
      %dma_start3A = arith.constant 0 : i32
      %dma_start3A_2720 = tpu.memref_slice %arg7[%add3A_2719, %dma_start3A] : memref<16384x64xf32, #tpu.memory_space<hbm>> -> memref<128x64xf32, #tpu.memory_space<hbm>>
      %dma_start3A_2721 = arith.constant 0 : i32
      %dma_start3A_2722 = tpu.memref_slice %arg7[%add3A_2719, %dma_start3A_2721] : memref<16384x64xf32, #tpu.memory_space<hbm>> -> memref<128x64xf32, #tpu.memory_space<hbm>>
      tpu.enqueue_dma source(%arg19 : memref<128x64xf32, #tpu.memory_space<vmem>>) target(%dma_start3A_2722 : memref<128x64xf32, #tpu.memory_space<hbm>>) target_semaphore(%run_scoped3A : memref<!tpu.dma_semaphore, #tpu.memory_space<semaphore_mem>>)
      %dma_wait3A = arith.constant 0 : i32
      %dma_wait3A_2723 = tpu.memref_slice %arg7[%add3A_2719, %dma_wait3A] : memref<16384x64xf32, #tpu.memory_space<hbm>> -> memref<128x64xf32, #tpu.memory_space<hbm>>
      %dma_wait3A_2724 = arith.constant 0 : i32
      %dma_wait3A_2725 = tpu.memref_slice %arg7[%add3A_2719, %dma_wait3A_2724] : memref<16384x64xf32, #tpu.memory_space<hbm>> -> memref<128x64xf32, #tpu.memory_space<hbm>>
      tpu.wait_dma2 semaphore(%run_scoped3A : memref<!tpu.dma_semaphore, #tpu.memory_space<semaphore_mem>>) src(%arg19 : memref<128x64xf32, #tpu.memory_space<vmem>>) dst(%dma_wait3A_2725 : memref<128x64xf32, #tpu.memory_space<hbm>>)
      tpu.yield
    }) : () -> ()
    return
  }
}

</mosaic_0001>

<sc_bundles>
// kernel: kernel.3.cloned.1.call-start
scs
__scs_entry_jumppad:
0x0: {  	(pc) =	sbr.rel $0x88, $3  }
0x1: {  	(tag) =	ssettag $0x0;
	lr =	simm.s32 $0x1  }
0x2: {  	[smem:$0x3F9E] =	sst lr;
	_ =	strace $0xD0000000  }
0x3: {  	_ = 	snop  }
0x4: {  	_ = 	snop  }
0x5: {  	_ = 	snop  }
0x6: {  	_ = 	snop  }
0x7: {  	_ = 	snop  }
__scs_overlays_trampoline_lowered:
0x8: {  	[smem:$0x3FAD] =	sst s0  }
0x9: {  	[smem:$0x3FAE] =	sst s1  }
0xa: {  	[smem:$0x3FAF] =	sst s2  }
0xb: {  	[smem:$0x3FB0] =	sst s3  }
0xc: {  	[smem:$0x3FB1] =	sst s4  }
0xd: {  	[smem:$0x3FB2] =	sst s5  }
0xe: {  	[smem:$0x3FB3] =	sst s6  }
0xf: {  	[smem:$0x3FB4] =	sst s7  }
0x10: {  	[smem:$0x3FB5] =	sst s8  }
0x11: {  	[smem:$0x3FB6] =	sst s9;
	s0 =	simm.s32 @!p0 $0x0  }
0x12: {  	s1 =	sld [smem:$0x3F9C];
	s0 =	simm.s32 @p0 $0x1  }
0x13: {  	[smem:$0x3FB7] =	sst s0;
	s0 =	simm.s32 @!p1 $0x0  }
0x14: {  	s2 =	sld [smem:$0x3F9B];
	s0 =	simm.s32 @p1 $0x1  }
0x15: {  	[smem:$0x3FB8] =	sst s0;
	s0 =	simm.s32 @!p2 $0x0  }
0x16: {  	s3 =	sld [smem:$0x3FDB];
	s0 =	simm.s32 @p2 $0x1  }
0x17: {  	s4 =	simm.s32 $0x1BF5;
	[smem:$0x3FBA] =	sst s0  }
0x18: {  	s0 =	sld [smem:$0x3F9D];
	_ =	swait.ge [sflag:s4], $0x0  }
0x19: {  	s7 =	sld [smem:$0x3F9E]  }
0x1a: {  	s8 =	sadd.s32 $0xFFFFE003, lr  }
0x1b: {  	s9 =	sadd.s32 $0xFFFFFEF7, lr;
	s5 =	simm.s32 $0xFFFFFFFF;
	p2 =	slt.u32 s8, $0xFFFFF086  }
0x1c: {  	p1 =	slt.u32 s9, $0xF7A;
	s5 =	simm.s32 @!p2 $0x0  }
0x1d: {  	s5 =	simm.s32 @p1 $0x1;
	p0 =	seq.s32 s7, s2  }
0x1e: {  	s7 =	smul.u32 @!p0 $0xF7A, s2;
	p2 =	seq.s32 @!p0 s5, $0x0  }
0x1f: {  	s9 =	smul.u32 $0xF7A, s1;
	s8 =	simm.s32 @!p0 $0x1BF5;
	p2 =	por !p2, p0  }
0x20: {  	[sflag:s8] =	ssyncset.s32 @!p0 $0xFFFFF086;
	s6 =	sadd.s32 @!p0 s3, s7;
	s7 =	simm.s32 @!p0 $0x108  }
0x21: {  	s3 =	sadd.s32 s3, s9;
	s6 =	sadd.s32 @!p0 $0x88, s6;
	s7 =	simm.s32 @p2 $0x1082  }
0x22: {  	[simem:s7], [sflag:s8] =	dma.local @!p0 [hbm:s6], $0xF7A  }
0x23: {  	s9 =	sor.u32 $0xD0000000, s2;
	s6 =	simm.s32 $0x108;
	_ =	swait.ge @!p0 [sflag:s8], $0x0  }
0x24: {  	s3 =	sadd.s32 $0x88, s3;
	s6 =	simm.s32 @!p1 $0x1082;
	[sflag:s4] =	ssyncset.s32 $0xFFFFF086  }
0x25: {  	[simem:s6], [sflag:s4] =	dma.local [hbm:s3], $0xF7A  }
0x26: {  	[smem:$0x3F9E] =	sst s1;
	(tag) =	ssettag s2;
	_ =	strace s9  }
0x27: {  	s1 =	sld [smem:$0x3FAE]  }
0x28: {  	s2 =	sld [smem:$0x3FAF]  }
0x29: {  	s4 =	sld [smem:$0x3FB1]  }
0x2a: {  	p0 =	seq.s32 s5, $0x0;
	s5 =	sld [smem:$0x3FB2]  }
0x2b: {  	s6 =	sld [smem:$0x3FB3]  }
0x2c: {  	s7 =	sld [smem:$0x3FB4]  }
0x2d: {  	s3 =	simm.s32 $0x108;
	s8 =	sld [smem:$0x3FB5]  }
0x2e: {  	s3 =	simm.s32 @!p0 $0x1082;
	s9 =	sld [smem:$0x3FB6]  }
0x2f: {  	lr =	sadd.s32 s0, s3;
	s0 =	sld [smem:$0x3FAD]  }
0x30: {  	s3 =	sld [smem:$0x3FB0]  }
0x31: {  	[smem:$0x3FB9] =	sst s10  }
0x32: {  	s10 =	sld [smem:$0x3FB7];
	_ =	sdelay $0x3  }
0x33: {  	p0 =	seq.s32 s10, $0x1;
	s10 =	sld [smem:$0x3FB9];
	_ =	sdelay $0x3  }
0x34: {  	[smem:$0x3FB9] =	sst s10  }
0x35: {  	s10 =	sld [smem:$0x3FB8];
	_ =	sdelay $0x3  }
0x36: {  	p1 =	seq.s32 s10, $0x1;
	s10 =	sld [smem:$0x3FB9];
	_ =	sdelay $0x3  }
0x37: {  	[smem:$0x3FB9] =	sst s10  }
0x38: {  	s10 =	sld [smem:$0x3FBA]  }
0x39: {  	_ = 	snop;
	(pc) =	sbr.ind lr, $3  }
0x3a: {  	_ = 	snop  }
0x3b: {  	_ = 	snop  }
0x3c: {  	p2 =	seq.s32 s10, $0x1;
	s10 =	sld [smem:$0x3FB9]  }
0x3d: {  	_ =	shalt  }
0x3e: {  	_ =	shalt  }
0x3f: {  	_ =	shalt  }
0x40: {  	_ =	shalt  }
0x41: {  	_ =	shalt  }
0x42: {  	_ =	shalt  }
0x43: {  	_ =	shalt  }
0x44: {  	_ =	shalt  }
0x45: {  	_ =	shalt  }
0x46: {  	_ =	shalt  }
0x47: {  	_ =	shalt  }
0x48: {  	_ =	shalt  }
0x49: {  	_ =	shalt  }
0x4a: {  	_ =	shalt  }
0x4b: {  	_ =	shalt  }
0x4c: {  	_ =	shalt  }
0x4d: {  	_ =	shalt  }
0x4e: {  	_ =	shalt  }
0x4f: {  	_ =	shalt  }
0x50: {  	_ =	shalt  }
0x51: {  	_ =	shalt  }
0x52: {  	_ =	shalt  }
0x53: {  	_ =	shalt  }
0x54: {  	_ =	shalt  }
0x55: {  	_ =	shalt  }
0x56: {  	_ =	shalt  }
0x57: {  	_ =	shalt  }
0x58: {  	_ =	shalt  }
0x59: {  	_ =	shalt  }
0x5a: {  	_ =	shalt  }
0x5b: {  	_ =	shalt  }
0x5c: {  	_ =	shalt  }
0x5d: {  	_ =	shalt  }
0x5e: {  	_ =	shalt  }
0x5f: {  	_ =	shalt  }
0x60: {  	_ =	shalt  }
0x61: {  	_ =	shalt  }
0x62: {  	_ =	shalt  }
0x63: {  	_ =	shalt  }
0x64: {  	_ =	shalt  }
0x65: {  	_ =	shalt  }
0x66: {  	_ =	shalt  }
0x67: {  	_ =	shalt  }
0x68: {  	_ =	shalt  }
0x69: {  	_ =	shalt  }
0x6a: {  	_ =	shalt  }
0x6b: {  	_ =	shalt  }
0x6c: {  	_ =	shalt  }
0x6d: {  	_ =	shalt  }
0x6e: {  	_ =	shalt  }
0x6f: {  	_ =	shalt  }
0x70: {  	_ =	shalt  }
0x71: {  	_ =	shalt  }
0x72: {  	_ =	shalt  }
0x73: {  	_ =	shalt  }
0x74: {  	_ =	shalt  }
0x75: {  	_ =	shalt  }
0x76: {  	_ =	shalt  }
0x77: {  	_ =	shalt  }
0x78: {  	_ =	shalt  }
0x79: {  	_ =	shalt  }
0x7a: {  	_ =	shalt  }
0x7b: {  	_ =	shalt  }
0x7c: {  	_ =	shalt  }
0x7d: {  	_ =	shalt  }
0x7e: {  	_ =	shalt  }
0x7f: {  	_ =	shalt  }
0x80: {  	_ =	shalt  }
0x81: {  	_ =	shalt  }
0x82: {  	_ =	shalt  }
0x83: {  	_ =	shalt  }
0x84: {  	_ =	shalt  }
0x85: {  	_ =	shalt  }
0x86: {  	_ =	shalt  }
0x87: {  	_ =	shalt  }
.Lfunc_end0:
.L_simem_size_0:
called_computation_lowered:
.L_overlay_start_0:
0x88: {  	s0 =	sld [smem:$0x3FD9]  }
0x89: {  	s1 =	sld [smem:$0x3FFE];
	_ =	sdelay $0x3  }
0x8a: {  	s0 =	sadd.s32 s1, s0  }
0x8b: {  	[smem:$0x3FC5] =	sst s0  }
0x8c: {  	_ = 	snop  }
0x8d: {  	s0 =	sld [smem:$0x3FC8]  }
0x8e: {  	s16 =	sld [smem:$0x3FD0];
	(tm) =	ssettm $0x1  }
0x8f: {  	s2 =	sld [smem:$0x3FFB];
	_ =	sdelay $0x3  }
0x90: {  	_ =	strace s2  }
0x91: {  	s2 =	sld [smem:$0x3FFC];
	_ =	sdelay $0x3  }
0x92: {  	_ =	strace s2  }
0x93: {  	s2 =	sld [smem:$0x3FFD];
	_ =	sdelay $0x3  }
0x94: {  	_ =	strace s2  }
0x95: {  	_ =	strace $0x8FFFFFFF  }
0x96: {  	s17 =	sld [smem:$0x3FDB];
	_ =	sdelay $0x1  }
0x97: {  	s3 =	simm.s32 $_scs_section_size  }
0x98: {  	s4 =	simm.s32 $_size__tile_overlayer_lowered;
	s5 =	simm.s32 $_tile_overlayer_lowered  }
0x99: {  	s20 =	simm.s32 $0x1BFF;
	s19 =	sshll.u32 s5, $0x1;
	s2 =	sadd.s32 s3, s17  }
0x9a: {  	s6 =	simm.s32 $0x0;
	s18 =	sshll.u32 s4, $0x1;
	s4 =	sadd.s32 s19, s2  }
0x9b: {  	[timem:s6], [sflag:s20] =	dma.local [hbm:s4], s18  }
0x9c: {  	_ =	swait.ge [sflag:s20], s18  }
0x9d: {  	s3 =	ssub.s32 $0x0, s18;
	[sflag:s20] =	ssyncset.done $0x0  }
0x9e: {  	[sflag:s20] =	ssyncadd.s32 s3;
	_ =	sdelay $0x1  }
0x9f: {  	s21 =	simm.s32 $0x1B8B  }
0xa0: {  	_ =	swait.ge [sflag:s21], $0x1  }
0xa1: {  	[sflag:s21] =	ssyncset.done $0x0  }
0xa2: {  	s23 =	simm.s32 $0x1B8E;
	s22 =	sld [smem:$0x3FFE];
	[sflag:s21] =	ssyncadd.s32 $0xFFFFFFFF  }
0xa3: {  	s24 =	simm.s32 $execute0_lowered;
	[smem:$0x3FD2] =	sst s23  }
0xa4: {  	s4 =	sshll.u32 s24, $0x1;
	_ =	strace $0x80000046;
	[dreg:$0x1] =	wrdreg $0xFFFFFFFF  }
0xa5: {  	s25 =	simm.s32 $_size_execute0_lowered;
	s2 =	sadd.s32 s2, s4;
	[dreg:$0x0] =	wrdreg $0x0  }
0xa6: {  	s4 =	sshll.u32 s25, $0x1;
	[dreg:$0x2] =	wrdreg s2  }
0xa7: {  	[dreg:$0x3] =	wrdreg s4  }
0xa8: {  	[dreg:$0x4] =	wrdreg $0xC0  }
0xa9: {  	_ =	task [dreg:s6], $0x5FFFF  }
0xaa: {  	[dreg:$0x1] =	wrdreg $0xFFFFFFFF  }
0xab: {  	[dreg:$0x0] =	wrdreg $0x60  }
0xac: {  	[dreg:$0x2] =	wrdreg s22  }
0xad: {  	[dreg:$0x3] =	wrdreg s0  }
0xae: {  	[dreg:$0x4] =	wrdreg s16  }
0xaf: {  	[dreg:$0x5] =	wrdreg $0xB9000  }
0xb0: {  	[dreg:$0x6] =	wrdreg $0x9  }
0xb1: {  	_ =	task.clear_ibuf [dreg:s6], $0x7FFFF;
	_ =	strace $0x90000046  }
0xb2: {  	s26 =	simm.s32 $0x9;
	_ =	strace $0x80000048  }
0xb3: {  	_ =	swait.ge [sflag:s26], $0x1  }
0xb4: {  	[sflag:s26] =	ssyncadd.s32 $0xFFFFFFFF  }
0xb5: {  	_ =	strace $0x90000048  }
0xb6: {  	_ =	sfence  }
0xb7: {  	s28 =	sld [smem:$0x0];
	_ =	sdelay $0x1  }
0xb8: {  	s29 =	srdreg.scid  }
0xb9: {  	s30 =	sshll.u32 s29, $0xD;
	s31 =	sshrl.u32 s29, $0x2  }
0xba: {  	s1 =	sand.u32 $0x1, s29;
	s2 =	sand.u32 $0x4000, s30;
	s0 =	sadd.s32 s31, s28  }
0xbb: {  	s1 =	sor.u32 s2, s1;
	s0 =	sshll.u32 s0, $0x11  }
0xbc: {  	s0 =	sor.u32 s0, s1  }
0xbd: {  	s0 =	sadd.s32 $0x8F2B, s0  }
0xbe: {  	[sflag:s0] =	ssyncadd.remote.s32 $0x1  }
0xbf: {  	_ =	sfence.sel $0xFFFF  }
0xc0: {  	[dreg:$0x0] =	wrdreg $0xFFFFFFFF;
	(pc) =	sbr.abs _section_cstart, $3  }
0xc1: {  	[dreg:$0x1] =	wrdreg $0xFFFFFFFF  }
0xc2: {  	_ =	task.clear_ibuf [dreg:s6], $0x2FFFF;
	_ =	strace $0x9FFFFFFF  }
0xc3: {  	(tm) =	ssettm $0x7FFFFFFF  }
tec
execute0_lowered:
.L_overlay_start_1:
0x0: {  	(tag) =	ssettag $0x1  }
0x1: {  	s4 =	rddreg [dreg:$0x0]  }
0x2: {  	s3 =	rddreg [dreg:$0x1]  }
0x3: {  	s7 =	rddreg [dreg:$0x2]  }
0x4: {  	s2 =	rddreg [dreg:$0x3]  }
0x5: {  	s0 =	rddreg [dreg:$0x4];
	s9 =	simm.s32 $0x0;
	s1 =	stileid.u32  }
0x6: {  	[smem:$0x7FF] =	sst s9;
	s5 =	sshll.u32 s1, $0x7  }
0x7: {  	_ =	strace $0x80000047;
	s3 =	sadd.s32 s3, s5;
	s5 =	simm.s32 $0x1  }
0x8: {  	[tilespmem:s9], [sflag:$0x1] =	stream.linear.gather [hbm4b:s3+s9], $0x400, $0x38;
	[tilespmem:$0x1B900] =	vst v63  }
0x9: {  	_ =	swait.ge [sflag:s5], $0x400  }
0xa: {  	[sflag:s5] =	ssyncset.done $0x0  }
0xb: {  	s21 =	simm.s32 $0x1900;
	s6 =	sadd.s32 $0x8A00, s4;
	[sflag:s5] =	ssyncadd.s32 $0xFFFFFC00  }
0xc: {  	[tilespmem:s21], [sflag:$0x1] =	stream.linear.gather [hbm4b:s6+s9], $0x2000, $0x38;
	[tilespmem:$0x1B900] =	vst v63  }
0xd: {  	_ =	swait.ge [sflag:s5], $0x2000  }
0xe: {  	[sflag:s5] =	ssyncset.done $0x0  }
0xf: {  	[sflag:s5] =	ssyncadd.s32 $0xFFFFE000  }
0x10: {  	v0 =	vld [tilespmem:$0x0]  }
0x11: {  	v1 =	vld [tilespmem:$0x10]  }
0x12: {  	v2 =	vld [tilespmem:$0x20]  }
0x13: {  	v3 =	vld [tilespmem:$0x30]  }
0x14: {  	v4 =	vld [tilespmem:$0x40]  }
0x15: {  	[tilespmem:$0x800] =	vst v0;
	v0 =	vld [tilespmem:$0x50]  }
0x16: {  	[tilespmem:$0x810] =	vst v1;
	v1 =	vld [tilespmem:$0x60]  }
0x17: {  	[tilespmem:$0x820] =	vst v2;
	v2 =	vld [tilespmem:$0x70]  }
0x18: {  	[tilespmem:$0x830] =	vst v3  }
0x19: {  	[tilespmem:$0x840] =	vst v4  }
0x1a: {  	[tilespmem:$0x850] =	vst v0  }
0x1b: {  	s19 =	sadd.s32 $0xA00, s4;
	s22 =	sshll.u32 s1, $0xB;
	[tilespmem:$0x860] =	vst v1  }
0x1c: {  	s17 =	simm.s32 $0x900;
	s6 =	sadd.s32 s19, s22;
	[tilespmem:$0x870] =	vst v2  }
0x1d: {  	[tilespmem:s17], [sflag:$0x1] =	stream.linear.gather [hbm4b:s6+s9], $0x800, $0x38;
	[tilespmem:$0x1B900] =	vst v63  }
0x1e: {  	_ =	swait.ge [sflag:s5], $0x800  }
0x1f: {  	s8 =	simm.s32 $0x80;
	[sflag:s5] =	ssyncset.done $0x0  }
0x20: {  	s10 =	simm.s32 $0x800;
	s18 =	sadd.s32 $0x8E00, s4;
	[sflag:s5] =	ssyncadd.s32 $0xFFFFF800  }
0x21: {  	[hbm4b:s18+s8] =	stream.indirect.scatter [tilespmem:s17], [sflag:$0x1], $0x10, s10, s8, $0xb8;
	[tilespmem:$0x1B900] =	vst v63  }
0x22: {  	_ =	swait.ge [sflag:s5], $0x800  }
0x23: {  	[sflag:s5] =	ssyncset.done $0x0  }
0x24: {  	[sflag:s5] =	ssyncadd.s32 $0xFFFFF800  }
0x25: {  	v0 =	vld [tilespmem:$0x80]  }
0x26: {  	v1 =	vld [tilespmem:$0x90]  }
0x27: {  	v2 =	vld [tilespmem:$0xA0]  }
0x28: {  	v3 =	vld [tilespmem:$0xB0]  }
0x29: {  	v4 =	vld [tilespmem:$0xC0]  }
0x2a: {  	[tilespmem:$0x800] =	vst v0;
	v0 =	vld [tilespmem:$0xD0]  }
0x2b: {  	[tilespmem:$0x810] =	vst v1;
	v1 =	vld [tilespmem:$0xE0]  }
0x2c: {  	[tilespmem:$0x820] =	vst v2;
	v2 =	vld [tilespmem:$0xF0]  }
0x2d: {  	[tilespmem:$0x830] =	vst v3  }
0x2e: {  	s16 =	sshll.u32 s1, $0xA;
	[tilespmem:$0x840] =	vst v4  }
0x2f: {  	s23 =	sor.u32 $0x80, s16;
	[tilespmem:$0x850] =	vst v0  }
0x30: {  	s11 =	sshll.u32 s23, $0x1;
	[tilespmem:$0x860] =	vst v1  }
0x31: {  	s11 =	sadd.s32 s19, s11;
	[tilespmem:$0x870] =	vst v2  }
0x32: {  	[tilespmem:s17], [sflag:$0x1] =	stream.linear.gather [hbm4b:s11+s9], $0x800, $0x38;
	[tilespmem:$0x1B900] =	vst v63  }
0x33: {  	_ =	swait.ge [sflag:s5], $0x800  }
0x34: {  	[sflag:s5] =	ssyncset.done $0x0  }
0x35: {  	[sflag:s5] =	ssyncadd.s32 $0xFFFFF800  }
0x36: {  	[hbm4b:s18+s8] =	stream.indirect.scatter [tilespmem:s17], [sflag:$0x1], $0x10, s10, s8, $0xb8;
	[tilespmem:$0x1B900] =	vst v63  }
0x37: {  	_ =	swait.ge [sflag:s5], $0x800  }
0x38: {  	[sflag:s5] =	ssyncset.done $0x0  }
0x39: {  	[sflag:s5] =	ssyncadd.s32 $0xFFFFF800  }
0x3a: {  	v0 =	vld [tilespmem:$0x100]  }
0x3b: {  	v1 =	vld [tilespmem:$0x110]  }
0x3c: {  	v2 =	vld [tilespmem:$0x120]  }
0x3d: {  	v3 =	vld [tilespmem:$0x130]  }
0x3e: {  	v4 =	vld [tilespmem:$0x140]  }
0x3f: {  	[tilespmem:$0x800] =	vst v0;
	v0 =	vld [tilespmem:$0x150]  }
0x40: {  	[tilespmem:$0x810] =	vst v1;
	v1 =	vld [tilespmem:$0x160]  }
0x41: {  	[tilespmem:$0x820] =	vst v2;
	v2 =	vld [tilespmem:$0x170]  }
0x42: {  	[tilespmem:$0x830] =	vst v3  }
0x43: {  	[tilespmem:$0x840] =	vst v4  }
0x44: {  	s24 =	sor.u32 $0x100, s16;
	[tilespmem:$0x850] =	vst v0  }
0x45: {  	s12 =	sshll.u32 s24, $0x1;
	[tilespmem:$0x860] =	vst v1  }
0x46: {  	s12 =	sadd.s32 s19, s12;
	[tilespmem:$0x870] =	vst v2  }
0x47: {  	[tilespmem:s17], [sflag:$0x1] =	stream.linear.gather [hbm4b:s12+s9], $0x800, $0x38;
	[tilespmem:$0x1B900] =	vst v63  }
0x48: {  	_ =	swait.ge [sflag:s5], $0x800  }
0x49: {  	[sflag:s5] =	ssyncset.done $0x0  }
0x4a: {  	[sflag:s5] =	ssyncadd.s32 $0xFFFFF800  }
0x4b: {  	[hbm4b:s18+s8] =	stream.indirect.scatter [tilespmem:s17], [sflag:$0x1], $0x10, s10, s8, $0xb8;
	[tilespmem:$0x1B900] =	vst v63  }
0x4c: {  	_ =	swait.ge [sflag:s5], $0x800  }
0x4d: {  	[sflag:s5] =	ssyncset.done $0x0  }
0x4e: {  	[sflag:s5] =	ssyncadd.s32 $0xFFFFF800  }
0x4f: {  	v0 =	vld [tilespmem:$0x180]  }
0x50: {  	v1 =	vld [tilespmem:$0x190]  }
0x51: {  	v2 =	vld [tilespmem:$0x1A0]  }
0x52: {  	v3 =	vld [tilespmem:$0x1B0]  }
0x53: {  	v4 =	vld [tilespmem:$0x1C0]  }
0x54: {  	[tilespmem:$0x800] =	vst v0;
	v0 =	vld [tilespmem:$0x1D0]  }
0x55: {  	[tilespmem:$0x810] =	vst v1;
	v1 =	vld [tilespmem:$0x1E0]  }
0x56: {  	[tilespmem:$0x820] =	vst v2;
	v2 =	vld [tilespmem:$0x1F0]  }
0x57: {  	[tilespmem:$0x830] =	vst v3  }
0x58: {  	[tilespmem:$0x840] =	vst v4  }
0x59: {  	s25 =	sor.u32 $0x180, s16;
	[tilespmem:$0x850] =	vst v0  }
0x5a: {  	s13 =	sshll.u32 s25, $0x1;
	[tilespmem:$0x860] =	vst v1  }
0x5b: {  	s13 =	sadd.s32 s19, s13;
	[tilespmem:$0x870] =	vst v2  }
0x5c: {  	[tilespmem:s17], [sflag:$0x1] =	stream.linear.gather [hbm4b:s13+s9], $0x800, $0x38;
	[tilespmem:$0x1B900] =	vst v63  }
0x5d: {  	_ =	swait.ge [sflag:s5], $0x800  }
0x5e: {  	[sflag:s5] =	ssyncset.done $0x0  }
0x5f: {  	[sflag:s5] =	ssyncadd.s32 $0xFFFFF800  }
0x60: {  	[hbm4b:s18+s8] =	stream.indirect.scatter [tilespmem:s17], [sflag:$0x1], $0x10, s10, s8, $0xb8;
	[tilespmem:$0x1B900] =	vst v63  }
0x61: {  	_ =	swait.ge [sflag:s5], $0x800  }
0x62: {  	[sflag:s5] =	ssyncset.done $0x0  }
0x63: {  	[sflag:s5] =	ssyncadd.s32 $0xFFFFF800  }
0x64: {  	v0 =	vld [tilespmem:$0x200]  }
0x65: {  	v1 =	vld [tilespmem:$0x210]  }
0x66: {  	v2 =	vld [tilespmem:$0x220]  }
0x67: {  	v3 =	vld [tilespmem:$0x230]  }
0x68: {  	v4 =	vld [tilespmem:$0x240]  }
0x69: {  	[tilespmem:$0x800] =	vst v0;
	v0 =	vld [tilespmem:$0x250]  }
0x6a: {  	[tilespmem:$0x810] =	vst v1;
	v1 =	vld [tilespmem:$0x260]  }
0x6b: {  	[tilespmem:$0x820] =	vst v2;
	v2 =	vld [tilespmem:$0x270]  }
0x6c: {  	[tilespmem:$0x830] =	vst v3  }
0x6d: {  	[tilespmem:$0x840] =	vst v4  }
0x6e: {  	s26 =	sor.u32 $0x200, s16;
	[tilespmem:$0x850] =	vst v0  }
0x6f: {  	s14 =	sshll.u32 s26, $0x1;
	[tilespmem:$0x860] =	vst v1  }
0x70: {  	s14 =	sadd.s32 s19, s14;
	[tilespmem:$0x870] =	vst v2  }
0x71: {  	[tilespmem:s17], [sflag:$0x1] =	stream.linear.gather [hbm4b:s14+s9], $0x800, $0x38;
	[tilespmem:$0x1B900] =	vst v63  }
0x72: {  	_ =	swait.ge [sflag:s5], $0x800  }
0x73: {  	[sflag:s5] =	ssyncset.done $0x0  }
0x74: {  	[sflag:s5] =	ssyncadd.s32 $0xFFFFF800  }
0x75: {  	[hbm4b:s18+s8] =	stream.indirect.scatter [tilespmem:s17], [sflag:$0x1], $0x10, s10, s8, $0xb8;
	[tilespmem:$0x1B900] =	vst v63  }
0x76: {  	_ =	swait.ge [sflag:s5], $0x800  }
0x77: {  	[sflag:s5] =	ssyncset.done $0x0  }
0x78: {  	[sflag:s5] =	ssyncadd.s32 $0xFFFFF800  }
0x79: {  	v0 =	vld [tilespmem:$0x280]  }
0x7a: {  	v1 =	vld [tilespmem:$0x290]  }
0x7b: {  	v2 =	vld [tilespmem:$0x2A0]  }
0x7c: {  	v3 =	vld [tilespmem:$0x2B0]  }
0x7d: {  	v4 =	vld [tilespmem:$0x2C0]  }
0x7e: {  	[tilespmem:$0x800] =	vst v0;
	v0 =	vld [tilespmem:$0x2D0]  }
0x7f: {  	[tilespmem:$0x810] =	vst v1;
	v1 =	vld [tilespmem:$0x2E0]  }
0x80: {  	[tilespmem:$0x820] =	vst v2;
	v2 =	vld [tilespmem:$0x2F0]  }
0x81: {  	[tilespmem:$0x830] =	vst v3  }
0x82: {  	[tilespmem:$0x840] =	vst v4  }
0x83: {  	s28 =	sor.u32 $0x280, s16;
	[tilespmem:$0x850] =	vst v0  }
0x84: {  	s15 =	sshll.u32 s28, $0x1;
	[tilespmem:$0x860] =	vst v1  }
0x85: {  	s15 =	sadd.s32 s19, s15;
	[tilespmem:$0x870] =	vst v2  }
0x86: {  	[tilespmem:s17], [sflag:$0x1] =	stream.linear.gather [hbm4b:s15+s9], $0x800, $0x38;
	[tilespmem:$0x1B900] =	vst v63  }
0x87: {  	_ =	swait.ge [sflag:s5], $0x800  }
0x88: {  	[sflag:s5] =	ssyncset.done $0x0  }
0x89: {  	[sflag:s5] =	ssyncadd.s32 $0xFFFFF800  }
0x8a: {  	[hbm4b:s18+s8] =	stream.indirect.scatter [tilespmem:s17], [sflag:$0x1], $0x10, s10, s8, $0xb8;
	[tilespmem:$0x1B900] =	vst v63  }
0x8b: {  	_ =	swait.ge [sflag:s5], $0x800  }
0x8c: {  	[sflag:s5] =	ssyncset.done $0x0  }
0x8d: {  	[sflag:s5] =	ssyncadd.s32 $0xFFFFF800  }
0x8e: {  	v0 =	vld [tilespmem:$0x300]  }
0x8f: {  	v1 =	vld [tilespmem:$0x310]  }
0x90: {  	v2 =	vld [tilespmem:$0x320]  }
0x91: {  	v3 =	vld [tilespmem:$0x330]  }
0x92: {  	v4 =	vld [tilespmem:$0x340]  }
0x93: {  	[tilespmem:$0x800] =	vst v0;
	v0 =	vld [tilespmem:$0x350]  }
0x94: {  	[tilespmem:$0x810] =	vst v1;
	v1 =	vld [tilespmem:$0x360]  }
0x95: {  	[tilespmem:$0x820] =	vst v2;
	v2 =	vld [tilespmem:$0x370]  }
0x96: {  	[tilespmem:$0x830] =	vst v3  }
0x97: {  	[tilespmem:$0x840] =	vst v4  }
0x98: {  	s29 =	sor.u32 $0x300, s16;
	[tilespmem:$0x850] =	vst v0  }
0x99: {  	s20 =	sshll.u32 s29, $0x1;
	[tilespmem:$0x860] =	vst v1  }
0x9a: {  	s20 =	sadd.s32 s19, s20;
	[tilespmem:$0x870] =	vst v2  }
0x9b: {  	[tilespmem:s17], [sflag:$0x1] =	stream.linear.gather [hbm4b:s20+s9], $0x800, $0x38;
	[tilespmem:$0x1B900] =	vst v63  }
0x9c: {  	_ =	swait.ge [sflag:s5], $0x800  }
0x9d: {  	[sflag:s5] =	ssyncset.done $0x0  }
0x9e: {  	[sflag:s5] =	ssyncadd.s32 $0xFFFFF800  }
0x9f: {  	[hbm4b:s18+s8] =	stream.indirect.scatter [tilespmem:s17], [sflag:$0x1], $0x10, s10, s8, $0xb8;
	[tilespmem:$0x1B900] =	vst v63  }
0xa0: {  	_ =	swait.ge [sflag:s5], $0x800  }
0xa1: {  	[sflag:s5] =	ssyncset.done $0x0  }
0xa2: {  	[sflag:s5] =	ssyncadd.s32 $0xFFFFF800  }
0xa3: {  	v0 =	vld [tilespmem:$0x380]  }
0xa4: {  	v1 =	vld [tilespmem:$0x390]  }
0xa5: {  	v2 =	vld [tilespmem:$0x3A0]  }
0xa6: {  	v3 =	vld [tilespmem:$0x3B0]  }
0xa7: {  	v4 =	vld [tilespmem:$0x3C0]  }
0xa8: {  	[tilespmem:$0x800] =	vst v0;
	v0 =	vld [tilespmem:$0x3D0]  }
0xa9: {  	[tilespmem:$0x810] =	vst v1;
	v1 =	vld [tilespmem:$0x3E0]  }
0xaa: {  	[tilespmem:$0x820] =	vst v2;
	v2 =	vld [tilespmem:$0x3F0]  }
0xab: {  	[tilespmem:$0x830] =	vst v3  }
0xac: {  	[tilespmem:$0x840] =	vst v4  }
0xad: {  	s16 =	sor.u32 $0x380, s16;
	[tilespmem:$0x850] =	vst v0  }
0xae: {  	s30 =	sshll.u32 s16, $0x1;
	[tilespmem:$0x860] =	vst v1  }
0xaf: {  	s19 =	sadd.s32 s19, s30;
	[tilespmem:$0x870] =	vst v2  }
0xb0: {  	[tilespmem:s17], [sflag:$0x1] =	stream.linear.gather [hbm4b:s19+s9], $0x800, $0x38;
	[tilespmem:$0x1B900] =	vst v63  }
0xb1: {  	_ =	swait.ge [sflag:s5], $0x800  }
0xb2: {  	[sflag:s5] =	ssyncset.done $0x0  }
0xb3: {  	[sflag:s5] =	ssyncadd.s32 $0xFFFFF800  }
0xb4: {  	[hbm4b:s18+s8] =	stream.indirect.scatter [tilespmem:s17], [sflag:$0x1], $0x10, s10, s8, $0xb8;
	[tilespmem:$0x1B900] =	vst v63  }
0xb5: {  	_ =	swait.ge [sflag:s5], $0x800  }
0xb6: {  	[sflag:s5] =	ssyncset.done $0x0  }
0xb7: {  	[sflag:s5] =	ssyncadd.s32 $0xFFFFF800  }
0xb8: {  	[bflag:$0x0] =	sbarrier.arrive $0xFFFF  }
0xb9: {  	v0 =	vld [tilespmem:$0x0]  }
0xba: {  	v1 =	vld [tilespmem:$0x10]  }
0xbb: {  	v2 =	vld [tilespmem:$0x20]  }
0xbc: {  	v3 =	vld [tilespmem:$0x30]  }
0xbd: {  	v4 =	vld [tilespmem:$0x40]  }
0xbe: {  	[tilespmem:$0x800] =	vst v0;
	v0 =	vld [tilespmem:$0x50]  }
0xbf: {  	[tilespmem:$0x810] =	vst v1;
	v1 =	vld [tilespmem:$0x60]  }
0xc0: {  	[tilespmem:$0x820] =	vst v2;
	v2 =	vld [tilespmem:$0x70]  }
0xc1: {  	[tilespmem:$0x830] =	vst v3  }
0xc2: {  	[tilespmem:$0x840] =	vst v4  }
0xc3: {  	[tilespmem:$0x850] =	vst v0;
	v0 =	vlaneseq.u32  }
0xc4: {  	[tilespmem:$0x860] =	vst v1;
	v0 =	vmul.u32 $0x10, v0  }
0xc5: {  	s31 =	simm.s32 $0x1100;
	[tilespmem:$0x870] =	vst v2  }
0xc6: {  	[tilespmem:s31], [sflag:$0x1] =	stream.indirect.gather [hbm4b:s18+s8], $0x10, s10, s8, $0xb8;
	[tilespmem:$0x1B900] =	vst v63  }
0xc7: {  	_ =	swait.ge [sflag:s5], $0x800  }
0xc8: {  	[sflag:s5] =	ssyncset.done $0x0  }
0xc9: {  	[sflag:s5] =	ssyncadd.s32 $0xFFFFF800  }
0xca: {  	v2 =	vld.idx.msk [tilespmem:v0+s31+$0x0], $0xffff;
	_ =	sdelay $0x1  }
0xcb: {  	v1 =	vor.u32 $0x100, v0;
	_ =	sdelay $0x2  }
0xcc: {  	[tilespmem:$0x400] =	vst v2  }
0xcd: {  	[tilespmem:$0x880] =	vst v2  }
0xce: {  	v3 =	vld.idx.msk [tilespmem:v1+s31+$0x0], $0xffff;
	_ =	sdelay $0x1  }
0xcf: {  	v2 =	vor.u32 $0x200, v0;
	_ =	sdelay $0x2  }
0xd0: {  	[tilespmem:$0x410] =	vst v3  }
0xd1: {  	[tilespmem:$0x890] =	vst v3  }
0xd2: {  	v4 =	vld.idx.msk [tilespmem:v2+s31+$0x0], $0xffff;
	_ =	sdelay $0x1  }
0xd3: {  	v3 =	vor.u32 $0x300, v0;
	_ =	sdelay $0x2  }
0xd4: {  	[tilespmem:$0x420] =	vst v4  }
0xd5: {  	[tilespmem:$0x8A0] =	vst v4  }
0xd6: {  	v5 =	vld.idx.msk [tilespmem:v3+s31+$0x0], $0xffff;
	_ =	sdelay $0x1  }
0xd7: {  	v4 =	vor.u32 $0x400, v0;
	_ =	sdelay $0x2  }
0xd8: {  	[tilespmem:$0x430] =	vst v5  }
0xd9: {  	[tilespmem:$0x8B0] =	vst v5  }
0xda: {  	v6 =	vld.idx.msk [tilespmem:v4+s31+$0x0], $0xffff;
	_ =	sdelay $0x1  }
0xdb: {  	v5 =	vor.u32 $0x500, v0;
	_ =	sdelay $0x2  }
0xdc: {  	[tilespmem:$0x440] =	vst v6  }
0xdd: {  	[tilespmem:$0x8C0] =	vst v6  }
0xde: {  	v7 =	vld.idx.msk [tilespmem:v5+s31+$0x0], $0xffff;
	_ =	sdelay $0x1  }
0xdf: {  	v6 =	vor.u32 $0x600, v0;
	_ =	sdelay $0x2  }
0xe0: {  	[tilespmem:$0x450] =	vst v7  }
0xe1: {  	[tilespmem:$0x8D0] =	vst v7  }
0xe2: {  	v8 =	vld.idx.msk [tilespmem:v6+s31+$0x0], $0xffff;
	_ =	sdelay $0x1  }
0xe3: {  	v7 =	vor.u32 $0x700, v0;
	_ =	sdelay $0x2  }
0xe4: {  	[tilespmem:$0x460] =	vst v8  }
0xe5: {  	[tilespmem:$0x8E0] =	vst v8  }
0xe6: {  	v8 =	vld.idx.msk [tilespmem:v7+s31+$0x0], $0xffff;
	_ =	sdelay $0x4  }
0xe7: {  	[tilespmem:$0x470] =	vst v8  }
0xe8: {  	s17 =	simm.s32 $0x880;
	[tilespmem:$0x8F0] =	vst v8  }
0xe9: {  	[spmem:s2] =	stream.indirect.scatter [tilespmem:s21], [sflag:$0x1], $0x40, s17, s8, $0xb8;
	[tilespmem:$0x1B900] =	vst v63  }
0xea: {  	_ =	swait.ge [sflag:s5], $0x2000  }
0xeb: {  	[sflag:s5] =	ssyncset.done $0x0  }
0xec: {  	[sflag:s5] =	ssyncadd.s32 $0xFFFFE000  }
0xed: {  	v54 =	vld [tilespmem:$0x80]  }
0xee: {  	v9 =	vld [tilespmem:$0x90]  }
0xef: {  	v10 =	vld [tilespmem:$0xA0]  }
0xf0: {  	v11 =	vld [tilespmem:$0xB0]  }
0xf1: {  	v12 =	vld [tilespmem:$0xC0]  }
0xf2: {  	v55 =	vld [tilespmem:$0xD0];
	[tilespmem:$0x800] =	vst v54  }
0xf3: {  	v56 =	vld [tilespmem:$0xE0];
	[tilespmem:$0x810] =	vst v9  }
0xf4: {  	v57 =	vld [tilespmem:$0xF0];
	[tilespmem:$0x820] =	vst v10  }
0xf5: {  	[tilespmem:$0x830] =	vst v11  }
0xf6: {  	[tilespmem:$0x840] =	vst v12  }
0xf7: {  	[tilespmem:$0x850] =	vst v55  }
0xf8: {  	[tilespmem:$0x860] =	vst v56  }
0xf9: {  	[tilespmem:$0x870] =	vst v57  }
0xfa: {  	[tilespmem:s31], [sflag:$0x1] =	stream.indirect.gather [hbm4b:s18+s8], $0x10, s10, s8, $0xb8;
	[tilespmem:$0x1B900] =	vst v63  }
0xfb: {  	_ =	swait.ge [sflag:s5], $0x800  }
0xfc: {  	[sflag:s5] =	ssyncset.done $0x0  }
0xfd: {  	[sflag:s5] =	ssyncadd.s32 $0xFFFFF800  }
0xfe: {  	v58 =	vld.idx.msk [tilespmem:v0+s31+$0x0], $0xffff;
	_ =	sdelay $0x4  }
0xff: {  	[tilespmem:$0x480] =	vst v58  }
0x100: {  	[tilespmem:$0x880] =	vst v58  }
0x101: {  	v8 =	vld.idx.msk [tilespmem:v1+s31+$0x0], $0xffff;
	_ =	sdelay $0x4  }
0x102: {  	[tilespmem:$0x490] =	vst v8  }
0x103: {  	[tilespmem:$0x890] =	vst v8  }
0x104: {  	v8 =	vld.idx.msk [tilespmem:v2+s31+$0x0], $0xffff;
	_ =	sdelay $0x4  }
0x105: {  	[tilespmem:$0x4A0] =	vst v8  }
0x106: {  	[tilespmem:$0x8A0] =	vst v8  }
0x107: {  	v8 =	vld.idx.msk [tilespmem:v3+s31+$0x0], $0xffff;
	_ =	sdelay $0x4  }
0x108: {  	[tilespmem:$0x4B0] =	vst v8  }
0x109: {  	[tilespmem:$0x8B0] =	vst v8  }
0x10a: {  	v8 =	vld.idx.msk [tilespmem:v4+s31+$0x0], $0xffff;
	_ =	sdelay $0x4  }
0x10b: {  	[tilespmem:$0x4C0] =	vst v8  }
0x10c: {  	[tilespmem:$0x8C0] =	vst v8  }
0x10d: {  	v8 =	vld.idx.msk [tilespmem:v5+s31+$0x0], $0xffff;
	_ =	sdelay $0x4  }
0x10e: {  	[tilespmem:$0x4D0] =	vst v8  }
0x10f: {  	[tilespmem:$0x8D0] =	vst v8  }
0x110: {  	v8 =	vld.idx.msk [tilespmem:v6+s31+$0x0], $0xffff;
	_ =	sdelay $0x4  }
0x111: {  	[tilespmem:$0x4E0] =	vst v8  }
0x112: {  	[tilespmem:$0x8E0] =	vst v8  }
0x113: {  	v8 =	vld.idx.msk [tilespmem:v7+s31+$0x0], $0xffff;
	_ =	sdelay $0x4  }
0x114: {  	[tilespmem:$0x4F0] =	vst v8  }
0x115: {  	[tilespmem:$0x8F0] =	vst v8  }
0x116: {  	[spmem:s2] =	stream.indirect.scatter [tilespmem:s21], [sflag:$0x1], $0x40, s17, s8, $0xb8;
	[tilespmem:$0x1B900] =	vst v63  }
0x117: {  	_ =	swait.ge [sflag:s5], $0x2000  }
0x118: {  	[sflag:s5] =	ssyncset.done $0x0  }
0x119: {  	[sflag:s5] =	ssyncadd.s32 $0xFFFFE000  }
0x11a: {  	v59 =	vld [tilespmem:$0x100]  }
0x11b: {  	v60 =	vld [tilespmem:$0x110]  }
0x11c: {  	v61 =	vld [tilespmem:$0x120]  }
0x11d: {  	v62 =	vld [tilespmem:$0x130]  }
0x11e: {  	v63 =	vld [tilespmem:$0x140]  }
0x11f: {  	v16 =	vld [tilespmem:$0x150];
	[tilespmem:$0x800] =	vst v59  }
0x120: {  	v17 =	vld [tilespmem:$0x160];
	[tilespmem:$0x810] =	vst v60  }
0x121: {  	v18 =	vld [tilespmem:$0x170];
	[tilespmem:$0x820] =	vst v61  }
0x122: {  	[tilespmem:$0x830] =	vst v62  }
0x123: {  	[tilespmem:$0x840] =	vst v63  }
0x124: {  	[tilespmem:$0x850] =	vst v16  }
0x125: {  	[tilespmem:$0x860] =	vst v17  }
0x126: {  	[tilespmem:$0x870] =	vst v18  }
0x127: {  	[tilespmem:s31], [sflag:$0x1] =	stream.indirect.gather [hbm4b:s18+s8], $0x10, s10, s8, $0xb8;
	[tilespmem:$0x1B900] =	vst v63  }
0x128: {  	_ =	swait.ge [sflag:s5], $0x800  }
0x129: {  	[sflag:s5] =	ssyncset.done $0x0  }
0x12a: {  	[sflag:s5] =	ssyncadd.s32 $0xFFFFF800  }
0x12b: {  	v19 =	vld.idx.msk [tilespmem:v0+s31+$0x0], $0xffff;
	_ =	sdelay $0x4  }
0x12c: {  	[tilespmem:$0x500] =	vst v19  }
0x12d: {  	[tilespmem:$0x880] =	vst v19  }
0x12e: {  	v8 =	vld.idx.msk [tilespmem:v1+s31+$0x0], $0xffff;
	_ =	sdelay $0x4  }
0x12f: {  	[tilespmem:$0x510] =	vst v8  }
0x130: {  	[tilespmem:$0x890] =	vst v8  }
0x131: {  	v8 =	vld.idx.msk [tilespmem:v2+s31+$0x0], $0xffff;
	_ =	sdelay $0x4  }
0x132: {  	[tilespmem:$0x520] =	vst v8  }
0x133: {  	[tilespmem:$0x8A0] =	vst v8  }
0x134: {  	v8 =	vld.idx.msk [tilespmem:v3+s31+$0x0], $0xffff;
	_ =	sdelay $0x4  }
0x135: {  	[tilespmem:$0x530] =	vst v8  }
0x136: {  	[tilespmem:$0x8B0] =	vst v8  }
0x137: {  	v8 =	vld.idx.msk [tilespmem:v4+s31+$0x0], $0xffff;
	_ =	sdelay $0x4  }
0x138: {  	[tilespmem:$0x540] =	vst v8  }
0x139: {  	[tilespmem:$0x8C0] =	vst v8  }
0x13a: {  	v8 =	vld.idx.msk [tilespmem:v5+s31+$0x0], $0xffff;
	_ =	sdelay $0x4  }
0x13b: {  	[tilespmem:$0x550] =	vst v8  }
0x13c: {  	[tilespmem:$0x8D0] =	vst v8  }
0x13d: {  	v8 =	vld.idx.msk [tilespmem:v6+s31+$0x0], $0xffff;
	_ =	sdelay $0x4  }
0x13e: {  	[tilespmem:$0x560] =	vst v8  }
0x13f: {  	[tilespmem:$0x8E0] =	vst v8  }
0x140: {  	v8 =	vld.idx.msk [tilespmem:v7+s31+$0x0], $0xffff;
	_ =	sdelay $0x4  }
0x141: {  	[tilespmem:$0x570] =	vst v8  }
0x142: {  	[tilespmem:$0x8F0] =	vst v8  }
0x143: {  	[spmem:s2] =	stream.indirect.scatter [tilespmem:s21], [sflag:$0x1], $0x40, s17, s8, $0xb8;
	[tilespmem:$0x1B900] =	vst v63  }
0x144: {  	_ =	swait.ge [sflag:s5], $0x2000  }
0x145: {  	[sflag:s5] =	ssyncset.done $0x0  }
0x146: {  	[sflag:s5] =	ssyncadd.s32 $0xFFFFE000  }
0x147: {  	v20 =	vld [tilespmem:$0x180]  }
0x148: {  	v21 =	vld [tilespmem:$0x190]  }
0x149: {  	v22 =	vld [tilespmem:$0x1A0]  }
0x14a: {  	v23 =	vld [tilespmem:$0x1B0]  }
0x14b: {  	v24 =	vld [tilespmem:$0x1C0]  }
0x14c: {  	v25 =	vld [tilespmem:$0x1D0];
	[tilespmem:$0x800] =	vst v20  }
0x14d: {  	v26 =	vld [tilespmem:$0x1E0];
	[tilespmem:$0x810] =	vst v21  }
0x14e: {  	v27 =	vld [tilespmem:$0x1F0];
	[tilespmem:$0x820] =	vst v22  }
0x14f: {  	[tilespmem:$0x830] =	vst v23  }
0x150: {  	[tilespmem:$0x840] =	vst v24  }
0x151: {  	[tilespmem:$0x850] =	vst v25  }
0x152: {  	[tilespmem:$0x860] =	vst v26  }
0x153: {  	[tilespmem:$0x870] =	vst v27  }
0x154: {  	[tilespmem:s31], [sflag:$0x1] =	stream.indirect.gather [hbm4b:s18+s8], $0x10, s10, s8, $0xb8;
	[tilespmem:$0x1B900] =	vst v63  }
0x155: {  	_ =	swait.ge [sflag:s5], $0x800  }
0x156: {  	[sflag:s5] =	ssyncset.done $0x0  }
0x157: {  	[sflag:s5] =	ssyncadd.s32 $0xFFFFF800  }
0x158: {  	v28 =	vld.idx.msk [tilespmem:v0+s31+$0x0], $0xffff;
	_ =	sdelay $0x4  }
0x159: {  	[tilespmem:$0x580] =	vst v28  }
0x15a: {  	[tilespmem:$0x880] =	vst v28  }
0x15b: {  	v8 =	vld.idx.msk [tilespmem:v1+s31+$0x0], $0xffff;
	_ =	sdelay $0x4  }
0x15c: {  	[tilespmem:$0x590] =	vst v8  }
0x15d: {  	[tilespmem:$0x890] =	vst v8  }
0x15e: {  	v8 =	vld.idx.msk [tilespmem:v2+s31+$0x0], $0xffff;
	_ =	sdelay $0x4  }
0x15f: {  	[tilespmem:$0x5A0] =	vst v8  }
0x160: {  	[tilespmem:$0x8A0] =	vst v8  }
0x161: {  	v8 =	vld.idx.msk [tilespmem:v3+s31+$0x0], $0xffff;
	_ =	sdelay $0x4  }
0x162: {  	[tilespmem:$0x5B0] =	vst v8  }
0x163: {  	[tilespmem:$0x8B0] =	vst v8  }
0x164: {  	v8 =	vld.idx.msk [tilespmem:v4+s31+$0x0], $0xffff;
	_ =	sdelay $0x4  }
0x165: {  	[tilespmem:$0x5C0] =	vst v8  }
0x166: {  	[tilespmem:$0x8C0] =	vst v8  }
0x167: {  	v8 =	vld.idx.msk [tilespmem:v5+s31+$0x0], $0xffff;
	_ =	sdelay $0x4  }
0x168: {  	[tilespmem:$0x5D0] =	vst v8  }
0x169: {  	[tilespmem:$0x8D0] =	vst v8  }
0x16a: {  	v8 =	vld.idx.msk [tilespmem:v6+s31+$0x0], $0xffff;
	_ =	sdelay $0x4  }
0x16b: {  	[tilespmem:$0x5E0] =	vst v8  }
0x16c: {  	[tilespmem:$0x8E0] =	vst v8  }
0x16d: {  	v8 =	vld.idx.msk [tilespmem:v7+s31+$0x0], $0xffff;
	_ =	sdelay $0x4  }
0x16e: {  	[tilespmem:$0x5F0] =	vst v8  }
0x16f: {  	[tilespmem:$0x8F0] =	vst v8  }
0x170: {  	[spmem:s2] =	stream.indirect.scatter [tilespmem:s21], [sflag:$0x1], $0x40, s17, s8, $0xb8;
	[tilespmem:$0x1B900] =	vst v63  }
0x171: {  	_ =	swait.ge [sflag:s5], $0x2000  }
0x172: {  	[sflag:s5] =	ssyncset.done $0x0  }
0x173: {  	[sflag:s5] =	ssyncadd.s32 $0xFFFFE000  }
0x174: {  	v29 =	vld [tilespmem:$0x200]  }
0x175: {  	v30 =	vld [tilespmem:$0x210]  }
0x176: {  	v31 =	vld [tilespmem:$0x220]  }
0x177: {  	v32 =	vld [tilespmem:$0x230]  }
0x178: {  	v33 =	vld [tilespmem:$0x240]  }
0x179: {  	v34 =	vld [tilespmem:$0x250];
	[tilespmem:$0x800] =	vst v29  }
0x17a: {  	v35 =	vld [tilespmem:$0x260];
	[tilespmem:$0x810] =	vst v30  }
0x17b: {  	v36 =	vld [tilespmem:$0x270];
	[tilespmem:$0x820] =	vst v31  }
0x17c: {  	[tilespmem:$0x830] =	vst v32  }
0x17d: {  	[tilespmem:$0x840] =	vst v33  }
0x17e: {  	[tilespmem:$0x850] =	vst v34  }
0x17f: {  	[tilespmem:$0x860] =	vst v35  }
0x180: {  	[tilespmem:$0x870] =	vst v36  }
0x181: {  	[tilespmem:s31], [sflag:$0x1] =	stream.indirect.gather [hbm4b:s18+s8], $0x10, s10, s8, $0xb8;
	[tilespmem:$0x1B900] =	vst v63  }
0x182: {  	_ =	swait.ge [sflag:s5], $0x800  }
0x183: {  	[sflag:s5] =	ssyncset.done $0x0  }
0x184: {  	[sflag:s5] =	ssyncadd.s32 $0xFFFFF800  }
0x185: {  	v37 =	vld.idx.msk [tilespmem:v0+s31+$0x0], $0xffff;
	_ =	sdelay $0x4  }
0x186: {  	[tilespmem:$0x600] =	vst v37  }
0x187: {  	[tilespmem:$0x880] =	vst v37  }
0x188: {  	v8 =	vld.idx.msk [tilespmem:v1+s31+$0x0], $0xffff;
	_ =	sdelay $0x4  }
0x189: {  	[tilespmem:$0x610] =	vst v8  }
0x18a: {  	[tilespmem:$0x890] =	vst v8  }
0x18b: {  	v8 =	vld.idx.msk [tilespmem:v2+s31+$0x0], $0xffff;
	_ =	sdelay $0x4  }
0x18c: {  	[tilespmem:$0x620] =	vst v8  }
0x18d: {  	[tilespmem:$0x8A0] =	vst v8  }
0x18e: {  	v8 =	vld.idx.msk [tilespmem:v3+s31+$0x0], $0xffff;
	_ =	sdelay $0x4  }
0x18f: {  	[tilespmem:$0x630] =	vst v8  }
0x190: {  	[tilespmem:$0x8B0] =	vst v8  }
0x191: {  	v8 =	vld.idx.msk [tilespmem:v4+s31+$0x0], $0xffff;
	_ =	sdelay $0x4  }
0x192: {  	[tilespmem:$0x640] =	vst v8  }
0x193: {  	[tilespmem:$0x8C0] =	vst v8  }
0x194: {  	v8 =	vld.idx.msk [tilespmem:v5+s31+$0x0], $0xffff;
	_ =	sdelay $0x4  }
0x195: {  	[tilespmem:$0x650] =	vst v8  }
0x196: {  	[tilespmem:$0x8D0] =	vst v8  }
0x197: {  	v8 =	vld.idx.msk [tilespmem:v6+s31+$0x0], $0xffff;
	_ =	sdelay $0x4  }
0x198: {  	[tilespmem:$0x660] =	vst v8  }
0x199: {  	[tilespmem:$0x8E0] =	vst v8  }
0x19a: {  	v8 =	vld.idx.msk [tilespmem:v7+s31+$0x0], $0xffff;
	_ =	sdelay $0x4  }
0x19b: {  	[tilespmem:$0x670] =	vst v8  }
0x19c: {  	[tilespmem:$0x8F0] =	vst v8  }
0x19d: {  	[spmem:s2] =	stream.indirect.scatter [tilespmem:s21], [sflag:$0x1], $0x40, s17, s8, $0xb8;
	[tilespmem:$0x1B900] =	vst v63  }
0x19e: {  	_ =	swait.ge [sflag:s5], $0x2000  }
0x19f: {  	[sflag:s5] =	ssyncset.done $0x0  }
0x1a0: {  	[sflag:s5] =	ssyncadd.s32 $0xFFFFE000  }
0x1a1: {  	v38 =	vld [tilespmem:$0x280]  }
0x1a2: {  	v39 =	vld [tilespmem:$0x290]  }
0x1a3: {  	v40 =	vld [tilespmem:$0x2A0]  }
0x1a4: {  	v41 =	vld [tilespmem:$0x2B0]  }
0x1a5: {  	v42 =	vld [tilespmem:$0x2C0]  }
0x1a6: {  	v43 =	vld [tilespmem:$0x2D0];
	[tilespmem:$0x800] =	vst v38  }
0x1a7: {  	v44 =	vld [tilespmem:$0x2E0];
	[tilespmem:$0x810] =	vst v39  }
0x1a8: {  	v45 =	vld [tilespmem:$0x2F0];
	[tilespmem:$0x820] =	vst v40  }
0x1a9: {  	[tilespmem:$0x830] =	vst v41  }
0x1aa: {  	[tilespmem:$0x840] =	vst v42  }
0x1ab: {  	[tilespmem:$0x850] =	vst v43  }
0x1ac: {  	[tilespmem:$0x860] =	vst v44  }
0x1ad: {  	[tilespmem:$0x870] =	vst v45  }
0x1ae: {  	[tilespmem:s31], [sflag:$0x1] =	stream.indirect.gather [hbm4b:s18+s8], $0x10, s10, s8, $0xb8;
	[tilespmem:$0x1B900] =	vst v63  }
0x1af: {  	_ =	swait.ge [sflag:s5], $0x800  }
0x1b0: {  	[sflag:s5] =	ssyncset.done $0x0  }
0x1b1: {  	[sflag:s5] =	ssyncadd.s32 $0xFFFFF800  }
0x1b2: {  	v46 =	vld.idx.msk [tilespmem:v0+s31+$0x0], $0xffff;
	_ =	sdelay $0x4  }
0x1b3: {  	[tilespmem:$0x680] =	vst v46  }
0x1b4: {  	[tilespmem:$0x880] =	vst v46  }
0x1b5: {  	v8 =	vld.idx.msk [tilespmem:v1+s31+$0x0], $0xffff;
	_ =	sdelay $0x4  }
0x1b6: {  	[tilespmem:$0x690] =	vst v8  }
0x1b7: {  	[tilespmem:$0x890] =	vst v8  }
0x1b8: {  	v8 =	vld.idx.msk [tilespmem:v2+s31+$0x0], $0xffff;
	_ =	sdelay $0x4  }
0x1b9: {  	[tilespmem:$0x6A0] =	vst v8  }
0x1ba: {  	[tilespmem:$0x8A0] =	vst v8  }
0x1bb: {  	v8 =	vld.idx.msk [tilespmem:v3+s31+$0x0], $0xffff;
	_ =	sdelay $0x4  }
0x1bc: {  	[tilespmem:$0x6B0] =	vst v8  }
0x1bd: {  	[tilespmem:$0x8B0] =	vst v8  }
0x1be: {  	v8 =	vld.idx.msk [tilespmem:v4+s31+$0x0], $0xffff;
	_ =	sdelay $0x4  }
0x1bf: {  	[tilespmem:$0x6C0] =	vst v8  }
0x1c0: {  	[tilespmem:$0x8C0] =	vst v8  }
0x1c1: {  	v8 =	vld.idx.msk [tilespmem:v5+s31+$0x0], $0xffff;
	_ =	sdelay $0x4  }
0x1c2: {  	[tilespmem:$0x6D0] =	vst v8  }
0x1c3: {  	[tilespmem:$0x8D0] =	vst v8  }
0x1c4: {  	v8 =	vld.idx.msk [tilespmem:v6+s31+$0x0], $0xffff;
	_ =	sdelay $0x4  }
0x1c5: {  	[tilespmem:$0x6E0] =	vst v8  }
0x1c6: {  	[tilespmem:$0x8E0] =	vst v8  }
0x1c7: {  	v8 =	vld.idx.msk [tilespmem:v7+s31+$0x0], $0xffff;
	_ =	sdelay $0x4  }
0x1c8: {  	[tilespmem:$0x6F0] =	vst v8  }
0x1c9: {  	[tilespmem:$0x8F0] =	vst v8  }
0x1ca: {  	[spmem:s2] =	stream.indirect.scatter [tilespmem:s21], [sflag:$0x1], $0x40, s17, s8, $0xb8;
	[tilespmem:$0x1B900] =	vst v63  }
0x1cb: {  	_ =	swait.ge [sflag:s5], $0x2000  }
0x1cc: {  	[sflag:s5] =	ssyncset.done $0x0  }
0x1cd: {  	[sflag:s5] =	ssyncadd.s32 $0xFFFFE000  }
0x1ce: {  	v47 =	vld [tilespmem:$0x300]  }
0x1cf: {  	v48 =	vld [tilespmem:$0x310]  }
0x1d0: {  	v49 =	vld [tilespmem:$0x320]  }
0x1d1: {  	v50 =	vld [tilespmem:$0x330]  }
0x1d2: {  	v51 =	vld [tilespmem:$0x340]  }
0x1d3: {  	v52 =	vld [tilespmem:$0x350];
	[tilespmem:$0x800] =	vst v47  }
0x1d4: {  	v53 =	vld [tilespmem:$0x360];
	[tilespmem:$0x810] =	vst v48  }
0x1d5: {  	v54 =	vld [tilespmem:$0x370];
	[tilespmem:$0x820] =	vst v49  }
0x1d6: {  	[tilespmem:$0x830] =	vst v50  }
0x1d7: {  	[tilespmem:$0x840] =	vst v51  }
0x1d8: {  	[tilespmem:$0x850] =	vst v52  }
0x1d9: {  	[tilespmem:$0x860] =	vst v53  }
0x1da: {  	[tilespmem:$0x870] =	vst v54  }
0x1db: {  	[tilespmem:s31], [sflag:$0x1] =	stream.indirect.gather [hbm4b:s18+s8], $0x10, s10, s8, $0xb8;
	[tilespmem:$0x1B900] =	vst v63  }
0x1dc: {  	_ =	swait.ge [sflag:s5], $0x800  }
0x1dd: {  	[sflag:s5] =	ssyncset.done $0x0  }
0x1de: {  	[sflag:s5] =	ssyncadd.s32 $0xFFFFF800  }
0x1df: {  	v55 =	vld.idx.msk [tilespmem:v0+s31+$0x0], $0xffff;
	_ =	sdelay $0x4  }
0x1e0: {  	[tilespmem:$0x700] =	vst v55  }
0x1e1: {  	[tilespmem:$0x880] =	vst v55  }
0x1e2: {  	v8 =	vld.idx.msk [tilespmem:v1+s31+$0x0], $0xffff;
	_ =	sdelay $0x4  }
0x1e3: {  	[tilespmem:$0x710] =	vst v8  }
0x1e4: {  	[tilespmem:$0x890] =	vst v8  }
0x1e5: {  	v8 =	vld.idx.msk [tilespmem:v2+s31+$0x0], $0xffff;
	_ =	sdelay $0x4  }
0x1e6: {  	[tilespmem:$0x720] =	vst v8  }
0x1e7: {  	[tilespmem:$0x8A0] =	vst v8  }
0x1e8: {  	v8 =	vld.idx.msk [tilespmem:v3+s31+$0x0], $0xffff;
	_ =	sdelay $0x4  }
0x1e9: {  	[tilespmem:$0x730] =	vst v8  }
0x1ea: {  	[tilespmem:$0x8B0] =	vst v8  }
0x1eb: {  	v8 =	vld.idx.msk [tilespmem:v4+s31+$0x0], $0xffff;
	_ =	sdelay $0x4  }
0x1ec: {  	[tilespmem:$0x740] =	vst v8  }
0x1ed: {  	[tilespmem:$0x8C0] =	vst v8  }
0x1ee: {  	v8 =	vld.idx.msk [tilespmem:v5+s31+$0x0], $0xffff;
	_ =	sdelay $0x4  }
0x1ef: {  	[tilespmem:$0x750] =	vst v8  }
0x1f0: {  	[tilespmem:$0x8D0] =	vst v8  }
0x1f1: {  	v8 =	vld.idx.msk [tilespmem:v6+s31+$0x0], $0xffff;
	_ =	sdelay $0x4  }
0x1f2: {  	[tilespmem:$0x760] =	vst v8  }
0x1f3: {  	[tilespmem:$0x8E0] =	vst v8  }
0x1f4: {  	v8 =	vld.idx.msk [tilespmem:v7+s31+$0x0], $0xffff;
	_ =	sdelay $0x4  }
0x1f5: {  	[tilespmem:$0x770] =	vst v8  }
0x1f6: {  	[tilespmem:$0x8F0] =	vst v8  }
0x1f7: {  	[spmem:s2] =	stream.indirect.scatter [tilespmem:s21], [sflag:$0x1], $0x40, s17, s8, $0xb8;
	[tilespmem:$0x1B900] =	vst v63  }
0x1f8: {  	_ =	swait.ge [sflag:s5], $0x2000  }
0x1f9: {  	[sflag:s5] =	ssyncset.done $0x0  }
0x1fa: {  	[sflag:s5] =	ssyncadd.s32 $0xFFFFE000  }
0x1fb: {  	v56 =	vld [tilespmem:$0x380]  }
0x1fc: {  	v57 =	vld [tilespmem:$0x390]  }
0x1fd: {  	v58 =	vld [tilespmem:$0x3A0]  }
0x1fe: {  	v59 =	vld [tilespmem:$0x3B0]  }
0x1ff: {  	v60 =	vld [tilespmem:$0x3C0]  }
0x200: {  	v61 =	vld [tilespmem:$0x3D0];
	[tilespmem:$0x800] =	vst v56  }
0x201: {  	v62 =	vld [tilespmem:$0x3E0];
	[tilespmem:$0x810] =	vst v57  }
0x202: {  	v63 =	vld [tilespmem:$0x3F0];
	[tilespmem:$0x820] =	vst v58  }
0x203: {  	[tilespmem:$0x830] =	vst v59  }
0x204: {  	[tilespmem:$0x840] =	vst v60  }
0x205: {  	[tilespmem:$0x850] =	vst v61  }
0x206: {  	[tilespmem:$0x860] =	vst v62  }
0x207: {  	[tilespmem:$0x870] =	vst v63  }
0x208: {  	[tilespmem:s31], [sflag:$0x1] =	stream.indirect.gather [hbm4b:s18+s8], $0x10, s10, s8, $0xb8;
	[tilespmem:$0x1B900] =	vst v63  }
0x209: {  	_ =	swait.ge [sflag:s5], $0x800  }
0x20a: {  	[sflag:s5] =	ssyncset.done $0x0  }
0x20b: {  	[sflag:s5] =	ssyncadd.s32 $0xFFFFF800  }
0x20c: {  	v0 =	vld.idx.msk [tilespmem:v0+s31+$0x0], $0xffff;
	_ =	sdelay $0x4  }
0x20d: {  	[tilespmem:$0x780] =	vst v0  }
0x20e: {  	[tilespmem:$0x880] =	vst v0  }
0x20f: {  	v0 =	vld.idx.msk [tilespmem:v1+s31+$0x0], $0xffff;
	_ =	sdelay $0x4  }
0x210: {  	[tilespmem:$0x790] =	vst v0  }
0x211: {  	[tilespmem:$0x890] =	vst v0  }
0x212: {  	v0 =	vld.idx.msk [tilespmem:v2+s31+$0x0], $0xffff;
	_ =	sdelay $0x4  }
0x213: {  	[tilespmem:$0x7A0] =	vst v0  }
0x214: {  	[tilespmem:$0x8A0] =	vst v0  }
0x215: {  	v0 =	vld.idx.msk [tilespmem:v3+s31+$0x0], $0xffff;
	_ =	sdelay $0x4  }
0x216: {  	[tilespmem:$0x7B0] =	vst v0  }
0x217: {  	[tilespmem:$0x8B0] =	vst v0  }
0x218: {  	v0 =	vld.idx.msk [tilespmem:v4+s31+$0x0], $0xffff;
	_ =	sdelay $0x4  }
0x219: {  	[tilespmem:$0x7C0] =	vst v0  }
0x21a: {  	[tilespmem:$0x8C0] =	vst v0  }
0x21b: {  	v0 =	vld.idx.msk [tilespmem:v5+s31+$0x0], $0xffff;
	_ =	sdelay $0x4  }
0x21c: {  	[tilespmem:$0x7D0] =	vst v0  }
0x21d: {  	[tilespmem:$0x8D0] =	vst v0  }
0x21e: {  	v0 =	vld.idx.msk [tilespmem:v6+s31+$0x0], $0xffff;
	_ =	sdelay $0x4  }
0x21f: {  	[tilespmem:$0x7E0] =	vst v0  }
0x220: {  	[tilespmem:$0x8E0] =	vst v0  }
0x221: {  	v0 =	vld.idx.msk [tilespmem:v7+s31+$0x0], $0xffff;
	_ =	sdelay $0x4  }
0x222: {  	[tilespmem:$0x7F0] =	vst v0  }
0x223: {  	[tilespmem:$0x8F0] =	vst v0  }
0x224: {  	[spmem:s2] =	stream.indirect.scatter [tilespmem:s21], [sflag:$0x1], $0x40, s17, s8, $0xb8;
	[tilespmem:$0x1B900] =	vst v63  }
0x225: {  	_ =	swait.ge [sflag:s5], $0x2000  }
0x226: {  	[sflag:s5] =	ssyncset.done $0x0  }
0x227: {  	[sflag:s5] =	ssyncadd.s32 $0xFFFFE000  }
0x228: {  	[bflag:$0x0] =	sbarrier.arrive $0xFFFF  }
0x229: {  	v0 =	vld [tilespmem:$0x400]  }
0x22a: {  	v1 =	vld [tilespmem:$0x410]  }
0x22b: {  	v2 =	vld [tilespmem:$0x420]  }
0x22c: {  	v3 =	vld [tilespmem:$0x430]  }
0x22d: {  	v4 =	vld [tilespmem:$0x440]  }
0x22e: {  	[tilespmem:$0x880] =	vst v0;
	v0 =	vld [tilespmem:$0x450]  }
0x22f: {  	[tilespmem:$0x890] =	vst v1;
	v1 =	vld [tilespmem:$0x460]  }
0x230: {  	[tilespmem:$0x8A0] =	vst v2;
	v2 =	vld [tilespmem:$0x470]  }
0x231: {  	[tilespmem:$0x8B0] =	vst v3  }
0x232: {  	[tilespmem:$0x8C0] =	vst v4  }
0x233: {  	[tilespmem:$0x8D0] =	vst v0  }
0x234: {  	s21 =	sshll.u32 s1, $0xD;
	[tilespmem:$0x8E0] =	vst v1  }
0x235: {  	s22 =	simm.s32 $0x3900;
	s20 =	sadd.s32 s7, s21;
	[tilespmem:$0x8F0] =	vst v2  }
0x236: {  	[tilespmem:s22], [sflag:$0x1] =	stream.linear.gather [hbm4b:s20+s9], $0x2000, $0x38;
	[tilespmem:$0x1B900] =	vst v63  }
0x237: {  	_ =	swait.ge [sflag:s5], $0x2000  }
0x238: {  	[sflag:s5] =	ssyncset.done $0x0  }
0x239: {  	[sflag:s5] =	ssyncadd.s32 $0xFFFFE000  }
0x23a: {  	[spmem:s2] =	stream.indirect.scatter.add.f32 [tilespmem:s22], [sflag:$0x1], $0x40, s17, s8, $0xb8;
	[tilespmem:$0x1B900] =	vst v63  }
0x23b: {  	_ =	swait.ge [sflag:s5], $0x2000  }
0x23c: {  	[sflag:s5] =	ssyncset.done $0x0  }
0x23d: {  	[sflag:s5] =	ssyncadd.s32 $0xFFFFE000  }
0x23e: {  	v0 =	vld [tilespmem:$0x480]  }
0x23f: {  	v1 =	vld [tilespmem:$0x490]  }
0x240: {  	v2 =	vld [tilespmem:$0x4A0]  }
0x241: {  	v3 =	vld [tilespmem:$0x4B0]  }
0x242: {  	v4 =	vld [tilespmem:$0x4C0]  }
0x243: {  	[tilespmem:$0x880] =	vst v0;
	v0 =	vld [tilespmem:$0x4D0]  }
0x244: {  	[tilespmem:$0x890] =	vst v1;
	v1 =	vld [tilespmem:$0x4E0]  }
0x245: {  	[tilespmem:$0x8A0] =	vst v2;
	v2 =	vld [tilespmem:$0x4F0]  }
0x246: {  	[tilespmem:$0x8B0] =	vst v3  }
0x247: {  	[tilespmem:$0x8C0] =	vst v4  }
0x248: {  	[tilespmem:$0x8D0] =	vst v0  }
0x249: {  	s20 =	sshll.u32 s23, $0x3;
	[tilespmem:$0x8E0] =	vst v1  }
0x24a: {  	s23 =	sadd.s32 s7, s20;
	[tilespmem:$0x8F0] =	vst v2  }
0x24b: {  	[tilespmem:s22], [sflag:$0x1] =	stream.linear.gather [hbm4b:s23+s9], $0x2000, $0x38;
	[tilespmem:$0x1B900] =	vst v63  }
0x24c: {  	_ =	swait.ge [sflag:s5], $0x2000  }
0x24d: {  	[sflag:s5] =	ssyncset.done $0x0  }
0x24e: {  	[sflag:s5] =	ssyncadd.s32 $0xFFFFE000  }
0x24f: {  	[spmem:s2] =	stream.indirect.scatter.add.f32 [tilespmem:s22], [sflag:$0x1], $0x40, s17, s8, $0xb8;
	[tilespmem:$0x1B900] =	vst v63  }
0x250: {  	_ =	swait.ge [sflag:s5], $0x2000  }
0x251: {  	[sflag:s5] =	ssyncset.done $0x0  }
0x252: {  	[sflag:s5] =	ssyncadd.s32 $0xFFFFE000  }
0x253: {  	v0 =	vld [tilespmem:$0x500]  }
0x254: {  	v1 =	vld [tilespmem:$0x510]  }
0x255: {  	v2 =	vld [tilespmem:$0x520]  }
0x256: {  	v3 =	vld [tilespmem:$0x530]  }
0x257: {  	v4 =	vld [tilespmem:$0x540]  }
0x258: {  	[tilespmem:$0x880] =	vst v0;
	v0 =	vld [tilespmem:$0x550]  }
0x259: {  	[tilespmem:$0x890] =	vst v1;
	v1 =	vld [tilespmem:$0x560]  }
0x25a: {  	[tilespmem:$0x8A0] =	vst v2;
	v2 =	vld [tilespmem:$0x570]  }
0x25b: {  	[tilespmem:$0x8B0] =	vst v3  }
0x25c: {  	[tilespmem:$0x8C0] =	vst v4  }
0x25d: {  	[tilespmem:$0x8D0] =	vst v0  }
0x25e: {  	s19 =	sshll.u32 s24, $0x3;
	[tilespmem:$0x8E0] =	vst v1  }
0x25f: {  	s24 =	sadd.s32 s7, s19;
	[tilespmem:$0x8F0] =	vst v2  }
0x260: {  	[tilespmem:s22], [sflag:$0x1] =	stream.linear.gather [hbm4b:s24+s9], $0x2000, $0x38;
	[tilespmem:$0x1B900] =	vst v63  }
0x261: {  	_ =	swait.ge [sflag:s5], $0x2000  }
0x262: {  	[sflag:s5] =	ssyncset.done $0x0  }
0x263: {  	[sflag:s5] =	ssyncadd.s32 $0xFFFFE000  }
0x264: {  	[spmem:s2] =	stream.indirect.scatter.add.f32 [tilespmem:s22], [sflag:$0x1], $0x40, s17, s8, $0xb8;
	[tilespmem:$0x1B900] =	vst v63  }
0x265: {  	_ =	swait.ge [sflag:s5], $0x2000  }
0x266: {  	[sflag:s5] =	ssyncset.done $0x0  }
0x267: {  	[sflag:s5] =	ssyncadd.s32 $0xFFFFE000  }
0x268: {  	v0 =	vld [tilespmem:$0x580]  }
0x269: {  	v1 =	vld [tilespmem:$0x590]  }
0x26a: {  	v2 =	vld [tilespmem:$0x5A0]  }
0x26b: {  	v3 =	vld [tilespmem:$0x5B0]  }
0x26c: {  	v4 =	vld [tilespmem:$0x5C0]  }
0x26d: {  	[tilespmem:$0x880] =	vst v0;
	v0 =	vld [tilespmem:$0x5D0]  }
0x26e: {  	[tilespmem:$0x890] =	vst v1;
	v1 =	vld [tilespmem:$0x5E0]  }
0x26f: {  	[tilespmem:$0x8A0] =	vst v2;
	v2 =	vld [tilespmem:$0x5F0]  }
0x270: {  	[tilespmem:$0x8B0] =	vst v3  }
0x271: {  	[tilespmem:$0x8C0] =	vst v4  }
0x272: {  	[tilespmem:$0x8D0] =	vst v0  }
0x273: {  	s18 =	sshll.u32 s25, $0x3;
	[tilespmem:$0x8E0] =	vst v1  }
0x274: {  	s25 =	sadd.s32 s7, s18;
	[tilespmem:$0x8F0] =	vst v2  }
0x275: {  	[tilespmem:s22], [sflag:$0x1] =	stream.linear.gather [hbm4b:s25+s9], $0x2000, $0x38;
	[tilespmem:$0x1B900] =	vst v63  }
0x276: {  	_ =	swait.ge [sflag:s5], $0x2000  }
0x277: {  	[sflag:s5] =	ssyncset.done $0x0  }
0x278: {  	[sflag:s5] =	ssyncadd.s32 $0xFFFFE000  }
0x279: {  	[spmem:s2] =	stream.indirect.scatter.add.f32 [tilespmem:s22], [sflag:$0x1], $0x40, s17, s8, $0xb8;
	[tilespmem:$0x1B900] =	vst v63  }
0x27a: {  	_ =	swait.ge [sflag:s5], $0x2000  }
0x27b: {  	[sflag:s5] =	ssyncset.done $0x0  }
0x27c: {  	[sflag:s5] =	ssyncadd.s32 $0xFFFFE000  }
0x27d: {  	v0 =	vld [tilespmem:$0x600]  }
0x27e: {  	v1 =	vld [tilespmem:$0x610]  }
0x27f: {  	v2 =	vld [tilespmem:$0x620]  }
0x280: {  	v3 =	vld [tilespmem:$0x630]  }
0x281: {  	v4 =	vld [tilespmem:$0x640]  }
0x282: {  	[tilespmem:$0x880] =	vst v0;
	v0 =	vld [tilespmem:$0x650]  }
0x283: {  	[tilespmem:$0x890] =	vst v1;
	v1 =	vld [tilespmem:$0x660]  }
0x284: {  	[tilespmem:$0x8A0] =	vst v2;
	v2 =	vld [tilespmem:$0x670]  }
0x285: {  	[tilespmem:$0x8B0] =	vst v3  }
0x286: {  	[tilespmem:$0x8C0] =	vst v4  }
0x287: {  	[tilespmem:$0x8D0] =	vst v0  }
0x288: {  	s12 =	sshll.u32 s26, $0x3;
	[tilespmem:$0x8E0] =	vst v1  }
0x289: {  	s26 =	sadd.s32 s7, s12;
	[tilespmem:$0x8F0] =	vst v2  }
0x28a: {  	[tilespmem:s22], [sflag:$0x1] =	stream.linear.gather [hbm4b:s26+s9], $0x2000, $0x38;
	[tilespmem:$0x1B900] =	vst v63  }
0x28b: {  	_ =	swait.ge [sflag:s5], $0x2000  }
0x28c: {  	[sflag:s5] =	ssyncset.done $0x0  }
0x28d: {  	[sflag:s5] =	ssyncadd.s32 $0xFFFFE000  }
0x28e: {  	[spmem:s2] =	stream.indirect.scatter.add.f32 [tilespmem:s22], [sflag:$0x1], $0x40, s17, s8, $0xb8;
	[tilespmem:$0x1B900] =	vst v63  }
0x28f: {  	_ =	swait.ge [sflag:s5], $0x2000  }
0x290: {  	[sflag:s5] =	ssyncset.done $0x0  }
0x291: {  	[sflag:s5] =	ssyncadd.s32 $0xFFFFE000  }
0x292: {  	v0 =	vld [tilespmem:$0x680]  }
0x293: {  	v1 =	vld [tilespmem:$0x690]  }
0x294: {  	v2 =	vld [tilespmem:$0x6A0]  }
0x295: {  	v3 =	vld [tilespmem:$0x6B0]  }
0x296: {  	v4 =	vld [tilespmem:$0x6C0]  }
0x297: {  	[tilespmem:$0x880] =	vst v0;
	v0 =	vld [tilespmem:$0x6D0]  }
0x298: {  	[tilespmem:$0x890] =	vst v1;
	v1 =	vld [tilespmem:$0x6E0]  }
0x299: {  	[tilespmem:$0x8A0] =	vst v2;
	v2 =	vld [tilespmem:$0x6F0]  }
0x29a: {  	[tilespmem:$0x8B0] =	vst v3  }
0x29b: {  	[tilespmem:$0x8C0] =	vst v4  }
0x29c: {  	[tilespmem:$0x8D0] =	vst v0  }
0x29d: {  	s11 =	sshll.u32 s28, $0x3;
	[tilespmem:$0x8E0] =	vst v1  }
0x29e: {  	s28 =	sadd.s32 s7, s11;
	[tilespmem:$0x8F0] =	vst v2  }
0x29f: {  	[tilespmem:s22], [sflag:$0x1] =	stream.linear.gather [hbm4b:s28+s9], $0x2000, $0x38;
	[tilespmem:$0x1B900] =	vst v63  }
0x2a0: {  	_ =	swait.ge [sflag:s5], $0x2000  }
0x2a1: {  	[sflag:s5] =	ssyncset.done $0x0  }
0x2a2: {  	[sflag:s5] =	ssyncadd.s32 $0xFFFFE000  }
0x2a3: {  	[spmem:s2] =	stream.indirect.scatter.add.f32 [tilespmem:s22], [sflag:$0x1], $0x40, s17, s8, $0xb8;
	[tilespmem:$0x1B900] =	vst v63  }
0x2a4: {  	_ =	swait.ge [sflag:s5], $0x2000  }
0x2a5: {  	[sflag:s5] =	ssyncset.done $0x0  }
0x2a6: {  	[sflag:s5] =	ssyncadd.s32 $0xFFFFE000  }
0x2a7: {  	v0 =	vld [tilespmem:$0x700]  }
0x2a8: {  	v1 =	vld [tilespmem:$0x710]  }
0x2a9: {  	v2 =	vld [tilespmem:$0x720]  }
0x2aa: {  	v3 =	vld [tilespmem:$0x730]  }
0x2ab: {  	v4 =	vld [tilespmem:$0x740]  }
0x2ac: {  	[tilespmem:$0x880] =	vst v0;
	v0 =	vld [tilespmem:$0x750]  }
0x2ad: {  	[tilespmem:$0x890] =	vst v1;
	v1 =	vld [tilespmem:$0x760]  }
0x2ae: {  	[tilespmem:$0x8A0] =	vst v2;
	v2 =	vld [tilespmem:$0x770]  }
0x2af: {  	[tilespmem:$0x8B0] =	vst v3  }
0x2b0: {  	[tilespmem:$0x8C0] =	vst v4  }
0x2b1: {  	[tilespmem:$0x8D0] =	vst v0  }
0x2b2: {  	s6 =	sshll.u32 s29, $0x3;
	[tilespmem:$0x8E0] =	vst v1  }
0x2b3: {  	s29 =	sadd.s32 s7, s6;
	[tilespmem:$0x8F0] =	vst v2  }
0x2b4: {  	[tilespmem:s22], [sflag:$0x1] =	stream.linear.gather [hbm4b:s29+s9], $0x2000, $0x38;
	[tilespmem:$0x1B900] =	vst v63  }
0x2b5: {  	_ =	swait.ge [sflag:s5], $0x2000  }
0x2b6: {  	[sflag:s5] =	ssyncset.done $0x0  }
0x2b7: {  	[sflag:s5] =	ssyncadd.s32 $0xFFFFE000  }
0x2b8: {  	[spmem:s2] =	stream.indirect.scatter.add.f32 [tilespmem:s22], [sflag:$0x1], $0x40, s17, s8, $0xb8;
	[tilespmem:$0x1B900] =	vst v63  }
0x2b9: {  	_ =	swait.ge [sflag:s5], $0x2000  }
0x2ba: {  	[sflag:s5] =	ssyncset.done $0x0  }
0x2bb: {  	[sflag:s5] =	ssyncadd.s32 $0xFFFFE000  }
0x2bc: {  	v0 =	vld [tilespmem:$0x780]  }
0x2bd: {  	v1 =	vld [tilespmem:$0x790]  }
0x2be: {  	v2 =	vld [tilespmem:$0x7A0]  }
0x2bf: {  	v3 =	vld [tilespmem:$0x7B0]  }
0x2c0: {  	v4 =	vld [tilespmem:$0x7C0]  }
0x2c1: {  	[tilespmem:$0x880] =	vst v0;
	v0 =	vld [tilespmem:$0x7D0]  }
0x2c2: {  	[tilespmem:$0x890] =	vst v1;
	v1 =	vld [tilespmem:$0x7E0]  }
0x2c3: {  	[tilespmem:$0x8A0] =	vst v2;
	v2 =	vld [tilespmem:$0x7F0]  }
0x2c4: {  	[tilespmem:$0x8B0] =	vst v3  }
0x2c5: {  	[tilespmem:$0x8C0] =	vst v4  }
0x2c6: {  	[tilespmem:$0x8D0] =	vst v0  }
0x2c7: {  	s3 =	sshll.u32 s16, $0x3;
	[tilespmem:$0x8E0] =	vst v1  }
0x2c8: {  	s7 =	sadd.s32 s7, s3;
	[tilespmem:$0x8F0] =	vst v2  }
0x2c9: {  	[tilespmem:s22], [sflag:$0x1] =	stream.linear.gather [hbm4b:s7+s9], $0x2000, $0x38;
	[tilespmem:$0x1B900] =	vst v63  }
0x2ca: {  	_ =	swait.ge [sflag:s5], $0x2000  }
0x2cb: {  	[sflag:s5] =	ssyncset.done $0x0  }
0x2cc: {  	[sflag:s5] =	ssyncadd.s32 $0xFFFFE000  }
0x2cd: {  	[spmem:s2] =	stream.indirect.scatter.add.f32 [tilespmem:s22], [sflag:$0x1], $0x40, s17, s8, $0xb8;
	[tilespmem:$0x1B900] =	vst v63  }
0x2ce: {  	_ =	swait.ge [sflag:s5], $0x2000  }
0x2cf: {  	[sflag:s5] =	ssyncset.done $0x0  }
0x2d0: {  	[sflag:s5] =	ssyncadd.s32 $0xFFFFE000  }
0x2d1: {  	[bflag:$0x0] =	sbarrier.arrive $0xFFFF  }
0x2d2: {  	v0 =	vld [tilespmem:$0x0]  }
0x2d3: {  	v1 =	vld [tilespmem:$0x400]  }
0x2d4: {  	v2 =	vld [tilespmem:$0x10]  }
0x2d5: {  	v3 =	vld [tilespmem:$0x410]  }
0x2d6: {  	v4 =	vld [tilespmem:$0x20]  }
0x2d7: {  	[tilespmem:$0x800] =	vst v0;
	v0 =	vld [tilespmem:$0x420]  }
0x2d8: {  	[tilespmem:$0x880] =	vst v1;
	v1 =	vld [tilespmem:$0x30]  }
0x2d9: {  	[tilespmem:$0x810] =	vst v2;
	v2 =	vld [tilespmem:$0x430]  }
0x2da: {  	[tilespmem:$0x890] =	vst v3;
	v3 =	vld [tilespmem:$0x40]  }
0x2db: {  	[tilespmem:$0x820] =	vst v4;
	v4 =	vld [tilespmem:$0x440]  }
0x2dc: {  	[tilespmem:$0x8A0] =	vst v0;
	v0 =	vld [tilespmem:$0x50]  }
0x2dd: {  	[tilespmem:$0x830] =	vst v1;
	v1 =	vld [tilespmem:$0x450]  }
0x2de: {  	[tilespmem:$0x8B0] =	vst v2;
	v2 =	vld [tilespmem:$0x60]  }
0x2df: {  	[tilespmem:$0x840] =	vst v3;
	v3 =	vld [tilespmem:$0x460]  }
0x2e0: {  	[tilespmem:$0x8C0] =	vst v4;
	v4 =	vld [tilespmem:$0x70]  }
0x2e1: {  	[tilespmem:$0x850] =	vst v0;
	v0 =	vld [tilespmem:$0x470]  }
0x2e2: {  	[tilespmem:$0x8D0] =	vst v1  }
0x2e3: {  	[tilespmem:$0x860] =	vst v2  }
0x2e4: {  	[tilespmem:$0x8E0] =	vst v3  }
0x2e5: {  	[tilespmem:$0x870] =	vst v4  }
0x2e6: {  	s30 =	simm.s32 $0x5900;
	s7 =	sadd.s32 $0xF42E00, s4;
	[tilespmem:$0x8F0] =	vst v0  }
0x2e7: {  	[tilespmem:s30], [sflag:$0x1] =	stream.indirect.gather [hbm4b:s7+s8], $0x40, s10, s8, $0xb8;
	[tilespmem:$0x1B900] =	vst v63  }
0x2e8: {  	_ =	swait.ge [sflag:s5], $0x2000  }
0x2e9: {  	[sflag:s5] =	ssyncset.done $0x0  }
0x2ea: {  	s31 =	simm.s32 $0x7900;
	[sflag:s5] =	ssyncadd.s32 $0xFFFFE000  }
0x2eb: {  	[tilespmem:s31], [sflag:$0x1] =	stream.indirect.gather [spmem:s2], $0x40, s17, s8, $0xb8;
	[tilespmem:$0x1B900] =	vst v63  }
0x2ec: {  	_ =	swait.ge [sflag:s5], $0x2000  }
0x2ed: {  	[sflag:s5] =	ssyncset.done $0x0  }
0x2ee: {  	[sflag:s5] =	ssyncadd.s32 $0xFFFFE000;
	s5 =	simm.s32 $0x0  }
0x2ef: {  	v2 =	vld [tilespmem:s5+$0x5930]  }
0x2f0: {  	v4 =	vld [tilespmem:s5+$0x7930]  }
0x2f1: {  	v5 =	vld [tilespmem:s5+$0x5900]  }
0x2f2: {  	v6 =	vld [tilespmem:s5+$0x7900]  }
0x2f3: {  	v1 =	vld [tilespmem:s5+$0x5910]  }
0x2f4: {  	v3 =	vld [tilespmem:s5+$0x7910]  }
0x2f5: {  	v0 =	vld [tilespmem:s5+$0x5920];
	v7 =	vadd.f32 v4, v2  }
0x2f6: {  	s8 =	simm.s32 $0x40;
	v4 =	vld [tilespmem:s5+$0x7920]  }
0x2f7: {  	s4 =	sadd.s32 $0x1F1400, s4;
	s9 =	simm.s32 $0x200;
	v2 =	vld [tilespmem:s8+$0x5930];
	v5 =	vadd.f32 v6, v5;
	[tilespmem:s5+$0x9930] =	vst v7  }
.LBB2_1:
0x2f8: {  	p0 =	sne.s32 s9, $0x7F00;
	v6 =	vld [tilespmem:s8+$0x7930]  }
0x2f9: {  	v7 =	vld [tilespmem:s8+$0x5900];
	[tilespmem:s5+$0x9900] =	vst v5;
	v3 =	vadd.f32 v3, v1  }
0x2fa: {  	v5 =	vld [tilespmem:s8+$0x7900]  }
.Ltmp0:
0x2fb: {  	v1 =	vld [tilespmem:s8+$0x5910];
	[tilespmem:s5+$0x9910] =	vst v3;
	v4 =	vadd.f32 v4, v0;
	(pc) =	sbr.rel @p0 .LBB2_1-.Ltmp0, $4  }
0x2fc: {  	v3 =	vld [tilespmem:s8+$0x7910]  }
0x2fd: {  	v0 =	vld [tilespmem:s8+$0x5920];
	v6 =	vadd.f32 v6, v2;
	[tilespmem:s5+$0x9920] =	vst v4;
	s5 =	smov.u32 s8  }
0x2fe: {  	s8 =	sshra.s32 s9, $0x2;
	v4 =	vld [tilespmem:s5+$0x7920]  }
0x2ff: {  	s9 =	sadd.s32 $0x100, s9;
	v2 =	vld [tilespmem:s8+$0x5930];
	v5 =	vadd.f32 v5, v7;
	[tilespmem:s5+$0x9930] =	vst v6  }
0x300: {  	v6 =	vld [tilespmem:s8+$0x7930]  }
0x301: {  	v7 =	vld [tilespmem:s8+$0x5900];
	[tilespmem:s5+$0x9900] =	vst v5;
	v1 =	vadd.f32 v3, v1  }
0x302: {  	v3 =	vld [tilespmem:s8+$0x7900]  }
0x303: {  	v5 =	vld [tilespmem:s8+$0x5910];
	[tilespmem:s5+$0x9910] =	vst v1;
	v0 =	vadd.f32 v4, v0  }
0x304: {  	v1 =	vld [tilespmem:s8+$0x7910]  }
0x305: {  	v4 =	vld [tilespmem:s8+$0x5920];
	[tilespmem:s5+$0x9920] =	vst v0  }
0x306: {  	v0 =	vld [tilespmem:s8+$0x7920];
	_ =	sdelay $0x1  }
0x307: {  	v2 =	vadd.f32 v6, v2  }
0x308: {  	v3 =	vadd.f32 v3, v7  }
0x309: {  	[tilespmem:s8+$0x9930] =	vst v2;
	v1 =	vadd.f32 v1, v5  }
0x30a: {  	[tilespmem:s8+$0x9900] =	vst v3;
	v0 =	vadd.f32 v0, v4  }
0x30b: {  	s24 =	sadd.s32 s4, s21;
	[tilespmem:s8+$0x9910] =	vst v1  }
0x30c: {  	s25 =	simm.s32 $0x0;
	s9 =	simm.s32 $0x9900;
	s26 =	simm.s32 $0x1;
	[tilespmem:s8+$0x9920] =	vst v0  }
0x30d: {  	[hbm4b:s24+s25] =	stream.linear.scatter [tilespmem:s9], [sflag:$0x1], $0x2000, $0x38;
	[tilespmem:$0x1B900] =	vst v63  }
0x30e: {  	_ =	swait.ge [sflag:s26], $0x2000  }
0x30f: {  	[sflag:s26] =	ssyncset.done $0x0  }
0x310: {  	[sflag:s26] =	ssyncadd.s32 $0xFFFFE000  }
0x311: {  	v0 =	vld [tilespmem:$0x80]  }
0x312: {  	v1 =	vld [tilespmem:$0x480]  }
0x313: {  	v2 =	vld [tilespmem:$0x90]  }
0x314: {  	v3 =	vld [tilespmem:$0x490]  }
0x315: {  	v4 =	vld [tilespmem:$0xA0]  }
0x316: {  	[tilespmem:$0x800] =	vst v0;
	v0 =	vld [tilespmem:$0x4A0]  }
0x317: {  	[tilespmem:$0x880] =	vst v1;
	v1 =	vld [tilespmem:$0xB0]  }
0x318: {  	[tilespmem:$0x810] =	vst v2;
	v2 =	vld [tilespmem:$0x4B0]  }
0x319: {  	[tilespmem:$0x890] =	vst v3;
	v3 =	vld [tilespmem:$0xC0]  }
0x31a: {  	[tilespmem:$0x820] =	vst v4;
	v4 =	vld [tilespmem:$0x4C0]  }
0x31b: {  	[tilespmem:$0x8A0] =	vst v0;
	v0 =	vld [tilespmem:$0xD0]  }
0x31c: {  	[tilespmem:$0x830] =	vst v1;
	v1 =	vld [tilespmem:$0x4D0]  }
0x31d: {  	[tilespmem:$0x8B0] =	vst v2;
	v2 =	vld [tilespmem:$0xE0]  }
0x31e: {  	[tilespmem:$0x840] =	vst v3;
	v3 =	vld [tilespmem:$0x4E0]  }
0x31f: {  	[tilespmem:$0x8C0] =	vst v4;
	v4 =	vld [tilespmem:$0xF0]  }
0x320: {  	[tilespmem:$0x850] =	vst v0;
	v0 =	vld [tilespmem:$0x4F0]  }
0x321: {  	[tilespmem:$0x8D0] =	vst v1  }
0x322: {  	[tilespmem:$0x860] =	vst v2  }
0x323: {  	[tilespmem:$0x8E0] =	vst v3  }
0x324: {  	[tilespmem:$0x870] =	vst v4  }
0x325: {  	s28 =	simm.s32 $0x80;
	s29 =	simm.s32 $0x800;
	s10 =	simm.s32 $0x5900;
	[tilespmem:$0x8F0] =	vst v0  }
0x326: {  	[tilespmem:s10], [sflag:$0x1] =	stream.indirect.gather [hbm4b:s7+s28], $0x40, s29, s28, $0xb8;
	[tilespmem:$0x1B900] =	vst v63  }
0x327: {  	_ =	swait.ge [sflag:s26], $0x2000  }
0x328: {  	[sflag:s26] =	ssyncset.done $0x0  }
0x329: {  	s30 =	simm.s32 $0x880;
	s31 =	simm.s32 $0x7900;
	[sflag:s26] =	ssyncadd.s32 $0xFFFFE000  }
0x32a: {  	[tilespmem:s31], [sflag:$0x1] =	stream.indirect.gather [spmem:s2], $0x40, s30, s28, $0xb8;
	[tilespmem:$0x1B900] =	vst v63  }
0x32b: {  	_ =	swait.ge [sflag:s26], $0x2000  }
0x32c: {  	[sflag:s26] =	ssyncset.done $0x0  }
0x32d: {  	s5 =	simm.s32 $0x0;
	[sflag:s26] =	ssyncadd.s32 $0xFFFFE000  }
0x32e: {  	v2 =	vld [tilespmem:s5+$0x5930]  }
0x32f: {  	v4 =	vld [tilespmem:s5+$0x7930]  }
0x330: {  	v5 =	vld [tilespmem:s5+$0x5900]  }
0x331: {  	v6 =	vld [tilespmem:s5+$0x7900]  }
0x332: {  	v1 =	vld [tilespmem:s5+$0x5910]  }
0x333: {  	v3 =	vld [tilespmem:s5+$0x7910]  }
0x334: {  	v0 =	vld [tilespmem:s5+$0x5920];
	v7 =	vadd.f32 v4, v2  }
0x335: {  	s8 =	simm.s32 $0x40;
	v4 =	vld [tilespmem:s5+$0x7920]  }
0x336: {  	s9 =	simm.s32 $0x200;
	v2 =	vld [tilespmem:s8+$0x5930];
	v5 =	vadd.f32 v6, v5;
	[tilespmem:s5+$0x9930] =	vst v7  }
.LBB2_3:
0x337: {  	p0 =	sne.s32 s9, $0x7F00;
	v6 =	vld [tilespmem:s8+$0x7930]  }
0x338: {  	v7 =	vld [tilespmem:s8+$0x5900];
	[tilespmem:s5+$0x9900] =	vst v5;
	v3 =	vadd.f32 v3, v1  }
0x339: {  	v5 =	vld [tilespmem:s8+$0x7900]  }
.Ltmp1:
0x33a: {  	v1 =	vld [tilespmem:s8+$0x5910];
	[tilespmem:s5+$0x9910] =	vst v3;
	v4 =	vadd.f32 v4, v0;
	(pc) =	sbr.rel @p0 .LBB2_3-.Ltmp1, $4  }
0x33b: {  	v3 =	vld [tilespmem:s8+$0x7910]  }
0x33c: {  	v0 =	vld [tilespmem:s8+$0x5920];
	v6 =	vadd.f32 v6, v2;
	[tilespmem:s5+$0x9920] =	vst v4;
	s5 =	smov.u32 s8  }
0x33d: {  	s8 =	sshra.s32 s9, $0x2;
	v4 =	vld [tilespmem:s5+$0x7920]  }
0x33e: {  	s9 =	sadd.s32 $0x100, s9;
	v2 =	vld [tilespmem:s8+$0x5930];
	v5 =	vadd.f32 v5, v7;
	[tilespmem:s5+$0x9930] =	vst v6  }
0x33f: {  	v6 =	vld [tilespmem:s8+$0x7930]  }
0x340: {  	v7 =	vld [tilespmem:s8+$0x5900];
	[tilespmem:s5+$0x9900] =	vst v5;
	v1 =	vadd.f32 v3, v1  }
0x341: {  	v3 =	vld [tilespmem:s8+$0x7900]  }
0x342: {  	v5 =	vld [tilespmem:s8+$0x5910];
	[tilespmem:s5+$0x9910] =	vst v1;
	v0 =	vadd.f32 v4, v0  }
0x343: {  	v1 =	vld [tilespmem:s8+$0x7910]  }
0x344: {  	v4 =	vld [tilespmem:s8+$0x5920];
	[tilespmem:s5+$0x9920] =	vst v0  }
0x345: {  	v0 =	vld [tilespmem:s8+$0x7920];
	_ =	sdelay $0x1  }
0x346: {  	v2 =	vadd.f32 v6, v2  }
0x347: {  	v3 =	vadd.f32 v3, v7  }
0x348: {  	[tilespmem:s8+$0x9930] =	vst v2;
	v1 =	vadd.f32 v1, v5  }
0x349: {  	[tilespmem:s8+$0x9900] =	vst v3;
	v0 =	vadd.f32 v0, v4  }
0x34a: {  	s24 =	sadd.s32 s4, s20;
	[tilespmem:s8+$0x9910] =	vst v1  }
0x34b: {  	s25 =	simm.s32 $0x0;
	s9 =	simm.s32 $0x9900;
	s26 =	simm.s32 $0x1;
	[tilespmem:s8+$0x9920] =	vst v0  }
0x34c: {  	[hbm4b:s24+s25] =	stream.linear.scatter [tilespmem:s9], [sflag:$0x1], $0x2000, $0x38;
	[tilespmem:$0x1B900] =	vst v63  }
0x34d: {  	_ =	swait.ge [sflag:s26], $0x2000  }
0x34e: {  	[sflag:s26] =	ssyncset.done $0x0  }
0x34f: {  	[sflag:s26] =	ssyncadd.s32 $0xFFFFE000  }
0x350: {  	v0 =	vld [tilespmem:$0x100]  }
0x351: {  	v1 =	vld [tilespmem:$0x500]  }
0x352: {  	v2 =	vld [tilespmem:$0x110]  }
0x353: {  	v3 =	vld [tilespmem:$0x510]  }
0x354: {  	v4 =	vld [tilespmem:$0x120]  }
0x355: {  	[tilespmem:$0x800] =	vst v0;
	v0 =	vld [tilespmem:$0x520]  }
0x356: {  	[tilespmem:$0x880] =	vst v1;
	v1 =	vld [tilespmem:$0x130]  }
0x357: {  	[tilespmem:$0x810] =	vst v2;
	v2 =	vld [tilespmem:$0x530]  }
0x358: {  	[tilespmem:$0x890] =	vst v3;
	v3 =	vld [tilespmem:$0x140]  }
0x359: {  	[tilespmem:$0x820] =	vst v4;
	v4 =	vld [tilespmem:$0x540]  }
0x35a: {  	[tilespmem:$0x8A0] =	vst v0;
	v0 =	vld [tilespmem:$0x150]  }
0x35b: {  	[tilespmem:$0x830] =	vst v1;
	v1 =	vld [tilespmem:$0x550]  }
0x35c: {  	[tilespmem:$0x8B0] =	vst v2;
	v2 =	vld [tilespmem:$0x160]  }
0x35d: {  	[tilespmem:$0x840] =	vst v3;
	v3 =	vld [tilespmem:$0x560]  }
0x35e: {  	[tilespmem:$0x8C0] =	vst v4;
	v4 =	vld [tilespmem:$0x170]  }
0x35f: {  	[tilespmem:$0x850] =	vst v0;
	v0 =	vld [tilespmem:$0x570]  }
0x360: {  	[tilespmem:$0x8D0] =	vst v1  }
0x361: {  	[tilespmem:$0x860] =	vst v2  }
0x362: {  	[tilespmem:$0x8E0] =	vst v3  }
0x363: {  	[tilespmem:$0x870] =	vst v4  }
0x364: {  	s28 =	simm.s32 $0x80;
	s29 =	simm.s32 $0x800;
	s10 =	simm.s32 $0x5900;
	[tilespmem:$0x8F0] =	vst v0  }
0x365: {  	[tilespmem:s10], [sflag:$0x1] =	stream.indirect.gather [hbm4b:s7+s28], $0x40, s29, s28, $0xb8;
	[tilespmem:$0x1B900] =	vst v63  }
0x366: {  	_ =	swait.ge [sflag:s26], $0x2000  }
0x367: {  	[sflag:s26] =	ssyncset.done $0x0  }
0x368: {  	s30 =	simm.s32 $0x880;
	s31 =	simm.s32 $0x7900;
	[sflag:s26] =	ssyncadd.s32 $0xFFFFE000  }
0x369: {  	[tilespmem:s31], [sflag:$0x1] =	stream.indirect.gather [spmem:s2], $0x40, s30, s28, $0xb8;
	[tilespmem:$0x1B900] =	vst v63  }
0x36a: {  	_ =	swait.ge [sflag:s26], $0x2000  }
0x36b: {  	[sflag:s26] =	ssyncset.done $0x0  }
0x36c: {  	s5 =	simm.s32 $0x0;
	[sflag:s26] =	ssyncadd.s32 $0xFFFFE000  }
0x36d: {  	v2 =	vld [tilespmem:s5+$0x5930]  }
0x36e: {  	v4 =	vld [tilespmem:s5+$0x7930]  }
0x36f: {  	v5 =	vld [tilespmem:s5+$0x5900]  }
0x370: {  	v6 =	vld [tilespmem:s5+$0x7900]  }
0x371: {  	v1 =	vld [tilespmem:s5+$0x5910]  }
0x372: {  	v3 =	vld [tilespmem:s5+$0x7910]  }
0x373: {  	v0 =	vld [tilespmem:s5+$0x5920];
	v7 =	vadd.f32 v4, v2  }
0x374: {  	s8 =	simm.s32 $0x40;
	v4 =	vld [tilespmem:s5+$0x7920]  }
0x375: {  	s9 =	simm.s32 $0x200;
	v2 =	vld [tilespmem:s8+$0x5930];
	v5 =	vadd.f32 v6, v5;
	[tilespmem:s5+$0x9930] =	vst v7  }
.LBB2_5:
0x376: {  	p0 =	sne.s32 s9, $0x7F00;
	v6 =	vld [tilespmem:s8+$0x7930]  }
0x377: {  	v7 =	vld [tilespmem:s8+$0x5900];
	[tilespmem:s5+$0x9900] =	vst v5;
	v3 =	vadd.f32 v3, v1  }
0x378: {  	v5 =	vld [tilespmem:s8+$0x7900]  }
.Ltmp2:
0x379: {  	v1 =	vld [tilespmem:s8+$0x5910];
	[tilespmem:s5+$0x9910] =	vst v3;
	v4 =	vadd.f32 v4, v0;
	(pc) =	sbr.rel @p0 .LBB2_5-.Ltmp2, $4  }
0x37a: {  	v3 =	vld [tilespmem:s8+$0x7910]  }
0x37b: {  	v0 =	vld [tilespmem:s8+$0x5920];
	v6 =	vadd.f32 v6, v2;
	[tilespmem:s5+$0x9920] =	vst v4;
	s5 =	smov.u32 s8  }
0x37c: {  	s8 =	sshra.s32 s9, $0x2;
	v4 =	vld [tilespmem:s5+$0x7920]  }
0x37d: {  	s9 =	sadd.s32 $0x100, s9;
	v2 =	vld [tilespmem:s8+$0x5930];
	v5 =	vadd.f32 v5, v7;
	[tilespmem:s5+$0x9930] =	vst v6  }
0x37e: {  	v6 =	vld [tilespmem:s8+$0x7930]  }
0x37f: {  	v7 =	vld [tilespmem:s8+$0x5900];
	[tilespmem:s5+$0x9900] =	vst v5;
	v1 =	vadd.f32 v3, v1  }
0x380: {  	v3 =	vld [tilespmem:s8+$0x7900]  }
0x381: {  	v5 =	vld [tilespmem:s8+$0x5910];
	[tilespmem:s5+$0x9910] =	vst v1;
	v0 =	vadd.f32 v4, v0  }
0x382: {  	v1 =	vld [tilespmem:s8+$0x7910]  }
0x383: {  	v4 =	vld [tilespmem:s8+$0x5920];
	[tilespmem:s5+$0x9920] =	vst v0  }
0x384: {  	v0 =	vld [tilespmem:s8+$0x7920];
	_ =	sdelay $0x1  }
0x385: {  	v2 =	vadd.f32 v6, v2  }
0x386: {  	v3 =	vadd.f32 v3, v7  }
0x387: {  	[tilespmem:s8+$0x9930] =	vst v2;
	v1 =	vadd.f32 v1, v5  }
0x388: {  	[tilespmem:s8+$0x9900] =	vst v3;
	v0 =	vadd.f32 v0, v4  }
0x389: {  	s24 =	sadd.s32 s4, s19;
	[tilespmem:s8+$0x9910] =	vst v1  }
0x38a: {  	s25 =	simm.s32 $0x0;
	s9 =	simm.s32 $0x9900;
	s26 =	simm.s32 $0x1;
	[tilespmem:s8+$0x9920] =	vst v0  }
0x38b: {  	[hbm4b:s24+s25] =	stream.linear.scatter [tilespmem:s9], [sflag:$0x1], $0x2000, $0x38;
	[tilespmem:$0x1B900] =	vst v63  }
0x38c: {  	_ =	swait.ge [sflag:s26], $0x2000  }
0x38d: {  	[sflag:s26] =	ssyncset.done $0x0  }
0x38e: {  	[sflag:s26] =	ssyncadd.s32 $0xFFFFE000  }
0x38f: {  	v0 =	vld [tilespmem:$0x180]  }
0x390: {  	v1 =	vld [tilespmem:$0x580]  }
0x391: {  	v2 =	vld [tilespmem:$0x190]  }
0x392: {  	v3 =	vld [tilespmem:$0x590]  }
0x393: {  	v4 =	vld [tilespmem:$0x1A0]  }
0x394: {  	[tilespmem:$0x800] =	vst v0;
	v0 =	vld [tilespmem:$0x5A0]  }
0x395: {  	[tilespmem:$0x880] =	vst v1;
	v1 =	vld [tilespmem:$0x1B0]  }
0x396: {  	[tilespmem:$0x810] =	vst v2;
	v2 =	vld [tilespmem:$0x5B0]  }
0x397: {  	[tilespmem:$0x890] =	vst v3;
	v3 =	vld [tilespmem:$0x1C0]  }
0x398: {  	[tilespmem:$0x820] =	vst v4;
	v4 =	vld [tilespmem:$0x5C0]  }
0x399: {  	[tilespmem:$0x8A0] =	vst v0;
	v0 =	vld [tilespmem:$0x1D0]  }
0x39a: {  	[tilespmem:$0x830] =	vst v1;
	v1 =	vld [tilespmem:$0x5D0]  }
0x39b: {  	[tilespmem:$0x8B0] =	vst v2;
	v2 =	vld [tilespmem:$0x1E0]  }
0x39c: {  	[tilespmem:$0x840] =	vst v3;
	v3 =	vld [tilespmem:$0x5E0]  }
0x39d: {  	[tilespmem:$0x8C0] =	vst v4;
	v4 =	vld [tilespmem:$0x1F0]  }
0x39e: {  	[tilespmem:$0x850] =	vst v0;
	v0 =	vld [tilespmem:$0x5F0]  }
0x39f: {  	[tilespmem:$0x8D0] =	vst v1  }
0x3a0: {  	[tilespmem:$0x860] =	vst v2  }
0x3a1: {  	[tilespmem:$0x8E0] =	vst v3  }
0x3a2: {  	[tilespmem:$0x870] =	vst v4  }
0x3a3: {  	s28 =	simm.s32 $0x80;
	s29 =	simm.s32 $0x800;
	s10 =	simm.s32 $0x5900;
	[tilespmem:$0x8F0] =	vst v0  }
0x3a4: {  	[tilespmem:s10], [sflag:$0x1] =	stream.indirect.gather [hbm4b:s7+s28], $0x40, s29, s28, $0xb8;
	[tilespmem:$0x1B900] =	vst v63  }
0x3a5: {  	_ =	swait.ge [sflag:s26], $0x2000  }
0x3a6: {  	[sflag:s26] =	ssyncset.done $0x0  }
0x3a7: {  	s30 =	simm.s32 $0x880;
	s31 =	simm.s32 $0x7900;
	[sflag:s26] =	ssyncadd.s32 $0xFFFFE000  }
0x3a8: {  	[tilespmem:s31], [sflag:$0x1] =	stream.indirect.gather [spmem:s2], $0x40, s30, s28, $0xb8;
	[tilespmem:$0x1B900] =	vst v63  }
0x3a9: {  	_ =	swait.ge [sflag:s26], $0x2000  }
0x3aa: {  	[sflag:s26] =	ssyncset.done $0x0  }
0x3ab: {  	s5 =	simm.s32 $0x0;
	[sflag:s26] =	ssyncadd.s32 $0xFFFFE000  }
0x3ac: {  	v2 =	vld [tilespmem:s5+$0x5930]  }
0x3ad: {  	v4 =	vld [tilespmem:s5+$0x7930]  }
0x3ae: {  	v5 =	vld [tilespmem:s5+$0x5900]  }
0x3af: {  	v6 =	vld [tilespmem:s5+$0x7900]  }
0x3b0: {  	v1 =	vld [tilespmem:s5+$0x5910]  }
0x3b1: {  	v3 =	vld [tilespmem:s5+$0x7910]  }
0x3b2: {  	v0 =	vld [tilespmem:s5+$0x5920];
	v7 =	vadd.f32 v4, v2  }
0x3b3: {  	s8 =	simm.s32 $0x40;
	v4 =	vld [tilespmem:s5+$0x7920]  }
0x3b4: {  	s9 =	simm.s32 $0x200;
	v2 =	vld [tilespmem:s8+$0x5930];
	v5 =	vadd.f32 v6, v5;
	[tilespmem:s5+$0x9930] =	vst v7  }
.LBB2_7:
0x3b5: {  	p0 =	sne.s32 s9, $0x7F00;
	v6 =	vld [tilespmem:s8+$0x7930]  }
0x3b6: {  	v7 =	vld [tilespmem:s8+$0x5900];
	[tilespmem:s5+$0x9900] =	vst v5;
	v3 =	vadd.f32 v3, v1  }
0x3b7: {  	v5 =	vld [tilespmem:s8+$0x7900]  }
.Ltmp3:
0x3b8: {  	v1 =	vld [tilespmem:s8+$0x5910];
	[tilespmem:s5+$0x9910] =	vst v3;
	v4 =	vadd.f32 v4, v0;
	(pc) =	sbr.rel @p0 .LBB2_7-.Ltmp3, $4  }
0x3b9: {  	v3 =	vld [tilespmem:s8+$0x7910]  }
0x3ba: {  	v0 =	vld [tilespmem:s8+$0x5920];
	v6 =	vadd.f32 v6, v2;
	[tilespmem:s5+$0x9920] =	vst v4;
	s5 =	smov.u32 s8  }
0x3bb: {  	s8 =	sshra.s32 s9, $0x2;
	v4 =	vld [tilespmem:s5+$0x7920]  }
0x3bc: {  	s9 =	sadd.s32 $0x100, s9;
	v2 =	vld [tilespmem:s8+$0x5930];
	v5 =	vadd.f32 v5, v7;
	[tilespmem:s5+$0x9930] =	vst v6  }
0x3bd: {  	v6 =	vld [tilespmem:s8+$0x7930]  }
0x3be: {  	v7 =	vld [tilespmem:s8+$0x5900];
	[tilespmem:s5+$0x9900] =	vst v5;
	v1 =	vadd.f32 v3, v1  }
0x3bf: {  	v3 =	vld [tilespmem:s8+$0x7900]  }
0x3c0: {  	v5 =	vld [tilespmem:s8+$0x5910];
	[tilespmem:s5+$0x9910] =	vst v1;
	v0 =	vadd.f32 v4, v0  }
0x3c1: {  	v1 =	vld [tilespmem:s8+$0x7910]  }
0x3c2: {  	v4 =	vld [tilespmem:s8+$0x5920];
	[tilespmem:s5+$0x9920] =	vst v0  }
0x3c3: {  	v0 =	vld [tilespmem:s8+$0x7920];
	_ =	sdelay $0x1  }
0x3c4: {  	v2 =	vadd.f32 v6, v2  }
0x3c5: {  	v3 =	vadd.f32 v3, v7  }
0x3c6: {  	[tilespmem:s8+$0x9930] =	vst v2;
	v1 =	vadd.f32 v1, v5  }
0x3c7: {  	[tilespmem:s8+$0x9900] =	vst v3;
	v0 =	vadd.f32 v0, v4  }
0x3c8: {  	s24 =	sadd.s32 s4, s18;
	[tilespmem:s8+$0x9910] =	vst v1  }
0x3c9: {  	s25 =	simm.s32 $0x0;
	s9 =	simm.s32 $0x9900;
	s26 =	simm.s32 $0x1;
	[tilespmem:s8+$0x9920] =	vst v0  }
0x3ca: {  	[hbm4b:s24+s25] =	stream.linear.scatter [tilespmem:s9], [sflag:$0x1], $0x2000, $0x38;
	[tilespmem:$0x1B900] =	vst v63  }
0x3cb: {  	_ =	swait.ge [sflag:s26], $0x2000  }
0x3cc: {  	[sflag:s26] =	ssyncset.done $0x0  }
0x3cd: {  	[sflag:s26] =	ssyncadd.s32 $0xFFFFE000  }
0x3ce: {  	v0 =	vld [tilespmem:$0x200]  }
0x3cf: {  	v1 =	vld [tilespmem:$0x600]  }
0x3d0: {  	v2 =	vld [tilespmem:$0x210]  }
0x3d1: {  	v3 =	vld [tilespmem:$0x610]  }
0x3d2: {  	v4 =	vld [tilespmem:$0x220]  }
0x3d3: {  	[tilespmem:$0x800] =	vst v0;
	v0 =	vld [tilespmem:$0x620]  }
0x3d4: {  	[tilespmem:$0x880] =	vst v1;
	v1 =	vld [tilespmem:$0x230]  }
0x3d5: {  	[tilespmem:$0x810] =	vst v2;
	v2 =	vld [tilespmem:$0x630]  }
0x3d6: {  	[tilespmem:$0x890] =	vst v3;
	v3 =	vld [tilespmem:$0x240]  }
0x3d7: {  	[tilespmem:$0x820] =	vst v4;
	v4 =	vld [tilespmem:$0x640]  }
0x3d8: {  	[tilespmem:$0x8A0] =	vst v0;
	v0 =	vld [tilespmem:$0x250]  }
0x3d9: {  	[tilespmem:$0x830] =	vst v1;
	v1 =	vld [tilespmem:$0x650]  }
0x3da: {  	[tilespmem:$0x8B0] =	vst v2;
	v2 =	vld [tilespmem:$0x260]  }
0x3db: {  	[tilespmem:$0x840] =	vst v3;
	v3 =	vld [tilespmem:$0x660]  }
0x3dc: {  	[tilespmem:$0x8C0] =	vst v4;
	v4 =	vld [tilespmem:$0x270]  }
0x3dd: {  	[tilespmem:$0x850] =	vst v0;
	v0 =	vld [tilespmem:$0x670]  }
0x3de: {  	[tilespmem:$0x8D0] =	vst v1  }
0x3df: {  	[tilespmem:$0x860] =	vst v2  }
0x3e0: {  	[tilespmem:$0x8E0] =	vst v3  }
0x3e1: {  	[tilespmem:$0x870] =	vst v4  }
0x3e2: {  	s28 =	simm.s32 $0x80;
	s29 =	simm.s32 $0x800;
	s10 =	simm.s32 $0x5900;
	[tilespmem:$0x8F0] =	vst v0  }
0x3e3: {  	[tilespmem:s10], [sflag:$0x1] =	stream.indirect.gather [hbm4b:s7+s28], $0x40, s29, s28, $0xb8;
	[tilespmem:$0x1B900] =	vst v63  }
0x3e4: {  	_ =	swait.ge [sflag:s26], $0x2000  }
0x3e5: {  	[sflag:s26] =	ssyncset.done $0x0  }
0x3e6: {  	s30 =	simm.s32 $0x880;
	s31 =	simm.s32 $0x7900;
	[sflag:s26] =	ssyncadd.s32 $0xFFFFE000  }
0x3e7: {  	[tilespmem:s31], [sflag:$0x1] =	stream.indirect.gather [spmem:s2], $0x40, s30, s28, $0xb8;
	[tilespmem:$0x1B900] =	vst v63  }
0x3e8: {  	_ =	swait.ge [sflag:s26], $0x2000  }
0x3e9: {  	[sflag:s26] =	ssyncset.done $0x0  }
0x3ea: {  	s5 =	simm.s32 $0x0;
	[sflag:s26] =	ssyncadd.s32 $0xFFFFE000  }
0x3eb: {  	v2 =	vld [tilespmem:s5+$0x5930]  }
0x3ec: {  	v4 =	vld [tilespmem:s5+$0x7930]  }
0x3ed: {  	v5 =	vld [tilespmem:s5+$0x5900]  }
0x3ee: {  	v6 =	vld [tilespmem:s5+$0x7900]  }
0x3ef: {  	v1 =	vld [tilespmem:s5+$0x5910]  }
0x3f0: {  	v3 =	vld [tilespmem:s5+$0x7910]  }
0x3f1: {  	v0 =	vld [tilespmem:s5+$0x5920];
	v7 =	vadd.f32 v4, v2  }
0x3f2: {  	s8 =	simm.s32 $0x40;
	v4 =	vld [tilespmem:s5+$0x7920]  }
0x3f3: {  	s9 =	simm.s32 $0x200;
	v2 =	vld [tilespmem:s8+$0x5930];
	v5 =	vadd.f32 v6, v5;
	[tilespmem:s5+$0x9930] =	vst v7  }
.LBB2_9:
0x3f4: {  	p0 =	sne.s32 s9, $0x7F00;
	v6 =	vld [tilespmem:s8+$0x7930]  }
0x3f5: {  	v7 =	vld [tilespmem:s8+$0x5900];
	[tilespmem:s5+$0x9900] =	vst v5;
	v3 =	vadd.f32 v3, v1  }
0x3f6: {  	v5 =	vld [tilespmem:s8+$0x7900]  }
.Ltmp4:
0x3f7: {  	v1 =	vld [tilespmem:s8+$0x5910];
	[tilespmem:s5+$0x9910] =	vst v3;
	v4 =	vadd.f32 v4, v0;
	(pc) =	sbr.rel @p0 .LBB2_9-.Ltmp4, $4  }
0x3f8: {  	v3 =	vld [tilespmem:s8+$0x7910]  }
0x3f9: {  	v0 =	vld [tilespmem:s8+$0x5920];
	v6 =	vadd.f32 v6, v2;
	[tilespmem:s5+$0x9920] =	vst v4;
	s5 =	smov.u32 s8  }
0x3fa: {  	s8 =	sshra.s32 s9, $0x2;
	v4 =	vld [tilespmem:s5+$0x7920]  }
0x3fb: {  	s9 =	sadd.s32 $0x100, s9;
	v2 =	vld [tilespmem:s8+$0x5930];
	v5 =	vadd.f32 v5, v7;
	[tilespmem:s5+$0x9930] =	vst v6  }
0x3fc: {  	v6 =	vld [tilespmem:s8+$0x7930]  }
0x3fd: {  	v7 =	vld [tilespmem:s8+$0x5900];
	[tilespmem:s5+$0x9900] =	vst v5;
	v1 =	vadd.f32 v3, v1  }
0x3fe: {  	v3 =	vld [tilespmem:s8+$0x7900]  }
0x3ff: {  	v5 =	vld [tilespmem:s8+$0x5910];
	[tilespmem:s5+$0x9910] =	vst v1;
	v0 =	vadd.f32 v4, v0  }
0x400: {  	v1 =	vld [tilespmem:s8+$0x7910]  }
0x401: {  	v4 =	vld [tilespmem:s8+$0x5920];
	[tilespmem:s5+$0x9920] =	vst v0  }
0x402: {  	v0 =	vld [tilespmem:s8+$0x7920];
	_ =	sdelay $0x1  }
0x403: {  	v2 =	vadd.f32 v6, v2  }
0x404: {  	v3 =	vadd.f32 v3, v7  }
0x405: {  	[tilespmem:s8+$0x9930] =	vst v2;
	v1 =	vadd.f32 v1, v5  }
0x406: {  	[tilespmem:s8+$0x9900] =	vst v3;
	v0 =	vadd.f32 v0, v4  }
0x407: {  	s24 =	sadd.s32 s4, s12;
	[tilespmem:s8+$0x9910] =	vst v1  }
0x408: {  	s25 =	simm.s32 $0x0;
	s9 =	simm.s32 $0x9900;
	s26 =	simm.s32 $0x1;
	[tilespmem:s8+$0x9920] =	vst v0  }
0x409: {  	[hbm4b:s24+s25] =	stream.linear.scatter [tilespmem:s9], [sflag:$0x1], $0x2000, $0x38;
	[tilespmem:$0x1B900] =	vst v63  }
0x40a: {  	_ =	swait.ge [sflag:s26], $0x2000  }
0x40b: {  	[sflag:s26] =	ssyncset.done $0x0  }
0x40c: {  	[sflag:s26] =	ssyncadd.s32 $0xFFFFE000  }
0x40d: {  	v0 =	vld [tilespmem:$0x280]  }
0x40e: {  	v1 =	vld [tilespmem:$0x680]  }
0x40f: {  	v2 =	vld [tilespmem:$0x290]  }
0x410: {  	v3 =	vld [tilespmem:$0x690]  }
0x411: {  	v4 =	vld [tilespmem:$0x2A0]  }
0x412: {  	[tilespmem:$0x800] =	vst v0;
	v0 =	vld [tilespmem:$0x6A0]  }
0x413: {  	[tilespmem:$0x880] =	vst v1;
	v1 =	vld [tilespmem:$0x2B0]  }
0x414: {  	[tilespmem:$0x810] =	vst v2;
	v2 =	vld [tilespmem:$0x6B0]  }
0x415: {  	[tilespmem:$0x890] =	vst v3;
	v3 =	vld [tilespmem:$0x2C0]  }
0x416: {  	[tilespmem:$0x820] =	vst v4;
	v4 =	vld [tilespmem:$0x6C0]  }
0x417: {  	[tilespmem:$0x8A0] =	vst v0;
	v0 =	vld [tilespmem:$0x2D0]  }
0x418: {  	[tilespmem:$0x830] =	vst v1;
	v1 =	vld [tilespmem:$0x6D0]  }
0x419: {  	[tilespmem:$0x8B0] =	vst v2;
	v2 =	vld [tilespmem:$0x2E0]  }
0x41a: {  	[tilespmem:$0x840] =	vst v3;
	v3 =	vld [tilespmem:$0x6E0]  }
0x41b: {  	[tilespmem:$0x8C0] =	vst v4;
	v4 =	vld [tilespmem:$0x2F0]  }
0x41c: {  	[tilespmem:$0x850] =	vst v0;
	v0 =	vld [tilespmem:$0x6F0]  }
0x41d: {  	[tilespmem:$0x8D0] =	vst v1  }
0x41e: {  	[tilespmem:$0x860] =	vst v2  }
0x41f: {  	[tilespmem:$0x8E0] =	vst v3  }
0x420: {  	[tilespmem:$0x870] =	vst v4  }
0x421: {  	s28 =	simm.s32 $0x80;
	s29 =	simm.s32 $0x800;
	s10 =	simm.s32 $0x5900;
	[tilespmem:$0x8F0] =	vst v0  }
0x422: {  	[tilespmem:s10], [sflag:$0x1] =	stream.indirect.gather [hbm4b:s7+s28], $0x40, s29, s28, $0xb8;
	[tilespmem:$0x1B900] =	vst v63  }
0x423: {  	_ =	swait.ge [sflag:s26], $0x2000  }
0x424: {  	[sflag:s26] =	ssyncset.done $0x0  }
0x425: {  	s30 =	simm.s32 $0x880;
	s31 =	simm.s32 $0x7900;
	[sflag:s26] =	ssyncadd.s32 $0xFFFFE000  }
0x426: {  	[tilespmem:s31], [sflag:$0x1] =	stream.indirect.gather [spmem:s2], $0x40, s30, s28, $0xb8;
	[tilespmem:$0x1B900] =	vst v63  }
0x427: {  	_ =	swait.ge [sflag:s26], $0x2000  }
0x428: {  	[sflag:s26] =	ssyncset.done $0x0  }
0x429: {  	s5 =	simm.s32 $0x0;
	[sflag:s26] =	ssyncadd.s32 $0xFFFFE000  }
0x42a: {  	v2 =	vld [tilespmem:s5+$0x5930]  }
0x42b: {  	v4 =	vld [tilespmem:s5+$0x7930]  }
0x42c: {  	v5 =	vld [tilespmem:s5+$0x5900]  }
0x42d: {  	v6 =	vld [tilespmem:s5+$0x7900]  }
0x42e: {  	v1 =	vld [tilespmem:s5+$0x5910]  }
0x42f: {  	v3 =	vld [tilespmem:s5+$0x7910]  }
0x430: {  	v0 =	vld [tilespmem:s5+$0x5920];
	v7 =	vadd.f32 v4, v2  }
0x431: {  	s8 =	simm.s32 $0x40;
	v4 =	vld [tilespmem:s5+$0x7920]  }
0x432: {  	s9 =	simm.s32 $0x200;
	v2 =	vld [tilespmem:s8+$0x5930];
	v5 =	vadd.f32 v6, v5;
	[tilespmem:s5+$0x9930] =	vst v7  }
.LBB2_11:
0x433: {  	p0 =	sne.s32 s9, $0x7F00;
	v6 =	vld [tilespmem:s8+$0x7930]  }
0x434: {  	v7 =	vld [tilespmem:s8+$0x5900];
	[tilespmem:s5+$0x9900] =	vst v5;
	v3 =	vadd.f32 v3, v1  }
0x435: {  	v5 =	vld [tilespmem:s8+$0x7900]  }
.Ltmp5:
0x436: {  	v1 =	vld [tilespmem:s8+$0x5910];
	[tilespmem:s5+$0x9910] =	vst v3;
	v4 =	vadd.f32 v4, v0;
	(pc) =	sbr.rel @p0 .LBB2_11-.Ltmp5, $4  }
0x437: {  	v3 =	vld [tilespmem:s8+$0x7910]  }
0x438: {  	v0 =	vld [tilespmem:s8+$0x5920];
	v6 =	vadd.f32 v6, v2;
	[tilespmem:s5+$0x9920] =	vst v4;
	s5 =	smov.u32 s8  }
0x439: {  	s8 =	sshra.s32 s9, $0x2;
	v4 =	vld [tilespmem:s5+$0x7920]  }
0x43a: {  	s9 =	sadd.s32 $0x100, s9;
	v2 =	vld [tilespmem:s8+$0x5930];
	v5 =	vadd.f32 v5, v7;
	[tilespmem:s5+$0x9930] =	vst v6  }
0x43b: {  	v6 =	vld [tilespmem:s8+$0x7930]  }
0x43c: {  	v7 =	vld [tilespmem:s8+$0x5900];
	[tilespmem:s5+$0x9900] =	vst v5;
	v1 =	vadd.f32 v3, v1  }
0x43d: {  	v3 =	vld [tilespmem:s8+$0x7900]  }
0x43e: {  	v5 =	vld [tilespmem:s8+$0x5910];
	[tilespmem:s5+$0x9910] =	vst v1;
	v0 =	vadd.f32 v4, v0  }
0x43f: {  	v1 =	vld [tilespmem:s8+$0x7910]  }
0x440: {  	v4 =	vld [tilespmem:s8+$0x5920];
	[tilespmem:s5+$0x9920] =	vst v0  }
0x441: {  	v0 =	vld [tilespmem:s8+$0x7920];
	_ =	sdelay $0x1  }
0x442: {  	v2 =	vadd.f32 v6, v2  }
0x443: {  	v3 =	vadd.f32 v3, v7  }
0x444: {  	[tilespmem:s8+$0x9930] =	vst v2;
	v1 =	vadd.f32 v1, v5  }
0x445: {  	[tilespmem:s8+$0x9900] =	vst v3;
	v0 =	vadd.f32 v0, v4  }
0x446: {  	s24 =	sadd.s32 s4, s11;
	[tilespmem:s8+$0x9910] =	vst v1  }
0x447: {  	s25 =	simm.s32 $0x0;
	s9 =	simm.s32 $0x9900;
	s26 =	simm.s32 $0x1;
	[tilespmem:s8+$0x9920] =	vst v0  }
0x448: {  	[hbm4b:s24+s25] =	stream.linear.scatter [tilespmem:s9], [sflag:$0x1], $0x2000, $0x38;
	[tilespmem:$0x1B900] =	vst v63  }
0x449: {  	_ =	swait.ge [sflag:s26], $0x2000  }
0x44a: {  	[sflag:s26] =	ssyncset.done $0x0  }
0x44b: {  	[sflag:s26] =	ssyncadd.s32 $0xFFFFE000  }
0x44c: {  	v0 =	vld [tilespmem:$0x300]  }
0x44d: {  	v1 =	vld [tilespmem:$0x700]  }
0x44e: {  	v2 =	vld [tilespmem:$0x310]  }
0x44f: {  	v3 =	vld [tilespmem:$0x710]  }
0x450: {  	v4 =	vld [tilespmem:$0x320]  }
0x451: {  	[tilespmem:$0x800] =	vst v0;
	v0 =	vld [tilespmem:$0x720]  }
0x452: {  	[tilespmem:$0x880] =	vst v1;
	v1 =	vld [tilespmem:$0x330]  }
0x453: {  	[tilespmem:$0x810] =	vst v2;
	v2 =	vld [tilespmem:$0x730]  }
0x454: {  	[tilespmem:$0x890] =	vst v3;
	v3 =	vld [tilespmem:$0x340]  }
0x455: {  	[tilespmem:$0x820] =	vst v4;
	v4 =	vld [tilespmem:$0x740]  }
0x456: {  	[tilespmem:$0x8A0] =	vst v0;
	v0 =	vld [tilespmem:$0x350]  }
0x457: {  	[tilespmem:$0x830] =	vst v1;
	v1 =	vld [tilespmem:$0x750]  }
0x458: {  	[tilespmem:$0x8B0] =	vst v2;
	v2 =	vld [tilespmem:$0x360]  }
0x459: {  	[tilespmem:$0x840] =	vst v3;
	v3 =	vld [tilespmem:$0x760]  }
0x45a: {  	[tilespmem:$0x8C0] =	vst v4;
	v4 =	vld [tilespmem:$0x370]  }
0x45b: {  	[tilespmem:$0x850] =	vst v0;
	v0 =	vld [tilespmem:$0x770]  }
0x45c: {  	[tilespmem:$0x8D0] =	vst v1  }
0x45d: {  	[tilespmem:$0x860] =	vst v2  }
0x45e: {  	[tilespmem:$0x8E0] =	vst v3  }
0x45f: {  	[tilespmem:$0x870] =	vst v4  }
0x460: {  	s28 =	simm.s32 $0x80;
	s29 =	simm.s32 $0x800;
	s10 =	simm.s32 $0x5900;
	[tilespmem:$0x8F0] =	vst v0  }
0x461: {  	[tilespmem:s10], [sflag:$0x1] =	stream.indirect.gather [hbm4b:s7+s28], $0x40, s29, s28, $0xb8;
	[tilespmem:$0x1B900] =	vst v63  }
0x462: {  	_ =	swait.ge [sflag:s26], $0x2000  }
0x463: {  	[sflag:s26] =	ssyncset.done $0x0  }
0x464: {  	s30 =	simm.s32 $0x880;
	s31 =	simm.s32 $0x7900;
	[sflag:s26] =	ssyncadd.s32 $0xFFFFE000  }
0x465: {  	[tilespmem:s31], [sflag:$0x1] =	stream.indirect.gather [spmem:s2], $0x40, s30, s28, $0xb8;
	[tilespmem:$0x1B900] =	vst v63  }
0x466: {  	_ =	swait.ge [sflag:s26], $0x2000  }
0x467: {  	[sflag:s26] =	ssyncset.done $0x0  }
0x468: {  	s5 =	simm.s32 $0x0;
	[sflag:s26] =	ssyncadd.s32 $0xFFFFE000  }
0x469: {  	v2 =	vld [tilespmem:s5+$0x5930]  }
0x46a: {  	v4 =	vld [tilespmem:s5+$0x7930]  }
0x46b: {  	v5 =	vld [tilespmem:s5+$0x5900]  }
0x46c: {  	v6 =	vld [tilespmem:s5+$0x7900]  }
0x46d: {  	v1 =	vld [tilespmem:s5+$0x5910]  }
0x46e: {  	v3 =	vld [tilespmem:s5+$0x7910]  }
0x46f: {  	v0 =	vld [tilespmem:s5+$0x5920];
	v7 =	vadd.f32 v4, v2  }
0x470: {  	s8 =	simm.s32 $0x40;
	v4 =	vld [tilespmem:s5+$0x7920]  }
0x471: {  	s9 =	simm.s32 $0x200;
	v2 =	vld [tilespmem:s8+$0x5930];
	v5 =	vadd.f32 v6, v5;
	[tilespmem:s5+$0x9930] =	vst v7  }
.LBB2_13:
0x472: {  	p0 =	sne.s32 s9, $0x7F00;
	v6 =	vld [tilespmem:s8+$0x7930]  }
0x473: {  	v7 =	vld [tilespmem:s8+$0x5900];
	[tilespmem:s5+$0x9900] =	vst v5;
	v3 =	vadd.f32 v3, v1  }
0x474: {  	v5 =	vld [tilespmem:s8+$0x7900]  }
.Ltmp6:
0x475: {  	v1 =	vld [tilespmem:s8+$0x5910];
	[tilespmem:s5+$0x9910] =	vst v3;
	v4 =	vadd.f32 v4, v0;
	(pc) =	sbr.rel @p0 .LBB2_13-.Ltmp6, $4  }
0x476: {  	v3 =	vld [tilespmem:s8+$0x7910]  }
0x477: {  	v0 =	vld [tilespmem:s8+$0x5920];
	v6 =	vadd.f32 v6, v2;
	[tilespmem:s5+$0x9920] =	vst v4;
	s5 =	smov.u32 s8  }
0x478: {  	s8 =	sshra.s32 s9, $0x2;
	v4 =	vld [tilespmem:s5+$0x7920]  }
0x479: {  	s9 =	sadd.s32 $0x100, s9;
	v2 =	vld [tilespmem:s8+$0x5930];
	v5 =	vadd.f32 v5, v7;
	[tilespmem:s5+$0x9930] =	vst v6  }
0x47a: {  	v6 =	vld [tilespmem:s8+$0x7930]  }
0x47b: {  	v7 =	vld [tilespmem:s8+$0x5900];
	[tilespmem:s5+$0x9900] =	vst v5;
	v1 =	vadd.f32 v3, v1  }
0x47c: {  	v3 =	vld [tilespmem:s8+$0x7900]  }
0x47d: {  	v5 =	vld [tilespmem:s8+$0x5910];
	[tilespmem:s5+$0x9910] =	vst v1;
	v0 =	vadd.f32 v4, v0  }
0x47e: {  	v1 =	vld [tilespmem:s8+$0x7910]  }
0x47f: {  	v4 =	vld [tilespmem:s8+$0x5920];
	[tilespmem:s5+$0x9920] =	vst v0  }
0x480: {  	v0 =	vld [tilespmem:s8+$0x7920];
	_ =	sdelay $0x1  }
0x481: {  	v2 =	vadd.f32 v6, v2  }
0x482: {  	v3 =	vadd.f32 v3, v7  }
0x483: {  	[tilespmem:s8+$0x9930] =	vst v2;
	v1 =	vadd.f32 v1, v5  }
0x484: {  	[tilespmem:s8+$0x9900] =	vst v3;
	v0 =	vadd.f32 v0, v4  }
0x485: {  	s23 =	sadd.s32 s4, s6;
	[tilespmem:s8+$0x9910] =	vst v1  }
0x486: {  	s24 =	simm.s32 $0x0;
	s25 =	simm.s32 $0x9900;
	s26 =	simm.s32 $0x1;
	[tilespmem:s8+$0x9920] =	vst v0  }
0x487: {  	[hbm4b:s23+s24] =	stream.linear.scatter [tilespmem:s25], [sflag:$0x1], $0x2000, $0x38;
	[tilespmem:$0x1B900] =	vst v63  }
0x488: {  	_ =	swait.ge [sflag:s26], $0x2000  }
0x489: {  	[sflag:s26] =	ssyncset.done $0x0  }
0x48a: {  	[sflag:s26] =	ssyncadd.s32 $0xFFFFE000  }
0x48b: {  	v0 =	vld [tilespmem:$0x380]  }
0x48c: {  	v1 =	vld [tilespmem:$0x780]  }
0x48d: {  	v2 =	vld [tilespmem:$0x390]  }
0x48e: {  	v3 =	vld [tilespmem:$0x790]  }
0x48f: {  	v4 =	vld [tilespmem:$0x3A0]  }
0x490: {  	[tilespmem:$0x800] =	vst v0;
	v0 =	vld [tilespmem:$0x7A0]  }
0x491: {  	[tilespmem:$0x880] =	vst v1;
	v1 =	vld [tilespmem:$0x3B0]  }
0x492: {  	[tilespmem:$0x810] =	vst v2;
	v2 =	vld [tilespmem:$0x7B0]  }
0x493: {  	[tilespmem:$0x890] =	vst v3;
	v3 =	vld [tilespmem:$0x3C0]  }
0x494: {  	[tilespmem:$0x820] =	vst v4;
	v4 =	vld [tilespmem:$0x7C0]  }
0x495: {  	[tilespmem:$0x8A0] =	vst v0;
	v0 =	vld [tilespmem:$0x3D0]  }
0x496: {  	[tilespmem:$0x830] =	vst v1;
	v1 =	vld [tilespmem:$0x7D0]  }
0x497: {  	[tilespmem:$0x8B0] =	vst v2;
	v2 =	vld [tilespmem:$0x3E0]  }
0x498: {  	[tilespmem:$0x840] =	vst v3;
	v3 =	vld [tilespmem:$0x7E0]  }
0x499: {  	[tilespmem:$0x8C0] =	vst v4;
	v4 =	vld [tilespmem:$0x3F0]  }
0x49a: {  	[tilespmem:$0x850] =	vst v0;
	v0 =	vld [tilespmem:$0x7F0]  }
0x49b: {  	[tilespmem:$0x8D0] =	vst v1  }
0x49c: {  	[tilespmem:$0x860] =	vst v2  }
0x49d: {  	[tilespmem:$0x8E0] =	vst v3  }
0x49e: {  	[tilespmem:$0x870] =	vst v4  }
0x49f: {  	s28 =	simm.s32 $0x80;
	s29 =	simm.s32 $0x800;
	s9 =	simm.s32 $0x5900;
	[tilespmem:$0x8F0] =	vst v0  }
0x4a0: {  	[tilespmem:s9], [sflag:$0x1] =	stream.indirect.gather [hbm4b:s7+s28], $0x40, s29, s28, $0xb8;
	[tilespmem:$0x1B900] =	vst v63  }
0x4a1: {  	_ =	swait.ge [sflag:s26], $0x2000  }
0x4a2: {  	[sflag:s26] =	ssyncset.done $0x0  }
0x4a3: {  	s30 =	simm.s32 $0x880;
	s31 =	simm.s32 $0x7900;
	[sflag:s26] =	ssyncadd.s32 $0xFFFFE000  }
0x4a4: {  	[tilespmem:s31], [sflag:$0x1] =	stream.indirect.gather [spmem:s2], $0x40, s30, s28, $0xb8;
	[tilespmem:$0x1B900] =	vst v63  }
0x4a5: {  	_ =	swait.ge [sflag:s26], $0x2000  }
0x4a6: {  	[sflag:s26] =	ssyncset.done $0x0  }
0x4a7: {  	s2 =	simm.s32 $0x0;
	[sflag:s26] =	ssyncadd.s32 $0xFFFFE000  }
0x4a8: {  	v2 =	vld [tilespmem:s2+$0x5930]  }
0x4a9: {  	v4 =	vld [tilespmem:s2+$0x7930]  }
0x4aa: {  	v5 =	vld [tilespmem:s2+$0x5900]  }
0x4ab: {  	v6 =	vld [tilespmem:s2+$0x7900]  }
0x4ac: {  	v1 =	vld [tilespmem:s2+$0x5910]  }
0x4ad: {  	v3 =	vld [tilespmem:s2+$0x7910]  }
0x4ae: {  	v0 =	vld [tilespmem:s2+$0x5920];
	v7 =	vadd.f32 v4, v2  }
0x4af: {  	s5 =	simm.s32 $0x40;
	v4 =	vld [tilespmem:s2+$0x7920]  }
0x4b0: {  	s6 =	simm.s32 $0x200;
	v2 =	vld [tilespmem:s5+$0x5930];
	v5 =	vadd.f32 v6, v5;
	[tilespmem:s2+$0x9930] =	vst v7  }
.LBB2_15:
0x4b1: {  	p0 =	sne.s32 s6, $0x7F00;
	v6 =	vld [tilespmem:s5+$0x7930]  }
0x4b2: {  	v7 =	vld [tilespmem:s5+$0x5900];
	[tilespmem:s2+$0x9900] =	vst v5;
	v3 =	vadd.f32 v3, v1  }
0x4b3: {  	v5 =	vld [tilespmem:s5+$0x7900]  }
.Ltmp7:
0x4b4: {  	v1 =	vld [tilespmem:s5+$0x5910];
	[tilespmem:s2+$0x9910] =	vst v3;
	v4 =	vadd.f32 v4, v0;
	(pc) =	sbr.rel @p0 .LBB2_15-.Ltmp7, $4  }
0x4b5: {  	v3 =	vld [tilespmem:s5+$0x7910]  }
0x4b6: {  	v0 =	vld [tilespmem:s5+$0x5920];
	v6 =	vadd.f32 v6, v2;
	[tilespmem:s2+$0x9920] =	vst v4;
	s2 =	smov.u32 s5  }
0x4b7: {  	s5 =	sshra.s32 s6, $0x2;
	v4 =	vld [tilespmem:s2+$0x7920]  }
0x4b8: {  	s6 =	sadd.s32 $0x100, s6;
	v2 =	vld [tilespmem:s5+$0x5930];
	v5 =	vadd.f32 v5, v7;
	[tilespmem:s2+$0x9930] =	vst v6  }
0x4b9: {  	v6 =	vld [tilespmem:s5+$0x7930]  }
0x4ba: {  	v7 =	vld [tilespmem:s5+$0x5900];
	[tilespmem:s2+$0x9900] =	vst v5;
	v1 =	vadd.f32 v3, v1  }
0x4bb: {  	v62 =	vld [tilespmem:s5+$0x7900]  }
0x4bc: {  	v5 =	vld [tilespmem:s5+$0x5910];
	[tilespmem:s2+$0x9910] =	vst v1;
	v0 =	vadd.f32 v4, v0  }
0x4bd: {  	v1 =	vld [tilespmem:s5+$0x7910]  }
0x4be: {  	v63 =	vld [tilespmem:s5+$0x5920];
	[tilespmem:s2+$0x9920] =	vst v0  }
0x4bf: {  	v0 =	vld [tilespmem:s5+$0x7920];
	_ =	sdelay $0x1  }
0x4c0: {  	v2 =	vadd.f32 v6, v2  }
0x4c1: {  	v3 =	vadd.f32 v62, v7  }
0x4c2: {  	[tilespmem:s5+$0x9930] =	vst v2;
	v1 =	vadd.f32 v1, v5  }
0x4c3: {  	[tilespmem:s5+$0x9900] =	vst v3;
	v0 =	vadd.f32 v0, v63  }
0x4c4: {  	s28 =	sadd.s32 s4, s3;
	[tilespmem:s5+$0x9910] =	vst v1  }
0x4c5: {  	s29 =	simm.s32 $0x0;
	s30 =	simm.s32 $0x9900;
	s31 =	simm.s32 $0x1;
	[tilespmem:s5+$0x9920] =	vst v0  }
0x4c6: {  	[hbm4b:s28+s29] =	stream.linear.scatter [tilespmem:s30], [sflag:$0x1], $0x2000, $0x38;
	[tilespmem:$0x1B900] =	vst v63  }
0x4c7: {  	_ =	swait.ge [sflag:s31], $0x2000  }
0x4c8: {  	[sflag:s31] =	ssyncset.done $0x0  }
0x4c9: {  	[sflag:s31] =	ssyncadd.s32 $0xFFFFE000  }
0x4ca: {  	_ =	sfence.sel $0x180000  }
0x4cb: {  	[bflag:$0x0] =	sbarrier.arrive $0xFFFF  }
0x4cc: {  	p0 =	sne.s32 s1, $0x0;
	_ =	strace $0x90000047  }
0x4cd: {  	s0 =	sadd.s32 @!p0 $0x100000, s0;
	[bflag:$0x2] =	sbarrier.arrive $0xFFFF  }
0x4ce: {  	[sflag:s0] =	ssyncadd.tile.s32 @!p0 $0x1;
	_ =	shalt  }
.Lfunc_end2:
_tile_overlayer_lowered:
.L_overlay_start_2:
0x4cf: {  	(tag) =	ssettag $0x2  }
0x4d0: {  	s0 =	rddreg [dreg:$0x0];
	s2 =	stileid.u32  }
0x4d1: {  	s1 =	rddreg [dreg:$0x1];
	p0 =	sne.s32 s2, $0x0  }
0x4d2: {  	s3 =	rddreg [dreg:$0x2];
	[bflag:$0x3] =	sbarrier.arrive $0xFFFF;
	s2 =	simm.s32 @!p0 $0x1C01  }
0x4d3: {  	[timem:s3], [sflag:s2] =	dma.local @!p0 [hbm:s0], s1  }
0x4d4: {  	s0 =	simm.s32 @!p0 $0x1  }
0x4d5: {  	_ =	swait.ge @!p0 [sflag:s0], s1  }
0x4d6: {  	s1 =	ssub.s32 @!p0 $0x0, s1;
	[sflag:s0] =	ssyncset.done @!p0 $0x0  }
0x4d7: {  	[sflag:s0] =	ssyncadd.s32 @!p0 s1  }
0x4d8: {  	[bflag:$0x3] =	sbarrier.arrive $0xFFFF  }
0x4d9: {  	_ =	shalt  }

</sc_bundles>
